<compile_context>
chip_gen: v7x
topology: tpu7x:2x2x1
jax: 0.10.2.dev20260603
libtpu: 0.0.44.dev20260713+nightly
codegen_flags: <defaults>
</compile_context>

<pallas_src>
import jax
import jax.numpy as jnp
from jax import lax
from jax.experimental import pallas as pl
from jax.experimental.pallas import tpu as pltpu
from jax.experimental.pallas import tpu_sc as plsc

B = 8192
HB = 2 * B
NW = 32
NIMG = 8
N = NIMG * 512 * 512
PER_W = N // NW
CHUNK = 8192
NCHUNK = PER_W // CHUNK


ROWS = 512 * NIMG
ROWS_W = ROWS // NW
CHUNK_ROWS = CHUNK // 512


def _sc_hist_kernel(p_hbm, t_hbm, out_hbm, pbuf, tbuf, hist, sems):
    c = lax.axis_index("c")
    s = lax.axis_index("s")
    w = s * 2 + c
    rowbase = w * ROWS_W

    zeros16 = jnp.zeros((16,), jnp.float32)

    @plsc.parallel_loop(0, HB // 16, unroll=8)
    def _zero(i):
        hist[pl.ds(i * 16, 16)] = zeros16

    ones16 = jnp.ones((16,), jnp.float32)

    def start(k):
        b = k % 2
        r0 = rowbase + k * CHUNK_ROWS
        pltpu.async_copy(p_hbm.at[pl.ds(r0, CHUNK_ROWS)], pbuf.at[b],
                         sems.at[b, 0])
        pltpu.async_copy(t_hbm.at[pl.ds(r0, CHUNK_ROWS)], tbuf.at[b],
                         sems.at[b, 1])

    start(0)
    for k in range(NCHUNK):
        b = k % 2
        pltpu.make_async_copy(p_hbm.at[pl.ds(rowbase, CHUNK_ROWS)],
                              pbuf.at[b], sems.at[b, 0]).wait()
        pltpu.make_async_copy(t_hbm.at[pl.ds(rowbase, CHUNK_ROWS)],
                              tbuf.at[b], sems.at[b, 1]).wait()
        if k + 1 < NCHUNK:
            start(k + 1)

        @plsc.parallel_loop(0, CHUNK // 16, unroll=8)
        def _body(i):
            r = lax.shift_right_logical(i, 5)
            g = jnp.bitwise_and(i, 31)
            p16 = pbuf[b, r, pl.ds(g * 16, 16)]
            t16 = tbuf[b, r, pl.ds(g * 16, 16)]
            e = jnp.abs(t16.astype(jnp.float32) - p16)
            j = jnp.minimum((e * jnp.float32(B)).astype(jnp.int32), B - 1)
            idx = (B - 1) - j + t16 * B
            plsc.addupdate_scatter(hist, [idx], ones16)

    pltpu.sync_copy(hist, out_hbm.at[pl.ds(w * HB, HB)])


_sc_hist = pl.kernel(
    _sc_hist_kernel,
    out_type=jax.ShapeDtypeStruct((NW * HB,), jnp.float32),
    mesh=plsc.VectorSubcoreMesh(core_axis_name="c", subcore_axis_name="s"),
    scratch_types=[
        pltpu.VMEM((2, CHUNK_ROWS, 512), jnp.float32),
        pltpu.VMEM((2, CHUNK_ROWS, 512), jnp.int32),
        pltpu.VMEM((HB,), jnp.float32),
        pltpu.SemaphoreType.DMA((2, 2)),
    ],
    compiler_params=pltpu.CompilerParams(needs_layout_passes=False),
)


RH = B // 128


def _tc_reduce_kernel(h_ref, out_ref):
    f32 = jnp.float32
    iota_r = lax.broadcasted_iota(jnp.int32, (128, 128), 0)
    iota_c = lax.broadcasted_iota(jnp.int32, (128, 128), 1)
    upper = (iota_r <= iota_c).astype(f32)
    iota_rr = lax.broadcasted_iota(jnp.int32, (RH, RH), 0)
    iota_rc = lax.broadcasted_iota(jnp.int32, (RH, RH), 1)
    lstrict = (iota_rc < iota_rr).astype(f32)
    iota_hr = lax.broadcasted_iota(jnp.int32, (RH, 128), 0)
    iota_hc = lax.broadcasted_iota(jnp.int32, (RH, 128), 1)
    last_mask = ((iota_hr == RH - 1) & (iota_hc == 127)).astype(f32)

    total = f32(0)
    for i in range(NIMG):
        bg = (h_ref[4 * i, 0:RH, :] + h_ref[4 * i + 1, 0:RH, :]
              + h_ref[4 * i + 2, 0:RH, :] + h_ref[4 * i + 3, 0:RH, :])
        fg = (h_ref[4 * i, RH:2 * RH, :] + h_ref[4 * i + 1, RH:2 * RH, :]
              + h_ref[4 * i + 2, RH:2 * RH, :]
              + h_ref[4 * i + 3, RH:2 * RH, :])
        x = bg + fg
        rowcum_x = jnp.dot(x, upper, preferred_element_type=f32)
        rowcum_f = jnp.dot(fg, upper, preferred_element_type=f32)
        prev_x = jnp.dot(lstrict, rowcum_x[:, 127:128],
                         preferred_element_type=f32)
        prev_f = jnp.dot(lstrict, rowcum_f[:, 127:128],
                         preferred_element_type=f32)
        kc = rowcum_x + prev_x
        fc = rowcum_f + prev_f
        g = jnp.sum(fg)
        inter = g - fc
        union = g + kc - fc
        jac = jnp.where(union > 0, 1.0 - inter / union, 0.0)
        jac_last = jnp.sum(jac * last_mask)
        total = total + (jnp.sum(jac) - 0.5 * jac_last) * f32(1.0 / B)
    out_ref[0, 0] = total * f32(1.0 / NIMG)


def kernel(outputs, targets):
    p = outputs.reshape(ROWS, 512)
    t = targets.astype(jnp.int32).reshape(ROWS, 512)
    hist = _sc_hist(p, t)
    h3 = hist.reshape(NW, HB // 128, 128)
    res = pl.pallas_call(
        _tc_reduce_kernel,
        out_shape=jax.ShapeDtypeStruct((1, 1), jnp.float32),
        out_specs=pl.BlockSpec(memory_space=pltpu.SMEM),
    )(h3)
    return res[0, 0]

# --- scband reference (transcript-rebuilt; emitter-appended) ---
"""Pipeline reference for scband-lovasz-loss-sigmoid-32950989095303 (READ-ONLY COPY).

The authoritative reference and input builder live on the scoring server;
editing this copy changes nothing except your own understanding.
"""

import jax, jax.numpy as jnp
import numpy as np

eps = 1e-06


def lovasz_grad(gt_sorted, valid_sorted):
    p = gt_sorted.shape[0]
    gts = gt_sorted.sum()
    intersection = gts.astype(jnp.float32) - jnp.cumsum(gt_sorted.astype(jnp.float32), 0)
    union = gts.astype(jnp.float32) + jnp.cumsum(
        jnp.where(valid_sorted, (1 - gt_sorted).astype(jnp.float32), 0.0), 0)
    jac = 1.0 - intersection / union
    if p > 1:
        jac = jnp.concatenate([jac[:1], jac[1:] - jac[:-1]], axis=0)
    return jac


def flatten_binary_scores(scores, labels, ignore=None):
    scores = scores.reshape(-1)
    labels = labels.reshape(-1)
    if ignore is None:
        return scores, labels, jnp.ones(labels.shape, dtype=bool)
    valid = labels != ignore
    return scores, labels, valid


def lovasz_sigmoid_flat(probas, labels, valid):
    fg = jnp.where(valid, labels.astype(jnp.float32), 0.0)
    errors = jnp.abs(labels.astype(jnp.float32) - probas)
    errors_key = jnp.where(valid, errors, -1.0)
    perm = jnp.argsort(-errors_key)
    errors_sorted = jnp.where(valid, errors, 0.0)[perm]
    fg_sorted = fg[perm]
    valid_sorted = valid[perm]
    loss = jnp.dot(errors_sorted, jax.lax.stop_gradient(lovasz_grad(fg_sorted, valid_sorted)))
    return loss


def lovasz_sigmoid(probas, labels, per_image=False, ignore=None):
    if per_image:
        losses = []
        for i in range(probas.shape[0]):
            s, l, v = flatten_binary_scores(probas[i][None], labels[i][None], ignore)
            losses.append(lovasz_sigmoid_flat(s, l, v))
        acc = losses[0]
        for v in losses[1:]:
            acc = acc + v
        return acc / len(losses)
    else:
        s, l, v = flatten_binary_scores(probas, labels, ignore)
        return lovasz_sigmoid_flat(s, l, v)


def setup_inputs(seed: int = 0) -> dict:
    key = jax.random.key(seed)
    k1, k2 = jax.random.split(key)
    outputs = jax.random.uniform(k1, (8, 512, 512), dtype=jnp.float32)
    targets = jax.random.randint(k2, (8, 512, 512), 0, 2).astype(jnp.int64)
    return {"outputs": outputs, "targets": targets}


def reference(outputs, targets):
    return lovasz_sigmoid(outputs, targets, per_image=True, ignore=255)

if __name__ == "__main__":
    import jax
    _d = setup_inputs()
    print(jax.jit(kernel)(*tuple(_d.values())))

</pallas_src>

<mosaic_0001>
#map = affine_map<(d0, d1) -> (0, 0)>
#map1 = affine_map<(d0, d1) -> (0)>
module attributes {stable_mosaic.version = 14 : i64} {
  func.func @_sc_hist_kernel(%arg0: i32, %arg1: i32, %arg2: memref<4096x512xf32, #tpu.memory_space<hbm>>, %arg3: memref<4096x512xi32, #tpu.memory_space<hbm>>, %arg4: memref<524288xf32, #tpu.memory_space<hbm>>, %arg5: memref<2x16x512xf32, #tpu.memory_space<vmem>>, %arg6: memref<2x16x512xi32, #tpu.memory_space<vmem>>, %arg7: memref<16384xf32, #tpu.memory_space<vmem>>, %arg8: memref<2x2x!tpu.dma_semaphore, #tpu.memory_space<semaphore_mem>>) attributes {dimension_semantics = [#tpu.dimension_semantics<core_parallel>, #tpu.dimension_semantics<subcore_parallel>], iteration_bounds = array<i64: 2, 16>, scalar_prefetch = 0 : i64, scratch_operands = 4 : i64, tpu.core_type = #tpu.core_type<sc_vector_subcore>, window_params = [{transform_indices = #map}, {transform_indices = #map}, {transform_indices = #map1}]} {
    %mul3A = arith.constant 2 : i32
    %mul3A_0 = arith.muli %arg1, %mul3A : i32
    %add3A = arith.addi %mul3A_0, %arg0 : i32
    %mul3A_1 = arith.constant 128 : i32
    %mul3A_2 = arith.muli %add3A, %mul3A_1 : i32
    %broadcast_in_dim3A = arith.constant 0.000000e+00 : f32
    %broadcast_in_dim3A_3 = vector.broadcast %broadcast_in_dim3A : f32 to vector<16xf32>
    %parallel_loop3A = arith.constant 0 : i32
    %parallel_loop3A_4 = arith.constant 1024 : i32
    %parallel_loop3A_5 = arith.constant 1 : i32
    scf.for %parallel_loop3A_592 = %parallel_loop3A to %parallel_loop3A_4 step %parallel_loop3A_5  : i32 {
      %parallel_loop3A_593 = arith.constant 16 : i32
      %parallel_loop3A_594 = arith.muli %parallel_loop3A_592, %parallel_loop3A_593 : i32
      %parallel_loop3A_595 = arith.index_cast %parallel_loop3A_594 : i32 to index
      %parallel_loop3A_596 = tpu.vector_load %arg7[%parallel_loop3A_595] {strides = array<i32>} : memref<16384xf32, #tpu.memory_space<vmem>>, vector<16xf32>,
      tpu.vector_store %arg7[%parallel_loop3A_595], %broadcast_in_dim3A_3 {strides = array<i32>} : memref<16384xf32, #tpu.memory_space<vmem>>, vector<16xf32>,
    } {sc.loop_unroll_factor = 8 : i64, sc.parallel_access}
    %broadcast_in_dim3A_6 = arith.constant 1.000000e+00 : f32
    %broadcast_in_dim3A_7 = vector.broadcast %broadcast_in_dim3A_6 : f32 to vector<16xf32>
    %add3A_8 = arith.constant 0 : i32
    %add3A_9 = arith.addi %mul3A_2, %add3A_8 : i32
    %dma_start3A = arith.constant 0 : i32
    %dma_start3A_10 = arith.constant 0 : i32
    %dma_start3A_11 = arith.constant 0 : i32
    %dma_start3A_12 = arith.constant 0 : i32
    %dma_start3A_13 = arith.constant 0 : i32
    %dma_start3A_14 = tpu.memref_slice %arg5[%dma_start3A, %dma_start3A_12, %dma_start3A_13] : memref<2x16x512xf32, #tpu.memory_space<vmem>> -> memref<1x16x512xf32, #tpu.memory_space<vmem>>
    %dma_start3A_15 = tpu.memref_squeeze %dma_start3A_14 : memref<1x16x512xf32, #tpu.memory_space<vmem>> -> memref<16x512xf32, #tpu.memory_space<vmem>>
    %dma_start3A_16 = arith.constant 0 : i32
    %dma_start3A_17 = tpu.memref_slice %arg2[%add3A_9, %dma_start3A_16] : memref<4096x512xf32, #tpu.memory_space<hbm>> -> memref<16x512xf32, #tpu.memory_space<hbm>>
    %dma_start3A_18 = tpu.memref_slice %arg8[%dma_start3A_10, %dma_start3A_11] : memref<2x2x!tpu.dma_semaphore, #tpu.memory_space<semaphore_mem>> -> memref<1x1x!tpu.dma_semaphore, #tpu.memory_space<semaphore_mem>>
    %dma_start3A_19 = tpu.memref_squeeze %dma_start3A_18 : memref<1x1x!tpu.dma_semaphore, #tpu.memory_space<semaphore_mem>> -> memref<!tpu.dma_semaphore, #tpu.memory_space<semaphore_mem>>
    %dma_start3A_20 = arith.constant 0 : i32
    %dma_start3A_21 = arith.constant 0 : i32
    %dma_start3A_22 = tpu.memref_slice %arg5[%dma_start3A, %dma_start3A_20, %dma_start3A_21] : memref<2x16x512xf32, #tpu.memory_space<vmem>> -> memref<1x16x512xf32, #tpu.memory_space<vmem>>
    %dma_start3A_23 = tpu.memref_squeeze %dma_start3A_22 : memref<1x16x512xf32, #tpu.memory_space<vmem>> -> memref<16x512xf32, #tpu.memory_space<vmem>>
    %dma_start3A_24 = arith.constant 0 : i32
    %dma_start3A_25 = tpu.memref_slice %arg2[%add3A_9, %dma_start3A_24] : memref<4096x512xf32, #tpu.memory_space<hbm>> -> memref<16x512xf32, #tpu.memory_space<hbm>>
    tpu.enqueue_dma source(%dma_start3A_25 : memref<16x512xf32, #tpu.memory_space<hbm>>) target(%dma_start3A_23 : memref<16x512xf32, #tpu.memory_space<vmem>>) target_semaphore(%dma_start3A_19 : memref<!tpu.dma_semaphore, #tpu.memory_space<semaphore_mem>>)
    %dma_start3A_26 = arith.constant 0 : i32
    %dma_start3A_27 = arith.constant 0 : i32
    %dma_start3A_28 = arith.constant 1 : i32
    %dma_start3A_29 = arith.constant 0 : i32
    %dma_start3A_30 = arith.constant 0 : i32
    %dma_start3A_31 = tpu.memref_slice %arg6[%dma_start3A_26, %dma_start3A_29, %dma_start3A_30] : memref<2x16x512xi32, #tpu.memory_space<vmem>> -> memref<1x16x512xi32, #tpu.memory_space<vmem>>
    %dma_start3A_32 = tpu.memref_squeeze %dma_start3A_31 : memref<1x16x512xi32, #tpu.memory_space<vmem>> -> memref<16x512xi32, #tpu.memory_space<vmem>>
    %dma_start3A_33 = arith.constant 0 : i32
    %dma_start3A_34 = tpu.memref_slice %arg3[%add3A_9, %dma_start3A_33] : memref<4096x512xi32, #tpu.memory_space<hbm>> -> memref<16x512xi32, #tpu.memory_space<hbm>>
    %dma_start3A_35 = tpu.memref_slice %arg8[%dma_start3A_27, %dma_start3A_28] : memref<2x2x!tpu.dma_semaphore, #tpu.memory_space<semaphore_mem>> -> memref<1x1x!tpu.dma_semaphore, #tpu.memory_space<semaphore_mem>>
    %dma_start3A_36 = tpu.memref_squeeze %dma_start3A_35 : memref<1x1x!tpu.dma_semaphore, #tpu.memory_space<semaphore_mem>> -> memref<!tpu.dma_semaphore, #tpu.memory_space<semaphore_mem>>
    %dma_start3A_37 = arith.constant 0 : i32
    %dma_start3A_38 = arith.constant 0 : i32
    %dma_start3A_39 = tpu.memref_slice %arg6[%dma_start3A_26, %dma_start3A_37, %dma_start3A_38] : memref<2x16x512xi32, #tpu.memory_space<vmem>> -> memref<1x16x512xi32, #tpu.memory_space<vmem>>
    %dma_start3A_40 = tpu.memref_squeeze %dma_start3A_39 : memref<1x16x512xi32, #tpu.memory_space<vmem>> -> memref<16x512xi32, #tpu.memory_space<vmem>>
    %dma_start3A_41 = arith.constant 0 : i32
    %dma_start3A_42 = tpu.memref_slice %arg3[%add3A_9, %dma_start3A_41] : memref<4096x512xi32, #tpu.memory_space<hbm>> -> memref<16x512xi32, #tpu.memory_space<hbm>>
    tpu.enqueue_dma source(%dma_start3A_42 : memref<16x512xi32, #tpu.memory_space<hbm>>) target(%dma_start3A_40 : memref<16x512xi32, #tpu.memory_space<vmem>>) target_semaphore(%dma_start3A_36 : memref<!tpu.dma_semaphore, #tpu.memory_space<semaphore_mem>>)
    %dma_wait3A = arith.constant 0 : i32
    %dma_wait3A_43 = arith.constant 0 : i32
    %dma_wait3A_44 = arith.constant 0 : i32
    %dma_wait3A_45 = arith.constant 0 : i32
    %dma_wait3A_46 = arith.constant 0 : i32
    %dma_wait3A_47 = tpu.memref_slice %arg5[%dma_wait3A, %dma_wait3A_45, %dma_wait3A_46] : memref<2x16x512xf32, #tpu.memory_space<vmem>> -> memref<1x16x512xf32, #tpu.memory_space<vmem>>
    %dma_wait3A_48 = tpu.memref_squeeze %dma_wait3A_47 : memref<1x16x512xf32, #tpu.memory_space<vmem>> -> memref<16x512xf32, #tpu.memory_space<vmem>>
    %dma_wait3A_49 = arith.constant 0 : i32
    %dma_wait3A_50 = tpu.memref_slice %arg2[%mul3A_2, %dma_wait3A_49] : memref<4096x512xf32, #tpu.memory_space<hbm>> -> memref<16x512xf32, #tpu.memory_space<hbm>>
    %dma_wait3A_51 = tpu.memref_slice %arg8[%dma_wait3A_43, %dma_wait3A_44] : memref<2x2x!tpu.dma_semaphore, #tpu.memory_space<semaphore_mem>> -> memref<1x1x!tpu.dma_semaphore, #tpu.memory_space<semaphore_mem>>
    %dma_wait3A_52 = tpu.memref_squeeze %dma_wait3A_51 : memref<1x1x!tpu.dma_semaphore, #tpu.memory_space<semaphore_mem>> -> memref<!tpu.dma_semaphore, #tpu.memory_space<semaphore_mem>>
    %dma_wait3A_53 = arith.constant 0 : i32
    %dma_wait3A_54 = arith.constant 0 : i32
    %dma_wait3A_55 = tpu.memref_slice %arg5[%dma_wait3A, %dma_wait3A_53, %dma_wait3A_54] : memref<2x16x512xf32, #tpu.memory_space<vmem>> -> memref<1x16x512xf32, #tpu.memory_space<vmem>>
    %dma_wait3A_56 = tpu.memref_squeeze %dma_wait3A_55 : memref<1x16x512xf32, #tpu.memory_space<vmem>> -> memref<16x512xf32, #tpu.memory_space<vmem>>
    %dma_wait3A_57 = arith.constant 0 : i32
    %dma_wait3A_58 = tpu.memref_slice %arg2[%mul3A_2, %dma_wait3A_57] : memref<4096x512xf32, #tpu.memory_space<hbm>> -> memref<16x512xf32, #tpu.memory_space<hbm>>
    tpu.wait_dma2 semaphore(%dma_wait3A_52 : memref<!tpu.dma_semaphore, #tpu.memory_space<semaphore_mem>>) src(%dma_wait3A_58 : memref<16x512xf32, #tpu.memory_space<hbm>>) dst(%dma_wait3A_56 : memref<16x512xf32, #tpu.memory_space<vmem>>)
    %dma_wait3A_59 = arith.constant 0 : i32
    %dma_wait3A_60 = arith.constant 0 : i32
    %dma_wait3A_61 = arith.constant 1 : i32
    %dma_wait3A_62 = arith.constant 0 : i32
    %dma_wait3A_63 = arith.constant 0 : i32
    %dma_wait3A_64 = tpu.memref_slice %arg6[%dma_wait3A_59, %dma_wait3A_62, %dma_wait3A_63] : memref<2x16x512xi32, #tpu.memory_space<vmem>> -> memref<1x16x512xi32, #tpu.memory_space<vmem>>
    %dma_wait3A_65 = tpu.memref_squeeze %dma_wait3A_64 : memref<1x16x512xi32, #tpu.memory_space<vmem>> -> memref<16x512xi32, #tpu.memory_space<vmem>>
    %dma_wait3A_66 = arith.constant 0 : i32
    %dma_wait3A_67 = tpu.memref_slice %arg3[%mul3A_2, %dma_wait3A_66] : memref<4096x512xi32, #tpu.memory_space<hbm>> -> memref<16x512xi32, #tpu.memory_space<hbm>>
    %dma_wait3A_68 = tpu.memref_slice %arg8[%dma_wait3A_60, %dma_wait3A_61] : memref<2x2x!tpu.dma_semaphore, #tpu.memory_space<semaphore_mem>> -> memref<1x1x!tpu.dma_semaphore, #tpu.memory_space<semaphore_mem>>
    %dma_wait3A_69 = tpu.memref_squeeze %dma_wait3A_68 : memref<1x1x!tpu.dma_semaphore, #tpu.memory_space<semaphore_mem>> -> memref<!tpu.dma_semaphore, #tpu.memory_space<semaphore_mem>>
    %dma_wait3A_70 = arith.constant 0 : i32
    %dma_wait3A_71 = arith.constant 0 : i32
    %dma_wait3A_72 = tpu.memref_slice %arg6[%dma_wait3A_59, %dma_wait3A_70, %dma_wait3A_71] : memref<2x16x512xi32, #tpu.memory_space<vmem>> -> memref<1x16x512xi32, #tpu.memory_space<vmem>>
    %dma_wait3A_73 = tpu.memref_squeeze %dma_wait3A_72 : memref<1x16x512xi32, #tpu.memory_space<vmem>> -> memref<16x512xi32, #tpu.memory_space<vmem>>
    %dma_wait3A_74 = arith.constant 0 : i32
    %dma_wait3A_75 = tpu.memref_slice %arg3[%mul3A_2, %dma_wait3A_74] : memref<4096x512xi32, #tpu.memory_space<hbm>> -> memref<16x512xi32, #tpu.memory_space<hbm>>
    tpu.wait_dma2 semaphore(%dma_wait3A_69 : memref<!tpu.dma_semaphore, #tpu.memory_space<semaphore_mem>>) src(%dma_wait3A_75 : memref<16x512xi32, #tpu.memory_space<hbm>>) dst(%dma_wait3A_73 : memref<16x512xi32, #tpu.memory_space<vmem>>)
    %add3A_76 = arith.constant 16 : i32
    %add3A_77 = arith.addi %mul3A_2, %add3A_76 : i32
    %dma_start3A_78 = arith.constant 1 : i32
    %dma_start3A_79 = arith.constant 1 : i32
    %dma_start3A_80 = arith.constant 0 : i32
    %dma_start3A_81 = arith.constant 0 : i32
    %dma_start3A_82 = arith.constant 0 : i32
    %dma_start3A_83 = tpu.memref_slice %arg5[%dma_start3A_78, %dma_start3A_81, %dma_start3A_82] : memref<2x16x512xf32, #tpu.memory_space<vmem>> -> memref<1x16x512xf32, #tpu.memory_space<vmem>>
    %dma_start3A_84 = tpu.memref_squeeze %dma_start3A_83 : memref<1x16x512xf32, #tpu.memory_space<vmem>> -> memref<16x512xf32, #tpu.memory_space<vmem>>
    %dma_start3A_85 = arith.constant 0 : i32
    %dma_start3A_86 = tpu.memref_slice %arg2[%add3A_77, %dma_start3A_85] : memref<4096x512xf32, #tpu.memory_space<hbm>> -> memref<16x512xf32, #tpu.memory_space<hbm>>
    %dma_start3A_87 = tpu.memref_slice %arg8[%dma_start3A_79, %dma_start3A_80] : memref<2x2x!tpu.dma_semaphore, #tpu.memory_space<semaphore_mem>> -> memref<1x1x!tpu.dma_semaphore, #tpu.memory_space<semaphore_mem>>
    %dma_start3A_88 = tpu.memref_squeeze %dma_start3A_87 : memref<1x1x!tpu.dma_semaphore, #tpu.memory_space<semaphore_mem>> -> memref<!tpu.dma_semaphore, #tpu.memory_space<semaphore_mem>>
    %dma_start3A_89 = arith.constant 0 : i32
    %dma_start3A_90 = arith.constant 0 : i32
    %dma_start3A_91 = tpu.memref_slice %arg5[%dma_start3A_78, %dma_start3A_89, %dma_start3A_90] : memref<2x16x512xf32, #tpu.memory_space<vmem>> -> memref<1x16x512xf32, #tpu.memory_space<vmem>>
    %dma_start3A_92 = tpu.memref_squeeze %dma_start3A_91 : memref<1x16x512xf32, #tpu.memory_space<vmem>> -> memref<16x512xf32, #tpu.memory_space<vmem>>
    %dma_start3A_93 = arith.constant 0 : i32
    %dma_start3A_94 = tpu.memref_slice %arg2[%add3A_77, %dma_start3A_93] : memref<4096x512xf32, #tpu.memory_space<hbm>> -> memref<16x512xf32, #tpu.memory_space<hbm>>
    tpu.enqueue_dma source(%dma_start3A_94 : memref<16x512xf32, #tpu.memory_space<hbm>>) target(%dma_start3A_92 : memref<16x512xf32, #tpu.memory_space<vmem>>) target_semaphore(%dma_start3A_88 : memref<!tpu.dma_semaphore, #tpu.memory_space<semaphore_mem>>)
    %dma_start3A_95 = arith.constant 1 : i32
    %dma_start3A_96 = arith.constant 1 : i32
    %dma_start3A_97 = arith.constant 1 : i32
    %dma_start3A_98 = arith.constant 0 : i32
    %dma_start3A_99 = arith.constant 0 : i32
    %dma_start3A_100 = tpu.memref_slice %arg6[%dma_start3A_95, %dma_start3A_98, %dma_start3A_99] : memref<2x16x512xi32, #tpu.memory_space<vmem>> -> memref<1x16x512xi32, #tpu.memory_space<vmem>>
    %dma_start3A_101 = tpu.memref_squeeze %dma_start3A_100 : memref<1x16x512xi32, #tpu.memory_space<vmem>> -> memref<16x512xi32, #tpu.memory_space<vmem>>
    %dma_start3A_102 = arith.constant 0 : i32
    %dma_start3A_103 = tpu.memref_slice %arg3[%add3A_77, %dma_start3A_102] : memref<4096x512xi32, #tpu.memory_space<hbm>> -> memref<16x512xi32, #tpu.memory_space<hbm>>
    %dma_start3A_104 = tpu.memref_slice %arg8[%dma_start3A_96, %dma_start3A_97] : memref<2x2x!tpu.dma_semaphore, #tpu.memory_space<semaphore_mem>> -> memref<1x1x!tpu.dma_semaphore, #tpu.memory_space<semaphore_mem>>
    %dma_start3A_105 = tpu.memref_squeeze %dma_start3A_104 : memref<1x1x!tpu.dma_semaphore, #tpu.memory_space<semaphore_mem>> -> memref<!tpu.dma_semaphore, #tpu.memory_space<semaphore_mem>>
    %dma_start3A_106 = arith.constant 0 : i32
    %dma_start3A_107 = arith.constant 0 : i32
    %dma_start3A_108 = tpu.memref_slice %arg6[%dma_start3A_95, %dma_start3A_106, %dma_start3A_107] : memref<2x16x512xi32, #tpu.memory_space<vmem>> -> memref<1x16x512xi32, #tpu.memory_space<vmem>>
    %dma_start3A_109 = tpu.memref_squeeze %dma_start3A_108 : memref<1x16x512xi32, #tpu.memory_space<vmem>> -> memref<16x512xi32, #tpu.memory_space<vmem>>
    %dma_start3A_110 = arith.constant 0 : i32
    %dma_start3A_111 = tpu.memref_slice %arg3[%add3A_77, %dma_start3A_110] : memref<4096x512xi32, #tpu.memory_space<hbm>> -> memref<16x512xi32, #tpu.memory_space<hbm>>
    tpu.enqueue_dma source(%dma_start3A_111 : memref<16x512xi32, #tpu.memory_space<hbm>>) target(%dma_start3A_109 : memref<16x512xi32, #tpu.memory_space<vmem>>) target_semaphore(%dma_start3A_105 : memref<!tpu.dma_semaphore, #tpu.memory_space<semaphore_mem>>)
    %parallel_loop3A_112 = arith.constant 0 : i32
    %parallel_loop3A_113 = arith.constant 512 : i32
    %parallel_loop3A_114 = arith.constant 1 : i32
    scf.for %parallel_loop3A_592 = %parallel_loop3A_112 to %parallel_loop3A_113 step %parallel_loop3A_114  : i32 {
      %parallel_loop3A_593 = arith.constant 5 : i32
      %parallel_loop3A_594 = arith.shrui %parallel_loop3A_592, %parallel_loop3A_593 : i32
      %parallel_loop3A_595 = arith.constant 31 : i32
      %parallel_loop3A_596 = arith.andi %parallel_loop3A_592, %parallel_loop3A_595 : i32
      %parallel_loop3A_597 = arith.constant 16 : i32
      %parallel_loop3A_598 = arith.muli %parallel_loop3A_596, %parallel_loop3A_597 : i32
      %parallel_loop3A_599 = arith.constant 0 : i32
      %parallel_loop3A_600 = arith.index_cast %parallel_loop3A_599 : i32 to index
      %parallel_loop3A_601 = arith.index_cast %parallel_loop3A_594 : i32 to index
      %parallel_loop3A_602 = arith.index_cast %parallel_loop3A_598 : i32 to index
      %parallel_loop3A_603 = tpu.vector_load %arg5[%parallel_loop3A_600, %parallel_loop3A_601, %parallel_loop3A_602] {strides = array<i32>} : memref<2x16x512xf32, #tpu.memory_space<vmem>>, vector<16xf32>,
      %parallel_loop3A_604 = arith.constant 16 : i32
      %parallel_loop3A_605 = arith.muli %parallel_loop3A_596, %parallel_loop3A_604 : i32
      %parallel_loop3A_606 = arith.constant 0 : i32
      %parallel_loop3A_607 = arith.index_cast %parallel_loop3A_606 : i32 to index
      %parallel_loop3A_608 = arith.index_cast %parallel_loop3A_594 : i32 to index
      %parallel_loop3A_609 = arith.index_cast %parallel_loop3A_605 : i32 to index
      %parallel_loop3A_610 = tpu.vector_load %arg6[%parallel_loop3A_607, %parallel_loop3A_608, %parallel_loop3A_609] {strides = array<i32>} : memref<2x16x512xi32, #tpu.memory_space<vmem>>, vector<16xi32>,
      %parallel_loop3A_611 = arith.sitofp %parallel_loop3A_610 : vector<16xi32> to vector<16xf32>
      %parallel_loop3A_612 = arith.subf %parallel_loop3A_611, %parallel_loop3A_603 : vector<16xf32>
      %parallel_loop3A_613 = math.absf %parallel_loop3A_612 : vector<16xf32>
      %parallel_loop3A_614 = arith.constant 8.192000e+03 : f32
      %parallel_loop3A_615 = vector.broadcast %parallel_loop3A_614 : f32 to vector<16xf32>
      %parallel_loop3A_616 = arith.mulf %parallel_loop3A_613, %parallel_loop3A_615 : vector<16xf32>
      %parallel_loop3A_617 = arith.fptosi %parallel_loop3A_616 : vector<16xf32> to vector<16xi32>
      %parallel_loop3A_618 = arith.constant 8191 : i32
      %parallel_loop3A_619 = vector.broadcast %parallel_loop3A_618 : i32 to vector<16xi32>
      %parallel_loop3A_620 = arith.minsi %parallel_loop3A_617, %parallel_loop3A_619 : vector<16xi32>
      %parallel_loop3A_621 = arith.constant 8191 : i32
      %parallel_loop3A_622 = vector.broadcast %parallel_loop3A_621 : i32 to vector<16xi32>
      %parallel_loop3A_623 = arith.subi %parallel_loop3A_622, %parallel_loop3A_620 : vector<16xi32>
      %parallel_loop3A_624 = arith.constant 8192 : i32
      %parallel_loop3A_625 = vector.broadcast %parallel_loop3A_624 : i32 to vector<16xi32>
      %parallel_loop3A_626 = arith.muli %parallel_loop3A_610, %parallel_loop3A_625 : vector<16xi32>
      %parallel_loop3A_627 = arith.addi %parallel_loop3A_623, %parallel_loop3A_626 : vector<16xi32>
      tpu.vector_store_idx %arg7[%parallel_loop3A_627], %broadcast_in_dim3A_7 {add = true} : memref<16384xf32, #tpu.memory_space<vmem>>[vector<16xi32>], vector<16xf32>,
    } {sc.loop_unroll_factor = 8 : i64, sc.parallel_access}
    %dma_wait3A_115 = arith.constant 1 : i32
    %dma_wait3A_116 = arith.constant 1 : i32
    %dma_wait3A_117 = arith.constant 0 : i32
    %dma_wait3A_118 = arith.constant 0 : i32
    %dma_wait3A_119 = arith.constant 0 : i32
    %dma_wait3A_120 = tpu.memref_slice %arg5[%dma_wait3A_115, %dma_wait3A_118, %dma_wait3A_119] : memref<2x16x512xf32, #tpu.memory_space<vmem>> -> memref<1x16x512xf32, #tpu.memory_space<vmem>>
    %dma_wait3A_121 = tpu.memref_squeeze %dma_wait3A_120 : memref<1x16x512xf32, #tpu.memory_space<vmem>> -> memref<16x512xf32, #tpu.memory_space<vmem>>
    %dma_wait3A_122 = arith.constant 0 : i32
    %dma_wait3A_123 = tpu.memref_slice %arg2[%mul3A_2, %dma_wait3A_122] : memref<4096x512xf32, #tpu.memory_space<hbm>> -> memref<16x512xf32, #tpu.memory_space<hbm>>
    %dma_wait3A_124 = tpu.memref_slice %arg8[%dma_wait3A_116, %dma_wait3A_117] : memref<2x2x!tpu.dma_semaphore, #tpu.memory_space<semaphore_mem>> -> memref<1x1x!tpu.dma_semaphore, #tpu.memory_space<semaphore_mem>>
    %dma_wait3A_125 = tpu.memref_squeeze %dma_wait3A_124 : memref<1x1x!tpu.dma_semaphore, #tpu.memory_space<semaphore_mem>> -> memref<!tpu.dma_semaphore, #tpu.memory_space<semaphore_mem>>
    %dma_wait3A_126 = arith.constant 0 : i32
    %dma_wait3A_127 = arith.constant 0 : i32
    %dma_wait3A_128 = tpu.memref_slice %arg5[%dma_wait3A_115, %dma_wait3A_126, %dma_wait3A_127] : memref<2x16x512xf32, #tpu.memory_space<vmem>> -> memref<1x16x512xf32, #tpu.memory_space<vmem>>
    %dma_wait3A_129 = tpu.memref_squeeze %dma_wait3A_128 : memref<1x16x512xf32, #tpu.memory_space<vmem>> -> memref<16x512xf32, #tpu.memory_space<vmem>>
    %dma_wait3A_130 = arith.constant 0 : i32
    %dma_wait3A_131 = tpu.memref_slice %arg2[%mul3A_2, %dma_wait3A_130] : memref<4096x512xf32, #tpu.memory_space<hbm>> -> memref<16x512xf32, #tpu.memory_space<hbm>>
    tpu.wait_dma2 semaphore(%dma_wait3A_125 : memref<!tpu.dma_semaphore, #tpu.memory_space<semaphore_mem>>) src(%dma_wait3A_131 : memref<16x512xf32, #tpu.memory_space<hbm>>) dst(%dma_wait3A_129 : memref<16x512xf32, #tpu.memory_space<vmem>>)
    %dma_wait3A_132 = arith.constant 1 : i32
    %dma_wait3A_133 = arith.constant 1 : i32
    %dma_wait3A_134 = arith.constant 1 : i32
    %dma_wait3A_135 = arith.constant 0 : i32
    %dma_wait3A_136 = arith.constant 0 : i32
    %dma_wait3A_137 = tpu.memref_slice %arg6[%dma_wait3A_132, %dma_wait3A_135, %dma_wait3A_136] : memref<2x16x512xi32, #tpu.memory_space<vmem>> -> memref<1x16x512xi32, #tpu.memory_space<vmem>>
    %dma_wait3A_138 = tpu.memref_squeeze %dma_wait3A_137 : memref<1x16x512xi32, #tpu.memory_space<vmem>> -> memref<16x512xi32, #tpu.memory_space<vmem>>
    %dma_wait3A_139 = arith.constant 0 : i32
    %dma_wait3A_140 = tpu.memref_slice %arg3[%mul3A_2, %dma_wait3A_139] : memref<4096x512xi32, #tpu.memory_space<hbm>> -> memref<16x512xi32, #tpu.memory_space<hbm>>
    %dma_wait3A_141 = tpu.memref_slice %arg8[%dma_wait3A_133, %dma_wait3A_134] : memref<2x2x!tpu.dma_semaphore, #tpu.memory_space<semaphore_mem>> -> memref<1x1x!tpu.dma_semaphore, #tpu.memory_space<semaphore_mem>>
    %dma_wait3A_142 = tpu.memref_squeeze %dma_wait3A_141 : memref<1x1x!tpu.dma_semaphore, #tpu.memory_space<semaphore_mem>> -> memref<!tpu.dma_semaphore, #tpu.memory_space<semaphore_mem>>
    %dma_wait3A_143 = arith.constant 0 : i32
    %dma_wait3A_144 = arith.constant 0 : i32
    %dma_wait3A_145 = tpu.memref_slice %arg6[%dma_wait3A_132, %dma_wait3A_143, %dma_wait3A_144] : memref<2x16x512xi32, #tpu.memory_space<vmem>> -> memref<1x16x512xi32, #tpu.memory_space<vmem>>
    %dma_wait3A_146 = tpu.memref_squeeze %dma_wait3A_145 : memref<1x16x512xi32, #tpu.memory_space<vmem>> -> memref<16x512xi32, #tpu.memory_space<vmem>>
    %dma_wait3A_147 = arith.constant 0 : i32
    %dma_wait3A_148 = tpu.memref_slice %arg3[%mul3A_2, %dma_wait3A_147] : memref<4096x512xi32, #tpu.memory_space<hbm>> -> memref<16x512xi32, #tpu.memory_space<hbm>>
    tpu.wait_dma2 semaphore(%dma_wait3A_142 : memref<!tpu.dma_semaphore, #tpu.memory_space<semaphore_mem>>) src(%dma_wait3A_148 : memref<16x512xi32, #tpu.memory_space<hbm>>) dst(%dma_wait3A_146 : memref<16x512xi32, #tpu.memory_space<vmem>>)
    %add3A_149 = arith.constant 32 : i32
    %add3A_150 = arith.addi %mul3A_2, %add3A_149 : i32
    %dma_start3A_151 = arith.constant 0 : i32
    %dma_start3A_152 = arith.constant 0 : i32
    %dma_start3A_153 = arith.constant 0 : i32
    %dma_start3A_154 = arith.constant 0 : i32
    %dma_start3A_155 = arith.constant 0 : i32
    %dma_start3A_156 = tpu.memref_slice %arg5[%dma_start3A_151, %dma_start3A_154, %dma_start3A_155] : memref<2x16x512xf32, #tpu.memory_space<vmem>> -> memref<1x16x512xf32, #tpu.memory_space<vmem>>
    %dma_start3A_157 = tpu.memref_squeeze %dma_start3A_156 : memref<1x16x512xf32, #tpu.memory_space<vmem>> -> memref<16x512xf32, #tpu.memory_space<vmem>>
    %dma_start3A_158 = arith.constant 0 : i32
    %dma_start3A_159 = tpu.memref_slice %arg2[%add3A_150, %dma_start3A_158] : memref<4096x512xf32, #tpu.memory_space<hbm>> -> memref<16x512xf32, #tpu.memory_space<hbm>>
    %dma_start3A_160 = tpu.memref_slice %arg8[%dma_start3A_152, %dma_start3A_153] : memref<2x2x!tpu.dma_semaphore, #tpu.memory_space<semaphore_mem>> -> memref<1x1x!tpu.dma_semaphore, #tpu.memory_space<semaphore_mem>>
    %dma_start3A_161 = tpu.memref_squeeze %dma_start3A_160 : memref<1x1x!tpu.dma_semaphore, #tpu.memory_space<semaphore_mem>> -> memref<!tpu.dma_semaphore, #tpu.memory_space<semaphore_mem>>
    %dma_start3A_162 = arith.constant 0 : i32
    %dma_start3A_163 = arith.constant 0 : i32
    %dma_start3A_164 = tpu.memref_slice %arg5[%dma_start3A_151, %dma_start3A_162, %dma_start3A_163] : memref<2x16x512xf32, #tpu.memory_space<vmem>> -> memref<1x16x512xf32, #tpu.memory_space<vmem>>
    %dma_start3A_165 = tpu.memref_squeeze %dma_start3A_164 : memref<1x16x512xf32, #tpu.memory_space<vmem>> -> memref<16x512xf32, #tpu.memory_space<vmem>>
    %dma_start3A_166 = arith.constant 0 : i32
    %dma_start3A_167 = tpu.memref_slice %arg2[%add3A_150, %dma_start3A_166] : memref<4096x512xf32, #tpu.memory_space<hbm>> -> memref<16x512xf32, #tpu.memory_space<hbm>>
    tpu.enqueue_dma source(%dma_start3A_167 : memref<16x512xf32, #tpu.memory_space<hbm>>) target(%dma_start3A_165 : memref<16x512xf32, #tpu.memory_space<vmem>>) target_semaphore(%dma_start3A_161 : memref<!tpu.dma_semaphore, #tpu.memory_space<semaphore_mem>>)
    %dma_start3A_168 = arith.constant 0 : i32
    %dma_start3A_169 = arith.constant 0 : i32
    %dma_start3A_170 = arith.constant 1 : i32
    %dma_start3A_171 = arith.constant 0 : i32
    %dma_start3A_172 = arith.constant 0 : i32
    %dma_start3A_173 = tpu.memref_slice %arg6[%dma_start3A_168, %dma_start3A_171, %dma_start3A_172] : memref<2x16x512xi32, #tpu.memory_space<vmem>> -> memref<1x16x512xi32, #tpu.memory_space<vmem>>
    %dma_start3A_174 = tpu.memref_squeeze %dma_start3A_173 : memref<1x16x512xi32, #tpu.memory_space<vmem>> -> memref<16x512xi32, #tpu.memory_space<vmem>>
    %dma_start3A_175 = arith.constant 0 : i32
    %dma_start3A_176 = tpu.memref_slice %arg3[%add3A_150, %dma_start3A_175] : memref<4096x512xi32, #tpu.memory_space<hbm>> -> memref<16x512xi32, #tpu.memory_space<hbm>>
    %dma_start3A_177 = tpu.memref_slice %arg8[%dma_start3A_169, %dma_start3A_170] : memref<2x2x!tpu.dma_semaphore, #tpu.memory_space<semaphore_mem>> -> memref<1x1x!tpu.dma_semaphore, #tpu.memory_space<semaphore_mem>>
    %dma_start3A_178 = tpu.memref_squeeze %dma_start3A_177 : memref<1x1x!tpu.dma_semaphore, #tpu.memory_space<semaphore_mem>> -> memref<!tpu.dma_semaphore, #tpu.memory_space<semaphore_mem>>
    %dma_start3A_179 = arith.constant 0 : i32
    %dma_start3A_180 = arith.constant 0 : i32
    %dma_start3A_181 = tpu.memref_slice %arg6[%dma_start3A_168, %dma_start3A_179, %dma_start3A_180] : memref<2x16x512xi32, #tpu.memory_space<vmem>> -> memref<1x16x512xi32, #tpu.memory_space<vmem>>
    %dma_start3A_182 = tpu.memref_squeeze %dma_start3A_181 : memref<1x16x512xi32, #tpu.memory_space<vmem>> -> memref<16x512xi32, #tpu.memory_space<vmem>>
    %dma_start3A_183 = arith.constant 0 : i32
    %dma_start3A_184 = tpu.memref_slice %arg3[%add3A_150, %dma_start3A_183] : memref<4096x512xi32, #tpu.memory_space<hbm>> -> memref<16x512xi32, #tpu.memory_space<hbm>>
    tpu.enqueue_dma source(%dma_start3A_184 : memref<16x512xi32, #tpu.memory_space<hbm>>) target(%dma_start3A_182 : memref<16x512xi32, #tpu.memory_space<vmem>>) target_semaphore(%dma_start3A_178 : memref<!tpu.dma_semaphore, #tpu.memory_space<semaphore_mem>>)
    %parallel_loop3A_185 = arith.constant 0 : i32
    %parallel_loop3A_186 = arith.constant 512 : i32
    %parallel_loop3A_187 = arith.constant 1 : i32
    scf.for %parallel_loop3A_592 = %parallel_loop3A_185 to %parallel_loop3A_186 step %parallel_loop3A_187  : i32 {
      %parallel_loop3A_593 = arith.constant 5 : i32
      %parallel_loop3A_594 = arith.shrui %parallel_loop3A_592, %parallel_loop3A_593 : i32
      %parallel_loop3A_595 = arith.constant 31 : i32
      %parallel_loop3A_596 = arith.andi %parallel_loop3A_592, %parallel_loop3A_595 : i32
      %parallel_loop3A_597 = arith.constant 16 : i32
      %parallel_loop3A_598 = arith.muli %parallel_loop3A_596, %parallel_loop3A_597 : i32
      %parallel_loop3A_599 = arith.constant 1 : i32
      %parallel_loop3A_600 = arith.index_cast %parallel_loop3A_599 : i32 to index
      %parallel_loop3A_601 = arith.index_cast %parallel_loop3A_594 : i32 to index
      %parallel_loop3A_602 = arith.index_cast %parallel_loop3A_598 : i32 to index
      %parallel_loop3A_603 = tpu.vector_load %arg5[%parallel_loop3A_600, %parallel_loop3A_601, %parallel_loop3A_602] {strides = array<i32>} : memref<2x16x512xf32, #tpu.memory_space<vmem>>, vector<16xf32>,
      %parallel_loop3A_604 = arith.constant 16 : i32
      %parallel_loop3A_605 = arith.muli %parallel_loop3A_596, %parallel_loop3A_604 : i32
      %parallel_loop3A_606 = arith.constant 1 : i32
      %parallel_loop3A_607 = arith.index_cast %parallel_loop3A_606 : i32 to index
      %parallel_loop3A_608 = arith.index_cast %parallel_loop3A_594 : i32 to index
      %parallel_loop3A_609 = arith.index_cast %parallel_loop3A_605 : i32 to index
      %parallel_loop3A_610 = tpu.vector_load %arg6[%parallel_loop3A_607, %parallel_loop3A_608, %parallel_loop3A_609] {strides = array<i32>} : memref<2x16x512xi32, #tpu.memory_space<vmem>>, vector<16xi32>,
      %parallel_loop3A_611 = arith.sitofp %parallel_loop3A_610 : vector<16xi32> to vector<16xf32>
      %parallel_loop3A_612 = arith.subf %parallel_loop3A_611, %parallel_loop3A_603 : vector<16xf32>
      %parallel_loop3A_613 = math.absf %parallel_loop3A_612 : vector<16xf32>
      %parallel_loop3A_614 = arith.constant 8.192000e+03 : f32
      %parallel_loop3A_615 = vector.broadcast %parallel_loop3A_614 : f32 to vector<16xf32>
      %parallel_loop3A_616 = arith.mulf %parallel_loop3A_613, %parallel_loop3A_615 : vector<16xf32>
      %parallel_loop3A_617 = arith.fptosi %parallel_loop3A_616 : vector<16xf32> to vector<16xi32>
      %parallel_loop3A_618 = arith.constant 8191 : i32
      %parallel_loop3A_619 = vector.broadcast %parallel_loop3A_618 : i32 to vector<16xi32>
      %parallel_loop3A_620 = arith.minsi %parallel_loop3A_617, %parallel_loop3A_619 : vector<16xi32>
      %parallel_loop3A_621 = arith.constant 8191 : i32
      %parallel_loop3A_622 = vector.broadcast %parallel_loop3A_621 : i32 to vector<16xi32>
      %parallel_loop3A_623 = arith.subi %parallel_loop3A_622, %parallel_loop3A_620 : vector<16xi32>
      %parallel_loop3A_624 = arith.constant 8192 : i32
      %parallel_loop3A_625 = vector.broadcast %parallel_loop3A_624 : i32 to vector<16xi32>
      %parallel_loop3A_626 = arith.muli %parallel_loop3A_610, %parallel_loop3A_625 : vector<16xi32>
      %parallel_loop3A_627 = arith.addi %parallel_loop3A_623, %parallel_loop3A_626 : vector<16xi32>
      tpu.vector_store_idx %arg7[%parallel_loop3A_627], %broadcast_in_dim3A_7 {add = true} : memref<16384xf32, #tpu.memory_space<vmem>>[vector<16xi32>], vector<16xf32>,
    } {sc.loop_unroll_factor = 8 : i64, sc.parallel_access}
    %dma_wait3A_188 = arith.constant 0 : i32
    %dma_wait3A_189 = arith.constant 0 : i32
    %dma_wait3A_190 = arith.constant 0 : i32
    %dma_wait3A_191 = arith.constant 0 : i32
    %dma_wait3A_192 = arith.constant 0 : i32
    %dma_wait3A_193 = tpu.memref_slice %arg5[%dma_wait3A_188, %dma_wait3A_191, %dma_wait3A_192] : memref<2x16x512xf32, #tpu.memory_space<vmem>> -> memref<1x16x512xf32, #tpu.memory_space<vmem>>
    %dma_wait3A_194 = tpu.memref_squeeze %dma_wait3A_193 : memref<1x16x512xf32, #tpu.memory_space<vmem>> -> memref<16x512xf32, #tpu.memory_space<vmem>>
    %dma_wait3A_195 = arith.constant 0 : i32
    %dma_wait3A_196 = tpu.memref_slice %arg2[%mul3A_2, %dma_wait3A_195] : memref<4096x512xf32, #tpu.memory_space<hbm>> -> memref<16x512xf32, #tpu.memory_space<hbm>>
    %dma_wait3A_197 = tpu.memref_slice %arg8[%dma_wait3A_189, %dma_wait3A_190] : memref<2x2x!tpu.dma_semaphore, #tpu.memory_space<semaphore_mem>> -> memref<1x1x!tpu.dma_semaphore, #tpu.memory_space<semaphore_mem>>
    %dma_wait3A_198 = tpu.memref_squeeze %dma_wait3A_197 : memref<1x1x!tpu.dma_semaphore, #tpu.memory_space<semaphore_mem>> -> memref<!tpu.dma_semaphore, #tpu.memory_space<semaphore_mem>>
    %dma_wait3A_199 = arith.constant 0 : i32
    %dma_wait3A_200 = arith.constant 0 : i32
    %dma_wait3A_201 = tpu.memref_slice %arg5[%dma_wait3A_188, %dma_wait3A_199, %dma_wait3A_200] : memref<2x16x512xf32, #tpu.memory_space<vmem>> -> memref<1x16x512xf32, #tpu.memory_space<vmem>>
    %dma_wait3A_202 = tpu.memref_squeeze %dma_wait3A_201 : memref<1x16x512xf32, #tpu.memory_space<vmem>> -> memref<16x512xf32, #tpu.memory_space<vmem>>
    %dma_wait3A_203 = arith.constant 0 : i32
    %dma_wait3A_204 = tpu.memref_slice %arg2[%mul3A_2, %dma_wait3A_203] : memref<4096x512xf32, #tpu.memory_space<hbm>> -> memref<16x512xf32, #tpu.memory_space<hbm>>
    tpu.wait_dma2 semaphore(%dma_wait3A_198 : memref<!tpu.dma_semaphore, #tpu.memory_space<semaphore_mem>>) src(%dma_wait3A_204 : memref<16x512xf32, #tpu.memory_space<hbm>>) dst(%dma_wait3A_202 : memref<16x512xf32, #tpu.memory_space<vmem>>)
    %dma_wait3A_205 = arith.constant 0 : i32
    %dma_wait3A_206 = arith.constant 0 : i32
    %dma_wait3A_207 = arith.constant 1 : i32
    %dma_wait3A_208 = arith.constant 0 : i32
    %dma_wait3A_209 = arith.constant 0 : i32
    %dma_wait3A_210 = tpu.memref_slice %arg6[%dma_wait3A_205, %dma_wait3A_208, %dma_wait3A_209] : memref<2x16x512xi32, #tpu.memory_space<vmem>> -> memref<1x16x512xi32, #tpu.memory_space<vmem>>
    %dma_wait3A_211 = tpu.memref_squeeze %dma_wait3A_210 : memref<1x16x512xi32, #tpu.memory_space<vmem>> -> memref<16x512xi32, #tpu.memory_space<vmem>>
    %dma_wait3A_212 = arith.constant 0 : i32
    %dma_wait3A_213 = tpu.memref_slice %arg3[%mul3A_2, %dma_wait3A_212] : memref<4096x512xi32, #tpu.memory_space<hbm>> -> memref<16x512xi32, #tpu.memory_space<hbm>>
    %dma_wait3A_214 = tpu.memref_slice %arg8[%dma_wait3A_206, %dma_wait3A_207] : memref<2x2x!tpu.dma_semaphore, #tpu.memory_space<semaphore_mem>> -> memref<1x1x!tpu.dma_semaphore, #tpu.memory_space<semaphore_mem>>
    %dma_wait3A_215 = tpu.memref_squeeze %dma_wait3A_214 : memref<1x1x!tpu.dma_semaphore, #tpu.memory_space<semaphore_mem>> -> memref<!tpu.dma_semaphore, #tpu.memory_space<semaphore_mem>>
    %dma_wait3A_216 = arith.constant 0 : i32
    %dma_wait3A_217 = arith.constant 0 : i32
    %dma_wait3A_218 = tpu.memref_slice %arg6[%dma_wait3A_205, %dma_wait3A_216, %dma_wait3A_217] : memref<2x16x512xi32, #tpu.memory_space<vmem>> -> memref<1x16x512xi32, #tpu.memory_space<vmem>>
    %dma_wait3A_219 = tpu.memref_squeeze %dma_wait3A_218 : memref<1x16x512xi32, #tpu.memory_space<vmem>> -> memref<16x512xi32, #tpu.memory_space<vmem>>
    %dma_wait3A_220 = arith.constant 0 : i32
    %dma_wait3A_221 = tpu.memref_slice %arg3[%mul3A_2, %dma_wait3A_220] : memref<4096x512xi32, #tpu.memory_space<hbm>> -> memref<16x512xi32, #tpu.memory_space<hbm>>
    tpu.wait_dma2 semaphore(%dma_wait3A_215 : memref<!tpu.dma_semaphore, #tpu.memory_space<semaphore_mem>>) src(%dma_wait3A_221 : memref<16x512xi32, #tpu.memory_space<hbm>>) dst(%dma_wait3A_219 : memref<16x512xi32, #tpu.memory_space<vmem>>)
    %add3A_222 = arith.constant 48 : i32
    %add3A_223 = arith.addi %mul3A_2, %add3A_222 : i32
    %dma_start3A_224 = arith.constant 1 : i32
    %dma_start3A_225 = arith.constant 1 : i32
    %dma_start3A_226 = arith.constant 0 : i32
    %dma_start3A_227 = arith.constant 0 : i32
    %dma_start3A_228 = arith.constant 0 : i32
    %dma_start3A_229 = tpu.memref_slice %arg5[%dma_start3A_224, %dma_start3A_227, %dma_start3A_228] : memref<2x16x512xf32, #tpu.memory_space<vmem>> -> memref<1x16x512xf32, #tpu.memory_space<vmem>>
    %dma_start3A_230 = tpu.memref_squeeze %dma_start3A_229 : memref<1x16x512xf32, #tpu.memory_space<vmem>> -> memref<16x512xf32, #tpu.memory_space<vmem>>
    %dma_start3A_231 = arith.constant 0 : i32
    %dma_start3A_232 = tpu.memref_slice %arg2[%add3A_223, %dma_start3A_231] : memref<4096x512xf32, #tpu.memory_space<hbm>> -> memref<16x512xf32, #tpu.memory_space<hbm>>
    %dma_start3A_233 = tpu.memref_slice %arg8[%dma_start3A_225, %dma_start3A_226] : memref<2x2x!tpu.dma_semaphore, #tpu.memory_space<semaphore_mem>> -> memref<1x1x!tpu.dma_semaphore, #tpu.memory_space<semaphore_mem>>
    %dma_start3A_234 = tpu.memref_squeeze %dma_start3A_233 : memref<1x1x!tpu.dma_semaphore, #tpu.memory_space<semaphore_mem>> -> memref<!tpu.dma_semaphore, #tpu.memory_space<semaphore_mem>>
    %dma_start3A_235 = arith.constant 0 : i32
    %dma_start3A_236 = arith.constant 0 : i32
    %dma_start3A_237 = tpu.memref_slice %arg5[%dma_start3A_224, %dma_start3A_235, %dma_start3A_236] : memref<2x16x512xf32, #tpu.memory_space<vmem>> -> memref<1x16x512xf32, #tpu.memory_space<vmem>>
    %dma_start3A_238 = tpu.memref_squeeze %dma_start3A_237 : memref<1x16x512xf32, #tpu.memory_space<vmem>> -> memref<16x512xf32, #tpu.memory_space<vmem>>
    %dma_start3A_239 = arith.constant 0 : i32
    %dma_start3A_240 = tpu.memref_slice %arg2[%add3A_223, %dma_start3A_239] : memref<4096x512xf32, #tpu.memory_space<hbm>> -> memref<16x512xf32, #tpu.memory_space<hbm>>
    tpu.enqueue_dma source(%dma_start3A_240 : memref<16x512xf32, #tpu.memory_space<hbm>>) target(%dma_start3A_238 : memref<16x512xf32, #tpu.memory_space<vmem>>) target_semaphore(%dma_start3A_234 : memref<!tpu.dma_semaphore, #tpu.memory_space<semaphore_mem>>)
    %dma_start3A_241 = arith.constant 1 : i32
    %dma_start3A_242 = arith.constant 1 : i32
    %dma_start3A_243 = arith.constant 1 : i32
    %dma_start3A_244 = arith.constant 0 : i32
    %dma_start3A_245 = arith.constant 0 : i32
    %dma_start3A_246 = tpu.memref_slice %arg6[%dma_start3A_241, %dma_start3A_244, %dma_start3A_245] : memref<2x16x512xi32, #tpu.memory_space<vmem>> -> memref<1x16x512xi32, #tpu.memory_space<vmem>>
    %dma_start3A_247 = tpu.memref_squeeze %dma_start3A_246 : memref<1x16x512xi32, #tpu.memory_space<vmem>> -> memref<16x512xi32, #tpu.memory_space<vmem>>
    %dma_start3A_248 = arith.constant 0 : i32
    %dma_start3A_249 = tpu.memref_slice %arg3[%add3A_223, %dma_start3A_248] : memref<4096x512xi32, #tpu.memory_space<hbm>> -> memref<16x512xi32, #tpu.memory_space<hbm>>
    %dma_start3A_250 = tpu.memref_slice %arg8[%dma_start3A_242, %dma_start3A_243] : memref<2x2x!tpu.dma_semaphore, #tpu.memory_space<semaphore_mem>> -> memref<1x1x!tpu.dma_semaphore, #tpu.memory_space<semaphore_mem>>
    %dma_start3A_251 = tpu.memref_squeeze %dma_start3A_250 : memref<1x1x!tpu.dma_semaphore, #tpu.memory_space<semaphore_mem>> -> memref<!tpu.dma_semaphore, #tpu.memory_space<semaphore_mem>>
    %dma_start3A_252 = arith.constant 0 : i32
    %dma_start3A_253 = arith.constant 0 : i32
    %dma_start3A_254 = tpu.memref_slice %arg6[%dma_start3A_241, %dma_start3A_252, %dma_start3A_253] : memref<2x16x512xi32, #tpu.memory_space<vmem>> -> memref<1x16x512xi32, #tpu.memory_space<vmem>>
    %dma_start3A_255 = tpu.memref_squeeze %dma_start3A_254 : memref<1x16x512xi32, #tpu.memory_space<vmem>> -> memref<16x512xi32, #tpu.memory_space<vmem>>
    %dma_start3A_256 = arith.constant 0 : i32
    %dma_start3A_257 = tpu.memref_slice %arg3[%add3A_223, %dma_start3A_256] : memref<4096x512xi32, #tpu.memory_space<hbm>> -> memref<16x512xi32, #tpu.memory_space<hbm>>
    tpu.enqueue_dma source(%dma_start3A_257 : memref<16x512xi32, #tpu.memory_space<hbm>>) target(%dma_start3A_255 : memref<16x512xi32, #tpu.memory_space<vmem>>) target_semaphore(%dma_start3A_251 : memref<!tpu.dma_semaphore, #tpu.memory_space<semaphore_mem>>)
    %parallel_loop3A_258 = arith.constant 0 : i32
    %parallel_loop3A_259 = arith.constant 512 : i32
    %parallel_loop3A_260 = arith.constant 1 : i32
    scf.for %parallel_loop3A_592 = %parallel_loop3A_258 to %parallel_loop3A_259 step %parallel_loop3A_260  : i32 {
      %parallel_loop3A_593 = arith.constant 5 : i32
      %parallel_loop3A_594 = arith.shrui %parallel_loop3A_592, %parallel_loop3A_593 : i32
      %parallel_loop3A_595 = arith.constant 31 : i32
      %parallel_loop3A_596 = arith.andi %parallel_loop3A_592, %parallel_loop3A_595 : i32
      %parallel_loop3A_597 = arith.constant 16 : i32
      %parallel_loop3A_598 = arith.muli %parallel_loop3A_596, %parallel_loop3A_597 : i32
      %parallel_loop3A_599 = arith.constant 0 : i32
      %parallel_loop3A_600 = arith.index_cast %parallel_loop3A_599 : i32 to index
      %parallel_loop3A_601 = arith.index_cast %parallel_loop3A_594 : i32 to index
      %parallel_loop3A_602 = arith.index_cast %parallel_loop3A_598 : i32 to index
      %parallel_loop3A_603 = tpu.vector_load %arg5[%parallel_loop3A_600, %parallel_loop3A_601, %parallel_loop3A_602] {strides = array<i32>} : memref<2x16x512xf32, #tpu.memory_space<vmem>>, vector<16xf32>,
      %parallel_loop3A_604 = arith.constant 16 : i32
      %parallel_loop3A_605 = arith.muli %parallel_loop3A_596, %parallel_loop3A_604 : i32
      %parallel_loop3A_606 = arith.constant 0 : i32
      %parallel_loop3A_607 = arith.index_cast %parallel_loop3A_606 : i32 to index
      %parallel_loop3A_608 = arith.index_cast %parallel_loop3A_594 : i32 to index
      %parallel_loop3A_609 = arith.index_cast %parallel_loop3A_605 : i32 to index
      %parallel_loop3A_610 = tpu.vector_load %arg6[%parallel_loop3A_607, %parallel_loop3A_608, %parallel_loop3A_609] {strides = array<i32>} : memref<2x16x512xi32, #tpu.memory_space<vmem>>, vector<16xi32>,
      %parallel_loop3A_611 = arith.sitofp %parallel_loop3A_610 : vector<16xi32> to vector<16xf32>
      %parallel_loop3A_612 = arith.subf %parallel_loop3A_611, %parallel_loop3A_603 : vector<16xf32>
      %parallel_loop3A_613 = math.absf %parallel_loop3A_612 : vector<16xf32>
      %parallel_loop3A_614 = arith.constant 8.192000e+03 : f32
      %parallel_loop3A_615 = vector.broadcast %parallel_loop3A_614 : f32 to vector<16xf32>
      %parallel_loop3A_616 = arith.mulf %parallel_loop3A_613, %parallel_loop3A_615 : vector<16xf32>
      %parallel_loop3A_617 = arith.fptosi %parallel_loop3A_616 : vector<16xf32> to vector<16xi32>
      %parallel_loop3A_618 = arith.constant 8191 : i32
      %parallel_loop3A_619 = vector.broadcast %parallel_loop3A_618 : i32 to vector<16xi32>
      %parallel_loop3A_620 = arith.minsi %parallel_loop3A_617, %parallel_loop3A_619 : vector<16xi32>
      %parallel_loop3A_621 = arith.constant 8191 : i32
      %parallel_loop3A_622 = vector.broadcast %parallel_loop3A_621 : i32 to vector<16xi32>
      %parallel_loop3A_623 = arith.subi %parallel_loop3A_622, %parallel_loop3A_620 : vector<16xi32>
      %parallel_loop3A_624 = arith.constant 8192 : i32
      %parallel_loop3A_625 = vector.broadcast %parallel_loop3A_624 : i32 to vector<16xi32>
      %parallel_loop3A_626 = arith.muli %parallel_loop3A_610, %parallel_loop3A_625 : vector<16xi32>
      %parallel_loop3A_627 = arith.addi %parallel_loop3A_623, %parallel_loop3A_626 : vector<16xi32>
      tpu.vector_store_idx %arg7[%parallel_loop3A_627], %broadcast_in_dim3A_7 {add = true} : memref<16384xf32, #tpu.memory_space<vmem>>[vector<16xi32>], vector<16xf32>,
    } {sc.loop_unroll_factor = 8 : i64, sc.parallel_access}
    %dma_wait3A_261 = arith.constant 1 : i32
    %dma_wait3A_262 = arith.constant 1 : i32
    %dma_wait3A_263 = arith.constant 0 : i32
    %dma_wait3A_264 = arith.constant 0 : i32
    %dma_wait3A_265 = arith.constant 0 : i32
    %dma_wait3A_266 = tpu.memref_slice %arg5[%dma_wait3A_261, %dma_wait3A_264, %dma_wait3A_265] : memref<2x16x512xf32, #tpu.memory_space<vmem>> -> memref<1x16x512xf32, #tpu.memory_space<vmem>>
    %dma_wait3A_267 = tpu.memref_squeeze %dma_wait3A_266 : memref<1x16x512xf32, #tpu.memory_space<vmem>> -> memref<16x512xf32, #tpu.memory_space<vmem>>
    %dma_wait3A_268 = arith.constant 0 : i32
    %dma_wait3A_269 = tpu.memref_slice %arg2[%mul3A_2, %dma_wait3A_268] : memref<4096x512xf32, #tpu.memory_space<hbm>> -> memref<16x512xf32, #tpu.memory_space<hbm>>
    %dma_wait3A_270 = tpu.memref_slice %arg8[%dma_wait3A_262, %dma_wait3A_263] : memref<2x2x!tpu.dma_semaphore, #tpu.memory_space<semaphore_mem>> -> memref<1x1x!tpu.dma_semaphore, #tpu.memory_space<semaphore_mem>>
    %dma_wait3A_271 = tpu.memref_squeeze %dma_wait3A_270 : memref<1x1x!tpu.dma_semaphore, #tpu.memory_space<semaphore_mem>> -> memref<!tpu.dma_semaphore, #tpu.memory_space<semaphore_mem>>
    %dma_wait3A_272 = arith.constant 0 : i32
    %dma_wait3A_273 = arith.constant 0 : i32
    %dma_wait3A_274 = tpu.memref_slice %arg5[%dma_wait3A_261, %dma_wait3A_272, %dma_wait3A_273] : memref<2x16x512xf32, #tpu.memory_space<vmem>> -> memref<1x16x512xf32, #tpu.memory_space<vmem>>
    %dma_wait3A_275 = tpu.memref_squeeze %dma_wait3A_274 : memref<1x16x512xf32, #tpu.memory_space<vmem>> -> memref<16x512xf32, #tpu.memory_space<vmem>>
    %dma_wait3A_276 = arith.constant 0 : i32
    %dma_wait3A_277 = tpu.memref_slice %arg2[%mul3A_2, %dma_wait3A_276] : memref<4096x512xf32, #tpu.memory_space<hbm>> -> memref<16x512xf32, #tpu.memory_space<hbm>>
    tpu.wait_dma2 semaphore(%dma_wait3A_271 : memref<!tpu.dma_semaphore, #tpu.memory_space<semaphore_mem>>) src(%dma_wait3A_277 : memref<16x512xf32, #tpu.memory_space<hbm>>) dst(%dma_wait3A_275 : memref<16x512xf32, #tpu.memory_space<vmem>>)
    %dma_wait3A_278 = arith.constant 1 : i32
    %dma_wait3A_279 = arith.constant 1 : i32
    %dma_wait3A_280 = arith.constant 1 : i32
    %dma_wait3A_281 = arith.constant 0 : i32
    %dma_wait3A_282 = arith.constant 0 : i32
    %dma_wait3A_283 = tpu.memref_slice %arg6[%dma_wait3A_278, %dma_wait3A_281, %dma_wait3A_282] : memref<2x16x512xi32, #tpu.memory_space<vmem>> -> memref<1x16x512xi32, #tpu.memory_space<vmem>>
    %dma_wait3A_284 = tpu.memref_squeeze %dma_wait3A_283 : memref<1x16x512xi32, #tpu.memory_space<vmem>> -> memref<16x512xi32, #tpu.memory_space<vmem>>
    %dma_wait3A_285 = arith.constant 0 : i32
    %dma_wait3A_286 = tpu.memref_slice %arg3[%mul3A_2, %dma_wait3A_285] : memref<4096x512xi32, #tpu.memory_space<hbm>> -> memref<16x512xi32, #tpu.memory_space<hbm>>
    %dma_wait3A_287 = tpu.memref_slice %arg8[%dma_wait3A_279, %dma_wait3A_280] : memref<2x2x!tpu.dma_semaphore, #tpu.memory_space<semaphore_mem>> -> memref<1x1x!tpu.dma_semaphore, #tpu.memory_space<semaphore_mem>>
    %dma_wait3A_288 = tpu.memref_squeeze %dma_wait3A_287 : memref<1x1x!tpu.dma_semaphore, #tpu.memory_space<semaphore_mem>> -> memref<!tpu.dma_semaphore, #tpu.memory_space<semaphore_mem>>
    %dma_wait3A_289 = arith.constant 0 : i32
    %dma_wait3A_290 = arith.constant 0 : i32
    %dma_wait3A_291 = tpu.memref_slice %arg6[%dma_wait3A_278, %dma_wait3A_289, %dma_wait3A_290] : memref<2x16x512xi32, #tpu.memory_space<vmem>> -> memref<1x16x512xi32, #tpu.memory_space<vmem>>
    %dma_wait3A_292 = tpu.memref_squeeze %dma_wait3A_291 : memref<1x16x512xi32, #tpu.memory_space<vmem>> -> memref<16x512xi32, #tpu.memory_space<vmem>>
    %dma_wait3A_293 = arith.constant 0 : i32
    %dma_wait3A_294 = tpu.memref_slice %arg3[%mul3A_2, %dma_wait3A_293] : memref<4096x512xi32, #tpu.memory_space<hbm>> -> memref<16x512xi32, #tpu.memory_space<hbm>>
    tpu.wait_dma2 semaphore(%dma_wait3A_288 : memref<!tpu.dma_semaphore, #tpu.memory_space<semaphore_mem>>) src(%dma_wait3A_294 : memref<16x512xi32, #tpu.memory_space<hbm>>) dst(%dma_wait3A_292 : memref<16x512xi32, #tpu.memory_space<vmem>>)
    %add3A_295 = arith.constant 64 : i32
    %add3A_296 = arith.addi %mul3A_2, %add3A_295 : i32
    %dma_start3A_297 = arith.constant 0 : i32
    %dma_start3A_298 = arith.constant 0 : i32
    %dma_start3A_299 = arith.constant 0 : i32
    %dma_start3A_300 = arith.constant 0 : i32
    %dma_start3A_301 = arith.constant 0 : i32
    %dma_start3A_302 = tpu.memref_slice %arg5[%dma_start3A_297, %dma_start3A_300, %dma_start3A_301] : memref<2x16x512xf32, #tpu.memory_space<vmem>> -> memref<1x16x512xf32, #tpu.memory_space<vmem>>
    %dma_start3A_303 = tpu.memref_squeeze %dma_start3A_302 : memref<1x16x512xf32, #tpu.memory_space<vmem>> -> memref<16x512xf32, #tpu.memory_space<vmem>>
    %dma_start3A_304 = arith.constant 0 : i32
    %dma_start3A_305 = tpu.memref_slice %arg2[%add3A_296, %dma_start3A_304] : memref<4096x512xf32, #tpu.memory_space<hbm>> -> memref<16x512xf32, #tpu.memory_space<hbm>>
    %dma_start3A_306 = tpu.memref_slice %arg8[%dma_start3A_298, %dma_start3A_299] : memref<2x2x!tpu.dma_semaphore, #tpu.memory_space<semaphore_mem>> -> memref<1x1x!tpu.dma_semaphore, #tpu.memory_space<semaphore_mem>>
    %dma_start3A_307 = tpu.memref_squeeze %dma_start3A_306 : memref<1x1x!tpu.dma_semaphore, #tpu.memory_space<semaphore_mem>> -> memref<!tpu.dma_semaphore, #tpu.memory_space<semaphore_mem>>
    %dma_start3A_308 = arith.constant 0 : i32
    %dma_start3A_309 = arith.constant 0 : i32
    %dma_start3A_310 = tpu.memref_slice %arg5[%dma_start3A_297, %dma_start3A_308, %dma_start3A_309] : memref<2x16x512xf32, #tpu.memory_space<vmem>> -> memref<1x16x512xf32, #tpu.memory_space<vmem>>
    %dma_start3A_311 = tpu.memref_squeeze %dma_start3A_310 : memref<1x16x512xf32, #tpu.memory_space<vmem>> -> memref<16x512xf32, #tpu.memory_space<vmem>>
    %dma_start3A_312 = arith.constant 0 : i32
    %dma_start3A_313 = tpu.memref_slice %arg2[%add3A_296, %dma_start3A_312] : memref<4096x512xf32, #tpu.memory_space<hbm>> -> memref<16x512xf32, #tpu.memory_space<hbm>>
    tpu.enqueue_dma source(%dma_start3A_313 : memref<16x512xf32, #tpu.memory_space<hbm>>) target(%dma_start3A_311 : memref<16x512xf32, #tpu.memory_space<vmem>>) target_semaphore(%dma_start3A_307 : memref<!tpu.dma_semaphore, #tpu.memory_space<semaphore_mem>>)
    %dma_start3A_314 = arith.constant 0 : i32
    %dma_start3A_315 = arith.constant 0 : i32
    %dma_start3A_316 = arith.constant 1 : i32
    %dma_start3A_317 = arith.constant 0 : i32
    %dma_start3A_318 = arith.constant 0 : i32
    %dma_start3A_319 = tpu.memref_slice %arg6[%dma_start3A_314, %dma_start3A_317, %dma_start3A_318] : memref<2x16x512xi32, #tpu.memory_space<vmem>> -> memref<1x16x512xi32, #tpu.memory_space<vmem>>
    %dma_start3A_320 = tpu.memref_squeeze %dma_start3A_319 : memref<1x16x512xi32, #tpu.memory_space<vmem>> -> memref<16x512xi32, #tpu.memory_space<vmem>>
    %dma_start3A_321 = arith.constant 0 : i32
    %dma_start3A_322 = tpu.memref_slice %arg3[%add3A_296, %dma_start3A_321] : memref<4096x512xi32, #tpu.memory_space<hbm>> -> memref<16x512xi32, #tpu.memory_space<hbm>>
    %dma_start3A_323 = tpu.memref_slice %arg8[%dma_start3A_315, %dma_start3A_316] : memref<2x2x!tpu.dma_semaphore, #tpu.memory_space<semaphore_mem>> -> memref<1x1x!tpu.dma_semaphore, #tpu.memory_space<semaphore_mem>>
    %dma_start3A_324 = tpu.memref_squeeze %dma_start3A_323 : memref<1x1x!tpu.dma_semaphore, #tpu.memory_space<semaphore_mem>> -> memref<!tpu.dma_semaphore, #tpu.memory_space<semaphore_mem>>
    %dma_start3A_325 = arith.constant 0 : i32
    %dma_start3A_326 = arith.constant 0 : i32
    %dma_start3A_327 = tpu.memref_slice %arg6[%dma_start3A_314, %dma_start3A_325, %dma_start3A_326] : memref<2x16x512xi32, #tpu.memory_space<vmem>> -> memref<1x16x512xi32, #tpu.memory_space<vmem>>
    %dma_start3A_328 = tpu.memref_squeeze %dma_start3A_327 : memref<1x16x512xi32, #tpu.memory_space<vmem>> -> memref<16x512xi32, #tpu.memory_space<vmem>>
    %dma_start3A_329 = arith.constant 0 : i32
    %dma_start3A_330 = tpu.memref_slice %arg3[%add3A_296, %dma_start3A_329] : memref<4096x512xi32, #tpu.memory_space<hbm>> -> memref<16x512xi32, #tpu.memory_space<hbm>>
    tpu.enqueue_dma source(%dma_start3A_330 : memref<16x512xi32, #tpu.memory_space<hbm>>) target(%dma_start3A_328 : memref<16x512xi32, #tpu.memory_space<vmem>>) target_semaphore(%dma_start3A_324 : memref<!tpu.dma_semaphore, #tpu.memory_space<semaphore_mem>>)
    %parallel_loop3A_331 = arith.constant 0 : i32
    %parallel_loop3A_332 = arith.constant 512 : i32
    %parallel_loop3A_333 = arith.constant 1 : i32
    scf.for %parallel_loop3A_592 = %parallel_loop3A_331 to %parallel_loop3A_332 step %parallel_loop3A_333  : i32 {
      %parallel_loop3A_593 = arith.constant 5 : i32
      %parallel_loop3A_594 = arith.shrui %parallel_loop3A_592, %parallel_loop3A_593 : i32
      %parallel_loop3A_595 = arith.constant 31 : i32
      %parallel_loop3A_596 = arith.andi %parallel_loop3A_592, %parallel_loop3A_595 : i32
      %parallel_loop3A_597 = arith.constant 16 : i32
      %parallel_loop3A_598 = arith.muli %parallel_loop3A_596, %parallel_loop3A_597 : i32
      %parallel_loop3A_599 = arith.constant 1 : i32
      %parallel_loop3A_600 = arith.index_cast %parallel_loop3A_599 : i32 to index
      %parallel_loop3A_601 = arith.index_cast %parallel_loop3A_594 : i32 to index
      %parallel_loop3A_602 = arith.index_cast %parallel_loop3A_598 : i32 to index
      %parallel_loop3A_603 = tpu.vector_load %arg5[%parallel_loop3A_600, %parallel_loop3A_601, %parallel_loop3A_602] {strides = array<i32>} : memref<2x16x512xf32, #tpu.memory_space<vmem>>, vector<16xf32>,
      %parallel_loop3A_604 = arith.constant 16 : i32
      %parallel_loop3A_605 = arith.muli %parallel_loop3A_596, %parallel_loop3A_604 : i32
      %parallel_loop3A_606 = arith.constant 1 : i32
      %parallel_loop3A_607 = arith.index_cast %parallel_loop3A_606 : i32 to index
      %parallel_loop3A_608 = arith.index_cast %parallel_loop3A_594 : i32 to index
      %parallel_loop3A_609 = arith.index_cast %parallel_loop3A_605 : i32 to index
      %parallel_loop3A_610 = tpu.vector_load %arg6[%parallel_loop3A_607, %parallel_loop3A_608, %parallel_loop3A_609] {strides = array<i32>} : memref<2x16x512xi32, #tpu.memory_space<vmem>>, vector<16xi32>,
      %parallel_loop3A_611 = arith.sitofp %parallel_loop3A_610 : vector<16xi32> to vector<16xf32>
      %parallel_loop3A_612 = arith.subf %parallel_loop3A_611, %parallel_loop3A_603 : vector<16xf32>
      %parallel_loop3A_613 = math.absf %parallel_loop3A_612 : vector<16xf32>
      %parallel_loop3A_614 = arith.constant 8.192000e+03 : f32
      %parallel_loop3A_615 = vector.broadcast %parallel_loop3A_614 : f32 to vector<16xf32>
      %parallel_loop3A_616 = arith.mulf %parallel_loop3A_613, %parallel_loop3A_615 : vector<16xf32>
      %parallel_loop3A_617 = arith.fptosi %parallel_loop3A_616 : vector<16xf32> to vector<16xi32>
      %parallel_loop3A_618 = arith.constant 8191 : i32
      %parallel_loop3A_619 = vector.broadcast %parallel_loop3A_618 : i32 to vector<16xi32>
      %parallel_loop3A_620 = arith.minsi %parallel_loop3A_617, %parallel_loop3A_619 : vector<16xi32>
      %parallel_loop3A_621 = arith.constant 8191 : i32
      %parallel_loop3A_622 = vector.broadcast %parallel_loop3A_621 : i32 to vector<16xi32>
      %parallel_loop3A_623 = arith.subi %parallel_loop3A_622, %parallel_loop3A_620 : vector<16xi32>
      %parallel_loop3A_624 = arith.constant 8192 : i32
      %parallel_loop3A_625 = vector.broadcast %parallel_loop3A_624 : i32 to vector<16xi32>
      %parallel_loop3A_626 = arith.muli %parallel_loop3A_610, %parallel_loop3A_625 : vector<16xi32>
      %parallel_loop3A_627 = arith.addi %parallel_loop3A_623, %parallel_loop3A_626 : vector<16xi32>
      tpu.vector_store_idx %arg7[%parallel_loop3A_627], %broadcast_in_dim3A_7 {add = true} : memref<16384xf32, #tpu.memory_space<vmem>>[vector<16xi32>], vector<16xf32>,
    } {sc.loop_unroll_factor = 8 : i64, sc.parallel_access}
    %dma_wait3A_334 = arith.constant 0 : i32
    %dma_wait3A_335 = arith.constant 0 : i32
    %dma_wait3A_336 = arith.constant 0 : i32
    %dma_wait3A_337 = arith.constant 0 : i32
    %dma_wait3A_338 = arith.constant 0 : i32
    %dma_wait3A_339 = tpu.memref_slice %arg5[%dma_wait3A_334, %dma_wait3A_337, %dma_wait3A_338] : memref<2x16x512xf32, #tpu.memory_space<vmem>> -> memref<1x16x512xf32, #tpu.memory_space<vmem>>
    %dma_wait3A_340 = tpu.memref_squeeze %dma_wait3A_339 : memref<1x16x512xf32, #tpu.memory_space<vmem>> -> memref<16x512xf32, #tpu.memory_space<vmem>>
    %dma_wait3A_341 = arith.constant 0 : i32
    %dma_wait3A_342 = tpu.memref_slice %arg2[%mul3A_2, %dma_wait3A_341] : memref<4096x512xf32, #tpu.memory_space<hbm>> -> memref<16x512xf32, #tpu.memory_space<hbm>>
    %dma_wait3A_343 = tpu.memref_slice %arg8[%dma_wait3A_335, %dma_wait3A_336] : memref<2x2x!tpu.dma_semaphore, #tpu.memory_space<semaphore_mem>> -> memref<1x1x!tpu.dma_semaphore, #tpu.memory_space<semaphore_mem>>
    %dma_wait3A_344 = tpu.memref_squeeze %dma_wait3A_343 : memref<1x1x!tpu.dma_semaphore, #tpu.memory_space<semaphore_mem>> -> memref<!tpu.dma_semaphore, #tpu.memory_space<semaphore_mem>>
    %dma_wait3A_345 = arith.constant 0 : i32
    %dma_wait3A_346 = arith.constant 0 : i32
    %dma_wait3A_347 = tpu.memref_slice %arg5[%dma_wait3A_334, %dma_wait3A_345, %dma_wait3A_346] : memref<2x16x512xf32, #tpu.memory_space<vmem>> -> memref<1x16x512xf32, #tpu.memory_space<vmem>>
    %dma_wait3A_348 = tpu.memref_squeeze %dma_wait3A_347 : memref<1x16x512xf32, #tpu.memory_space<vmem>> -> memref<16x512xf32, #tpu.memory_space<vmem>>
    %dma_wait3A_349 = arith.constant 0 : i32
    %dma_wait3A_350 = tpu.memref_slice %arg2[%mul3A_2, %dma_wait3A_349] : memref<4096x512xf32, #tpu.memory_space<hbm>> -> memref<16x512xf32, #tpu.memory_space<hbm>>
    tpu.wait_dma2 semaphore(%dma_wait3A_344 : memref<!tpu.dma_semaphore, #tpu.memory_space<semaphore_mem>>) src(%dma_wait3A_350 : memref<16x512xf32, #tpu.memory_space<hbm>>) dst(%dma_wait3A_348 : memref<16x512xf32, #tpu.memory_space<vmem>>)
    %dma_wait3A_351 = arith.constant 0 : i32
    %dma_wait3A_352 = arith.constant 0 : i32
    %dma_wait3A_353 = arith.constant 1 : i32
    %dma_wait3A_354 = arith.constant 0 : i32
    %dma_wait3A_355 = arith.constant 0 : i32
    %dma_wait3A_356 = tpu.memref_slice %arg6[%dma_wait3A_351, %dma_wait3A_354, %dma_wait3A_355] : memref<2x16x512xi32, #tpu.memory_space<vmem>> -> memref<1x16x512xi32, #tpu.memory_space<vmem>>
    %dma_wait3A_357 = tpu.memref_squeeze %dma_wait3A_356 : memref<1x16x512xi32, #tpu.memory_space<vmem>> -> memref<16x512xi32, #tpu.memory_space<vmem>>
    %dma_wait3A_358 = arith.constant 0 : i32
    %dma_wait3A_359 = tpu.memref_slice %arg3[%mul3A_2, %dma_wait3A_358] : memref<4096x512xi32, #tpu.memory_space<hbm>> -> memref<16x512xi32, #tpu.memory_space<hbm>>
    %dma_wait3A_360 = tpu.memref_slice %arg8[%dma_wait3A_352, %dma_wait3A_353] : memref<2x2x!tpu.dma_semaphore, #tpu.memory_space<semaphore_mem>> -> memref<1x1x!tpu.dma_semaphore, #tpu.memory_space<semaphore_mem>>
    %dma_wait3A_361 = tpu.memref_squeeze %dma_wait3A_360 : memref<1x1x!tpu.dma_semaphore, #tpu.memory_space<semaphore_mem>> -> memref<!tpu.dma_semaphore, #tpu.memory_space<semaphore_mem>>
    %dma_wait3A_362 = arith.constant 0 : i32
    %dma_wait3A_363 = arith.constant 0 : i32
    %dma_wait3A_364 = tpu.memref_slice %arg6[%dma_wait3A_351, %dma_wait3A_362, %dma_wait3A_363] : memref<2x16x512xi32, #tpu.memory_space<vmem>> -> memref<1x16x512xi32, #tpu.memory_space<vmem>>
    %dma_wait3A_365 = tpu.memref_squeeze %dma_wait3A_364 : memref<1x16x512xi32, #tpu.memory_space<vmem>> -> memref<16x512xi32, #tpu.memory_space<vmem>>
    %dma_wait3A_366 = arith.constant 0 : i32
    %dma_wait3A_367 = tpu.memref_slice %arg3[%mul3A_2, %dma_wait3A_366] : memref<4096x512xi32, #tpu.memory_space<hbm>> -> memref<16x512xi32, #tpu.memory_space<hbm>>
    tpu.wait_dma2 semaphore(%dma_wait3A_361 : memref<!tpu.dma_semaphore, #tpu.memory_space<semaphore_mem>>) src(%dma_wait3A_367 : memref<16x512xi32, #tpu.memory_space<hbm>>) dst(%dma_wait3A_365 : memref<16x512xi32, #tpu.memory_space<vmem>>)
    %add3A_368 = arith.constant 80 : i32
    %add3A_369 = arith.addi %mul3A_2, %add3A_368 : i32
    %dma_start3A_370 = arith.constant 1 : i32
    %dma_start3A_371 = arith.constant 1 : i32
    %dma_start3A_372 = arith.constant 0 : i32
    %dma_start3A_373 = arith.constant 0 : i32
    %dma_start3A_374 = arith.constant 0 : i32
    %dma_start3A_375 = tpu.memref_slice %arg5[%dma_start3A_370, %dma_start3A_373, %dma_start3A_374] : memref<2x16x512xf32, #tpu.memory_space<vmem>> -> memref<1x16x512xf32, #tpu.memory_space<vmem>>
    %dma_start3A_376 = tpu.memref_squeeze %dma_start3A_375 : memref<1x16x512xf32, #tpu.memory_space<vmem>> -> memref<16x512xf32, #tpu.memory_space<vmem>>
    %dma_start3A_377 = arith.constant 0 : i32
    %dma_start3A_378 = tpu.memref_slice %arg2[%add3A_369, %dma_start3A_377] : memref<4096x512xf32, #tpu.memory_space<hbm>> -> memref<16x512xf32, #tpu.memory_space<hbm>>
    %dma_start3A_379 = tpu.memref_slice %arg8[%dma_start3A_371, %dma_start3A_372] : memref<2x2x!tpu.dma_semaphore, #tpu.memory_space<semaphore_mem>> -> memref<1x1x!tpu.dma_semaphore, #tpu.memory_space<semaphore_mem>>
    %dma_start3A_380 = tpu.memref_squeeze %dma_start3A_379 : memref<1x1x!tpu.dma_semaphore, #tpu.memory_space<semaphore_mem>> -> memref<!tpu.dma_semaphore, #tpu.memory_space<semaphore_mem>>
    %dma_start3A_381 = arith.constant 0 : i32
    %dma_start3A_382 = arith.constant 0 : i32
    %dma_start3A_383 = tpu.memref_slice %arg5[%dma_start3A_370, %dma_start3A_381, %dma_start3A_382] : memref<2x16x512xf32, #tpu.memory_space<vmem>> -> memref<1x16x512xf32, #tpu.memory_space<vmem>>
    %dma_start3A_384 = tpu.memref_squeeze %dma_start3A_383 : memref<1x16x512xf32, #tpu.memory_space<vmem>> -> memref<16x512xf32, #tpu.memory_space<vmem>>
    %dma_start3A_385 = arith.constant 0 : i32
    %dma_start3A_386 = tpu.memref_slice %arg2[%add3A_369, %dma_start3A_385] : memref<4096x512xf32, #tpu.memory_space<hbm>> -> memref<16x512xf32, #tpu.memory_space<hbm>>
    tpu.enqueue_dma source(%dma_start3A_386 : memref<16x512xf32, #tpu.memory_space<hbm>>) target(%dma_start3A_384 : memref<16x512xf32, #tpu.memory_space<vmem>>) target_semaphore(%dma_start3A_380 : memref<!tpu.dma_semaphore, #tpu.memory_space<semaphore_mem>>)
    %dma_start3A_387 = arith.constant 1 : i32
    %dma_start3A_388 = arith.constant 1 : i32
    %dma_start3A_389 = arith.constant 1 : i32
    %dma_start3A_390 = arith.constant 0 : i32
    %dma_start3A_391 = arith.constant 0 : i32
    %dma_start3A_392 = tpu.memref_slice %arg6[%dma_start3A_387, %dma_start3A_390, %dma_start3A_391] : memref<2x16x512xi32, #tpu.memory_space<vmem>> -> memref<1x16x512xi32, #tpu.memory_space<vmem>>
    %dma_start3A_393 = tpu.memref_squeeze %dma_start3A_392 : memref<1x16x512xi32, #tpu.memory_space<vmem>> -> memref<16x512xi32, #tpu.memory_space<vmem>>
    %dma_start3A_394 = arith.constant 0 : i32
    %dma_start3A_395 = tpu.memref_slice %arg3[%add3A_369, %dma_start3A_394] : memref<4096x512xi32, #tpu.memory_space<hbm>> -> memref<16x512xi32, #tpu.memory_space<hbm>>
    %dma_start3A_396 = tpu.memref_slice %arg8[%dma_start3A_388, %dma_start3A_389] : memref<2x2x!tpu.dma_semaphore, #tpu.memory_space<semaphore_mem>> -> memref<1x1x!tpu.dma_semaphore, #tpu.memory_space<semaphore_mem>>
    %dma_start3A_397 = tpu.memref_squeeze %dma_start3A_396 : memref<1x1x!tpu.dma_semaphore, #tpu.memory_space<semaphore_mem>> -> memref<!tpu.dma_semaphore, #tpu.memory_space<semaphore_mem>>
    %dma_start3A_398 = arith.constant 0 : i32
    %dma_start3A_399 = arith.constant 0 : i32
    %dma_start3A_400 = tpu.memref_slice %arg6[%dma_start3A_387, %dma_start3A_398, %dma_start3A_399] : memref<2x16x512xi32, #tpu.memory_space<vmem>> -> memref<1x16x512xi32, #tpu.memory_space<vmem>>
    %dma_start3A_401 = tpu.memref_squeeze %dma_start3A_400 : memref<1x16x512xi32, #tpu.memory_space<vmem>> -> memref<16x512xi32, #tpu.memory_space<vmem>>
    %dma_start3A_402 = arith.constant 0 : i32
    %dma_start3A_403 = tpu.memref_slice %arg3[%add3A_369, %dma_start3A_402] : memref<4096x512xi32, #tpu.memory_space<hbm>> -> memref<16x512xi32, #tpu.memory_space<hbm>>
    tpu.enqueue_dma source(%dma_start3A_403 : memref<16x512xi32, #tpu.memory_space<hbm>>) target(%dma_start3A_401 : memref<16x512xi32, #tpu.memory_space<vmem>>) target_semaphore(%dma_start3A_397 : memref<!tpu.dma_semaphore, #tpu.memory_space<semaphore_mem>>)
    %parallel_loop3A_404 = arith.constant 0 : i32
    %parallel_loop3A_405 = arith.constant 512 : i32
    %parallel_loop3A_406 = arith.constant 1 : i32
    scf.for %parallel_loop3A_592 = %parallel_loop3A_404 to %parallel_loop3A_405 step %parallel_loop3A_406  : i32 {
      %parallel_loop3A_593 = arith.constant 5 : i32
      %parallel_loop3A_594 = arith.shrui %parallel_loop3A_592, %parallel_loop3A_593 : i32
      %parallel_loop3A_595 = arith.constant 31 : i32
      %parallel_loop3A_596 = arith.andi %parallel_loop3A_592, %parallel_loop3A_595 : i32
      %parallel_loop3A_597 = arith.constant 16 : i32
      %parallel_loop3A_598 = arith.muli %parallel_loop3A_596, %parallel_loop3A_597 : i32
      %parallel_loop3A_599 = arith.constant 0 : i32
      %parallel_loop3A_600 = arith.index_cast %parallel_loop3A_599 : i32 to index
      %parallel_loop3A_601 = arith.index_cast %parallel_loop3A_594 : i32 to index
      %parallel_loop3A_602 = arith.index_cast %parallel_loop3A_598 : i32 to index
      %parallel_loop3A_603 = tpu.vector_load %arg5[%parallel_loop3A_600, %parallel_loop3A_601, %parallel_loop3A_602] {strides = array<i32>} : memref<2x16x512xf32, #tpu.memory_space<vmem>>, vector<16xf32>,
      %parallel_loop3A_604 = arith.constant 16 : i32
      %parallel_loop3A_605 = arith.muli %parallel_loop3A_596, %parallel_loop3A_604 : i32
      %parallel_loop3A_606 = arith.constant 0 : i32
      %parallel_loop3A_607 = arith.index_cast %parallel_loop3A_606 : i32 to index
      %parallel_loop3A_608 = arith.index_cast %parallel_loop3A_594 : i32 to index
      %parallel_loop3A_609 = arith.index_cast %parallel_loop3A_605 : i32 to index
      %parallel_loop3A_610 = tpu.vector_load %arg6[%parallel_loop3A_607, %parallel_loop3A_608, %parallel_loop3A_609] {strides = array<i32>} : memref<2x16x512xi32, #tpu.memory_space<vmem>>, vector<16xi32>,
      %parallel_loop3A_611 = arith.sitofp %parallel_loop3A_610 : vector<16xi32> to vector<16xf32>
      %parallel_loop3A_612 = arith.subf %parallel_loop3A_611, %parallel_loop3A_603 : vector<16xf32>
      %parallel_loop3A_613 = math.absf %parallel_loop3A_612 : vector<16xf32>
      %parallel_loop3A_614 = arith.constant 8.192000e+03 : f32
      %parallel_loop3A_615 = vector.broadcast %parallel_loop3A_614 : f32 to vector<16xf32>
      %parallel_loop3A_616 = arith.mulf %parallel_loop3A_613, %parallel_loop3A_615 : vector<16xf32>
      %parallel_loop3A_617 = arith.fptosi %parallel_loop3A_616 : vector<16xf32> to vector<16xi32>
      %parallel_loop3A_618 = arith.constant 8191 : i32
      %parallel_loop3A_619 = vector.broadcast %parallel_loop3A_618 : i32 to vector<16xi32>
      %parallel_loop3A_620 = arith.minsi %parallel_loop3A_617, %parallel_loop3A_619 : vector<16xi32>
      %parallel_loop3A_621 = arith.constant 8191 : i32
      %parallel_loop3A_622 = vector.broadcast %parallel_loop3A_621 : i32 to vector<16xi32>
      %parallel_loop3A_623 = arith.subi %parallel_loop3A_622, %parallel_loop3A_620 : vector<16xi32>
      %parallel_loop3A_624 = arith.constant 8192 : i32
      %parallel_loop3A_625 = vector.broadcast %parallel_loop3A_624 : i32 to vector<16xi32>
      %parallel_loop3A_626 = arith.muli %parallel_loop3A_610, %parallel_loop3A_625 : vector<16xi32>
      %parallel_loop3A_627 = arith.addi %parallel_loop3A_623, %parallel_loop3A_626 : vector<16xi32>
      tpu.vector_store_idx %arg7[%parallel_loop3A_627], %broadcast_in_dim3A_7 {add = true} : memref<16384xf32, #tpu.memory_space<vmem>>[vector<16xi32>], vector<16xf32>,
    } {sc.loop_unroll_factor = 8 : i64, sc.parallel_access}
    %dma_wait3A_407 = arith.constant 1 : i32
    %dma_wait3A_408 = arith.constant 1 : i32
    %dma_wait3A_409 = arith.constant 0 : i32
    %dma_wait3A_410 = arith.constant 0 : i32
    %dma_wait3A_411 = arith.constant 0 : i32
    %dma_wait3A_412 = tpu.memref_slice %arg5[%dma_wait3A_407, %dma_wait3A_410, %dma_wait3A_411] : memref<2x16x512xf32, #tpu.memory_space<vmem>> -> memref<1x16x512xf32, #tpu.memory_space<vmem>>
    %dma_wait3A_413 = tpu.memref_squeeze %dma_wait3A_412 : memref<1x16x512xf32, #tpu.memory_space<vmem>> -> memref<16x512xf32, #tpu.memory_space<vmem>>
    %dma_wait3A_414 = arith.constant 0 : i32
    %dma_wait3A_415 = tpu.memref_slice %arg2[%mul3A_2, %dma_wait3A_414] : memref<4096x512xf32, #tpu.memory_space<hbm>> -> memref<16x512xf32, #tpu.memory_space<hbm>>
    %dma_wait3A_416 = tpu.memref_slice %arg8[%dma_wait3A_408, %dma_wait3A_409] : memref<2x2x!tpu.dma_semaphore, #tpu.memory_space<semaphore_mem>> -> memref<1x1x!tpu.dma_semaphore, #tpu.memory_space<semaphore_mem>>
    %dma_wait3A_417 = tpu.memref_squeeze %dma_wait3A_416 : memref<1x1x!tpu.dma_semaphore, #tpu.memory_space<semaphore_mem>> -> memref<!tpu.dma_semaphore, #tpu.memory_space<semaphore_mem>>
    %dma_wait3A_418 = arith.constant 0 : i32
    %dma_wait3A_419 = arith.constant 0 : i32
    %dma_wait3A_420 = tpu.memref_slice %arg5[%dma_wait3A_407, %dma_wait3A_418, %dma_wait3A_419] : memref<2x16x512xf32, #tpu.memory_space<vmem>> -> memref<1x16x512xf32, #tpu.memory_space<vmem>>
    %dma_wait3A_421 = tpu.memref_squeeze %dma_wait3A_420 : memref<1x16x512xf32, #tpu.memory_space<vmem>> -> memref<16x512xf32, #tpu.memory_space<vmem>>
    %dma_wait3A_422 = arith.constant 0 : i32
    %dma_wait3A_423 = tpu.memref_slice %arg2[%mul3A_2, %dma_wait3A_422] : memref<4096x512xf32, #tpu.memory_space<hbm>> -> memref<16x512xf32, #tpu.memory_space<hbm>>
    tpu.wait_dma2 semaphore(%dma_wait3A_417 : memref<!tpu.dma_semaphore, #tpu.memory_space<semaphore_mem>>) src(%dma_wait3A_423 : memref<16x512xf32, #tpu.memory_space<hbm>>) dst(%dma_wait3A_421 : memref<16x512xf32, #tpu.memory_space<vmem>>)
    %dma_wait3A_424 = arith.constant 1 : i32
    %dma_wait3A_425 = arith.constant 1 : i32
    %dma_wait3A_426 = arith.constant 1 : i32
    %dma_wait3A_427 = arith.constant 0 : i32
    %dma_wait3A_428 = arith.constant 0 : i32
    %dma_wait3A_429 = tpu.memref_slice %arg6[%dma_wait3A_424, %dma_wait3A_427, %dma_wait3A_428] : memref<2x16x512xi32, #tpu.memory_space<vmem>> -> memref<1x16x512xi32, #tpu.memory_space<vmem>>
    %dma_wait3A_430 = tpu.memref_squeeze %dma_wait3A_429 : memref<1x16x512xi32, #tpu.memory_space<vmem>> -> memref<16x512xi32, #tpu.memory_space<vmem>>
    %dma_wait3A_431 = arith.constant 0 : i32
    %dma_wait3A_432 = tpu.memref_slice %arg3[%mul3A_2, %dma_wait3A_431] : memref<4096x512xi32, #tpu.memory_space<hbm>> -> memref<16x512xi32, #tpu.memory_space<hbm>>
    %dma_wait3A_433 = tpu.memref_slice %arg8[%dma_wait3A_425, %dma_wait3A_426] : memref<2x2x!tpu.dma_semaphore, #tpu.memory_space<semaphore_mem>> -> memref<1x1x!tpu.dma_semaphore, #tpu.memory_space<semaphore_mem>>
    %dma_wait3A_434 = tpu.memref_squeeze %dma_wait3A_433 : memref<1x1x!tpu.dma_semaphore, #tpu.memory_space<semaphore_mem>> -> memref<!tpu.dma_semaphore, #tpu.memory_space<semaphore_mem>>
    %dma_wait3A_435 = arith.constant 0 : i32
    %dma_wait3A_436 = arith.constant 0 : i32
    %dma_wait3A_437 = tpu.memref_slice %arg6[%dma_wait3A_424, %dma_wait3A_435, %dma_wait3A_436] : memref<2x16x512xi32, #tpu.memory_space<vmem>> -> memref<1x16x512xi32, #tpu.memory_space<vmem>>
    %dma_wait3A_438 = tpu.memref_squeeze %dma_wait3A_437 : memref<1x16x512xi32, #tpu.memory_space<vmem>> -> memref<16x512xi32, #tpu.memory_space<vmem>>
    %dma_wait3A_439 = arith.constant 0 : i32
    %dma_wait3A_440 = tpu.memref_slice %arg3[%mul3A_2, %dma_wait3A_439] : memref<4096x512xi32, #tpu.memory_space<hbm>> -> memref<16x512xi32, #tpu.memory_space<hbm>>
    tpu.wait_dma2 semaphore(%dma_wait3A_434 : memref<!tpu.dma_semaphore, #tpu.memory_space<semaphore_mem>>) src(%dma_wait3A_440 : memref<16x512xi32, #tpu.memory_space<hbm>>) dst(%dma_wait3A_438 : memref<16x512xi32, #tpu.memory_space<vmem>>)
    %add3A_441 = arith.constant 96 : i32
    %add3A_442 = arith.addi %mul3A_2, %add3A_441 : i32
    %dma_start3A_443 = arith.constant 0 : i32
    %dma_start3A_444 = arith.constant 0 : i32
    %dma_start3A_445 = arith.constant 0 : i32
    %dma_start3A_446 = arith.constant 0 : i32
    %dma_start3A_447 = arith.constant 0 : i32
    %dma_start3A_448 = tpu.memref_slice %arg5[%dma_start3A_443, %dma_start3A_446, %dma_start3A_447] : memref<2x16x512xf32, #tpu.memory_space<vmem>> -> memref<1x16x512xf32, #tpu.memory_space<vmem>>
    %dma_start3A_449 = tpu.memref_squeeze %dma_start3A_448 : memref<1x16x512xf32, #tpu.memory_space<vmem>> -> memref<16x512xf32, #tpu.memory_space<vmem>>
    %dma_start3A_450 = arith.constant 0 : i32
    %dma_start3A_451 = tpu.memref_slice %arg2[%add3A_442, %dma_start3A_450] : memref<4096x512xf32, #tpu.memory_space<hbm>> -> memref<16x512xf32, #tpu.memory_space<hbm>>
    %dma_start3A_452 = tpu.memref_slice %arg8[%dma_start3A_444, %dma_start3A_445] : memref<2x2x!tpu.dma_semaphore, #tpu.memory_space<semaphore_mem>> -> memref<1x1x!tpu.dma_semaphore, #tpu.memory_space<semaphore_mem>>
    %dma_start3A_453 = tpu.memref_squeeze %dma_start3A_452 : memref<1x1x!tpu.dma_semaphore, #tpu.memory_space<semaphore_mem>> -> memref<!tpu.dma_semaphore, #tpu.memory_space<semaphore_mem>>
    %dma_start3A_454 = arith.constant 0 : i32
    %dma_start3A_455 = arith.constant 0 : i32
    %dma_start3A_456 = tpu.memref_slice %arg5[%dma_start3A_443, %dma_start3A_454, %dma_start3A_455] : memref<2x16x512xf32, #tpu.memory_space<vmem>> -> memref<1x16x512xf32, #tpu.memory_space<vmem>>
    %dma_start3A_457 = tpu.memref_squeeze %dma_start3A_456 : memref<1x16x512xf32, #tpu.memory_space<vmem>> -> memref<16x512xf32, #tpu.memory_space<vmem>>
    %dma_start3A_458 = arith.constant 0 : i32
    %dma_start3A_459 = tpu.memref_slice %arg2[%add3A_442, %dma_start3A_458] : memref<4096x512xf32, #tpu.memory_space<hbm>> -> memref<16x512xf32, #tpu.memory_space<hbm>>
    tpu.enqueue_dma source(%dma_start3A_459 : memref<16x512xf32, #tpu.memory_space<hbm>>) target(%dma_start3A_457 : memref<16x512xf32, #tpu.memory_space<vmem>>) target_semaphore(%dma_start3A_453 : memref<!tpu.dma_semaphore, #tpu.memory_space<semaphore_mem>>)
    %dma_start3A_460 = arith.constant 0 : i32
    %dma_start3A_461 = arith.constant 0 : i32
    %dma_start3A_462 = arith.constant 1 : i32
    %dma_start3A_463 = arith.constant 0 : i32
    %dma_start3A_464 = arith.constant 0 : i32
    %dma_start3A_465 = tpu.memref_slice %arg6[%dma_start3A_460, %dma_start3A_463, %dma_start3A_464] : memref<2x16x512xi32, #tpu.memory_space<vmem>> -> memref<1x16x512xi32, #tpu.memory_space<vmem>>
    %dma_start3A_466 = tpu.memref_squeeze %dma_start3A_465 : memref<1x16x512xi32, #tpu.memory_space<vmem>> -> memref<16x512xi32, #tpu.memory_space<vmem>>
    %dma_start3A_467 = arith.constant 0 : i32
    %dma_start3A_468 = tpu.memref_slice %arg3[%add3A_442, %dma_start3A_467] : memref<4096x512xi32, #tpu.memory_space<hbm>> -> memref<16x512xi32, #tpu.memory_space<hbm>>
    %dma_start3A_469 = tpu.memref_slice %arg8[%dma_start3A_461, %dma_start3A_462] : memref<2x2x!tpu.dma_semaphore, #tpu.memory_space<semaphore_mem>> -> memref<1x1x!tpu.dma_semaphore, #tpu.memory_space<semaphore_mem>>
    %dma_start3A_470 = tpu.memref_squeeze %dma_start3A_469 : memref<1x1x!tpu.dma_semaphore, #tpu.memory_space<semaphore_mem>> -> memref<!tpu.dma_semaphore, #tpu.memory_space<semaphore_mem>>
    %dma_start3A_471 = arith.constant 0 : i32
    %dma_start3A_472 = arith.constant 0 : i32
    %dma_start3A_473 = tpu.memref_slice %arg6[%dma_start3A_460, %dma_start3A_471, %dma_start3A_472] : memref<2x16x512xi32, #tpu.memory_space<vmem>> -> memref<1x16x512xi32, #tpu.memory_space<vmem>>
    %dma_start3A_474 = tpu.memref_squeeze %dma_start3A_473 : memref<1x16x512xi32, #tpu.memory_space<vmem>> -> memref<16x512xi32, #tpu.memory_space<vmem>>
    %dma_start3A_475 = arith.constant 0 : i32
    %dma_start3A_476 = tpu.memref_slice %arg3[%add3A_442, %dma_start3A_475] : memref<4096x512xi32, #tpu.memory_space<hbm>> -> memref<16x512xi32, #tpu.memory_space<hbm>>
    tpu.enqueue_dma source(%dma_start3A_476 : memref<16x512xi32, #tpu.memory_space<hbm>>) target(%dma_start3A_474 : memref<16x512xi32, #tpu.memory_space<vmem>>) target_semaphore(%dma_start3A_470 : memref<!tpu.dma_semaphore, #tpu.memory_space<semaphore_mem>>)
    %parallel_loop3A_477 = arith.constant 0 : i32
    %parallel_loop3A_478 = arith.constant 512 : i32
    %parallel_loop3A_479 = arith.constant 1 : i32
    scf.for %parallel_loop3A_592 = %parallel_loop3A_477 to %parallel_loop3A_478 step %parallel_loop3A_479  : i32 {
      %parallel_loop3A_593 = arith.constant 5 : i32
      %parallel_loop3A_594 = arith.shrui %parallel_loop3A_592, %parallel_loop3A_593 : i32
      %parallel_loop3A_595 = arith.constant 31 : i32
      %parallel_loop3A_596 = arith.andi %parallel_loop3A_592, %parallel_loop3A_595 : i32
      %parallel_loop3A_597 = arith.constant 16 : i32
      %parallel_loop3A_598 = arith.muli %parallel_loop3A_596, %parallel_loop3A_597 : i32
      %parallel_loop3A_599 = arith.constant 1 : i32
      %parallel_loop3A_600 = arith.index_cast %parallel_loop3A_599 : i32 to index
      %parallel_loop3A_601 = arith.index_cast %parallel_loop3A_594 : i32 to index
      %parallel_loop3A_602 = arith.index_cast %parallel_loop3A_598 : i32 to index
      %parallel_loop3A_603 = tpu.vector_load %arg5[%parallel_loop3A_600, %parallel_loop3A_601, %parallel_loop3A_602] {strides = array<i32>} : memref<2x16x512xf32, #tpu.memory_space<vmem>>, vector<16xf32>,
      %parallel_loop3A_604 = arith.constant 16 : i32
      %parallel_loop3A_605 = arith.muli %parallel_loop3A_596, %parallel_loop3A_604 : i32
      %parallel_loop3A_606 = arith.constant 1 : i32
      %parallel_loop3A_607 = arith.index_cast %parallel_loop3A_606 : i32 to index
      %parallel_loop3A_608 = arith.index_cast %parallel_loop3A_594 : i32 to index
      %parallel_loop3A_609 = arith.index_cast %parallel_loop3A_605 : i32 to index
      %parallel_loop3A_610 = tpu.vector_load %arg6[%parallel_loop3A_607, %parallel_loop3A_608, %parallel_loop3A_609] {strides = array<i32>} : memref<2x16x512xi32, #tpu.memory_space<vmem>>, vector<16xi32>,
      %parallel_loop3A_611 = arith.sitofp %parallel_loop3A_610 : vector<16xi32> to vector<16xf32>
      %parallel_loop3A_612 = arith.subf %parallel_loop3A_611, %parallel_loop3A_603 : vector<16xf32>
      %parallel_loop3A_613 = math.absf %parallel_loop3A_612 : vector<16xf32>
      %parallel_loop3A_614 = arith.constant 8.192000e+03 : f32
      %parallel_loop3A_615 = vector.broadcast %parallel_loop3A_614 : f32 to vector<16xf32>
      %parallel_loop3A_616 = arith.mulf %parallel_loop3A_613, %parallel_loop3A_615 : vector<16xf32>
      %parallel_loop3A_617 = arith.fptosi %parallel_loop3A_616 : vector<16xf32> to vector<16xi32>
      %parallel_loop3A_618 = arith.constant 8191 : i32
      %parallel_loop3A_619 = vector.broadcast %parallel_loop3A_618 : i32 to vector<16xi32>
      %parallel_loop3A_620 = arith.minsi %parallel_loop3A_617, %parallel_loop3A_619 : vector<16xi32>
      %parallel_loop3A_621 = arith.constant 8191 : i32
      %parallel_loop3A_622 = vector.broadcast %parallel_loop3A_621 : i32 to vector<16xi32>
      %parallel_loop3A_623 = arith.subi %parallel_loop3A_622, %parallel_loop3A_620 : vector<16xi32>
      %parallel_loop3A_624 = arith.constant 8192 : i32
      %parallel_loop3A_625 = vector.broadcast %parallel_loop3A_624 : i32 to vector<16xi32>
      %parallel_loop3A_626 = arith.muli %parallel_loop3A_610, %parallel_loop3A_625 : vector<16xi32>
      %parallel_loop3A_627 = arith.addi %parallel_loop3A_623, %parallel_loop3A_626 : vector<16xi32>
      tpu.vector_store_idx %arg7[%parallel_loop3A_627], %broadcast_in_dim3A_7 {add = true} : memref<16384xf32, #tpu.memory_space<vmem>>[vector<16xi32>], vector<16xf32>,
    } {sc.loop_unroll_factor = 8 : i64, sc.parallel_access}
    %dma_wait3A_480 = arith.constant 0 : i32
    %dma_wait3A_481 = arith.constant 0 : i32
    %dma_wait3A_482 = arith.constant 0 : i32
    %dma_wait3A_483 = arith.constant 0 : i32
    %dma_wait3A_484 = arith.constant 0 : i32
    %dma_wait3A_485 = tpu.memref_slice %arg5[%dma_wait3A_480, %dma_wait3A_483, %dma_wait3A_484] : memref<2x16x512xf32, #tpu.memory_space<vmem>> -> memref<1x16x512xf32, #tpu.memory_space<vmem>>
    %dma_wait3A_486 = tpu.memref_squeeze %dma_wait3A_485 : memref<1x16x512xf32, #tpu.memory_space<vmem>> -> memref<16x512xf32, #tpu.memory_space<vmem>>
    %dma_wait3A_487 = arith.constant 0 : i32
    %dma_wait3A_488 = tpu.memref_slice %arg2[%mul3A_2, %dma_wait3A_487] : memref<4096x512xf32, #tpu.memory_space<hbm>> -> memref<16x512xf32, #tpu.memory_space<hbm>>
    %dma_wait3A_489 = tpu.memref_slice %arg8[%dma_wait3A_481, %dma_wait3A_482] : memref<2x2x!tpu.dma_semaphore, #tpu.memory_space<semaphore_mem>> -> memref<1x1x!tpu.dma_semaphore, #tpu.memory_space<semaphore_mem>>
    %dma_wait3A_490 = tpu.memref_squeeze %dma_wait3A_489 : memref<1x1x!tpu.dma_semaphore, #tpu.memory_space<semaphore_mem>> -> memref<!tpu.dma_semaphore, #tpu.memory_space<semaphore_mem>>
    %dma_wait3A_491 = arith.constant 0 : i32
    %dma_wait3A_492 = arith.constant 0 : i32
    %dma_wait3A_493 = tpu.memref_slice %arg5[%dma_wait3A_480, %dma_wait3A_491, %dma_wait3A_492] : memref<2x16x512xf32, #tpu.memory_space<vmem>> -> memref<1x16x512xf32, #tpu.memory_space<vmem>>
    %dma_wait3A_494 = tpu.memref_squeeze %dma_wait3A_493 : memref<1x16x512xf32, #tpu.memory_space<vmem>> -> memref<16x512xf32, #tpu.memory_space<vmem>>
    %dma_wait3A_495 = arith.constant 0 : i32
    %dma_wait3A_496 = tpu.memref_slice %arg2[%mul3A_2, %dma_wait3A_495] : memref<4096x512xf32, #tpu.memory_space<hbm>> -> memref<16x512xf32, #tpu.memory_space<hbm>>
    tpu.wait_dma2 semaphore(%dma_wait3A_490 : memref<!tpu.dma_semaphore, #tpu.memory_space<semaphore_mem>>) src(%dma_wait3A_496 : memref<16x512xf32, #tpu.memory_space<hbm>>) dst(%dma_wait3A_494 : memref<16x512xf32, #tpu.memory_space<vmem>>)
    %dma_wait3A_497 = arith.constant 0 : i32
    %dma_wait3A_498 = arith.constant 0 : i32
    %dma_wait3A_499 = arith.constant 1 : i32
    %dma_wait3A_500 = arith.constant 0 : i32
    %dma_wait3A_501 = arith.constant 0 : i32
    %dma_wait3A_502 = tpu.memref_slice %arg6[%dma_wait3A_497, %dma_wait3A_500, %dma_wait3A_501] : memref<2x16x512xi32, #tpu.memory_space<vmem>> -> memref<1x16x512xi32, #tpu.memory_space<vmem>>
    %dma_wait3A_503 = tpu.memref_squeeze %dma_wait3A_502 : memref<1x16x512xi32, #tpu.memory_space<vmem>> -> memref<16x512xi32, #tpu.memory_space<vmem>>
    %dma_wait3A_504 = arith.constant 0 : i32
    %dma_wait3A_505 = tpu.memref_slice %arg3[%mul3A_2, %dma_wait3A_504] : memref<4096x512xi32, #tpu.memory_space<hbm>> -> memref<16x512xi32, #tpu.memory_space<hbm>>
    %dma_wait3A_506 = tpu.memref_slice %arg8[%dma_wait3A_498, %dma_wait3A_499] : memref<2x2x!tpu.dma_semaphore, #tpu.memory_space<semaphore_mem>> -> memref<1x1x!tpu.dma_semaphore, #tpu.memory_space<semaphore_mem>>
    %dma_wait3A_507 = tpu.memref_squeeze %dma_wait3A_506 : memref<1x1x!tpu.dma_semaphore, #tpu.memory_space<semaphore_mem>> -> memref<!tpu.dma_semaphore, #tpu.memory_space<semaphore_mem>>
    %dma_wait3A_508 = arith.constant 0 : i32
    %dma_wait3A_509 = arith.constant 0 : i32
    %dma_wait3A_510 = tpu.memref_slice %arg6[%dma_wait3A_497, %dma_wait3A_508, %dma_wait3A_509] : memref<2x16x512xi32, #tpu.memory_space<vmem>> -> memref<1x16x512xi32, #tpu.memory_space<vmem>>
    %dma_wait3A_511 = tpu.memref_squeeze %dma_wait3A_510 : memref<1x16x512xi32, #tpu.memory_space<vmem>> -> memref<16x512xi32, #tpu.memory_space<vmem>>
    %dma_wait3A_512 = arith.constant 0 : i32
    %dma_wait3A_513 = tpu.memref_slice %arg3[%mul3A_2, %dma_wait3A_512] : memref<4096x512xi32, #tpu.memory_space<hbm>> -> memref<16x512xi32, #tpu.memory_space<hbm>>
    tpu.wait_dma2 semaphore(%dma_wait3A_507 : memref<!tpu.dma_semaphore, #tpu.memory_space<semaphore_mem>>) src(%dma_wait3A_513 : memref<16x512xi32, #tpu.memory_space<hbm>>) dst(%dma_wait3A_511 : memref<16x512xi32, #tpu.memory_space<vmem>>)
    %add3A_514 = arith.constant 112 : i32
    %add3A_515 = arith.addi %mul3A_2, %add3A_514 : i32
    %dma_start3A_516 = arith.constant 1 : i32
    %dma_start3A_517 = arith.constant 1 : i32
    %dma_start3A_518 = arith.constant 0 : i32
    %dma_start3A_519 = arith.constant 0 : i32
    %dma_start3A_520 = arith.constant 0 : i32
    %dma_start3A_521 = tpu.memref_slice %arg5[%dma_start3A_516, %dma_start3A_519, %dma_start3A_520] : memref<2x16x512xf32, #tpu.memory_space<vmem>> -> memref<1x16x512xf32, #tpu.memory_space<vmem>>
    %dma_start3A_522 = tpu.memref_squeeze %dma_start3A_521 : memref<1x16x512xf32, #tpu.memory_space<vmem>> -> memref<16x512xf32, #tpu.memory_space<vmem>>
    %dma_start3A_523 = arith.constant 0 : i32
    %dma_start3A_524 = tpu.memref_slice %arg2[%add3A_515, %dma_start3A_523] : memref<4096x512xf32, #tpu.memory_space<hbm>> -> memref<16x512xf32, #tpu.memory_space<hbm>>
    %dma_start3A_525 = tpu.memref_slice %arg8[%dma_start3A_517, %dma_start3A_518] : memref<2x2x!tpu.dma_semaphore, #tpu.memory_space<semaphore_mem>> -> memref<1x1x!tpu.dma_semaphore, #tpu.memory_space<semaphore_mem>>
    %dma_start3A_526 = tpu.memref_squeeze %dma_start3A_525 : memref<1x1x!tpu.dma_semaphore, #tpu.memory_space<semaphore_mem>> -> memref<!tpu.dma_semaphore, #tpu.memory_space<semaphore_mem>>
    %dma_start3A_527 = arith.constant 0 : i32
    %dma_start3A_528 = arith.constant 0 : i32
    %dma_start3A_529 = tpu.memref_slice %arg5[%dma_start3A_516, %dma_start3A_527, %dma_start3A_528] : memref<2x16x512xf32, #tpu.memory_space<vmem>> -> memref<1x16x512xf32, #tpu.memory_space<vmem>>
    %dma_start3A_530 = tpu.memref_squeeze %dma_start3A_529 : memref<1x16x512xf32, #tpu.memory_space<vmem>> -> memref<16x512xf32, #tpu.memory_space<vmem>>
    %dma_start3A_531 = arith.constant 0 : i32
    %dma_start3A_532 = tpu.memref_slice %arg2[%add3A_515, %dma_start3A_531] : memref<4096x512xf32, #tpu.memory_space<hbm>> -> memref<16x512xf32, #tpu.memory_space<hbm>>
    tpu.enqueue_dma source(%dma_start3A_532 : memref<16x512xf32, #tpu.memory_space<hbm>>) target(%dma_start3A_530 : memref<16x512xf32, #tpu.memory_space<vmem>>) target_semaphore(%dma_start3A_526 : memref<!tpu.dma_semaphore, #tpu.memory_space<semaphore_mem>>)
    %dma_start3A_533 = arith.constant 1 : i32
    %dma_start3A_534 = arith.constant 1 : i32
    %dma_start3A_535 = arith.constant 1 : i32
    %dma_start3A_536 = arith.constant 0 : i32
    %dma_start3A_537 = arith.constant 0 : i32
    %dma_start3A_538 = tpu.memref_slice %arg6[%dma_start3A_533, %dma_start3A_536, %dma_start3A_537] : memref<2x16x512xi32, #tpu.memory_space<vmem>> -> memref<1x16x512xi32, #tpu.memory_space<vmem>>
    %dma_start3A_539 = tpu.memref_squeeze %dma_start3A_538 : memref<1x16x512xi32, #tpu.memory_space<vmem>> -> memref<16x512xi32, #tpu.memory_space<vmem>>
    %dma_start3A_540 = arith.constant 0 : i32
    %dma_start3A_541 = tpu.memref_slice %arg3[%add3A_515, %dma_start3A_540] : memref<4096x512xi32, #tpu.memory_space<hbm>> -> memref<16x512xi32, #tpu.memory_space<hbm>>
    %dma_start3A_542 = tpu.memref_slice %arg8[%dma_start3A_534, %dma_start3A_535] : memref<2x2x!tpu.dma_semaphore, #tpu.memory_space<semaphore_mem>> -> memref<1x1x!tpu.dma_semaphore, #tpu.memory_space<semaphore_mem>>
    %dma_start3A_543 = tpu.memref_squeeze %dma_start3A_542 : memref<1x1x!tpu.dma_semaphore, #tpu.memory_space<semaphore_mem>> -> memref<!tpu.dma_semaphore, #tpu.memory_space<semaphore_mem>>
    %dma_start3A_544 = arith.constant 0 : i32
    %dma_start3A_545 = arith.constant 0 : i32
    %dma_start3A_546 = tpu.memref_slice %arg6[%dma_start3A_533, %dma_start3A_544, %dma_start3A_545] : memref<2x16x512xi32, #tpu.memory_space<vmem>> -> memref<1x16x512xi32, #tpu.memory_space<vmem>>
    %dma_start3A_547 = tpu.memref_squeeze %dma_start3A_546 : memref<1x16x512xi32, #tpu.memory_space<vmem>> -> memref<16x512xi32, #tpu.memory_space<vmem>>
    %dma_start3A_548 = arith.constant 0 : i32
    %dma_start3A_549 = tpu.memref_slice %arg3[%add3A_515, %dma_start3A_548] : memref<4096x512xi32, #tpu.memory_space<hbm>> -> memref<16x512xi32, #tpu.memory_space<hbm>>
    tpu.enqueue_dma source(%dma_start3A_549 : memref<16x512xi32, #tpu.memory_space<hbm>>) target(%dma_start3A_547 : memref<16x512xi32, #tpu.memory_space<vmem>>) target_semaphore(%dma_start3A_543 : memref<!tpu.dma_semaphore, #tpu.memory_space<semaphore_mem>>)
    %parallel_loop3A_550 = arith.constant 0 : i32
    %parallel_loop3A_551 = arith.constant 512 : i32
    %parallel_loop3A_552 = arith.constant 1 : i32
    scf.for %parallel_loop3A_592 = %parallel_loop3A_550 to %parallel_loop3A_551 step %parallel_loop3A_552  : i32 {
      %parallel_loop3A_593 = arith.constant 5 : i32
      %parallel_loop3A_594 = arith.shrui %parallel_loop3A_592, %parallel_loop3A_593 : i32
      %parallel_loop3A_595 = arith.constant 31 : i32
      %parallel_loop3A_596 = arith.andi %parallel_loop3A_592, %parallel_loop3A_595 : i32
      %parallel_loop3A_597 = arith.constant 16 : i32
      %parallel_loop3A_598 = arith.muli %parallel_loop3A_596, %parallel_loop3A_597 : i32
      %parallel_loop3A_599 = arith.constant 0 : i32
      %parallel_loop3A_600 = arith.index_cast %parallel_loop3A_599 : i32 to index
      %parallel_loop3A_601 = arith.index_cast %parallel_loop3A_594 : i32 to index
      %parallel_loop3A_602 = arith.index_cast %parallel_loop3A_598 : i32 to index
      %parallel_loop3A_603 = tpu.vector_load %arg5[%parallel_loop3A_600, %parallel_loop3A_601, %parallel_loop3A_602] {strides = array<i32>} : memref<2x16x512xf32, #tpu.memory_space<vmem>>, vector<16xf32>,
      %parallel_loop3A_604 = arith.constant 16 : i32
      %parallel_loop3A_605 = arith.muli %parallel_loop3A_596, %parallel_loop3A_604 : i32
      %parallel_loop3A_606 = arith.constant 0 : i32
      %parallel_loop3A_607 = arith.index_cast %parallel_loop3A_606 : i32 to index
      %parallel_loop3A_608 = arith.index_cast %parallel_loop3A_594 : i32 to index
      %parallel_loop3A_609 = arith.index_cast %parallel_loop3A_605 : i32 to index
      %parallel_loop3A_610 = tpu.vector_load %arg6[%parallel_loop3A_607, %parallel_loop3A_608, %parallel_loop3A_609] {strides = array<i32>} : memref<2x16x512xi32, #tpu.memory_space<vmem>>, vector<16xi32>,
      %parallel_loop3A_611 = arith.sitofp %parallel_loop3A_610 : vector<16xi32> to vector<16xf32>
      %parallel_loop3A_612 = arith.subf %parallel_loop3A_611, %parallel_loop3A_603 : vector<16xf32>
      %parallel_loop3A_613 = math.absf %parallel_loop3A_612 : vector<16xf32>
      %parallel_loop3A_614 = arith.constant 8.192000e+03 : f32
      %parallel_loop3A_615 = vector.broadcast %parallel_loop3A_614 : f32 to vector<16xf32>
      %parallel_loop3A_616 = arith.mulf %parallel_loop3A_613, %parallel_loop3A_615 : vector<16xf32>
      %parallel_loop3A_617 = arith.fptosi %parallel_loop3A_616 : vector<16xf32> to vector<16xi32>
      %parallel_loop3A_618 = arith.constant 8191 : i32
      %parallel_loop3A_619 = vector.broadcast %parallel_loop3A_618 : i32 to vector<16xi32>
      %parallel_loop3A_620 = arith.minsi %parallel_loop3A_617, %parallel_loop3A_619 : vector<16xi32>
      %parallel_loop3A_621 = arith.constant 8191 : i32
      %parallel_loop3A_622 = vector.broadcast %parallel_loop3A_621 : i32 to vector<16xi32>
      %parallel_loop3A_623 = arith.subi %parallel_loop3A_622, %parallel_loop3A_620 : vector<16xi32>
      %parallel_loop3A_624 = arith.constant 8192 : i32
      %parallel_loop3A_625 = vector.broadcast %parallel_loop3A_624 : i32 to vector<16xi32>
      %parallel_loop3A_626 = arith.muli %parallel_loop3A_610, %parallel_loop3A_625 : vector<16xi32>
      %parallel_loop3A_627 = arith.addi %parallel_loop3A_623, %parallel_loop3A_626 : vector<16xi32>
      tpu.vector_store_idx %arg7[%parallel_loop3A_627], %broadcast_in_dim3A_7 {add = true} : memref<16384xf32, #tpu.memory_space<vmem>>[vector<16xi32>], vector<16xf32>,
    } {sc.loop_unroll_factor = 8 : i64, sc.parallel_access}
    %dma_wait3A_553 = arith.constant 1 : i32
    %dma_wait3A_554 = arith.constant 1 : i32
    %dma_wait3A_555 = arith.constant 0 : i32
    %dma_wait3A_556 = arith.constant 0 : i32
    %dma_wait3A_557 = arith.constant 0 : i32
    %dma_wait3A_558 = tpu.memref_slice %arg5[%dma_wait3A_553, %dma_wait3A_556, %dma_wait3A_557] : memref<2x16x512xf32, #tpu.memory_space<vmem>> -> memref<1x16x512xf32, #tpu.memory_space<vmem>>
    %dma_wait3A_559 = tpu.memref_squeeze %dma_wait3A_558 : memref<1x16x512xf32, #tpu.memory_space<vmem>> -> memref<16x512xf32, #tpu.memory_space<vmem>>
    %dma_wait3A_560 = arith.constant 0 : i32
    %dma_wait3A_561 = tpu.memref_slice %arg2[%mul3A_2, %dma_wait3A_560] : memref<4096x512xf32, #tpu.memory_space<hbm>> -> memref<16x512xf32, #tpu.memory_space<hbm>>
    %dma_wait3A_562 = tpu.memref_slice %arg8[%dma_wait3A_554, %dma_wait3A_555] : memref<2x2x!tpu.dma_semaphore, #tpu.memory_space<semaphore_mem>> -> memref<1x1x!tpu.dma_semaphore, #tpu.memory_space<semaphore_mem>>
    %dma_wait3A_563 = tpu.memref_squeeze %dma_wait3A_562 : memref<1x1x!tpu.dma_semaphore, #tpu.memory_space<semaphore_mem>> -> memref<!tpu.dma_semaphore, #tpu.memory_space<semaphore_mem>>
    %dma_wait3A_564 = arith.constant 0 : i32
    %dma_wait3A_565 = arith.constant 0 : i32
    %dma_wait3A_566 = tpu.memref_slice %arg5[%dma_wait3A_553, %dma_wait3A_564, %dma_wait3A_565] : memref<2x16x512xf32, #tpu.memory_space<vmem>> -> memref<1x16x512xf32, #tpu.memory_space<vmem>>
    %dma_wait3A_567 = tpu.memref_squeeze %dma_wait3A_566 : memref<1x16x512xf32, #tpu.memory_space<vmem>> -> memref<16x512xf32, #tpu.memory_space<vmem>>
    %dma_wait3A_568 = arith.constant 0 : i32
    %dma_wait3A_569 = tpu.memref_slice %arg2[%mul3A_2, %dma_wait3A_568] : memref<4096x512xf32, #tpu.memory_space<hbm>> -> memref<16x512xf32, #tpu.memory_space<hbm>>
    tpu.wait_dma2 semaphore(%dma_wait3A_563 : memref<!tpu.dma_semaphore, #tpu.memory_space<semaphore_mem>>) src(%dma_wait3A_569 : memref<16x512xf32, #tpu.memory_space<hbm>>) dst(%dma_wait3A_567 : memref<16x512xf32, #tpu.memory_space<vmem>>)
    %dma_wait3A_570 = arith.constant 1 : i32
    %dma_wait3A_571 = arith.constant 1 : i32
    %dma_wait3A_572 = arith.constant 1 : i32
    %dma_wait3A_573 = arith.constant 0 : i32
    %dma_wait3A_574 = arith.constant 0 : i32
    %dma_wait3A_575 = tpu.memref_slice %arg6[%dma_wait3A_570, %dma_wait3A_573, %dma_wait3A_574] : memref<2x16x512xi32, #tpu.memory_space<vmem>> -> memref<1x16x512xi32, #tpu.memory_space<vmem>>
    %dma_wait3A_576 = tpu.memref_squeeze %dma_wait3A_575 : memref<1x16x512xi32, #tpu.memory_space<vmem>> -> memref<16x512xi32, #tpu.memory_space<vmem>>
    %dma_wait3A_577 = arith.constant 0 : i32
    %dma_wait3A_578 = tpu.memref_slice %arg3[%mul3A_2, %dma_wait3A_577] : memref<4096x512xi32, #tpu.memory_space<hbm>> -> memref<16x512xi32, #tpu.memory_space<hbm>>
    %dma_wait3A_579 = tpu.memref_slice %arg8[%dma_wait3A_571, %dma_wait3A_572] : memref<2x2x!tpu.dma_semaphore, #tpu.memory_space<semaphore_mem>> -> memref<1x1x!tpu.dma_semaphore, #tpu.memory_space<semaphore_mem>>
    %dma_wait3A_580 = tpu.memref_squeeze %dma_wait3A_579 : memref<1x1x!tpu.dma_semaphore, #tpu.memory_space<semaphore_mem>> -> memref<!tpu.dma_semaphore, #tpu.memory_space<semaphore_mem>>
    %dma_wait3A_581 = arith.constant 0 : i32
    %dma_wait3A_582 = arith.constant 0 : i32
    %dma_wait3A_583 = tpu.memref_slice %arg6[%dma_wait3A_570, %dma_wait3A_581, %dma_wait3A_582] : memref<2x16x512xi32, #tpu.memory_space<vmem>> -> memref<1x16x512xi32, #tpu.memory_space<vmem>>
    %dma_wait3A_584 = tpu.memref_squeeze %dma_wait3A_583 : memref<1x16x512xi32, #tpu.memory_space<vmem>> -> memref<16x512xi32, #tpu.memory_space<vmem>>
    %dma_wait3A_585 = arith.constant 0 : i32
    %dma_wait3A_586 = tpu.memref_slice %arg3[%mul3A_2, %dma_wait3A_585] : memref<4096x512xi32, #tpu.memory_space<hbm>> -> memref<16x512xi32, #tpu.memory_space<hbm>>
    tpu.wait_dma2 semaphore(%dma_wait3A_580 : memref<!tpu.dma_semaphore, #tpu.memory_space<semaphore_mem>>) src(%dma_wait3A_586 : memref<16x512xi32, #tpu.memory_space<hbm>>) dst(%dma_wait3A_584 : memref<16x512xi32, #tpu.memory_space<vmem>>)
    %parallel_loop3A_587 = arith.constant 0 : i32
    %parallel_loop3A_588 = arith.constant 512 : i32
    %parallel_loop3A_589 = arith.constant 1 : i32
    scf.for %parallel_loop3A_592 = %parallel_loop3A_587 to %parallel_loop3A_588 step %parallel_loop3A_589  : i32 {
      %parallel_loop3A_593 = arith.constant 5 : i32
      %parallel_loop3A_594 = arith.shrui %parallel_loop3A_592, %parallel_loop3A_593 : i32
      %parallel_loop3A_595 = arith.constant 31 : i32
      %parallel_loop3A_596 = arith.andi %parallel_loop3A_592, %parallel_loop3A_595 : i32
      %parallel_loop3A_597 = arith.constant 16 : i32
      %parallel_loop3A_598 = arith.muli %parallel_loop3A_596, %parallel_loop3A_597 : i32
      %parallel_loop3A_599 = arith.constant 1 : i32
      %parallel_loop3A_600 = arith.index_cast %parallel_loop3A_599 : i32 to index
      %parallel_loop3A_601 = arith.index_cast %parallel_loop3A_594 : i32 to index
      %parallel_loop3A_602 = arith.index_cast %parallel_loop3A_598 : i32 to index
      %parallel_loop3A_603 = tpu.vector_load %arg5[%parallel_loop3A_600, %parallel_loop3A_601, %parallel_loop3A_602] {strides = array<i32>} : memref<2x16x512xf32, #tpu.memory_space<vmem>>, vector<16xf32>,
      %parallel_loop3A_604 = arith.constant 16 : i32
      %parallel_loop3A_605 = arith.muli %parallel_loop3A_596, %parallel_loop3A_604 : i32
      %parallel_loop3A_606 = arith.constant 1 : i32
      %parallel_loop3A_607 = arith.index_cast %parallel_loop3A_606 : i32 to index
      %parallel_loop3A_608 = arith.index_cast %parallel_loop3A_594 : i32 to index
      %parallel_loop3A_609 = arith.index_cast %parallel_loop3A_605 : i32 to index
      %parallel_loop3A_610 = tpu.vector_load %arg6[%parallel_loop3A_607, %parallel_loop3A_608, %parallel_loop3A_609] {strides = array<i32>} : memref<2x16x512xi32, #tpu.memory_space<vmem>>, vector<16xi32>,
      %parallel_loop3A_611 = arith.sitofp %parallel_loop3A_610 : vector<16xi32> to vector<16xf32>
      %parallel_loop3A_612 = arith.subf %parallel_loop3A_611, %parallel_loop3A_603 : vector<16xf32>
      %parallel_loop3A_613 = math.absf %parallel_loop3A_612 : vector<16xf32>
      %parallel_loop3A_614 = arith.constant 8.192000e+03 : f32
      %parallel_loop3A_615 = vector.broadcast %parallel_loop3A_614 : f32 to vector<16xf32>
      %parallel_loop3A_616 = arith.mulf %parallel_loop3A_613, %parallel_loop3A_615 : vector<16xf32>
      %parallel_loop3A_617 = arith.fptosi %parallel_loop3A_616 : vector<16xf32> to vector<16xi32>
      %parallel_loop3A_618 = arith.constant 8191 : i32
      %parallel_loop3A_619 = vector.broadcast %parallel_loop3A_618 : i32 to vector<16xi32>
      %parallel_loop3A_620 = arith.minsi %parallel_loop3A_617, %parallel_loop3A_619 : vector<16xi32>
      %parallel_loop3A_621 = arith.constant 8191 : i32
      %parallel_loop3A_622 = vector.broadcast %parallel_loop3A_621 : i32 to vector<16xi32>
      %parallel_loop3A_623 = arith.subi %parallel_loop3A_622, %parallel_loop3A_620 : vector<16xi32>
      %parallel_loop3A_624 = arith.constant 8192 : i32
      %parallel_loop3A_625 = vector.broadcast %parallel_loop3A_624 : i32 to vector<16xi32>
      %parallel_loop3A_626 = arith.muli %parallel_loop3A_610, %parallel_loop3A_625 : vector<16xi32>
      %parallel_loop3A_627 = arith.addi %parallel_loop3A_623, %parallel_loop3A_626 : vector<16xi32>
      tpu.vector_store_idx %arg7[%parallel_loop3A_627], %broadcast_in_dim3A_7 {add = true} : memref<16384xf32, #tpu.memory_space<vmem>>[vector<16xi32>], vector<16xf32>,
    } {sc.loop_unroll_factor = 8 : i64, sc.parallel_access}
    %mul3A_590 = arith.constant 16384 : i32
    %mul3A_591 = arith.muli %add3A, %mul3A_590 : i32
    "tpu.region"() ({
      %run_scoped3A = tpu.sem_alloc : memref<!tpu.dma_semaphore, #tpu.memory_space<semaphore_mem>>
      %dma_start3A_592 = tpu.memref_slice %arg4[%mul3A_591] : memref<524288xf32, #tpu.memory_space<hbm>> -> memref<16384xf32, #tpu.memory_space<hbm>>
      %dma_start3A_593 = tpu.memref_slice %arg4[%mul3A_591] : memref<524288xf32, #tpu.memory_space<hbm>> -> memref<16384xf32, #tpu.memory_space<hbm>>
      tpu.enqueue_dma source(%arg7 : memref<16384xf32, #tpu.memory_space<vmem>>) target(%dma_start3A_593 : memref<16384xf32, #tpu.memory_space<hbm>>) target_semaphore(%run_scoped3A : memref<!tpu.dma_semaphore, #tpu.memory_space<semaphore_mem>>)
      %dma_wait3A_594 = tpu.memref_slice %arg4[%mul3A_591] : memref<524288xf32, #tpu.memory_space<hbm>> -> memref<16384xf32, #tpu.memory_space<hbm>>
      %dma_wait3A_595 = tpu.memref_slice %arg4[%mul3A_591] : memref<524288xf32, #tpu.memory_space<hbm>> -> memref<16384xf32, #tpu.memory_space<hbm>>
      tpu.wait_dma2 semaphore(%run_scoped3A : memref<!tpu.dma_semaphore, #tpu.memory_space<semaphore_mem>>) src(%arg7 : memref<16384xf32, #tpu.memory_space<vmem>>) dst(%dma_wait3A_595 : memref<16384xf32, #tpu.memory_space<hbm>>)
      tpu.yield
    }) : () -> ()
    return
  }
}

module attributes {stable_mosaic.version = 14 : i64} {
  func.func @_tc_reduce_kernel(%arg0: memref<32x128x128xf32, #tpu.memory_space<vmem>>, %arg1: memref<1x1xf32, #tpu.memory_space<smem>>) attributes {dimension_semantics = [], scalar_prefetch = 0 : i64, scratch_operands = 0 : i64, tpu.core_type = #tpu.core_type<tc>} {
    %iota3A = tpu.iota {dimensions = array<i32: 0>} : vector<128x128xi32>
    %iota3A_0 = tpu.iota {dimensions = array<i32: 1>} : vector<128x128xi32>
    %le3A = arith.cmpi sle, %iota3A, %iota3A_0 : vector<128x128xi32>
    %convert_element_type3A = arith.extui %le3A : vector<128x128xi1> to vector<128x128xi32>
    %convert_element_type3A_1 = arith.sitofp %convert_element_type3A : vector<128x128xi32> to vector<128x128xf32>
    %iota3A_2 = tpu.iota {dimensions = array<i32: 0>} : vector<64x64xi32>
    %iota3A_3 = tpu.iota {dimensions = array<i32: 1>} : vector<64x64xi32>
    %lt3A = arith.cmpi slt, %iota3A_3, %iota3A_2 : vector<64x64xi32>
    %convert_element_type3A_4 = arith.extui %lt3A : vector<64x64xi1> to vector<64x64xi32>
    %convert_element_type3A_5 = arith.sitofp %convert_element_type3A_4 : vector<64x64xi32> to vector<64x64xf32>
    %iota3A_6 = tpu.iota {dimensions = array<i32: 0>} : vector<64x128xi32>
    %iota3A_7 = tpu.iota {dimensions = array<i32: 1>} : vector<64x128xi32>
    %eq3A = arith.constant 63 : i32
    %eq3A_8 = vector.broadcast %eq3A : i32 to vector<64x128xi32>
    %eq3A_9 = arith.cmpi eq, %iota3A_6, %eq3A_8 : vector<64x128xi32>
    %eq3A_10 = arith.constant 127 : i32
    %eq3A_11 = vector.broadcast %eq3A_10 : i32 to vector<64x128xi32>
    %eq3A_12 = arith.cmpi eq, %iota3A_7, %eq3A_11 : vector<64x128xi32>
    %and3A = arith.andi %eq3A_9, %eq3A_12 : vector<64x128xi1>
    %convert_element_type3A_13 = arith.extui %and3A : vector<64x128xi1> to vector<64x128xi32>
    %convert_element_type3A_14 = arith.sitofp %convert_element_type3A_13 : vector<64x128xi32> to vector<64x128xf32>
    %get3A = arith.constant 0 : index
    %get3A_15 = arith.constant 0 : index
    %get3A_16 = arith.constant 0 : index
    %get3A_17 = vector.load %arg0[%get3A, %get3A_15, %get3A_16] : memref<32x128x128xf32, #tpu.memory_space<vmem>>, vector<1x64x128xf32>
    %get3A_18 = vector.shape_cast %get3A_17 : vector<1x64x128xf32> to vector<64x128xf32>
    %get3A_19 = arith.constant 1 : index
    %get3A_20 = arith.constant 0 : index
    %get3A_21 = arith.constant 0 : index
    %get3A_22 = vector.load %arg0[%get3A_19, %get3A_20, %get3A_21] : memref<32x128x128xf32, #tpu.memory_space<vmem>>, vector<1x64x128xf32>
    %get3A_23 = vector.shape_cast %get3A_22 : vector<1x64x128xf32> to vector<64x128xf32>
    %add3A = arith.addf %get3A_18, %get3A_23 : vector<64x128xf32>
    %get3A_24 = arith.constant 2 : index
    %get3A_25 = arith.constant 0 : index
    %get3A_26 = arith.constant 0 : index
    %get3A_27 = vector.load %arg0[%get3A_24, %get3A_25, %get3A_26] : memref<32x128x128xf32, #tpu.memory_space<vmem>>, vector<1x64x128xf32>
    %get3A_28 = vector.shape_cast %get3A_27 : vector<1x64x128xf32> to vector<64x128xf32>
    %add3A_29 = arith.addf %add3A, %get3A_28 : vector<64x128xf32>
    %get3A_30 = arith.constant 3 : index
    %get3A_31 = arith.constant 0 : index
    %get3A_32 = arith.constant 0 : index
    %get3A_33 = vector.load %arg0[%get3A_30, %get3A_31, %get3A_32] : memref<32x128x128xf32, #tpu.memory_space<vmem>>, vector<1x64x128xf32>
    %get3A_34 = vector.shape_cast %get3A_33 : vector<1x64x128xf32> to vector<64x128xf32>
    %add3A_35 = arith.addf %add3A_29, %get3A_34 : vector<64x128xf32>
    %get3A_36 = arith.constant 0 : index
    %get3A_37 = arith.constant 64 : index
    %get3A_38 = arith.constant 0 : index
    %get3A_39 = vector.load %arg0[%get3A_36, %get3A_37, %get3A_38] : memref<32x128x128xf32, #tpu.memory_space<vmem>>, vector<1x64x128xf32>
    %get3A_40 = vector.shape_cast %get3A_39 : vector<1x64x128xf32> to vector<64x128xf32>
    %get3A_41 = arith.constant 1 : index
    %get3A_42 = arith.constant 64 : index
    %get3A_43 = arith.constant 0 : index
    %get3A_44 = vector.load %arg0[%get3A_41, %get3A_42, %get3A_43] : memref<32x128x128xf32, #tpu.memory_space<vmem>>, vector<1x64x128xf32>
    %get3A_45 = vector.shape_cast %get3A_44 : vector<1x64x128xf32> to vector<64x128xf32>
    %add3A_46 = arith.addf %get3A_40, %get3A_45 : vector<64x128xf32>
    %get3A_47 = arith.constant 2 : index
    %get3A_48 = arith.constant 64 : index
    %get3A_49 = arith.constant 0 : index
    %get3A_50 = vector.load %arg0[%get3A_47, %get3A_48, %get3A_49] : memref<32x128x128xf32, #tpu.memory_space<vmem>>, vector<1x64x128xf32>
    %get3A_51 = vector.shape_cast %get3A_50 : vector<1x64x128xf32> to vector<64x128xf32>
    %add3A_52 = arith.addf %add3A_46, %get3A_51 : vector<64x128xf32>
    %get3A_53 = arith.constant 3 : index
    %get3A_54 = arith.constant 64 : index
    %get3A_55 = arith.constant 0 : index
    %get3A_56 = vector.load %arg0[%get3A_53, %get3A_54, %get3A_55] : memref<32x128x128xf32, #tpu.memory_space<vmem>>, vector<1x64x128xf32>
    %get3A_57 = vector.shape_cast %get3A_56 : vector<1x64x128xf32> to vector<64x128xf32>
    %add3A_58 = arith.addf %add3A_52, %get3A_57 : vector<64x128xf32>
    %add3A_59 = arith.addf %add3A_35, %add3A_58 : vector<64x128xf32>
    %dot_general3A = arith.constant dense<0.000000e+00> : vector<64x128xf32>
    %dot_general3A_60 = tpu.matmul %add3A_59, %convert_element_type3A_1, %dot_general3A {dimension_numbers = #tpu.dot_dimension_numbers<[1], [0], [0], [1], [0, 0, 1, 1], [], []>, transpose_lhs_hint = false} : vector<64x128xf32>, vector<128x128xf32>, vector<64x128xf32> -> vector<64x128xf32>
    %dot_general3A_61 = arith.constant dense<0.000000e+00> : vector<64x128xf32>
    %dot_general3A_62 = tpu.matmul %add3A_58, %convert_element_type3A_1, %dot_general3A_61 {dimension_numbers = #tpu.dot_dimension_numbers<[1], [0], [0], [1], [0, 0, 1, 1], [], []>, transpose_lhs_hint = false} : vector<64x128xf32>, vector<128x128xf32>, vector<64x128xf32> -> vector<64x128xf32>
    %slice3A = vector.extract_strided_slice %dot_general3A_60 {offsets = [0, 127], sizes = [64, 1], strides = [1, 1]} : vector<64x128xf32> to vector<64x1xf32>
    %dot_general3A_63 = arith.constant dense<0.000000e+00> : vector<64x1xf32>
    %dot_general3A_64 = tpu.matmul %convert_element_type3A_5, %slice3A, %dot_general3A_63 {dimension_numbers = #tpu.dot_dimension_numbers<[1], [0], [0], [1], [0, 0, 1, 1], [], []>, transpose_lhs_hint = false} : vector<64x64xf32>, vector<64x1xf32>, vector<64x1xf32> -> vector<64x1xf32>
    %slice3A_65 = vector.extract_strided_slice %dot_general3A_62 {offsets = [0, 127], sizes = [64, 1], strides = [1, 1]} : vector<64x128xf32> to vector<64x1xf32>
    %dot_general3A_66 = arith.constant dense<0.000000e+00> : vector<64x1xf32>
    %dot_general3A_67 = tpu.matmul %convert_element_type3A_5, %slice3A_65, %dot_general3A_66 {dimension_numbers = #tpu.dot_dimension_numbers<[1], [0], [0], [1], [0, 0, 1, 1], [], []>, transpose_lhs_hint = false} : vector<64x64xf32>, vector<64x1xf32>, vector<64x1xf32> -> vector<64x1xf32>
    %add3A_68 = vector.broadcast %dot_general3A_64 : vector<64x1xf32> to vector<64x128xf32>
    %add3A_69 = arith.addf %dot_general3A_60, %add3A_68 : vector<64x128xf32>
    %add3A_70 = vector.broadcast %dot_general3A_67 : vector<64x1xf32> to vector<64x128xf32>
    %add3A_71 = arith.addf %dot_general3A_62, %add3A_70 : vector<64x128xf32>
    %reduce_sum3A = vector.shape_cast %add3A_58 : vector<64x128xf32> to vector<1x64x128xf32>
    %reduce_sum3A_72 = arith.constant dense<0.000000e+00> : vector<1xf32>
    %reduce_sum3A_73 = vector.multi_reduction <add>, %reduce_sum3A, %reduce_sum3A_72 [1, 2] : vector<1x64x128xf32> to vector<1xf32>
    %reduce_sum3A_74 = vector.shape_cast %reduce_sum3A_73 : vector<1xf32> to vector<1x1x1xf32>
    %reduce_sum3A_75 = vector.extract %reduce_sum3A_74[0, 0, 0] : f32 from vector<1x1x1xf32>
    %sub3A = vector.broadcast %reduce_sum3A_75 : f32 to vector<64x128xf32>
    %sub3A_76 = arith.subf %sub3A, %add3A_71 : vector<64x128xf32>
    %add3A_77 = vector.broadcast %reduce_sum3A_75 : f32 to vector<64x128xf32>
    %add3A_78 = arith.addf %add3A_77, %add3A_69 : vector<64x128xf32>
    %sub3A_79 = arith.subf %add3A_78, %add3A_71 : vector<64x128xf32>
    %gt3A = arith.constant 0.000000e+00 : f32
    %gt3A_80 = vector.broadcast %gt3A : f32 to vector<64x128xf32>
    %gt3A_81 = arith.cmpf ogt, %sub3A_79, %gt3A_80 : vector<64x128xf32>
    %div3A = arith.divf %sub3A_76, %sub3A_79 : vector<64x128xf32>
    %sub3A_82 = arith.constant 1.000000e+00 : f32
    %sub3A_83 = vector.broadcast %sub3A_82 : f32 to vector<64x128xf32>
    %sub3A_84 = arith.subf %sub3A_83, %div3A : vector<64x128xf32>
    %jit3A = arith.constant 0.000000e+00 : f32
    %broadcast_in_dim3A = vector.broadcast %jit3A : f32 to vector<64x128xf32>
    %select_n3A = arith.select %gt3A_81, %sub3A_84, %broadcast_in_dim3A : vector<64x128xi1>, vector<64x128xf32>
    %mul3A = arith.mulf %select_n3A, %convert_element_type3A_14 : vector<64x128xf32>
    %reduce_sum3A_85 = vector.shape_cast %mul3A : vector<64x128xf32> to vector<1x64x128xf32>
    %reduce_sum3A_86 = arith.constant dense<0.000000e+00> : vector<1xf32>
    %reduce_sum3A_87 = vector.multi_reduction <add>, %reduce_sum3A_85, %reduce_sum3A_86 [1, 2] : vector<1x64x128xf32> to vector<1xf32>
    %reduce_sum3A_88 = vector.shape_cast %reduce_sum3A_87 : vector<1xf32> to vector<1x1x1xf32>
    %reduce_sum3A_89 = vector.extract %reduce_sum3A_88[0, 0, 0] : f32 from vector<1x1x1xf32>
    %reduce_sum3A_90 = vector.shape_cast %select_n3A : vector<64x128xf32> to vector<1x64x128xf32>
    %reduce_sum3A_91 = arith.constant dense<0.000000e+00> : vector<1xf32>
    %reduce_sum3A_92 = vector.multi_reduction <add>, %reduce_sum3A_90, %reduce_sum3A_91 [1, 2] : vector<1x64x128xf32> to vector<1xf32>
    %reduce_sum3A_93 = vector.shape_cast %reduce_sum3A_92 : vector<1xf32> to vector<1x1x1xf32>
    %reduce_sum3A_94 = vector.extract %reduce_sum3A_93[0, 0, 0] : f32 from vector<1x1x1xf32>
    %mul3A_95 = arith.constant 5.000000e-01 : f32
    %mul3A_96 = arith.mulf %mul3A_95, %reduce_sum3A_89 : f32
    %sub3A_97 = arith.subf %reduce_sum3A_94, %mul3A_96 : f32
    %mul3A_98 = arith.constant 1.22070313E-4 : f32
    %mul3A_99 = arith.mulf %sub3A_97, %mul3A_98 : f32
    %add3A_100 = arith.constant 0.000000e+00 : f32
    %add3A_101 = arith.addf %add3A_100, %mul3A_99 : f32
    %get3A_102 = arith.constant 4 : index
    %get3A_103 = arith.constant 0 : index
    %get3A_104 = arith.constant 0 : index
    %get3A_105 = vector.load %arg0[%get3A_102, %get3A_103, %get3A_104] : memref<32x128x128xf32, #tpu.memory_space<vmem>>, vector<1x64x128xf32>
    %get3A_106 = vector.shape_cast %get3A_105 : vector<1x64x128xf32> to vector<64x128xf32>
    %get3A_107 = arith.constant 5 : index
    %get3A_108 = arith.constant 0 : index
    %get3A_109 = arith.constant 0 : index
    %get3A_110 = vector.load %arg0[%get3A_107, %get3A_108, %get3A_109] : memref<32x128x128xf32, #tpu.memory_space<vmem>>, vector<1x64x128xf32>
    %get3A_111 = vector.shape_cast %get3A_110 : vector<1x64x128xf32> to vector<64x128xf32>
    %add3A_112 = arith.addf %get3A_106, %get3A_111 : vector<64x128xf32>
    %get3A_113 = arith.constant 6 : index
    %get3A_114 = arith.constant 0 : index
    %get3A_115 = arith.constant 0 : index
    %get3A_116 = vector.load %arg0[%get3A_113, %get3A_114, %get3A_115] : memref<32x128x128xf32, #tpu.memory_space<vmem>>, vector<1x64x128xf32>
    %get3A_117 = vector.shape_cast %get3A_116 : vector<1x64x128xf32> to vector<64x128xf32>
    %add3A_118 = arith.addf %add3A_112, %get3A_117 : vector<64x128xf32>
    %get3A_119 = arith.constant 7 : index
    %get3A_120 = arith.constant 0 : index
    %get3A_121 = arith.constant 0 : index
    %get3A_122 = vector.load %arg0[%get3A_119, %get3A_120, %get3A_121] : memref<32x128x128xf32, #tpu.memory_space<vmem>>, vector<1x64x128xf32>
    %get3A_123 = vector.shape_cast %get3A_122 : vector<1x64x128xf32> to vector<64x128xf32>
    %add3A_124 = arith.addf %add3A_118, %get3A_123 : vector<64x128xf32>
    %get3A_125 = arith.constant 4 : index
    %get3A_126 = arith.constant 64 : index
    %get3A_127 = arith.constant 0 : index
    %get3A_128 = vector.load %arg0[%get3A_125, %get3A_126, %get3A_127] : memref<32x128x128xf32, #tpu.memory_space<vmem>>, vector<1x64x128xf32>
    %get3A_129 = vector.shape_cast %get3A_128 : vector<1x64x128xf32> to vector<64x128xf32>
    %get3A_130 = arith.constant 5 : index
    %get3A_131 = arith.constant 64 : index
    %get3A_132 = arith.constant 0 : index
    %get3A_133 = vector.load %arg0[%get3A_130, %get3A_131, %get3A_132] : memref<32x128x128xf32, #tpu.memory_space<vmem>>, vector<1x64x128xf32>
    %get3A_134 = vector.shape_cast %get3A_133 : vector<1x64x128xf32> to vector<64x128xf32>
    %add3A_135 = arith.addf %get3A_129, %get3A_134 : vector<64x128xf32>
    %get3A_136 = arith.constant 6 : index
    %get3A_137 = arith.constant 64 : index
    %get3A_138 = arith.constant 0 : index
    %get3A_139 = vector.load %arg0[%get3A_136, %get3A_137, %get3A_138] : memref<32x128x128xf32, #tpu.memory_space<vmem>>, vector<1x64x128xf32>
    %get3A_140 = vector.shape_cast %get3A_139 : vector<1x64x128xf32> to vector<64x128xf32>
    %add3A_141 = arith.addf %add3A_135, %get3A_140 : vector<64x128xf32>
    %get3A_142 = arith.constant 7 : index
    %get3A_143 = arith.constant 64 : index
    %get3A_144 = arith.constant 0 : index
    %get3A_145 = vector.load %arg0[%get3A_142, %get3A_143, %get3A_144] : memref<32x128x128xf32, #tpu.memory_space<vmem>>, vector<1x64x128xf32>
    %get3A_146 = vector.shape_cast %get3A_145 : vector<1x64x128xf32> to vector<64x128xf32>
    %add3A_147 = arith.addf %add3A_141, %get3A_146 : vector<64x128xf32>
    %add3A_148 = arith.addf %add3A_124, %add3A_147 : vector<64x128xf32>
    %dot_general3A_149 = arith.constant dense<0.000000e+00> : vector<64x128xf32>
    %dot_general3A_150 = tpu.matmul %add3A_148, %convert_element_type3A_1, %dot_general3A_149 {dimension_numbers = #tpu.dot_dimension_numbers<[1], [0], [0], [1], [0, 0, 1, 1], [], []>, transpose_lhs_hint = false} : vector<64x128xf32>, vector<128x128xf32>, vector<64x128xf32> -> vector<64x128xf32>
    %dot_general3A_151 = arith.constant dense<0.000000e+00> : vector<64x128xf32>
    %dot_general3A_152 = tpu.matmul %add3A_147, %convert_element_type3A_1, %dot_general3A_151 {dimension_numbers = #tpu.dot_dimension_numbers<[1], [0], [0], [1], [0, 0, 1, 1], [], []>, transpose_lhs_hint = false} : vector<64x128xf32>, vector<128x128xf32>, vector<64x128xf32> -> vector<64x128xf32>
    %slice3A_153 = vector.extract_strided_slice %dot_general3A_150 {offsets = [0, 127], sizes = [64, 1], strides = [1, 1]} : vector<64x128xf32> to vector<64x1xf32>
    %dot_general3A_154 = arith.constant dense<0.000000e+00> : vector<64x1xf32>
    %dot_general3A_155 = tpu.matmul %convert_element_type3A_5, %slice3A_153, %dot_general3A_154 {dimension_numbers = #tpu.dot_dimension_numbers<[1], [0], [0], [1], [0, 0, 1, 1], [], []>, transpose_lhs_hint = false} : vector<64x64xf32>, vector<64x1xf32>, vector<64x1xf32> -> vector<64x1xf32>
    %slice3A_156 = vector.extract_strided_slice %dot_general3A_152 {offsets = [0, 127], sizes = [64, 1], strides = [1, 1]} : vector<64x128xf32> to vector<64x1xf32>
    %dot_general3A_157 = arith.constant dense<0.000000e+00> : vector<64x1xf32>
    %dot_general3A_158 = tpu.matmul %convert_element_type3A_5, %slice3A_156, %dot_general3A_157 {dimension_numbers = #tpu.dot_dimension_numbers<[1], [0], [0], [1], [0, 0, 1, 1], [], []>, transpose_lhs_hint = false} : vector<64x64xf32>, vector<64x1xf32>, vector<64x1xf32> -> vector<64x1xf32>
    %add3A_159 = vector.broadcast %dot_general3A_155 : vector<64x1xf32> to vector<64x128xf32>
    %add3A_160 = arith.addf %dot_general3A_150, %add3A_159 : vector<64x128xf32>
    %add3A_161 = vector.broadcast %dot_general3A_158 : vector<64x1xf32> to vector<64x128xf32>
    %add3A_162 = arith.addf %dot_general3A_152, %add3A_161 : vector<64x128xf32>
    %reduce_sum3A_163 = vector.shape_cast %add3A_147 : vector<64x128xf32> to vector<1x64x128xf32>
    %reduce_sum3A_164 = arith.constant dense<0.000000e+00> : vector<1xf32>
    %reduce_sum3A_165 = vector.multi_reduction <add>, %reduce_sum3A_163, %reduce_sum3A_164 [1, 2] : vector<1x64x128xf32> to vector<1xf32>
    %reduce_sum3A_166 = vector.shape_cast %reduce_sum3A_165 : vector<1xf32> to vector<1x1x1xf32>
    %reduce_sum3A_167 = vector.extract %reduce_sum3A_166[0, 0, 0] : f32 from vector<1x1x1xf32>
    %sub3A_168 = vector.broadcast %reduce_sum3A_167 : f32 to vector<64x128xf32>
    %sub3A_169 = arith.subf %sub3A_168, %add3A_162 : vector<64x128xf32>
    %add3A_170 = vector.broadcast %reduce_sum3A_167 : f32 to vector<64x128xf32>
    %add3A_171 = arith.addf %add3A_170, %add3A_160 : vector<64x128xf32>
    %sub3A_172 = arith.subf %add3A_171, %add3A_162 : vector<64x128xf32>
    %gt3A_173 = arith.constant 0.000000e+00 : f32
    %gt3A_174 = vector.broadcast %gt3A_173 : f32 to vector<64x128xf32>
    %gt3A_175 = arith.cmpf ogt, %sub3A_172, %gt3A_174 : vector<64x128xf32>
    %div3A_176 = arith.divf %sub3A_169, %sub3A_172 : vector<64x128xf32>
    %sub3A_177 = arith.constant 1.000000e+00 : f32
    %sub3A_178 = vector.broadcast %sub3A_177 : f32 to vector<64x128xf32>
    %sub3A_179 = arith.subf %sub3A_178, %div3A_176 : vector<64x128xf32>
    %jit3A_180 = arith.constant 0.000000e+00 : f32
    %broadcast_in_dim3A_181 = vector.broadcast %jit3A_180 : f32 to vector<64x128xf32>
    %select_n3A_182 = arith.select %gt3A_175, %sub3A_179, %broadcast_in_dim3A_181 : vector<64x128xi1>, vector<64x128xf32>
    %mul3A_183 = arith.mulf %select_n3A_182, %convert_element_type3A_14 : vector<64x128xf32>
    %reduce_sum3A_184 = vector.shape_cast %mul3A_183 : vector<64x128xf32> to vector<1x64x128xf32>
    %reduce_sum3A_185 = arith.constant dense<0.000000e+00> : vector<1xf32>
    %reduce_sum3A_186 = vector.multi_reduction <add>, %reduce_sum3A_184, %reduce_sum3A_185 [1, 2] : vector<1x64x128xf32> to vector<1xf32>
    %reduce_sum3A_187 = vector.shape_cast %reduce_sum3A_186 : vector<1xf32> to vector<1x1x1xf32>
    %reduce_sum3A_188 = vector.extract %reduce_sum3A_187[0, 0, 0] : f32 from vector<1x1x1xf32>
    %reduce_sum3A_189 = vector.shape_cast %select_n3A_182 : vector<64x128xf32> to vector<1x64x128xf32>
    %reduce_sum3A_190 = arith.constant dense<0.000000e+00> : vector<1xf32>
    %reduce_sum3A_191 = vector.multi_reduction <add>, %reduce_sum3A_189, %reduce_sum3A_190 [1, 2] : vector<1x64x128xf32> to vector<1xf32>
    %reduce_sum3A_192 = vector.shape_cast %reduce_sum3A_191 : vector<1xf32> to vector<1x1x1xf32>
    %reduce_sum3A_193 = vector.extract %reduce_sum3A_192[0, 0, 0] : f32 from vector<1x1x1xf32>
    %mul3A_194 = arith.constant 5.000000e-01 : f32
    %mul3A_195 = arith.mulf %mul3A_194, %reduce_sum3A_188 : f32
    %sub3A_196 = arith.subf %reduce_sum3A_193, %mul3A_195 : f32
    %mul3A_197 = arith.constant 1.22070313E-4 : f32
    %mul3A_198 = arith.mulf %sub3A_196, %mul3A_197 : f32
    %add3A_199 = arith.addf %add3A_101, %mul3A_198 : f32
    %get3A_200 = arith.constant 8 : index
    %get3A_201 = arith.constant 0 : index
    %get3A_202 = arith.constant 0 : index
    %get3A_203 = vector.load %arg0[%get3A_200, %get3A_201, %get3A_202] : memref<32x128x128xf32, #tpu.memory_space<vmem>>, vector<1x64x128xf32>
    %get3A_204 = vector.shape_cast %get3A_203 : vector<1x64x128xf32> to vector<64x128xf32>
    %get3A_205 = arith.constant 9 : index
    %get3A_206 = arith.constant 0 : index
    %get3A_207 = arith.constant 0 : index
    %get3A_208 = vector.load %arg0[%get3A_205, %get3A_206, %get3A_207] : memref<32x128x128xf32, #tpu.memory_space<vmem>>, vector<1x64x128xf32>
    %get3A_209 = vector.shape_cast %get3A_208 : vector<1x64x128xf32> to vector<64x128xf32>
    %add3A_210 = arith.addf %get3A_204, %get3A_209 : vector<64x128xf32>
    %get3A_211 = arith.constant 10 : index
    %get3A_212 = arith.constant 0 : index
    %get3A_213 = arith.constant 0 : index
    %get3A_214 = vector.load %arg0[%get3A_211, %get3A_212, %get3A_213] : memref<32x128x128xf32, #tpu.memory_space<vmem>>, vector<1x64x128xf32>
    %get3A_215 = vector.shape_cast %get3A_214 : vector<1x64x128xf32> to vector<64x128xf32>
    %add3A_216 = arith.addf %add3A_210, %get3A_215 : vector<64x128xf32>
    %get3A_217 = arith.constant 11 : index
    %get3A_218 = arith.constant 0 : index
    %get3A_219 = arith.constant 0 : index
    %get3A_220 = vector.load %arg0[%get3A_217, %get3A_218, %get3A_219] : memref<32x128x128xf32, #tpu.memory_space<vmem>>, vector<1x64x128xf32>
    %get3A_221 = vector.shape_cast %get3A_220 : vector<1x64x128xf32> to vector<64x128xf32>
    %add3A_222 = arith.addf %add3A_216, %get3A_221 : vector<64x128xf32>
    %get3A_223 = arith.constant 8 : index
    %get3A_224 = arith.constant 64 : index
    %get3A_225 = arith.constant 0 : index
    %get3A_226 = vector.load %arg0[%get3A_223, %get3A_224, %get3A_225] : memref<32x128x128xf32, #tpu.memory_space<vmem>>, vector<1x64x128xf32>
    %get3A_227 = vector.shape_cast %get3A_226 : vector<1x64x128xf32> to vector<64x128xf32>
    %get3A_228 = arith.constant 9 : index
    %get3A_229 = arith.constant 64 : index
    %get3A_230 = arith.constant 0 : index
    %get3A_231 = vector.load %arg0[%get3A_228, %get3A_229, %get3A_230] : memref<32x128x128xf32, #tpu.memory_space<vmem>>, vector<1x64x128xf32>
    %get3A_232 = vector.shape_cast %get3A_231 : vector<1x64x128xf32> to vector<64x128xf32>
    %add3A_233 = arith.addf %get3A_227, %get3A_232 : vector<64x128xf32>
    %get3A_234 = arith.constant 10 : index
    %get3A_235 = arith.constant 64 : index
    %get3A_236 = arith.constant 0 : index
    %get3A_237 = vector.load %arg0[%get3A_234, %get3A_235, %get3A_236] : memref<32x128x128xf32, #tpu.memory_space<vmem>>, vector<1x64x128xf32>
    %get3A_238 = vector.shape_cast %get3A_237 : vector<1x64x128xf32> to vector<64x128xf32>
    %add3A_239 = arith.addf %add3A_233, %get3A_238 : vector<64x128xf32>
    %get3A_240 = arith.constant 11 : index
    %get3A_241 = arith.constant 64 : index
    %get3A_242 = arith.constant 0 : index
    %get3A_243 = vector.load %arg0[%get3A_240, %get3A_241, %get3A_242] : memref<32x128x128xf32, #tpu.memory_space<vmem>>, vector<1x64x128xf32>
    %get3A_244 = vector.shape_cast %get3A_243 : vector<1x64x128xf32> to vector<64x128xf32>
    %add3A_245 = arith.addf %add3A_239, %get3A_244 : vector<64x128xf32>
    %add3A_246 = arith.addf %add3A_222, %add3A_245 : vector<64x128xf32>
    %dot_general3A_247 = arith.constant dense<0.000000e+00> : vector<64x128xf32>
    %dot_general3A_248 = tpu.matmul %add3A_246, %convert_element_type3A_1, %dot_general3A_247 {dimension_numbers = #tpu.dot_dimension_numbers<[1], [0], [0], [1], [0, 0, 1, 1], [], []>, transpose_lhs_hint = false} : vector<64x128xf32>, vector<128x128xf32>, vector<64x128xf32> -> vector<64x128xf32>
    %dot_general3A_249 = arith.constant dense<0.000000e+00> : vector<64x128xf32>
    %dot_general3A_250 = tpu.matmul %add3A_245, %convert_element_type3A_1, %dot_general3A_249 {dimension_numbers = #tpu.dot_dimension_numbers<[1], [0], [0], [1], [0, 0, 1, 1], [], []>, transpose_lhs_hint = false} : vector<64x128xf32>, vector<128x128xf32>, vector<64x128xf32> -> vector<64x128xf32>
    %slice3A_251 = vector.extract_strided_slice %dot_general3A_248 {offsets = [0, 127], sizes = [64, 1], strides = [1, 1]} : vector<64x128xf32> to vector<64x1xf32>
    %dot_general3A_252 = arith.constant dense<0.000000e+00> : vector<64x1xf32>
    %dot_general3A_253 = tpu.matmul %convert_element_type3A_5, %slice3A_251, %dot_general3A_252 {dimension_numbers = #tpu.dot_dimension_numbers<[1], [0], [0], [1], [0, 0, 1, 1], [], []>, transpose_lhs_hint = false} : vector<64x64xf32>, vector<64x1xf32>, vector<64x1xf32> -> vector<64x1xf32>
    %slice3A_254 = vector.extract_strided_slice %dot_general3A_250 {offsets = [0, 127], sizes = [64, 1], strides = [1, 1]} : vector<64x128xf32> to vector<64x1xf32>
    %dot_general3A_255 = arith.constant dense<0.000000e+00> : vector<64x1xf32>
    %dot_general3A_256 = tpu.matmul %convert_element_type3A_5, %slice3A_254, %dot_general3A_255 {dimension_numbers = #tpu.dot_dimension_numbers<[1], [0], [0], [1], [0, 0, 1, 1], [], []>, transpose_lhs_hint = false} : vector<64x64xf32>, vector<64x1xf32>, vector<64x1xf32> -> vector<64x1xf32>
    %add3A_257 = vector.broadcast %dot_general3A_253 : vector<64x1xf32> to vector<64x128xf32>
    %add3A_258 = arith.addf %dot_general3A_248, %add3A_257 : vector<64x128xf32>
    %add3A_259 = vector.broadcast %dot_general3A_256 : vector<64x1xf32> to vector<64x128xf32>
    %add3A_260 = arith.addf %dot_general3A_250, %add3A_259 : vector<64x128xf32>
    %reduce_sum3A_261 = vector.shape_cast %add3A_245 : vector<64x128xf32> to vector<1x64x128xf32>
    %reduce_sum3A_262 = arith.constant dense<0.000000e+00> : vector<1xf32>
    %reduce_sum3A_263 = vector.multi_reduction <add>, %reduce_sum3A_261, %reduce_sum3A_262 [1, 2] : vector<1x64x128xf32> to vector<1xf32>
    %reduce_sum3A_264 = vector.shape_cast %reduce_sum3A_263 : vector<1xf32> to vector<1x1x1xf32>
    %reduce_sum3A_265 = vector.extract %reduce_sum3A_264[0, 0, 0] : f32 from vector<1x1x1xf32>
    %sub3A_266 = vector.broadcast %reduce_sum3A_265 : f32 to vector<64x128xf32>
    %sub3A_267 = arith.subf %sub3A_266, %add3A_260 : vector<64x128xf32>
    %add3A_268 = vector.broadcast %reduce_sum3A_265 : f32 to vector<64x128xf32>
    %add3A_269 = arith.addf %add3A_268, %add3A_258 : vector<64x128xf32>
    %sub3A_270 = arith.subf %add3A_269, %add3A_260 : vector<64x128xf32>
    %gt3A_271 = arith.constant 0.000000e+00 : f32
    %gt3A_272 = vector.broadcast %gt3A_271 : f32 to vector<64x128xf32>
    %gt3A_273 = arith.cmpf ogt, %sub3A_270, %gt3A_272 : vector<64x128xf32>
    %div3A_274 = arith.divf %sub3A_267, %sub3A_270 : vector<64x128xf32>
    %sub3A_275 = arith.constant 1.000000e+00 : f32
    %sub3A_276 = vector.broadcast %sub3A_275 : f32 to vector<64x128xf32>
    %sub3A_277 = arith.subf %sub3A_276, %div3A_274 : vector<64x128xf32>
    %jit3A_278 = arith.constant 0.000000e+00 : f32
    %broadcast_in_dim3A_279 = vector.broadcast %jit3A_278 : f32 to vector<64x128xf32>
    %select_n3A_280 = arith.select %gt3A_273, %sub3A_277, %broadcast_in_dim3A_279 : vector<64x128xi1>, vector<64x128xf32>
    %mul3A_281 = arith.mulf %select_n3A_280, %convert_element_type3A_14 : vector<64x128xf32>
    %reduce_sum3A_282 = vector.shape_cast %mul3A_281 : vector<64x128xf32> to vector<1x64x128xf32>
    %reduce_sum3A_283 = arith.constant dense<0.000000e+00> : vector<1xf32>
    %reduce_sum3A_284 = vector.multi_reduction <add>, %reduce_sum3A_282, %reduce_sum3A_283 [1, 2] : vector<1x64x128xf32> to vector<1xf32>
    %reduce_sum3A_285 = vector.shape_cast %reduce_sum3A_284 : vector<1xf32> to vector<1x1x1xf32>
    %reduce_sum3A_286 = vector.extract %reduce_sum3A_285[0, 0, 0] : f32 from vector<1x1x1xf32>
    %reduce_sum3A_287 = vector.shape_cast %select_n3A_280 : vector<64x128xf32> to vector<1x64x128xf32>
    %reduce_sum3A_288 = arith.constant dense<0.000000e+00> : vector<1xf32>
    %reduce_sum3A_289 = vector.multi_reduction <add>, %reduce_sum3A_287, %reduce_sum3A_288 [1, 2] : vector<1x64x128xf32> to vector<1xf32>
    %reduce_sum3A_290 = vector.shape_cast %reduce_sum3A_289 : vector<1xf32> to vector<1x1x1xf32>
    %reduce_sum3A_291 = vector.extract %reduce_sum3A_290[0, 0, 0] : f32 from vector<1x1x1xf32>
    %mul3A_292 = arith.constant 5.000000e-01 : f32
    %mul3A_293 = arith.mulf %mul3A_292, %reduce_sum3A_286 : f32
    %sub3A_294 = arith.subf %reduce_sum3A_291, %mul3A_293 : f32
    %mul3A_295 = arith.constant 1.22070313E-4 : f32
    %mul3A_296 = arith.mulf %sub3A_294, %mul3A_295 : f32
    %add3A_297 = arith.addf %add3A_199, %mul3A_296 : f32
    %get3A_298 = arith.constant 12 : index
    %get3A_299 = arith.constant 0 : index
    %get3A_300 = arith.constant 0 : index
    %get3A_301 = vector.load %arg0[%get3A_298, %get3A_299, %get3A_300] : memref<32x128x128xf32, #tpu.memory_space<vmem>>, vector<1x64x128xf32>
    %get3A_302 = vector.shape_cast %get3A_301 : vector<1x64x128xf32> to vector<64x128xf32>
    %get3A_303 = arith.constant 13 : index
    %get3A_304 = arith.constant 0 : index
    %get3A_305 = arith.constant 0 : index
    %get3A_306 = vector.load %arg0[%get3A_303, %get3A_304, %get3A_305] : memref<32x128x128xf32, #tpu.memory_space<vmem>>, vector<1x64x128xf32>
    %get3A_307 = vector.shape_cast %get3A_306 : vector<1x64x128xf32> to vector<64x128xf32>
    %add3A_308 = arith.addf %get3A_302, %get3A_307 : vector<64x128xf32>
    %get3A_309 = arith.constant 14 : index
    %get3A_310 = arith.constant 0 : index
    %get3A_311 = arith.constant 0 : index
    %get3A_312 = vector.load %arg0[%get3A_309, %get3A_310, %get3A_311] : memref<32x128x128xf32, #tpu.memory_space<vmem>>, vector<1x64x128xf32>
    %get3A_313 = vector.shape_cast %get3A_312 : vector<1x64x128xf32> to vector<64x128xf32>
    %add3A_314 = arith.addf %add3A_308, %get3A_313 : vector<64x128xf32>
    %get3A_315 = arith.constant 15 : index
    %get3A_316 = arith.constant 0 : index
    %get3A_317 = arith.constant 0 : index
    %get3A_318 = vector.load %arg0[%get3A_315, %get3A_316, %get3A_317] : memref<32x128x128xf32, #tpu.memory_space<vmem>>, vector<1x64x128xf32>
    %get3A_319 = vector.shape_cast %get3A_318 : vector<1x64x128xf32> to vector<64x128xf32>
    %add3A_320 = arith.addf %add3A_314, %get3A_319 : vector<64x128xf32>
    %get3A_321 = arith.constant 12 : index
    %get3A_322 = arith.constant 64 : index
    %get3A_323 = arith.constant 0 : index
    %get3A_324 = vector.load %arg0[%get3A_321, %get3A_322, %get3A_323] : memref<32x128x128xf32, #tpu.memory_space<vmem>>, vector<1x64x128xf32>
    %get3A_325 = vector.shape_cast %get3A_324 : vector<1x64x128xf32> to vector<64x128xf32>
    %get3A_326 = arith.constant 13 : index
    %get3A_327 = arith.constant 64 : index
    %get3A_328 = arith.constant 0 : index
    %get3A_329 = vector.load %arg0[%get3A_326, %get3A_327, %get3A_328] : memref<32x128x128xf32, #tpu.memory_space<vmem>>, vector<1x64x128xf32>
    %get3A_330 = vector.shape_cast %get3A_329 : vector<1x64x128xf32> to vector<64x128xf32>
    %add3A_331 = arith.addf %get3A_325, %get3A_330 : vector<64x128xf32>
    %get3A_332 = arith.constant 14 : index
    %get3A_333 = arith.constant 64 : index
    %get3A_334 = arith.constant 0 : index
    %get3A_335 = vector.load %arg0[%get3A_332, %get3A_333, %get3A_334] : memref<32x128x128xf32, #tpu.memory_space<vmem>>, vector<1x64x128xf32>
    %get3A_336 = vector.shape_cast %get3A_335 : vector<1x64x128xf32> to vector<64x128xf32>
    %add3A_337 = arith.addf %add3A_331, %get3A_336 : vector<64x128xf32>
    %get3A_338 = arith.constant 15 : index
    %get3A_339 = arith.constant 64 : index
    %get3A_340 = arith.constant 0 : index
    %get3A_341 = vector.load %arg0[%get3A_338, %get3A_339, %get3A_340] : memref<32x128x128xf32, #tpu.memory_space<vmem>>, vector<1x64x128xf32>
    %get3A_342 = vector.shape_cast %get3A_341 : vector<1x64x128xf32> to vector<64x128xf32>
    %add3A_343 = arith.addf %add3A_337, %get3A_342 : vector<64x128xf32>
    %add3A_344 = arith.addf %add3A_320, %add3A_343 : vector<64x128xf32>
    %dot_general3A_345 = arith.constant dense<0.000000e+00> : vector<64x128xf32>
    %dot_general3A_346 = tpu.matmul %add3A_344, %convert_element_type3A_1, %dot_general3A_345 {dimension_numbers = #tpu.dot_dimension_numbers<[1], [0], [0], [1], [0, 0, 1, 1], [], []>, transpose_lhs_hint = false} : vector<64x128xf32>, vector<128x128xf32>, vector<64x128xf32> -> vector<64x128xf32>
    %dot_general3A_347 = arith.constant dense<0.000000e+00> : vector<64x128xf32>
    %dot_general3A_348 = tpu.matmul %add3A_343, %convert_element_type3A_1, %dot_general3A_347 {dimension_numbers = #tpu.dot_dimension_numbers<[1], [0], [0], [1], [0, 0, 1, 1], [], []>, transpose_lhs_hint = false} : vector<64x128xf32>, vector<128x128xf32>, vector<64x128xf32> -> vector<64x128xf32>
    %slice3A_349 = vector.extract_strided_slice %dot_general3A_346 {offsets = [0, 127], sizes = [64, 1], strides = [1, 1]} : vector<64x128xf32> to vector<64x1xf32>
    %dot_general3A_350 = arith.constant dense<0.000000e+00> : vector<64x1xf32>
    %dot_general3A_351 = tpu.matmul %convert_element_type3A_5, %slice3A_349, %dot_general3A_350 {dimension_numbers = #tpu.dot_dimension_numbers<[1], [0], [0], [1], [0, 0, 1, 1], [], []>, transpose_lhs_hint = false} : vector<64x64xf32>, vector<64x1xf32>, vector<64x1xf32> -> vector<64x1xf32>
    %slice3A_352 = vector.extract_strided_slice %dot_general3A_348 {offsets = [0, 127], sizes = [64, 1], strides = [1, 1]} : vector<64x128xf32> to vector<64x1xf32>
    %dot_general3A_353 = arith.constant dense<0.000000e+00> : vector<64x1xf32>
    %dot_general3A_354 = tpu.matmul %convert_element_type3A_5, %slice3A_352, %dot_general3A_353 {dimension_numbers = #tpu.dot_dimension_numbers<[1], [0], [0], [1], [0, 0, 1, 1], [], []>, transpose_lhs_hint = false} : vector<64x64xf32>, vector<64x1xf32>, vector<64x1xf32> -> vector<64x1xf32>
    %add3A_355 = vector.broadcast %dot_general3A_351 : vector<64x1xf32> to vector<64x128xf32>
    %add3A_356 = arith.addf %dot_general3A_346, %add3A_355 : vector<64x128xf32>
    %add3A_357 = vector.broadcast %dot_general3A_354 : vector<64x1xf32> to vector<64x128xf32>
    %add3A_358 = arith.addf %dot_general3A_348, %add3A_357 : vector<64x128xf32>
    %reduce_sum3A_359 = vector.shape_cast %add3A_343 : vector<64x128xf32> to vector<1x64x128xf32>
    %reduce_sum3A_360 = arith.constant dense<0.000000e+00> : vector<1xf32>
    %reduce_sum3A_361 = vector.multi_reduction <add>, %reduce_sum3A_359, %reduce_sum3A_360 [1, 2] : vector<1x64x128xf32> to vector<1xf32>
    %reduce_sum3A_362 = vector.shape_cast %reduce_sum3A_361 : vector<1xf32> to vector<1x1x1xf32>
    %reduce_sum3A_363 = vector.extract %reduce_sum3A_362[0, 0, 0] : f32 from vector<1x1x1xf32>
    %sub3A_364 = vector.broadcast %reduce_sum3A_363 : f32 to vector<64x128xf32>
    %sub3A_365 = arith.subf %sub3A_364, %add3A_358 : vector<64x128xf32>
    %add3A_366 = vector.broadcast %reduce_sum3A_363 : f32 to vector<64x128xf32>
    %add3A_367 = arith.addf %add3A_366, %add3A_356 : vector<64x128xf32>
    %sub3A_368 = arith.subf %add3A_367, %add3A_358 : vector<64x128xf32>
    %gt3A_369 = arith.constant 0.000000e+00 : f32
    %gt3A_370 = vector.broadcast %gt3A_369 : f32 to vector<64x128xf32>
    %gt3A_371 = arith.cmpf ogt, %sub3A_368, %gt3A_370 : vector<64x128xf32>
    %div3A_372 = arith.divf %sub3A_365, %sub3A_368 : vector<64x128xf32>
    %sub3A_373 = arith.constant 1.000000e+00 : f32
    %sub3A_374 = vector.broadcast %sub3A_373 : f32 to vector<64x128xf32>
    %sub3A_375 = arith.subf %sub3A_374, %div3A_372 : vector<64x128xf32>
    %jit3A_376 = arith.constant 0.000000e+00 : f32
    %broadcast_in_dim3A_377 = vector.broadcast %jit3A_376 : f32 to vector<64x128xf32>
    %select_n3A_378 = arith.select %gt3A_371, %sub3A_375, %broadcast_in_dim3A_377 : vector<64x128xi1>, vector<64x128xf32>
    %mul3A_379 = arith.mulf %select_n3A_378, %convert_element_type3A_14 : vector<64x128xf32>
    %reduce_sum3A_380 = vector.shape_cast %mul3A_379 : vector<64x128xf32> to vector<1x64x128xf32>
    %reduce_sum3A_381 = arith.constant dense<0.000000e+00> : vector<1xf32>
    %reduce_sum3A_382 = vector.multi_reduction <add>, %reduce_sum3A_380, %reduce_sum3A_381 [1, 2] : vector<1x64x128xf32> to vector<1xf32>
    %reduce_sum3A_383 = vector.shape_cast %reduce_sum3A_382 : vector<1xf32> to vector<1x1x1xf32>
    %reduce_sum3A_384 = vector.extract %reduce_sum3A_383[0, 0, 0] : f32 from vector<1x1x1xf32>
    %reduce_sum3A_385 = vector.shape_cast %select_n3A_378 : vector<64x128xf32> to vector<1x64x128xf32>
    %reduce_sum3A_386 = arith.constant dense<0.000000e+00> : vector<1xf32>
    %reduce_sum3A_387 = vector.multi_reduction <add>, %reduce_sum3A_385, %reduce_sum3A_386 [1, 2] : vector<1x64x128xf32> to vector<1xf32>
    %reduce_sum3A_388 = vector.shape_cast %reduce_sum3A_387 : vector<1xf32> to vector<1x1x1xf32>
    %reduce_sum3A_389 = vector.extract %reduce_sum3A_388[0, 0, 0] : f32 from vector<1x1x1xf32>
    %mul3A_390 = arith.constant 5.000000e-01 : f32
    %mul3A_391 = arith.mulf %mul3A_390, %reduce_sum3A_384 : f32
    %sub3A_392 = arith.subf %reduce_sum3A_389, %mul3A_391 : f32
    %mul3A_393 = arith.constant 1.22070313E-4 : f32
    %mul3A_394 = arith.mulf %sub3A_392, %mul3A_393 : f32
    %add3A_395 = arith.addf %add3A_297, %mul3A_394 : f32
    %get3A_396 = arith.constant 16 : index
    %get3A_397 = arith.constant 0 : index
    %get3A_398 = arith.constant 0 : index
    %get3A_399 = vector.load %arg0[%get3A_396, %get3A_397, %get3A_398] : memref<32x128x128xf32, #tpu.memory_space<vmem>>, vector<1x64x128xf32>
    %get3A_400 = vector.shape_cast %get3A_399 : vector<1x64x128xf32> to vector<64x128xf32>
    %get3A_401 = arith.constant 17 : index
    %get3A_402 = arith.constant 0 : index
    %get3A_403 = arith.constant 0 : index
    %get3A_404 = vector.load %arg0[%get3A_401, %get3A_402, %get3A_403] : memref<32x128x128xf32, #tpu.memory_space<vmem>>, vector<1x64x128xf32>
    %get3A_405 = vector.shape_cast %get3A_404 : vector<1x64x128xf32> to vector<64x128xf32>
    %add3A_406 = arith.addf %get3A_400, %get3A_405 : vector<64x128xf32>
    %get3A_407 = arith.constant 18 : index
    %get3A_408 = arith.constant 0 : index
    %get3A_409 = arith.constant 0 : index
    %get3A_410 = vector.load %arg0[%get3A_407, %get3A_408, %get3A_409] : memref<32x128x128xf32, #tpu.memory_space<vmem>>, vector<1x64x128xf32>
    %get3A_411 = vector.shape_cast %get3A_410 : vector<1x64x128xf32> to vector<64x128xf32>
    %add3A_412 = arith.addf %add3A_406, %get3A_411 : vector<64x128xf32>
    %get3A_413 = arith.constant 19 : index
    %get3A_414 = arith.constant 0 : index
    %get3A_415 = arith.constant 0 : index
    %get3A_416 = vector.load %arg0[%get3A_413, %get3A_414, %get3A_415] : memref<32x128x128xf32, #tpu.memory_space<vmem>>, vector<1x64x128xf32>
    %get3A_417 = vector.shape_cast %get3A_416 : vector<1x64x128xf32> to vector<64x128xf32>
    %add3A_418 = arith.addf %add3A_412, %get3A_417 : vector<64x128xf32>
    %get3A_419 = arith.constant 16 : index
    %get3A_420 = arith.constant 64 : index
    %get3A_421 = arith.constant 0 : index
    %get3A_422 = vector.load %arg0[%get3A_419, %get3A_420, %get3A_421] : memref<32x128x128xf32, #tpu.memory_space<vmem>>, vector<1x64x128xf32>
    %get3A_423 = vector.shape_cast %get3A_422 : vector<1x64x128xf32> to vector<64x128xf32>
    %get3A_424 = arith.constant 17 : index
    %get3A_425 = arith.constant 64 : index
    %get3A_426 = arith.constant 0 : index
    %get3A_427 = vector.load %arg0[%get3A_424, %get3A_425, %get3A_426] : memref<32x128x128xf32, #tpu.memory_space<vmem>>, vector<1x64x128xf32>
    %get3A_428 = vector.shape_cast %get3A_427 : vector<1x64x128xf32> to vector<64x128xf32>
    %add3A_429 = arith.addf %get3A_423, %get3A_428 : vector<64x128xf32>
    %get3A_430 = arith.constant 18 : index
    %get3A_431 = arith.constant 64 : index
    %get3A_432 = arith.constant 0 : index
    %get3A_433 = vector.load %arg0[%get3A_430, %get3A_431, %get3A_432] : memref<32x128x128xf32, #tpu.memory_space<vmem>>, vector<1x64x128xf32>
    %get3A_434 = vector.shape_cast %get3A_433 : vector<1x64x128xf32> to vector<64x128xf32>
    %add3A_435 = arith.addf %add3A_429, %get3A_434 : vector<64x128xf32>
    %get3A_436 = arith.constant 19 : index
    %get3A_437 = arith.constant 64 : index
    %get3A_438 = arith.constant 0 : index
    %get3A_439 = vector.load %arg0[%get3A_436, %get3A_437, %get3A_438] : memref<32x128x128xf32, #tpu.memory_space<vmem>>, vector<1x64x128xf32>
    %get3A_440 = vector.shape_cast %get3A_439 : vector<1x64x128xf32> to vector<64x128xf32>
    %add3A_441 = arith.addf %add3A_435, %get3A_440 : vector<64x128xf32>
    %add3A_442 = arith.addf %add3A_418, %add3A_441 : vector<64x128xf32>
    %dot_general3A_443 = arith.constant dense<0.000000e+00> : vector<64x128xf32>
    %dot_general3A_444 = tpu.matmul %add3A_442, %convert_element_type3A_1, %dot_general3A_443 {dimension_numbers = #tpu.dot_dimension_numbers<[1], [0], [0], [1], [0, 0, 1, 1], [], []>, transpose_lhs_hint = false} : vector<64x128xf32>, vector<128x128xf32>, vector<64x128xf32> -> vector<64x128xf32>
    %dot_general3A_445 = arith.constant dense<0.000000e+00> : vector<64x128xf32>
    %dot_general3A_446 = tpu.matmul %add3A_441, %convert_element_type3A_1, %dot_general3A_445 {dimension_numbers = #tpu.dot_dimension_numbers<[1], [0], [0], [1], [0, 0, 1, 1], [], []>, transpose_lhs_hint = false} : vector<64x128xf32>, vector<128x128xf32>, vector<64x128xf32> -> vector<64x128xf32>
    %slice3A_447 = vector.extract_strided_slice %dot_general3A_444 {offsets = [0, 127], sizes = [64, 1], strides = [1, 1]} : vector<64x128xf32> to vector<64x1xf32>
    %dot_general3A_448 = arith.constant dense<0.000000e+00> : vector<64x1xf32>
    %dot_general3A_449 = tpu.matmul %convert_element_type3A_5, %slice3A_447, %dot_general3A_448 {dimension_numbers = #tpu.dot_dimension_numbers<[1], [0], [0], [1], [0, 0, 1, 1], [], []>, transpose_lhs_hint = false} : vector<64x64xf32>, vector<64x1xf32>, vector<64x1xf32> -> vector<64x1xf32>
    %slice3A_450 = vector.extract_strided_slice %dot_general3A_446 {offsets = [0, 127], sizes = [64, 1], strides = [1, 1]} : vector<64x128xf32> to vector<64x1xf32>
    %dot_general3A_451 = arith.constant dense<0.000000e+00> : vector<64x1xf32>
    %dot_general3A_452 = tpu.matmul %convert_element_type3A_5, %slice3A_450, %dot_general3A_451 {dimension_numbers = #tpu.dot_dimension_numbers<[1], [0], [0], [1], [0, 0, 1, 1], [], []>, transpose_lhs_hint = false} : vector<64x64xf32>, vector<64x1xf32>, vector<64x1xf32> -> vector<64x1xf32>
    %add3A_453 = vector.broadcast %dot_general3A_449 : vector<64x1xf32> to vector<64x128xf32>
    %add3A_454 = arith.addf %dot_general3A_444, %add3A_453 : vector<64x128xf32>
    %add3A_455 = vector.broadcast %dot_general3A_452 : vector<64x1xf32> to vector<64x128xf32>
    %add3A_456 = arith.addf %dot_general3A_446, %add3A_455 : vector<64x128xf32>
    %reduce_sum3A_457 = vector.shape_cast %add3A_441 : vector<64x128xf32> to vector<1x64x128xf32>
    %reduce_sum3A_458 = arith.constant dense<0.000000e+00> : vector<1xf32>
    %reduce_sum3A_459 = vector.multi_reduction <add>, %reduce_sum3A_457, %reduce_sum3A_458 [1, 2] : vector<1x64x128xf32> to vector<1xf32>
    %reduce_sum3A_460 = vector.shape_cast %reduce_sum3A_459 : vector<1xf32> to vector<1x1x1xf32>
    %reduce_sum3A_461 = vector.extract %reduce_sum3A_460[0, 0, 0] : f32 from vector<1x1x1xf32>
    %sub3A_462 = vector.broadcast %reduce_sum3A_461 : f32 to vector<64x128xf32>
    %sub3A_463 = arith.subf %sub3A_462, %add3A_456 : vector<64x128xf32>
    %add3A_464 = vector.broadcast %reduce_sum3A_461 : f32 to vector<64x128xf32>
    %add3A_465 = arith.addf %add3A_464, %add3A_454 : vector<64x128xf32>
    %sub3A_466 = arith.subf %add3A_465, %add3A_456 : vector<64x128xf32>
    %gt3A_467 = arith.constant 0.000000e+00 : f32
    %gt3A_468 = vector.broadcast %gt3A_467 : f32 to vector<64x128xf32>
    %gt3A_469 = arith.cmpf ogt, %sub3A_466, %gt3A_468 : vector<64x128xf32>
    %div3A_470 = arith.divf %sub3A_463, %sub3A_466 : vector<64x128xf32>
    %sub3A_471 = arith.constant 1.000000e+00 : f32
    %sub3A_472 = vector.broadcast %sub3A_471 : f32 to vector<64x128xf32>
    %sub3A_473 = arith.subf %sub3A_472, %div3A_470 : vector<64x128xf32>
    %jit3A_474 = arith.constant 0.000000e+00 : f32
    %broadcast_in_dim3A_475 = vector.broadcast %jit3A_474 : f32 to vector<64x128xf32>
    %select_n3A_476 = arith.select %gt3A_469, %sub3A_473, %broadcast_in_dim3A_475 : vector<64x128xi1>, vector<64x128xf32>
    %mul3A_477 = arith.mulf %select_n3A_476, %convert_element_type3A_14 : vector<64x128xf32>
    %reduce_sum3A_478 = vector.shape_cast %mul3A_477 : vector<64x128xf32> to vector<1x64x128xf32>
    %reduce_sum3A_479 = arith.constant dense<0.000000e+00> : vector<1xf32>
    %reduce_sum3A_480 = vector.multi_reduction <add>, %reduce_sum3A_478, %reduce_sum3A_479 [1, 2] : vector<1x64x128xf32> to vector<1xf32>
    %reduce_sum3A_481 = vector.shape_cast %reduce_sum3A_480 : vector<1xf32> to vector<1x1x1xf32>
    %reduce_sum3A_482 = vector.extract %reduce_sum3A_481[0, 0, 0] : f32 from vector<1x1x1xf32>
    %reduce_sum3A_483 = vector.shape_cast %select_n3A_476 : vector<64x128xf32> to vector<1x64x128xf32>
    %reduce_sum3A_484 = arith.constant dense<0.000000e+00> : vector<1xf32>
    %reduce_sum3A_485 = vector.multi_reduction <add>, %reduce_sum3A_483, %reduce_sum3A_484 [1, 2] : vector<1x64x128xf32> to vector<1xf32>
    %reduce_sum3A_486 = vector.shape_cast %reduce_sum3A_485 : vector<1xf32> to vector<1x1x1xf32>
    %reduce_sum3A_487 = vector.extract %reduce_sum3A_486[0, 0, 0] : f32 from vector<1x1x1xf32>
    %mul3A_488 = arith.constant 5.000000e-01 : f32
    %mul3A_489 = arith.mulf %mul3A_488, %reduce_sum3A_482 : f32
    %sub3A_490 = arith.subf %reduce_sum3A_487, %mul3A_489 : f32
    %mul3A_491 = arith.constant 1.22070313E-4 : f32
    %mul3A_492 = arith.mulf %sub3A_490, %mul3A_491 : f32
    %add3A_493 = arith.addf %add3A_395, %mul3A_492 : f32
    %get3A_494 = arith.constant 20 : index
    %get3A_495 = arith.constant 0 : index
    %get3A_496 = arith.constant 0 : index
    %get3A_497 = vector.load %arg0[%get3A_494, %get3A_495, %get3A_496] : memref<32x128x128xf32, #tpu.memory_space<vmem>>, vector<1x64x128xf32>
    %get3A_498 = vector.shape_cast %get3A_497 : vector<1x64x128xf32> to vector<64x128xf32>
    %get3A_499 = arith.constant 21 : index
    %get3A_500 = arith.constant 0 : index
    %get3A_501 = arith.constant 0 : index
    %get3A_502 = vector.load %arg0[%get3A_499, %get3A_500, %get3A_501] : memref<32x128x128xf32, #tpu.memory_space<vmem>>, vector<1x64x128xf32>
    %get3A_503 = vector.shape_cast %get3A_502 : vector<1x64x128xf32> to vector<64x128xf32>
    %add3A_504 = arith.addf %get3A_498, %get3A_503 : vector<64x128xf32>
    %get3A_505 = arith.constant 22 : index
    %get3A_506 = arith.constant 0 : index
    %get3A_507 = arith.constant 0 : index
    %get3A_508 = vector.load %arg0[%get3A_505, %get3A_506, %get3A_507] : memref<32x128x128xf32, #tpu.memory_space<vmem>>, vector<1x64x128xf32>
    %get3A_509 = vector.shape_cast %get3A_508 : vector<1x64x128xf32> to vector<64x128xf32>
    %add3A_510 = arith.addf %add3A_504, %get3A_509 : vector<64x128xf32>
    %get3A_511 = arith.constant 23 : index
    %get3A_512 = arith.constant 0 : index
    %get3A_513 = arith.constant 0 : index
    %get3A_514 = vector.load %arg0[%get3A_511, %get3A_512, %get3A_513] : memref<32x128x128xf32, #tpu.memory_space<vmem>>, vector<1x64x128xf32>
    %get3A_515 = vector.shape_cast %get3A_514 : vector<1x64x128xf32> to vector<64x128xf32>
    %add3A_516 = arith.addf %add3A_510, %get3A_515 : vector<64x128xf32>
    %get3A_517 = arith.constant 20 : index
    %get3A_518 = arith.constant 64 : index
    %get3A_519 = arith.constant 0 : index
    %get3A_520 = vector.load %arg0[%get3A_517, %get3A_518, %get3A_519] : memref<32x128x128xf32, #tpu.memory_space<vmem>>, vector<1x64x128xf32>
    %get3A_521 = vector.shape_cast %get3A_520 : vector<1x64x128xf32> to vector<64x128xf32>
    %get3A_522 = arith.constant 21 : index
    %get3A_523 = arith.constant 64 : index
    %get3A_524 = arith.constant 0 : index
    %get3A_525 = vector.load %arg0[%get3A_522, %get3A_523, %get3A_524] : memref<32x128x128xf32, #tpu.memory_space<vmem>>, vector<1x64x128xf32>
    %get3A_526 = vector.shape_cast %get3A_525 : vector<1x64x128xf32> to vector<64x128xf32>
    %add3A_527 = arith.addf %get3A_521, %get3A_526 : vector<64x128xf32>
    %get3A_528 = arith.constant 22 : index
    %get3A_529 = arith.constant 64 : index
    %get3A_530 = arith.constant 0 : index
    %get3A_531 = vector.load %arg0[%get3A_528, %get3A_529, %get3A_530] : memref<32x128x128xf32, #tpu.memory_space<vmem>>, vector<1x64x128xf32>
    %get3A_532 = vector.shape_cast %get3A_531 : vector<1x64x128xf32> to vector<64x128xf32>
    %add3A_533 = arith.addf %add3A_527, %get3A_532 : vector<64x128xf32>
    %get3A_534 = arith.constant 23 : index
    %get3A_535 = arith.constant 64 : index
    %get3A_536 = arith.constant 0 : index
    %get3A_537 = vector.load %arg0[%get3A_534, %get3A_535, %get3A_536] : memref<32x128x128xf32, #tpu.memory_space<vmem>>, vector<1x64x128xf32>
    %get3A_538 = vector.shape_cast %get3A_537 : vector<1x64x128xf32> to vector<64x128xf32>
    %add3A_539 = arith.addf %add3A_533, %get3A_538 : vector<64x128xf32>
    %add3A_540 = arith.addf %add3A_516, %add3A_539 : vector<64x128xf32>
    %dot_general3A_541 = arith.constant dense<0.000000e+00> : vector<64x128xf32>
    %dot_general3A_542 = tpu.matmul %add3A_540, %convert_element_type3A_1, %dot_general3A_541 {dimension_numbers = #tpu.dot_dimension_numbers<[1], [0], [0], [1], [0, 0, 1, 1], [], []>, transpose_lhs_hint = false} : vector<64x128xf32>, vector<128x128xf32>, vector<64x128xf32> -> vector<64x128xf32>
    %dot_general3A_543 = arith.constant dense<0.000000e+00> : vector<64x128xf32>
    %dot_general3A_544 = tpu.matmul %add3A_539, %convert_element_type3A_1, %dot_general3A_543 {dimension_numbers = #tpu.dot_dimension_numbers<[1], [0], [0], [1], [0, 0, 1, 1], [], []>, transpose_lhs_hint = false} : vector<64x128xf32>, vector<128x128xf32>, vector<64x128xf32> -> vector<64x128xf32>
    %slice3A_545 = vector.extract_strided_slice %dot_general3A_542 {offsets = [0, 127], sizes = [64, 1], strides = [1, 1]} : vector<64x128xf32> to vector<64x1xf32>
    %dot_general3A_546 = arith.constant dense<0.000000e+00> : vector<64x1xf32>
    %dot_general3A_547 = tpu.matmul %convert_element_type3A_5, %slice3A_545, %dot_general3A_546 {dimension_numbers = #tpu.dot_dimension_numbers<[1], [0], [0], [1], [0, 0, 1, 1], [], []>, transpose_lhs_hint = false} : vector<64x64xf32>, vector<64x1xf32>, vector<64x1xf32> -> vector<64x1xf32>
    %slice3A_548 = vector.extract_strided_slice %dot_general3A_544 {offsets = [0, 127], sizes = [64, 1], strides = [1, 1]} : vector<64x128xf32> to vector<64x1xf32>
    %dot_general3A_549 = arith.constant dense<0.000000e+00> : vector<64x1xf32>
    %dot_general3A_550 = tpu.matmul %convert_element_type3A_5, %slice3A_548, %dot_general3A_549 {dimension_numbers = #tpu.dot_dimension_numbers<[1], [0], [0], [1], [0, 0, 1, 1], [], []>, transpose_lhs_hint = false} : vector<64x64xf32>, vector<64x1xf32>, vector<64x1xf32> -> vector<64x1xf32>
    %add3A_551 = vector.broadcast %dot_general3A_547 : vector<64x1xf32> to vector<64x128xf32>
    %add3A_552 = arith.addf %dot_general3A_542, %add3A_551 : vector<64x128xf32>
    %add3A_553 = vector.broadcast %dot_general3A_550 : vector<64x1xf32> to vector<64x128xf32>
    %add3A_554 = arith.addf %dot_general3A_544, %add3A_553 : vector<64x128xf32>
    %reduce_sum3A_555 = vector.shape_cast %add3A_539 : vector<64x128xf32> to vector<1x64x128xf32>
    %reduce_sum3A_556 = arith.constant dense<0.000000e+00> : vector<1xf32>
    %reduce_sum3A_557 = vector.multi_reduction <add>, %reduce_sum3A_555, %reduce_sum3A_556 [1, 2] : vector<1x64x128xf32> to vector<1xf32>
    %reduce_sum3A_558 = vector.shape_cast %reduce_sum3A_557 : vector<1xf32> to vector<1x1x1xf32>
    %reduce_sum3A_559 = vector.extract %reduce_sum3A_558[0, 0, 0] : f32 from vector<1x1x1xf32>
    %sub3A_560 = vector.broadcast %reduce_sum3A_559 : f32 to vector<64x128xf32>
    %sub3A_561 = arith.subf %sub3A_560, %add3A_554 : vector<64x128xf32>
    %add3A_562 = vector.broadcast %reduce_sum3A_559 : f32 to vector<64x128xf32>
    %add3A_563 = arith.addf %add3A_562, %add3A_552 : vector<64x128xf32>
    %sub3A_564 = arith.subf %add3A_563, %add3A_554 : vector<64x128xf32>
    %gt3A_565 = arith.constant 0.000000e+00 : f32
    %gt3A_566 = vector.broadcast %gt3A_565 : f32 to vector<64x128xf32>
    %gt3A_567 = arith.cmpf ogt, %sub3A_564, %gt3A_566 : vector<64x128xf32>
    %div3A_568 = arith.divf %sub3A_561, %sub3A_564 : vector<64x128xf32>
    %sub3A_569 = arith.constant 1.000000e+00 : f32
    %sub3A_570 = vector.broadcast %sub3A_569 : f32 to vector<64x128xf32>
    %sub3A_571 = arith.subf %sub3A_570, %div3A_568 : vector<64x128xf32>
    %jit3A_572 = arith.constant 0.000000e+00 : f32
    %broadcast_in_dim3A_573 = vector.broadcast %jit3A_572 : f32 to vector<64x128xf32>
    %select_n3A_574 = arith.select %gt3A_567, %sub3A_571, %broadcast_in_dim3A_573 : vector<64x128xi1>, vector<64x128xf32>
    %mul3A_575 = arith.mulf %select_n3A_574, %convert_element_type3A_14 : vector<64x128xf32>
    %reduce_sum3A_576 = vector.shape_cast %mul3A_575 : vector<64x128xf32> to vector<1x64x128xf32>
    %reduce_sum3A_577 = arith.constant dense<0.000000e+00> : vector<1xf32>
    %reduce_sum3A_578 = vector.multi_reduction <add>, %reduce_sum3A_576, %reduce_sum3A_577 [1, 2] : vector<1x64x128xf32> to vector<1xf32>
    %reduce_sum3A_579 = vector.shape_cast %reduce_sum3A_578 : vector<1xf32> to vector<1x1x1xf32>
    %reduce_sum3A_580 = vector.extract %reduce_sum3A_579[0, 0, 0] : f32 from vector<1x1x1xf32>
    %reduce_sum3A_581 = vector.shape_cast %select_n3A_574 : vector<64x128xf32> to vector<1x64x128xf32>
    %reduce_sum3A_582 = arith.constant dense<0.000000e+00> : vector<1xf32>
    %reduce_sum3A_583 = vector.multi_reduction <add>, %reduce_sum3A_581, %reduce_sum3A_582 [1, 2] : vector<1x64x128xf32> to vector<1xf32>
    %reduce_sum3A_584 = vector.shape_cast %reduce_sum3A_583 : vector<1xf32> to vector<1x1x1xf32>
    %reduce_sum3A_585 = vector.extract %reduce_sum3A_584[0, 0, 0] : f32 from vector<1x1x1xf32>
    %mul3A_586 = arith.constant 5.000000e-01 : f32
    %mul3A_587 = arith.mulf %mul3A_586, %reduce_sum3A_580 : f32
    %sub3A_588 = arith.subf %reduce_sum3A_585, %mul3A_587 : f32
    %mul3A_589 = arith.constant 1.22070313E-4 : f32
    %mul3A_590 = arith.mulf %sub3A_588, %mul3A_589 : f32
    %add3A_591 = arith.addf %add3A_493, %mul3A_590 : f32
    %get3A_592 = arith.constant 24 : index
    %get3A_593 = arith.constant 0 : index
    %get3A_594 = arith.constant 0 : index
    %get3A_595 = vector.load %arg0[%get3A_592, %get3A_593, %get3A_594] : memref<32x128x128xf32, #tpu.memory_space<vmem>>, vector<1x64x128xf32>
    %get3A_596 = vector.shape_cast %get3A_595 : vector<1x64x128xf32> to vector<64x128xf32>
    %get3A_597 = arith.constant 25 : index
    %get3A_598 = arith.constant 0 : index
    %get3A_599 = arith.constant 0 : index
    %get3A_600 = vector.load %arg0[%get3A_597, %get3A_598, %get3A_599] : memref<32x128x128xf32, #tpu.memory_space<vmem>>, vector<1x64x128xf32>
    %get3A_601 = vector.shape_cast %get3A_600 : vector<1x64x128xf32> to vector<64x128xf32>
    %add3A_602 = arith.addf %get3A_596, %get3A_601 : vector<64x128xf32>
    %get3A_603 = arith.constant 26 : index
    %get3A_604 = arith.constant 0 : index
    %get3A_605 = arith.constant 0 : index
    %get3A_606 = vector.load %arg0[%get3A_603, %get3A_604, %get3A_605] : memref<32x128x128xf32, #tpu.memory_space<vmem>>, vector<1x64x128xf32>
    %get3A_607 = vector.shape_cast %get3A_606 : vector<1x64x128xf32> to vector<64x128xf32>
    %add3A_608 = arith.addf %add3A_602, %get3A_607 : vector<64x128xf32>
    %get3A_609 = arith.constant 27 : index
    %get3A_610 = arith.constant 0 : index
    %get3A_611 = arith.constant 0 : index
    %get3A_612 = vector.load %arg0[%get3A_609, %get3A_610, %get3A_611] : memref<32x128x128xf32, #tpu.memory_space<vmem>>, vector<1x64x128xf32>
    %get3A_613 = vector.shape_cast %get3A_612 : vector<1x64x128xf32> to vector<64x128xf32>
    %add3A_614 = arith.addf %add3A_608, %get3A_613 : vector<64x128xf32>
    %get3A_615 = arith.constant 24 : index
    %get3A_616 = arith.constant 64 : index
    %get3A_617 = arith.constant 0 : index
    %get3A_618 = vector.load %arg0[%get3A_615, %get3A_616, %get3A_617] : memref<32x128x128xf32, #tpu.memory_space<vmem>>, vector<1x64x128xf32>
    %get3A_619 = vector.shape_cast %get3A_618 : vector<1x64x128xf32> to vector<64x128xf32>
    %get3A_620 = arith.constant 25 : index
    %get3A_621 = arith.constant 64 : index
    %get3A_622 = arith.constant 0 : index
    %get3A_623 = vector.load %arg0[%get3A_620, %get3A_621, %get3A_622] : memref<32x128x128xf32, #tpu.memory_space<vmem>>, vector<1x64x128xf32>
    %get3A_624 = vector.shape_cast %get3A_623 : vector<1x64x128xf32> to vector<64x128xf32>
    %add3A_625 = arith.addf %get3A_619, %get3A_624 : vector<64x128xf32>
    %get3A_626 = arith.constant 26 : index
    %get3A_627 = arith.constant 64 : index
    %get3A_628 = arith.constant 0 : index
    %get3A_629 = vector.load %arg0[%get3A_626, %get3A_627, %get3A_628] : memref<32x128x128xf32, #tpu.memory_space<vmem>>, vector<1x64x128xf32>
    %get3A_630 = vector.shape_cast %get3A_629 : vector<1x64x128xf32> to vector<64x128xf32>
    %add3A_631 = arith.addf %add3A_625, %get3A_630 : vector<64x128xf32>
    %get3A_632 = arith.constant 27 : index
    %get3A_633 = arith.constant 64 : index
    %get3A_634 = arith.constant 0 : index
    %get3A_635 = vector.load %arg0[%get3A_632, %get3A_633, %get3A_634] : memref<32x128x128xf32, #tpu.memory_space<vmem>>, vector<1x64x128xf32>
    %get3A_636 = vector.shape_cast %get3A_635 : vector<1x64x128xf32> to vector<64x128xf32>
    %add3A_637 = arith.addf %add3A_631, %get3A_636 : vector<64x128xf32>
    %add3A_638 = arith.addf %add3A_614, %add3A_637 : vector<64x128xf32>
    %dot_general3A_639 = arith.constant dense<0.000000e+00> : vector<64x128xf32>
    %dot_general3A_640 = tpu.matmul %add3A_638, %convert_element_type3A_1, %dot_general3A_639 {dimension_numbers = #tpu.dot_dimension_numbers<[1], [0], [0], [1], [0, 0, 1, 1], [], []>, transpose_lhs_hint = false} : vector<64x128xf32>, vector<128x128xf32>, vector<64x128xf32> -> vector<64x128xf32>
    %dot_general3A_641 = arith.constant dense<0.000000e+00> : vector<64x128xf32>
    %dot_general3A_642 = tpu.matmul %add3A_637, %convert_element_type3A_1, %dot_general3A_641 {dimension_numbers = #tpu.dot_dimension_numbers<[1], [0], [0], [1], [0, 0, 1, 1], [], []>, transpose_lhs_hint = false} : vector<64x128xf32>, vector<128x128xf32>, vector<64x128xf32> -> vector<64x128xf32>
    %slice3A_643 = vector.extract_strided_slice %dot_general3A_640 {offsets = [0, 127], sizes = [64, 1], strides = [1, 1]} : vector<64x128xf32> to vector<64x1xf32>
    %dot_general3A_644 = arith.constant dense<0.000000e+00> : vector<64x1xf32>
    %dot_general3A_645 = tpu.matmul %convert_element_type3A_5, %slice3A_643, %dot_general3A_644 {dimension_numbers = #tpu.dot_dimension_numbers<[1], [0], [0], [1], [0, 0, 1, 1], [], []>, transpose_lhs_hint = false} : vector<64x64xf32>, vector<64x1xf32>, vector<64x1xf32> -> vector<64x1xf32>
    %slice3A_646 = vector.extract_strided_slice %dot_general3A_642 {offsets = [0, 127], sizes = [64, 1], strides = [1, 1]} : vector<64x128xf32> to vector<64x1xf32>
    %dot_general3A_647 = arith.constant dense<0.000000e+00> : vector<64x1xf32>
    %dot_general3A_648 = tpu.matmul %convert_element_type3A_5, %slice3A_646, %dot_general3A_647 {dimension_numbers = #tpu.dot_dimension_numbers<[1], [0], [0], [1], [0, 0, 1, 1], [], []>, transpose_lhs_hint = false} : vector<64x64xf32>, vector<64x1xf32>, vector<64x1xf32> -> vector<64x1xf32>
    %add3A_649 = vector.broadcast %dot_general3A_645 : vector<64x1xf32> to vector<64x128xf32>
    %add3A_650 = arith.addf %dot_general3A_640, %add3A_649 : vector<64x128xf32>
    %add3A_651 = vector.broadcast %dot_general3A_648 : vector<64x1xf32> to vector<64x128xf32>
    %add3A_652 = arith.addf %dot_general3A_642, %add3A_651 : vector<64x128xf32>
    %reduce_sum3A_653 = vector.shape_cast %add3A_637 : vector<64x128xf32> to vector<1x64x128xf32>
    %reduce_sum3A_654 = arith.constant dense<0.000000e+00> : vector<1xf32>
    %reduce_sum3A_655 = vector.multi_reduction <add>, %reduce_sum3A_653, %reduce_sum3A_654 [1, 2] : vector<1x64x128xf32> to vector<1xf32>
    %reduce_sum3A_656 = vector.shape_cast %reduce_sum3A_655 : vector<1xf32> to vector<1x1x1xf32>
    %reduce_sum3A_657 = vector.extract %reduce_sum3A_656[0, 0, 0] : f32 from vector<1x1x1xf32>
    %sub3A_658 = vector.broadcast %reduce_sum3A_657 : f32 to vector<64x128xf32>
    %sub3A_659 = arith.subf %sub3A_658, %add3A_652 : vector<64x128xf32>
    %add3A_660 = vector.broadcast %reduce_sum3A_657 : f32 to vector<64x128xf32>
    %add3A_661 = arith.addf %add3A_660, %add3A_650 : vector<64x128xf32>
    %sub3A_662 = arith.subf %add3A_661, %add3A_652 : vector<64x128xf32>
    %gt3A_663 = arith.constant 0.000000e+00 : f32
    %gt3A_664 = vector.broadcast %gt3A_663 : f32 to vector<64x128xf32>
    %gt3A_665 = arith.cmpf ogt, %sub3A_662, %gt3A_664 : vector<64x128xf32>
    %div3A_666 = arith.divf %sub3A_659, %sub3A_662 : vector<64x128xf32>
    %sub3A_667 = arith.constant 1.000000e+00 : f32
    %sub3A_668 = vector.broadcast %sub3A_667 : f32 to vector<64x128xf32>
    %sub3A_669 = arith.subf %sub3A_668, %div3A_666 : vector<64x128xf32>
    %jit3A_670 = arith.constant 0.000000e+00 : f32
    %broadcast_in_dim3A_671 = vector.broadcast %jit3A_670 : f32 to vector<64x128xf32>
    %select_n3A_672 = arith.select %gt3A_665, %sub3A_669, %broadcast_in_dim3A_671 : vector<64x128xi1>, vector<64x128xf32>
    %mul3A_673 = arith.mulf %select_n3A_672, %convert_element_type3A_14 : vector<64x128xf32>
    %reduce_sum3A_674 = vector.shape_cast %mul3A_673 : vector<64x128xf32> to vector<1x64x128xf32>
    %reduce_sum3A_675 = arith.constant dense<0.000000e+00> : vector<1xf32>
    %reduce_sum3A_676 = vector.multi_reduction <add>, %reduce_sum3A_674, %reduce_sum3A_675 [1, 2] : vector<1x64x128xf32> to vector<1xf32>
    %reduce_sum3A_677 = vector.shape_cast %reduce_sum3A_676 : vector<1xf32> to vector<1x1x1xf32>
    %reduce_sum3A_678 = vector.extract %reduce_sum3A_677[0, 0, 0] : f32 from vector<1x1x1xf32>
    %reduce_sum3A_679 = vector.shape_cast %select_n3A_672 : vector<64x128xf32> to vector<1x64x128xf32>
    %reduce_sum3A_680 = arith.constant dense<0.000000e+00> : vector<1xf32>
    %reduce_sum3A_681 = vector.multi_reduction <add>, %reduce_sum3A_679, %reduce_sum3A_680 [1, 2] : vector<1x64x128xf32> to vector<1xf32>
    %reduce_sum3A_682 = vector.shape_cast %reduce_sum3A_681 : vector<1xf32> to vector<1x1x1xf32>
    %reduce_sum3A_683 = vector.extract %reduce_sum3A_682[0, 0, 0] : f32 from vector<1x1x1xf32>
    %mul3A_684 = arith.constant 5.000000e-01 : f32
    %mul3A_685 = arith.mulf %mul3A_684, %reduce_sum3A_678 : f32
    %sub3A_686 = arith.subf %reduce_sum3A_683, %mul3A_685 : f32
    %mul3A_687 = arith.constant 1.22070313E-4 : f32
    %mul3A_688 = arith.mulf %sub3A_686, %mul3A_687 : f32
    %add3A_689 = arith.addf %add3A_591, %mul3A_688 : f32
    %get3A_690 = arith.constant 28 : index
    %get3A_691 = arith.constant 0 : index
    %get3A_692 = arith.constant 0 : index
    %get3A_693 = vector.load %arg0[%get3A_690, %get3A_691, %get3A_692] : memref<32x128x128xf32, #tpu.memory_space<vmem>>, vector<1x64x128xf32>
    %get3A_694 = vector.shape_cast %get3A_693 : vector<1x64x128xf32> to vector<64x128xf32>
    %get3A_695 = arith.constant 29 : index
    %get3A_696 = arith.constant 0 : index
    %get3A_697 = arith.constant 0 : index
    %get3A_698 = vector.load %arg0[%get3A_695, %get3A_696, %get3A_697] : memref<32x128x128xf32, #tpu.memory_space<vmem>>, vector<1x64x128xf32>
    %get3A_699 = vector.shape_cast %get3A_698 : vector<1x64x128xf32> to vector<64x128xf32>
    %add3A_700 = arith.addf %get3A_694, %get3A_699 : vector<64x128xf32>
    %get3A_701 = arith.constant 30 : index
    %get3A_702 = arith.constant 0 : index
    %get3A_703 = arith.constant 0 : index
    %get3A_704 = vector.load %arg0[%get3A_701, %get3A_702, %get3A_703] : memref<32x128x128xf32, #tpu.memory_space<vmem>>, vector<1x64x128xf32>
    %get3A_705 = vector.shape_cast %get3A_704 : vector<1x64x128xf32> to vector<64x128xf32>
    %add3A_706 = arith.addf %add3A_700, %get3A_705 : vector<64x128xf32>
    %get3A_707 = arith.constant 31 : index
    %get3A_708 = arith.constant 0 : index
    %get3A_709 = arith.constant 0 : index
    %get3A_710 = vector.load %arg0[%get3A_707, %get3A_708, %get3A_709] : memref<32x128x128xf32, #tpu.memory_space<vmem>>, vector<1x64x128xf32>
    %get3A_711 = vector.shape_cast %get3A_710 : vector<1x64x128xf32> to vector<64x128xf32>
    %add3A_712 = arith.addf %add3A_706, %get3A_711 : vector<64x128xf32>
    %get3A_713 = arith.constant 28 : index
    %get3A_714 = arith.constant 64 : index
    %get3A_715 = arith.constant 0 : index
    %get3A_716 = vector.load %arg0[%get3A_713, %get3A_714, %get3A_715] : memref<32x128x128xf32, #tpu.memory_space<vmem>>, vector<1x64x128xf32>
    %get3A_717 = vector.shape_cast %get3A_716 : vector<1x64x128xf32> to vector<64x128xf32>
    %get3A_718 = arith.constant 29 : index
    %get3A_719 = arith.constant 64 : index
    %get3A_720 = arith.constant 0 : index
    %get3A_721 = vector.load %arg0[%get3A_718, %get3A_719, %get3A_720] : memref<32x128x128xf32, #tpu.memory_space<vmem>>, vector<1x64x128xf32>
    %get3A_722 = vector.shape_cast %get3A_721 : vector<1x64x128xf32> to vector<64x128xf32>
    %add3A_723 = arith.addf %get3A_717, %get3A_722 : vector<64x128xf32>
    %get3A_724 = arith.constant 30 : index
    %get3A_725 = arith.constant 64 : index
    %get3A_726 = arith.constant 0 : index
    %get3A_727 = vector.load %arg0[%get3A_724, %get3A_725, %get3A_726] : memref<32x128x128xf32, #tpu.memory_space<vmem>>, vector<1x64x128xf32>
    %get3A_728 = vector.shape_cast %get3A_727 : vector<1x64x128xf32> to vector<64x128xf32>
    %add3A_729 = arith.addf %add3A_723, %get3A_728 : vector<64x128xf32>
    %get3A_730 = arith.constant 31 : index
    %get3A_731 = arith.constant 64 : index
    %get3A_732 = arith.constant 0 : index
    %get3A_733 = vector.load %arg0[%get3A_730, %get3A_731, %get3A_732] : memref<32x128x128xf32, #tpu.memory_space<vmem>>, vector<1x64x128xf32>
    %get3A_734 = vector.shape_cast %get3A_733 : vector<1x64x128xf32> to vector<64x128xf32>
    %add3A_735 = arith.addf %add3A_729, %get3A_734 : vector<64x128xf32>
    %add3A_736 = arith.addf %add3A_712, %add3A_735 : vector<64x128xf32>
    %dot_general3A_737 = arith.constant dense<0.000000e+00> : vector<64x128xf32>
    %dot_general3A_738 = tpu.matmul %add3A_736, %convert_element_type3A_1, %dot_general3A_737 {dimension_numbers = #tpu.dot_dimension_numbers<[1], [0], [0], [1], [0, 0, 1, 1], [], []>, transpose_lhs_hint = false} : vector<64x128xf32>, vector<128x128xf32>, vector<64x128xf32> -> vector<64x128xf32>
    %dot_general3A_739 = arith.constant dense<0.000000e+00> : vector<64x128xf32>
    %dot_general3A_740 = tpu.matmul %add3A_735, %convert_element_type3A_1, %dot_general3A_739 {dimension_numbers = #tpu.dot_dimension_numbers<[1], [0], [0], [1], [0, 0, 1, 1], [], []>, transpose_lhs_hint = false} : vector<64x128xf32>, vector<128x128xf32>, vector<64x128xf32> -> vector<64x128xf32>
    %slice3A_741 = vector.extract_strided_slice %dot_general3A_738 {offsets = [0, 127], sizes = [64, 1], strides = [1, 1]} : vector<64x128xf32> to vector<64x1xf32>
    %dot_general3A_742 = arith.constant dense<0.000000e+00> : vector<64x1xf32>
    %dot_general3A_743 = tpu.matmul %convert_element_type3A_5, %slice3A_741, %dot_general3A_742 {dimension_numbers = #tpu.dot_dimension_numbers<[1], [0], [0], [1], [0, 0, 1, 1], [], []>, transpose_lhs_hint = false} : vector<64x64xf32>, vector<64x1xf32>, vector<64x1xf32> -> vector<64x1xf32>
    %slice3A_744 = vector.extract_strided_slice %dot_general3A_740 {offsets = [0, 127], sizes = [64, 1], strides = [1, 1]} : vector<64x128xf32> to vector<64x1xf32>
    %dot_general3A_745 = arith.constant dense<0.000000e+00> : vector<64x1xf32>
    %dot_general3A_746 = tpu.matmul %convert_element_type3A_5, %slice3A_744, %dot_general3A_745 {dimension_numbers = #tpu.dot_dimension_numbers<[1], [0], [0], [1], [0, 0, 1, 1], [], []>, transpose_lhs_hint = false} : vector<64x64xf32>, vector<64x1xf32>, vector<64x1xf32> -> vector<64x1xf32>
    %add3A_747 = vector.broadcast %dot_general3A_743 : vector<64x1xf32> to vector<64x128xf32>
    %add3A_748 = arith.addf %dot_general3A_738, %add3A_747 : vector<64x128xf32>
    %add3A_749 = vector.broadcast %dot_general3A_746 : vector<64x1xf32> to vector<64x128xf32>
    %add3A_750 = arith.addf %dot_general3A_740, %add3A_749 : vector<64x128xf32>
    %reduce_sum3A_751 = vector.shape_cast %add3A_735 : vector<64x128xf32> to vector<1x64x128xf32>
    %reduce_sum3A_752 = arith.constant dense<0.000000e+00> : vector<1xf32>
    %reduce_sum3A_753 = vector.multi_reduction <add>, %reduce_sum3A_751, %reduce_sum3A_752 [1, 2] : vector<1x64x128xf32> to vector<1xf32>
    %reduce_sum3A_754 = vector.shape_cast %reduce_sum3A_753 : vector<1xf32> to vector<1x1x1xf32>
    %reduce_sum3A_755 = vector.extract %reduce_sum3A_754[0, 0, 0] : f32 from vector<1x1x1xf32>
    %sub3A_756 = vector.broadcast %reduce_sum3A_755 : f32 to vector<64x128xf32>
    %sub3A_757 = arith.subf %sub3A_756, %add3A_750 : vector<64x128xf32>
    %add3A_758 = vector.broadcast %reduce_sum3A_755 : f32 to vector<64x128xf32>
    %add3A_759 = arith.addf %add3A_758, %add3A_748 : vector<64x128xf32>
    %sub3A_760 = arith.subf %add3A_759, %add3A_750 : vector<64x128xf32>
    %gt3A_761 = arith.constant 0.000000e+00 : f32
    %gt3A_762 = vector.broadcast %gt3A_761 : f32 to vector<64x128xf32>
    %gt3A_763 = arith.cmpf ogt, %sub3A_760, %gt3A_762 : vector<64x128xf32>
    %div3A_764 = arith.divf %sub3A_757, %sub3A_760 : vector<64x128xf32>
    %sub3A_765 = arith.constant 1.000000e+00 : f32
    %sub3A_766 = vector.broadcast %sub3A_765 : f32 to vector<64x128xf32>
    %sub3A_767 = arith.subf %sub3A_766, %div3A_764 : vector<64x128xf32>
    %jit3A_768 = arith.constant 0.000000e+00 : f32
    %broadcast_in_dim3A_769 = vector.broadcast %jit3A_768 : f32 to vector<64x128xf32>
    %select_n3A_770 = arith.select %gt3A_763, %sub3A_767, %broadcast_in_dim3A_769 : vector<64x128xi1>, vector<64x128xf32>
    %mul3A_771 = arith.mulf %select_n3A_770, %convert_element_type3A_14 : vector<64x128xf32>
    %reduce_sum3A_772 = vector.shape_cast %mul3A_771 : vector<64x128xf32> to vector<1x64x128xf32>
    %reduce_sum3A_773 = arith.constant dense<0.000000e+00> : vector<1xf32>
    %reduce_sum3A_774 = vector.multi_reduction <add>, %reduce_sum3A_772, %reduce_sum3A_773 [1, 2] : vector<1x64x128xf32> to vector<1xf32>
    %reduce_sum3A_775 = vector.shape_cast %reduce_sum3A_774 : vector<1xf32> to vector<1x1x1xf32>
    %reduce_sum3A_776 = vector.extract %reduce_sum3A_775[0, 0, 0] : f32 from vector<1x1x1xf32>
    %reduce_sum3A_777 = vector.shape_cast %select_n3A_770 : vector<64x128xf32> to vector<1x64x128xf32>
    %reduce_sum3A_778 = arith.constant dense<0.000000e+00> : vector<1xf32>
    %reduce_sum3A_779 = vector.multi_reduction <add>, %reduce_sum3A_777, %reduce_sum3A_778 [1, 2] : vector<1x64x128xf32> to vector<1xf32>
    %reduce_sum3A_780 = vector.shape_cast %reduce_sum3A_779 : vector<1xf32> to vector<1x1x1xf32>
    %reduce_sum3A_781 = vector.extract %reduce_sum3A_780[0, 0, 0] : f32 from vector<1x1x1xf32>
    %mul3A_782 = arith.constant 5.000000e-01 : f32
    %mul3A_783 = arith.mulf %mul3A_782, %reduce_sum3A_776 : f32
    %sub3A_784 = arith.subf %reduce_sum3A_781, %mul3A_783 : f32
    %mul3A_785 = arith.constant 1.22070313E-4 : f32
    %mul3A_786 = arith.mulf %sub3A_784, %mul3A_785 : f32
    %add3A_787 = arith.addf %add3A_689, %mul3A_786 : f32
    %mul3A_788 = arith.constant 1.250000e-01 : f32
    %mul3A_789 = arith.mulf %add3A_787, %mul3A_788 : f32
    %swap3A = arith.constant 0 : index
    %swap3A_790 = arith.constant 0 : index
    %swap3A_791 = memref.load %arg1[%swap3A, %swap3A_790] : memref<1x1xf32, #tpu.memory_space<smem>>
    memref.store %mul3A_789, %arg1[%swap3A, %swap3A_790] : memref<1x1xf32, #tpu.memory_space<smem>>
    return
  }
}

</mosaic_0001>

<sc_bundles>
// kernel: kernel.4.cloned.1.call-start
scs
__scs_entry_jumppad:
0x0: {  	(pc) =	sbr.rel $0x88, $3  }
0x1: {  	(tag) =	ssettag $0x0;
	lr =	simm.s32 $0x1  }
0x2: {  	[smem:$0x3F9F] =	sst lr;
	_ =	strace $0xD0000000  }
0x3: {  	_ = 	snop  }
0x4: {  	_ = 	snop  }
0x5: {  	_ = 	snop  }
0x6: {  	_ = 	snop  }
0x7: {  	_ = 	snop  }
__scs_overlays_trampoline_lowered:
0x8: {  	[smem:$0x3FAE] =	sst s0  }
0x9: {  	[smem:$0x3FAF] =	sst s1  }
0xa: {  	[smem:$0x3FB0] =	sst s2  }
0xb: {  	[smem:$0x3FB1] =	sst s3  }
0xc: {  	[smem:$0x3FB2] =	sst s4  }
0xd: {  	[smem:$0x3FB3] =	sst s5  }
0xe: {  	[smem:$0x3FB4] =	sst s6  }
0xf: {  	[smem:$0x3FB5] =	sst s7  }
0x10: {  	[smem:$0x3FB6] =	sst s8  }
0x11: {  	[smem:$0x3FB7] =	sst s9;
	s0 =	simm.s32 @!p0 $0x0  }
0x12: {  	s1 =	sld [smem:$0x3F9D];
	s0 =	simm.s32 @p0 $0x1  }
0x13: {  	[smem:$0x3FB8] =	sst s0;
	s0 =	simm.s32 @!p1 $0x0  }
0x14: {  	s2 =	sld [smem:$0x3F9C];
	s0 =	simm.s32 @p1 $0x1  }
0x15: {  	[smem:$0x3FB9] =	sst s0;
	s0 =	simm.s32 @!p2 $0x0  }
0x16: {  	s3 =	sld [smem:$0x3FDB];
	s0 =	simm.s32 @p2 $0x1  }
0x17: {  	s4 =	simm.s32 $0x1BF5;
	[smem:$0x3FBB] =	sst s0  }
0x18: {  	s0 =	sld [smem:$0x3F9E];
	_ =	swait.ge [sflag:s4], $0x0  }
0x19: {  	s7 =	sld [smem:$0x3F9F]  }
0x1a: {  	s8 =	sadd.s32 $0xFFFFE003, lr  }
0x1b: {  	s9 =	sadd.s32 $0xFFFFFEF7, lr;
	s5 =	simm.s32 $0xFFFFFFFF;
	p2 =	slt.u32 s8, $0xFFFFF086  }
0x1c: {  	p1 =	slt.u32 s9, $0xF7A;
	s5 =	simm.s32 @!p2 $0x0  }
0x1d: {  	s5 =	simm.s32 @p1 $0x1;
	p0 =	seq.s32 s7, s2  }
0x1e: {  	s7 =	smul.u32 @!p0 $0xF7A, s2;
	p2 =	seq.s32 @!p0 s5, $0x0  }
0x1f: {  	s9 =	smul.u32 $0xF7A, s1;
	s8 =	simm.s32 @!p0 $0x1BF5;
	p2 =	por !p2, p0  }
0x20: {  	[sflag:s8] =	ssyncset.s32 @!p0 $0xFFFFF086;
	s6 =	sadd.s32 @!p0 s3, s7;
	s7 =	simm.s32 @!p0 $0x108  }
0x21: {  	s3 =	sadd.s32 s3, s9;
	s6 =	sadd.s32 @!p0 $0x88, s6;
	s7 =	simm.s32 @p2 $0x1082  }
0x22: {  	[simem:s7], [sflag:s8] =	dma.local @!p0 [hbm:s6], $0xF7A  }
0x23: {  	s9 =	sor.u32 $0xD0000000, s2;
	s6 =	simm.s32 $0x108;
	_ =	swait.ge @!p0 [sflag:s8], $0x0  }
0x24: {  	s3 =	sadd.s32 $0x88, s3;
	s6 =	simm.s32 @!p1 $0x1082;
	[sflag:s4] =	ssyncset.s32 $0xFFFFF086  }
0x25: {  	[simem:s6], [sflag:s4] =	dma.local [hbm:s3], $0xF7A  }
0x26: {  	[smem:$0x3F9F] =	sst s1;
	(tag) =	ssettag s2;
	_ =	strace s9  }
0x27: {  	s1 =	sld [smem:$0x3FAF]  }
0x28: {  	s2 =	sld [smem:$0x3FB0]  }
0x29: {  	s4 =	sld [smem:$0x3FB2]  }
0x2a: {  	p0 =	seq.s32 s5, $0x0;
	s5 =	sld [smem:$0x3FB3]  }
0x2b: {  	s6 =	sld [smem:$0x3FB4]  }
0x2c: {  	s7 =	sld [smem:$0x3FB5]  }
0x2d: {  	s3 =	simm.s32 $0x108;
	s8 =	sld [smem:$0x3FB6]  }
0x2e: {  	s3 =	simm.s32 @!p0 $0x1082;
	s9 =	sld [smem:$0x3FB7]  }
0x2f: {  	lr =	sadd.s32 s0, s3;
	s0 =	sld [smem:$0x3FAE]  }
0x30: {  	s3 =	sld [smem:$0x3FB1]  }
0x31: {  	[smem:$0x3FBA] =	sst s10  }
0x32: {  	s10 =	sld [smem:$0x3FB8];
	_ =	sdelay $0x3  }
0x33: {  	p0 =	seq.s32 s10, $0x1;
	s10 =	sld [smem:$0x3FBA];
	_ =	sdelay $0x3  }
0x34: {  	[smem:$0x3FBA] =	sst s10  }
0x35: {  	s10 =	sld [smem:$0x3FB9];
	_ =	sdelay $0x3  }
0x36: {  	p1 =	seq.s32 s10, $0x1;
	s10 =	sld [smem:$0x3FBA];
	_ =	sdelay $0x3  }
0x37: {  	[smem:$0x3FBA] =	sst s10  }
0x38: {  	s10 =	sld [smem:$0x3FBB]  }
0x39: {  	_ = 	snop;
	(pc) =	sbr.ind lr, $3  }
0x3a: {  	_ = 	snop  }
0x3b: {  	_ = 	snop  }
0x3c: {  	p2 =	seq.s32 s10, $0x1;
	s10 =	sld [smem:$0x3FBA]  }
0x3d: {  	_ =	shalt  }
0x3e: {  	_ =	shalt  }
0x3f: {  	_ =	shalt  }
0x40: {  	_ =	shalt  }
0x41: {  	_ =	shalt  }
0x42: {  	_ =	shalt  }
0x43: {  	_ =	shalt  }
0x44: {  	_ =	shalt  }
0x45: {  	_ =	shalt  }
0x46: {  	_ =	shalt  }
0x47: {  	_ =	shalt  }
0x48: {  	_ =	shalt  }
0x49: {  	_ =	shalt  }
0x4a: {  	_ =	shalt  }
0x4b: {  	_ =	shalt  }
0x4c: {  	_ =	shalt  }
0x4d: {  	_ =	shalt  }
0x4e: {  	_ =	shalt  }
0x4f: {  	_ =	shalt  }
0x50: {  	_ =	shalt  }
0x51: {  	_ =	shalt  }
0x52: {  	_ =	shalt  }
0x53: {  	_ =	shalt  }
0x54: {  	_ =	shalt  }
0x55: {  	_ =	shalt  }
0x56: {  	_ =	shalt  }
0x57: {  	_ =	shalt  }
0x58: {  	_ =	shalt  }
0x59: {  	_ =	shalt  }
0x5a: {  	_ =	shalt  }
0x5b: {  	_ =	shalt  }
0x5c: {  	_ =	shalt  }
0x5d: {  	_ =	shalt  }
0x5e: {  	_ =	shalt  }
0x5f: {  	_ =	shalt  }
0x60: {  	_ =	shalt  }
0x61: {  	_ =	shalt  }
0x62: {  	_ =	shalt  }
0x63: {  	_ =	shalt  }
0x64: {  	_ =	shalt  }
0x65: {  	_ =	shalt  }
0x66: {  	_ =	shalt  }
0x67: {  	_ =	shalt  }
0x68: {  	_ =	shalt  }
0x69: {  	_ =	shalt  }
0x6a: {  	_ =	shalt  }
0x6b: {  	_ =	shalt  }
0x6c: {  	_ =	shalt  }
0x6d: {  	_ =	shalt  }
0x6e: {  	_ =	shalt  }
0x6f: {  	_ =	shalt  }
0x70: {  	_ =	shalt  }
0x71: {  	_ =	shalt  }
0x72: {  	_ =	shalt  }
0x73: {  	_ =	shalt  }
0x74: {  	_ =	shalt  }
0x75: {  	_ =	shalt  }
0x76: {  	_ =	shalt  }
0x77: {  	_ =	shalt  }
0x78: {  	_ =	shalt  }
0x79: {  	_ =	shalt  }
0x7a: {  	_ =	shalt  }
0x7b: {  	_ =	shalt  }
0x7c: {  	_ =	shalt  }
0x7d: {  	_ =	shalt  }
0x7e: {  	_ =	shalt  }
0x7f: {  	_ =	shalt  }
0x80: {  	_ =	shalt  }
0x81: {  	_ =	shalt  }
0x82: {  	_ =	shalt  }
0x83: {  	_ =	shalt  }
0x84: {  	_ =	shalt  }
0x85: {  	_ =	shalt  }
0x86: {  	_ =	shalt  }
0x87: {  	_ =	shalt  }
.Lfunc_end0:
.L_simem_size_0:
called_computation_lowered:
.L_overlay_start_0:
0x88: {  	s2 =	sld [smem:$0x3FD9]  }
0x89: {  	s3 =	sld [smem:$0x3FFE];
	_ =	sdelay $0x1  }
0x8a: {  	s1 =	srdreg.scid  }
0x8b: {  	s0 =	sand.u32 $0x1, s1  }
0x8c: {  	s17 =	sshll.u32 s0, $0xA;
	s2 =	sadd.s32 s3, s2  }
0x8d: {  	s2 =	sadd.s32 s2, s17  }
0x8e: {  	[smem:$0x3FC6] =	sst s2  }
0x8f: {  	_ = 	snop  }
0x90: {  	s2 =	sld [smem:$0x3FC9]  }
0x91: {  	s18 =	sld [smem:$0x3FC8];
	(tm) =	ssettm $0x1  }
0x92: {  	s4 =	sld [smem:$0x3FFB];
	_ =	sdelay $0x3  }
0x93: {  	_ =	strace s4  }
0x94: {  	s4 =	sld [smem:$0x3FFC];
	_ =	sdelay $0x3  }
0x95: {  	_ =	strace s4  }
0x96: {  	s4 =	sld [smem:$0x3FFD];
	_ =	sdelay $0x3  }
0x97: {  	_ =	strace s4  }
0x98: {  	_ =	strace $0x8FFFFFFF  }
0x99: {  	s19 =	sld [smem:$0x3FDB];
	_ =	sdelay $0x1  }
0x9a: {  	s5 =	simm.s32 $_scs_section_size  }
0x9b: {  	s6 =	simm.s32 $_size__tile_overlayer_lowered;
	s7 =	simm.s32 $_tile_overlayer_lowered  }
0x9c: {  	s22 =	simm.s32 $0x1BFF;
	s21 =	sshll.u32 s7, $0x1;
	s4 =	sadd.s32 s5, s19  }
0x9d: {  	s8 =	simm.s32 $0x0;
	s20 =	sshll.u32 s6, $0x1;
	s6 =	sadd.s32 s21, s4  }
0x9e: {  	[timem:s8], [sflag:s22] =	dma.local [hbm:s6], s20  }
0x9f: {  	_ =	swait.ge [sflag:s22], s20  }
0xa0: {  	s5 =	ssub.s32 $0x0, s20;
	[sflag:s22] =	ssyncset.done $0x0  }
0xa1: {  	[sflag:s22] =	ssyncadd.s32 s5;
	_ =	sdelay $0x1  }
0xa2: {  	s23 =	simm.s32 $0x1B8B  }
0xa3: {  	_ =	swait.ge [sflag:s23], $0x1  }
0xa4: {  	[sflag:s23] =	ssyncset.done $0x0  }
0xa5: {  	s25 =	simm.s32 $0x1B8E;
	s24 =	sld [smem:$0x3FFE];
	[sflag:s23] =	ssyncadd.s32 $0xFFFFFFFF  }
0xa6: {  	s26 =	simm.s32 $execute0_lowered;
	[smem:$0x3FD2] =	sst s25  }
0xa7: {  	s6 =	sshll.u32 s26, $0x1;
	_ =	strace $0x80000046;
	[dreg:$0x1] =	wrdreg $0xFFFFFFFF  }
0xa8: {  	s28 =	simm.s32 $_size_execute0_lowered;
	s4 =	sadd.s32 s4, s6;
	[dreg:$0x0] =	wrdreg $0x0  }
0xa9: {  	s6 =	sshll.u32 s28, $0x1;
	[dreg:$0x2] =	wrdreg s4  }
0xaa: {  	[dreg:$0x3] =	wrdreg s6  }
0xab: {  	[dreg:$0x4] =	wrdreg $0xC0  }
0xac: {  	_ =	task [dreg:s8], $0x5FFFF  }
0xad: {  	[dreg:$0x1] =	wrdreg $0xFFFFFFFF  }
0xae: {  	[dreg:$0x0] =	wrdreg $0x60  }
0xaf: {  	[dreg:$0x2] =	wrdreg s2  }
0xb0: {  	[dreg:$0x3] =	wrdreg s18  }
0xb1: {  	[dreg:$0x4] =	wrdreg s24  }
0xb2: {  	[dreg:$0x5] =	wrdreg $0x9  }
0xb3: {  	_ =	task.clear_ibuf [dreg:s8], $0x6FFFF;
	_ =	strace $0x90000046  }
0xb4: {  	s29 =	simm.s32 $0x9;
	_ =	strace $0x80000048  }
0xb5: {  	_ =	swait.ge [sflag:s29], $0x1  }
0xb6: {  	[sflag:s29] =	ssyncadd.s32 $0xFFFFFFFF  }
0xb7: {  	_ =	strace $0x90000048  }
0xb8: {  	_ =	sfence  }
0xb9: {  	s30 =	sld [smem:$0x0];
	_ =	sdelay $0x2  }
0xba: {  	s31 =	sshll.u32 s1, $0xD;
	s1 =	sshrl.u32 s1, $0x2  }
0xbb: {  	s3 =	sand.u32 $0x4000, s31;
	s1 =	sadd.s32 s1, s30  }
0xbc: {  	s0 =	sor.u32 s3, s0;
	s1 =	sshll.u32 s1, $0x11  }
0xbd: {  	s0 =	sor.u32 s1, s0  }
0xbe: {  	s0 =	sadd.s32 $0x8F2B, s0  }
0xbf: {  	[sflag:s0] =	ssyncadd.remote.s32 $0x1  }
0xc0: {  	_ =	sfence.sel $0xFFFF  }
0xc1: {  	[dreg:$0x0] =	wrdreg $0xFFFFFFFF;
	(pc) =	sbr.abs _section_cstart, $3  }
0xc2: {  	[dreg:$0x1] =	wrdreg $0xFFFFFFFF  }
0xc3: {  	_ =	task.clear_ibuf [dreg:s8], $0x2FFFF;
	_ =	strace $0x9FFFFFFF  }
0xc4: {  	(tm) =	ssettm $0x7FFFFFFF  }
0xc5: {  	_ =	shalt  }
tec
execute0_lowered:
.L_overlay_start_1:
0x0: {  	(tag) =	ssettag $0x1  }
0x1: {  	s0 =	rddreg [dreg:$0x0]  }
0x2: {  	s1 =	rddreg [dreg:$0x1]  }
0x3: {  	s2 =	rddreg [dreg:$0x2];
	s3 =	srdreg.scid  }
0x4: {  	s4 =	stileid.u32;
	s5 =	simm.s32 $0x0;
	s21 =	simm.s32 $0x4000  }
0x5: {  	s28 =	simm.s32 $0x3;
	s29 =	simm.s32 $0x4;
	s30 =	simm.s32 $0x5  }
0x6: {  	s31 =	simm.s32 $0x0;
	s3 =	sand.u32 $0x1, s3;
	s4 =	sshll.u32 s4, $0x1  }
0x7: {  	[smem:$0x7FF] =	sst s5;
	s4 =	sor.u32 s3, s4;
	s3 =	ssub.s32 $0x2, s3  }
0x8: {  	_ =	strace $0x80000047;
	s22 =	sshll.u32 s4, $0xB;
	s23 =	sshrl.u32 s3, $0x1  }
0x9: {  	s4 =	sshll.u32 s4, $0xD;
	s2 =	sadd.s32 s22, s2;
	s3 =	ssub.s32 s3, s23  }
0xa: {  	s24 =	sadd.s32 s0, s4;
	s6 =	sor.u32 $0x400, s4;
	s25 =	sadd.s32 s1, s4  }
0xb: {  	s8 =	sor.u32 $0x800, s4;
	s10 =	sor.u32 $0xC00, s4;
	s12 =	sor.u32 $0x1000, s4  }
0xc: {  	s14 =	sor.u32 $0x1400, s4;
	s16 =	sor.u32 $0x1800, s4;
	s4 =	sor.u32 $0x1C00, s4  }
0xd: {  	s22 =	simm.s32 $0x1;
	s23 =	simm.s32 $0x2;
	[dreg:$0x4] =	wrdreg s24  }
0xe: {  	[dreg:$0x5] =	wrdreg s25;
	s26 =	sadd.s32 s0, s6;
	s6 =	sadd.s32 s1, s6  }
0xf: {  	s7 =	sadd.s32 s0, s8;
	s8 =	sadd.s32 s1, s8;
	s9 =	sadd.s32 s0, s10  }
0x10: {  	s10 =	sadd.s32 s1, s10;
	s11 =	sadd.s32 s0, s12;
	s12 =	sadd.s32 s1, s12  }
0x11: {  	s13 =	sadd.s32 s0, s14;
	s14 =	sadd.s32 s1, s14;
	s15 =	sadd.s32 s0, s16  }
0x12: {  	s16 =	sadd.s32 s1, s16;
	s17 =	sadd.s32 s0, s4;
	s18 =	sadd.s32 s1, s4  }
0x13: {  	s19 =	sadd.s32 $0x600, s2;
	s20 =	smax.u32 s3, $0x1;
	s24 =	simm.s32 $0x2000  }
0x14: {  	v0 =	vimm.f32 $0.0e+00;
	v1 =	vimm.f32 $1.000000000e+00;
	s25 =	simm.s32 $0x6000;
	[dreg:$0x6] =	wrdreg s26;
	s26 =	simm.s32 $0x8000  }
.LBB2_1:
0x15: {  	s0 =	simm.s32 $0x8040  }
0x16: {  	[tilespmem:s0+$0xFFFFFFC0] =	vst v0  }
0x17: {  	[tilespmem:s0+$0x30] =	vst v0  }
0x18: {  	[tilespmem:s0+$0x20] =	vst v0  }
0x19: {  	[tilespmem:s0+$0x10] =	vst v0  }
0x1a: {  	[tilespmem:s0+$0x0] =	vst v0  }
0x1b: {  	[tilespmem:s0+$0xFFFFFFF0] =	vst v0  }
0x1c: {  	s1 =	simm.s32 $0x0;
	[tilespmem:s0+$0xFFFFFFE0] =	vst v0  }
.LBB2_2:
0x1d: {  	s1 =	sadd.s32 $0x8, s1;
	[tilespmem:s0+$0xFFFFFFD0] =	vst v0;
	s0 =	sadd.s32 $0x80, s0  }
0x1e: {  	[tilespmem:s0+$0xFFFFFFC0] =	vst v0;
	p0 =	slt.u32 s1, $0x3F8  }
0x1f: {  	[tilespmem:s0+$0x30] =	vst v0  }
.Ltmp0:
0x20: {  	[tilespmem:s0+$0x20] =	vst v0;
	(pc) =	sbr.rel @p0 .LBB2_2-.Ltmp0, $4  }
0x21: {  	[tilespmem:s0+$0x10] =	vst v0  }
0x22: {  	[tilespmem:s0+$0x0] =	vst v0  }
0x23: {  	[tilespmem:s0+$0xFFFFFFF0] =	vst v0  }
0x24: {  	[tilespmem:s0+$0xFFFFFFE0] =	vst v0  }
0x25: {  	[tilespmem:s0+$0xFFFFFFD0] =	vst v0  }
0x26: {  	s0 =	simm.s32 $0x0;
	s1 =	rddreg [dreg:$0x4]  }
0x27: {  	[tilespmem:s0], [sflag:$0x1] =	stream.linear.gather [hbm4b:s1+s0], $0x2000, $0x38;
	[tilespmem:$0xC000] =	vst v63  }
0x28: {  	s3 =	rddreg [dreg:$0x5]  }
0x29: {  	[tilespmem:s21], [sflag:$0x2] =	stream.linear.gather [hbm4b:s3+s0], $0x2000, $0x38;
	[tilespmem:$0xC000] =	vst v63  }
0x2a: {  	_ =	swait.ge [sflag:s22], $0x2000  }
0x2b: {  	[sflag:s22] =	ssyncset.done $0x0  }
0x2c: {  	[sflag:s22] =	ssyncadd.s32 $0xFFFFE000  }
0x2d: {  	_ =	swait.ge [sflag:s23], $0x2000  }
0x2e: {  	[sflag:s23] =	ssyncset.done $0x0  }
0x2f: {  	s4 =	rddreg [dreg:$0x6];
	[sflag:s23] =	ssyncadd.s32 $0xFFFFE000  }
0x30: {  	[tilespmem:s24], [sflag:$0x3] =	stream.linear.gather [hbm4b:s4+s0], $0x2000, $0x38;
	[tilespmem:$0xC000] =	vst v63  }
0x31: {  	s5 =	sand.u32 $0x1000, s0;
	s2 =	sand.u32 $0xC00, s0  }
0x32: {  	[tilespmem:s25], [sflag:$0x4] =	stream.linear.gather [hbm4b:s6+s0], $0x2000, $0x38;
	[tilespmem:$0xC000] =	vst v63  }
0x33: {  	s1 =	sor.u32 s2, s5;
	s0 =	sand.u32 $0x380, s0  }
0x34: {  	s0 =	sor.u32 s0, s1  }
0x35: {  	v2 =	vld [tilespmem:s0+$0x4070]  }
0x36: {  	v3 =	vld [tilespmem:s0+$0x4000]  }
0x37: {  	v4 =	vld [tilespmem:s0+$0x70]  }
0x38: {  	v5 =	vld [tilespmem:s0+$0x4010]  }
0x39: {  	v6 =	vld [tilespmem:s0+$0x4020]  }
0x3a: {  	v7 =	vld [tilespmem:s0+$0x4030]  }
0x3b: {  	v9 =	vld [tilespmem:s0+$0x4040]  }
0x3c: {  	v10 =	vld [tilespmem:s0+$0x4050]  }
0x3d: {  	v13 =	vld [tilespmem:s0+$0x0]  }
0x3e: {  	v15 =	vld [tilespmem:s0+$0x10]  }
0x3f: {  	v17 =	vld [tilespmem:s0+$0x20];
	v8 =	vcvt.s32.f32 v2  }
0x40: {  	v19 =	vld [tilespmem:s0+$0x30];
	v11 =	vcvt.s32.f32 v3;
	v3 =	vshll.u32 v3, $0xD;
	v12 =	vcvt.s32.f32 v5  }
0x41: {  	v21 =	vld [tilespmem:s0+$0x40];
	v5 =	vshll.u32 v5, $0xD;
	v14 =	vcvt.s32.f32 v6;
	v6 =	vshll.u32 v6, $0xD  }
0x42: {  	v23 =	vld [tilespmem:s0+$0x50];
	v16 =	vcvt.s32.f32 v7;
	v7 =	vshll.u32 v7, $0xD;
	v18 =	vcvt.s32.f32 v9  }
0x43: {  	v9 =	vshll.u32 v9, $0xD;
	v20 =	vcvt.s32.f32 v10;
	v10 =	vshll.u32 v10, $0xD  }
0x44: {  	v2 =	vshll.u32 v2, $0xD;
	v3 =	vor.u32 $0x1FFF, v3;
	v4 =	vsub.f32 v8, v4  }
0x45: {  	v5 =	vor.u32 $0x1FFF, v5;
	v11 =	vsub.f32 v11, v13;
	v12 =	vsub.f32 v12, v15  }
0x46: {  	v6 =	vor.u32 $0x1FFF, v6;
	v14 =	vsub.f32 v14, v17;
	v15 =	vsub.f32 v16, v19  }
0x47: {  	v16 =	vsub.f32 v18, v21;
	v17 =	vsub.f32 v20, v23;
	v4 =	vand.u32 $0x7FFFFFFF, v4  }
0x48: {  	s2 =	simm.s32 $0x400;
	s3 =	simm.s32 $0x80;
	v8 =	vld [tilespmem:s0+$0x4060];
	v11 =	vand.u32 $0x7FFFFFFF, v11;
	v12 =	vand.u32 $0x7FFFFFFF, v12;
	v14 =	vand.u32 $0x7FFFFFFF, v14  }
0x49: {  	s4 =	simm.s32 $0x20;
	s1 =	sand.u32 $0x1000, s3;
	v13 =	vld [tilespmem:s0+$0x60];
	s0 =	sand.u32 $0xC00, s2;
	v15 =	vand.u32 $0x7FFFFFFF, v15;
	v4 =	vmul.f32 $8.192000000e+03, v4;
	v11 =	vmul.f32 $8.192000000e+03, v11  }
0x4a: {  	s5 =	sand.u32 $0x380, s4;
	s0 =	sor.u32 s0, s1;
	v16 =	vand.u32 $0x7FFFFFFF, v16;
	v12 =	vmul.f32 $8.192000000e+03, v12;
	v14 =	vmul.f32 $8.192000000e+03, v14  }
0x4b: {  	v17 =	vand.u32 $0x7FFFFFFF, v17;
	s0 =	sor.u32 s5, s0;
	v15 =	vmul.f32 $8.192000000e+03, v15;
	v16 =	vmul.f32 $8.192000000e+03, v16  }
0x4c: {  	v7 =	vor.u32 $0x1FFF, v7;
	v17 =	vmul.f32 $8.192000000e+03, v17;
	v56 =	vld [tilespmem:s0+$0x4020];
	v4 =	vtrunc.f32 v4  }
0x4d: {  	v2 =	vor.u32 $0x1FFF, v2;
	v58 =	vld [tilespmem:s0+$0x4050];
	v22 =	vcvt.s32.f32 v8;
	v11 =	vtrunc.f32 v11  }
0x4e: {  	v9 =	vor.u32 $0x1FFF, v9;
	v12 =	vtrunc.f32 v12;
	v4 =	vcvt.f32.s32 v4  }
0x4f: {  	v10 =	vor.u32 $0x1FFF, v10;
	v11 =	vcvt.f32.s32 v11;
	v12 =	vcvt.f32.s32 v12  }
0x50: {  	v8 =	vshll.u32 v8, $0xD;
	v14 =	vtrunc.f32 v14;
	v13 =	vsub.f32 v22, v13  }
0x51: {  	vm0 =	vlt.s32 v4, $0x1FFF;
	vm13 =	vlt.s32 v11, $0x1FFF;
	vm1 =	vlt.s32 v12, $0x1FFF  }
0x52: {  	v24 =	vcvt.s32.f32 v56;
	v21 =	vshll.u32 v56, $0xD;
	v30 =	vcvt.s32.f32 v58  }
0x53: {  	v23 =	vshll.u32 v58, $0xD;
	v13 =	vand.u32 $0x7FFFFFFF, v13;
	v4 =	vnsel vm0, $0x1FFF, v4  }
0x54: {  	v13 =	vmul.f32 $8.192000000e+03, v13;
	v4 =	vsub.s32 v2, v4;
	v2 =	vtrunc.f32 v15  }
0x55: {  	v11 =	vnsel vm13, $0x1FFF, v11;
	v15 =	vtrunc.f32 v16;
	v16 =	vtrunc.f32 v17  }
0x56: {  	v17 =	vor.u32 $0x1FFF, v8;
	v8 =	vcvt.f32.s32 v14;
	v2 =	vcvt.f32.s32 v2  }
0x57: {  	v12 =	vnsel vm1, $0x1FFF, v12;
	v14 =	vcvt.f32.s32 v15;
	v15 =	vcvt.f32.s32 v16;
	v16 =	vld [tilespmem:s0+$0x4070]  }
0x58: {  	v18 =	vld [tilespmem:s0+$0x4000];
	v11 =	vsub.s32 v3, v11;
	v12 =	vsub.s32 v5, v12;
	v13 =	vtrunc.f32 v13  }
0x59: {  	v19 =	vld [tilespmem:s0+$0x70];
	vm2 =	vlt.s32 v8, $0x1FFF;
	v13 =	vcvt.f32.s32 v13;
	vm3 =	vlt.s32 v2, $0x1FFF  }
0x5a: {  	v55 =	vld [tilespmem:s0+$0x4010];
	vm4 =	vlt.s32 v14, $0x1FFF;
	vm5 =	vlt.s32 v15, $0x1FFF;
	v8 =	vnsel vm2, $0x1FFF, v8  }
0x5b: {  	v5 =	vld [tilespmem:s0+$0x4040];
	v2 =	vnsel vm3, $0x1FFF, v2;
	v14 =	vnsel vm4, $0x1FFF, v14;
	v3 =	vnsel vm5, $0x1FFF, v15  }
0x5c: {  	v8 =	vsub.s32 v6, v8;
	v9 =	vsub.s32 v9, v14;
	v14 =	vld [tilespmem:s0+$0x4060];
	v15 =	vcvt.s32.f32 v16  }
0x5d: {  	v6 =	vcvt.s32.f32 v18;
	v18 =	vshll.u32 v18, $0xD;
	v59 =	vsub.s32 v10, v3;
	v10 =	vld [tilespmem:s0+$0x0]  }
0x5e: {  	v27 =	vld [tilespmem:s0+$0x20];
	vm14 =	vlt.s32 v13, $0x1FFF;
	v7 =	vsub.s32 v7, v2;
	v15 =	vsub.f32 v15, v19  }
0x5f: {  	v2 =	vor.u32 $0x1FFF, v18;
	v18 =	vcvt.s32.f32 v55;
	v57 =	vnsel vm14, $0x1FFF, v13;
	v13 =	vld [tilespmem:s0+$0x4030]  }
0x60: {  	v28 =	vshll.u32 v5, $0xD;
	v16 =	vshll.u32 v16, $0xD;
	v3 =	vand.u32 $0x7FFFFFFF, v15;
	v15 =	vld [tilespmem:s0+$0x10]  }
0x61: {  	v29 =	vld [tilespmem:s0+$0x30];
	v16 =	vor.u32 $0x1FFF, v16;
	v19 =	vshll.u32 v55, $0xD;
	v26 =	vmul.f32 $8.192000000e+03, v3  }
0x62: {  	[tilespmem:v8+s26+$0x0] =	vst.idx.add.f32.msk $0xffff, v1;
	v8 =	vor.u32 $0x1FFF, v28;
	v10 =	vsub.f32 v6, v10;
	v31 =	vcvt.s32.f32 v14  }
0x63: {  	v60 =	vld [tilespmem:s0+$0x40];
	v3 =	vor.u32 $0x1FFF, v19;
	v19 =	vcvt.s32.f32 v5;
	v5 =	vtrunc.f32 v26  }
0x64: {  	v33 =	vshll.u32 v14, $0xD;
	[tilespmem:v9+s26+$0x0] =	vst.idx.add.f32.msk $0xffff, v1;
	v25 =	vcvt.s32.f32 v13;
	v32 =	vcvt.f32.s32 v5  }
0x65: {  	v9 =	vor.u32 $0x1FFF, v23;
	v13 =	vshll.u32 v13, $0xD;
	v14 =	vsub.f32 v18, v15;
	v15 =	vld [tilespmem:s0+$0x50]  }
0x66: {  	v61 =	vld [tilespmem:s0+$0x60];
	v6 =	vor.u32 $0x1FFF, v13;
	v62 =	vsub.f32 v25, v29;
	vm15 =	vlt.s32 v32, $0x1FFF  }
0x67: {  	v10 =	vand.u32 $0x7FFFFFFF, v10;
	v18 =	vsub.f32 v24, v27;
	v13 =	vnsel vm15, $0x1FFF, v32  }
0x68: {  	[tilespmem:v4+s26+$0x0] =	vst.idx.add.f32.msk $0xffff, v1;
	v4 =	vmul.f32 $8.192000000e+03, v10;
	v10 =	vand.u32 $0x7FFFFFFF, v62;
	v16 =	vsub.s32 v16, v13  }
0x69: {  	v13 =	vand.u32 $0x7FFFFFFF, v14;
	v14 =	vand.u32 $0x7FFFFFFF, v18;
	v18 =	vsub.f32 v19, v60  }
0x6a: {  	[tilespmem:v12+s26+$0x0] =	vst.idx.add.f32.msk $0xffff, v1;
	v19 =	vmul.f32 $8.192000000e+03, v10;
	v12 =	vmul.f32 $8.192000000e+03, v14;
	v15 =	vsub.f32 v30, v15  }
0x6b: {  	[tilespmem:v11+s26+$0x0] =	vst.idx.add.f32.msk $0xffff, v1;
	v11 =	vmul.f32 $8.192000000e+03, v13;
	v13 =	vand.u32 $0x7FFFFFFF, v18;
	v18 =	vsub.f32 v31, v61  }
0x6c: {  	v13 =	vmul.f32 $8.192000000e+03, v13;
	v12 =	vtrunc.f32 v12;
	v10 =	vand.u32 $0x7FFFFFFF, v15  }
0x6d: {  	v14 =	vand.u32 $0x7FFFFFFF, v18;
	v15 =	vtrunc.f32 v19;
	v63 =	vmul.f32 $8.192000000e+03, v10  }
0x6e: {  	[tilespmem:v7+s26+$0x0] =	vst.idx.add.f32.msk $0xffff, v1;
	v5 =	vor.u32 $0x1FFF, v21;
	v10 =	vtrunc.f32 v4;
	v7 =	vmul.f32 $8.192000000e+03, v14  }
0x6f: {  	s3 =	simm.s32 $0x100;
	[tilespmem:v59+s26+$0x0] =	vst.idx.add.f32.msk $0xffff, v1;
	v14 =	vtrunc.f32 v11;
	v13 =	vtrunc.f32 v13;
	v4 =	vor.u32 $0x1FFF, v33  }
0x70: {  	s2 =	simm.s32 $0x800;
	s1 =	simm.s32 $0x40;
	s0 =	simm.s32 $0x8;
	[tilespmem:v16+s26+$0x0] =	vst.idx.add.f32.msk $0xffff, v1;
	v16 =	vtrunc.f32 v63;
	v11 =	vtrunc.f32 v7;
	v7 =	vsub.s32 v17, v57  }
.LBB2_4:
0x71: {  	s4 =	sand.u32 $0x1000, s3;
	s5 =	sand.u32 $0xC00, s2;
	s0 =	sadd.s32 $0x8, s0;
	v10 =	vcvt.f32.s32 v10;
	v14 =	vcvt.f32.s32 v14  }
0x72: {  	v12 =	vcvt.f32.s32 v12;
	v15 =	vcvt.f32.s32 v15;
	s4 =	sor.u32 s5, s4;
	s5 =	sand.u32 $0x380, s1;
	p0 =	slt.u32 s0, $0x1F8  }
0x73: {  	v13 =	vcvt.f32.s32 v13;
	v16 =	vcvt.f32.s32 v16;
	s4 =	sor.u32 s5, s4;
	vm0 =	vlt.s32 v10, $0x1FFF  }
0x74: {  	v11 =	vcvt.f32.s32 v11;
	vm1 =	vlt.s32 v14, $0x1FFF;
	vm2 =	vlt.s32 v12, $0x1FFF;
	v17 =	vld [tilespmem:s4+$0x4070]  }
0x75: {  	vm3 =	vlt.s32 v15, $0x1FFF;
	vm4 =	vlt.s32 v13, $0x1FFF;
	vm5 =	vlt.s32 v16, $0x1FFF;
	v18 =	vld [tilespmem:s4+$0x4000]  }
0x76: {  	v10 =	vnsel vm0, $0x1FFF, v10;
	v14 =	vnsel vm1, $0x1FFF, v14;
	vm0 =	vlt.s32 v11, $0x1FFF;
	v19 =	vld [tilespmem:s4+$0x70]  }
0x77: {  	v12 =	vnsel vm2, $0x1FFF, v12;
	v15 =	vnsel vm3, $0x1FFF, v15;
	v13 =	vnsel vm4, $0x1FFF, v13;
	v20 =	vld [tilespmem:s4+$0x4010]  }
0x78: {  	v16 =	vnsel vm5, $0x1FFF, v16;
	v10 =	vsub.s32 v2, v10;
	v22 =	vnsel vm0, $0x1FFF, v11;
	v21 =	vld [tilespmem:s4+$0x4020]  }
0x79: {  	v14 =	vsub.s32 v3, v14;
	v12 =	vsub.s32 v5, v12;
	v11 =	vld [tilespmem:s4+$0x4030];
	v23 =	vcvt.s32.f32 v17  }
0x7a: {  	v15 =	vsub.s32 v6, v15;
	v5 =	vcvt.s32.f32 v18;
	v2 =	vshll.u32 v18, $0xD;
	v18 =	vld [tilespmem:s4+$0x4040]  }
0x7b: {  	v8 =	vsub.s32 v8, v13;
	v2 =	vor.u32 $0x1FFF, v2;
	v6 =	vld [tilespmem:s4+$0x4050];
	v3 =	vsub.f32 v23, v19  }
0x7c: {  	v9 =	vsub.s32 v9, v16;
	v13 =	vcvt.s32.f32 v20;
	v19 =	vshll.u32 v20, $0xD;
	v20 =	vld [tilespmem:s4+$0x4060]  }
0x7d: {  	v16 =	vld [tilespmem:s4+$0x0];
	v23 =	vcvt.s32.f32 v21;
	v21 =	vshll.u32 v21, $0xD;
	v3 =	vand.u32 $0x7FFFFFFF, v3  }
0x7e: {  	v24 =	vld [tilespmem:s4+$0x10];
	v25 =	vcvt.s32.f32 v11;
	v11 =	vshll.u32 v11, $0xD;
	v26 =	vmul.f32 $8.192000000e+03, v3  }
0x7f: {  	v3 =	vor.u32 $0x1FFF, v19;
	v19 =	vld [tilespmem:s4+$0x20];
	v27 =	vcvt.s32.f32 v18;
	v18 =	vshll.u32 v18, $0xD  }
0x80: {  	v28 =	vld [tilespmem:s4+$0x30];
	v29 =	vcvt.s32.f32 v6;
	v30 =	vshll.u32 v6, $0xD;
	v6 =	vtrunc.f32 v26  }
0x81: {  	v26 =	vld [tilespmem:s4+$0x40];
	v31 =	vcvt.s32.f32 v20;
	v20 =	vshll.u32 v20, $0xD;
	v32 =	vcvt.f32.s32 v6  }
0x82: {  	v6 =	vor.u32 $0x1FFF, v11;
	v16 =	vsub.f32 v5, v16;
	v5 =	vor.u32 $0x1FFF, v21;
	v11 =	vld [tilespmem:s4+$0x50]  }
0x83: {  	v17 =	vshll.u32 v17, $0xD;
	v13 =	vsub.f32 v13, v24;
	v21 =	vld [tilespmem:s4+$0x60];
	vm0 =	vlt.s32 v32, $0x1FFF  }
0x84: {  	v17 =	vor.u32 $0x1FFF, v17;
	v19 =	vsub.f32 v23, v19;
	v23 =	vnsel vm0, $0x1FFF, v32;
	[tilespmem:v10+s26+$0x0] =	vst.idx.add.f32.msk $0xffff, v1  }
0x85: {  	v10 =	vand.u32 $0x7FFFFFFF, v16;
	v16 =	vsub.f32 v25, v28;
	v17 =	vsub.s32 v17, v23;
	[tilespmem:v14+s26+$0x0] =	vst.idx.add.f32.msk $0xffff, v1  }
0x86: {  	v13 =	vand.u32 $0x7FFFFFFF, v13;
	v14 =	vand.u32 $0x7FFFFFFF, v19;
	v19 =	vsub.f32 v27, v26;
	[tilespmem:v12+s26+$0x0] =	vst.idx.add.f32.msk $0xffff, v1  }
0x87: {  	v10 =	vmul.f32 $8.192000000e+03, v10;
	v12 =	vand.u32 $0x7FFFFFFF, v16;
	v11 =	vsub.f32 v29, v11;
	[tilespmem:v15+s26+$0x0] =	vst.idx.add.f32.msk $0xffff, v1  }
0x88: {  	v13 =	vmul.f32 $8.192000000e+03, v13;
	v15 =	vand.u32 $0x7FFFFFFF, v19;
	v16 =	vsub.f32 v31, v21;
	[tilespmem:v8+s26+$0x0] =	vst.idx.add.f32.msk $0xffff, v1  }
0x89: {  	v19 =	vmul.f32 $8.192000000e+03, v14;
	v21 =	vmul.f32 $8.192000000e+03, v12;
	v8 =	vand.u32 $0x7FFFFFFF, v11;
	[tilespmem:v9+s26+$0x0] =	vst.idx.add.f32.msk $0xffff, v1  }
.Ltmp1:
0x8a: {  	v11 =	vmul.f32 $8.192000000e+03, v15;
	v23 =	vmul.f32 $8.192000000e+03, v8;
	v9 =	vand.u32 $0x7FFFFFFF, v16;
	[tilespmem:v17+s26+$0x0] =	vst.idx.add.f32.msk $0xffff, v1;
	(pc) =	sbr.rel @p0 .LBB2_4-.Ltmp1, $4  }
0x8b: {  	v10 =	vtrunc.f32 v10;
	v8 =	vor.u32 $0x1FFF, v18;
	v17 =	vmul.f32 $8.192000000e+03, v9;
	[tilespmem:v7+s26+$0x0] =	vst.idx.add.f32.msk $0xffff, v1  }
0x8c: {  	v14 =	vtrunc.f32 v13;
	v12 =	vtrunc.f32 v19;
	v9 =	vor.u32 $0x1FFF, v30  }
0x8d: {  	v15 =	vtrunc.f32 v21;
	v18 =	vor.u32 $0x1FFF, v20;
	v13 =	vtrunc.f32 v11  }
0x8e: {  	s2 =	sadd.s32 $0x400, s2;
	s3 =	sadd.s32 $0x80, s3;
	s1 =	sadd.s32 $0x20, s1;
	v7 =	vsub.s32 v4, v22;
	v4 =	vmovc v18;
	v16 =	vtrunc.f32 v23;
	v11 =	vtrunc.f32 v17  }
0x8f: {  	v10 =	vcvt.f32.s32 v10;
	v14 =	vcvt.f32.s32 v14  }
0x90: {  	v12 =	vcvt.f32.s32 v12;
	v15 =	vcvt.f32.s32 v15  }
0x91: {  	v13 =	vcvt.f32.s32 v13;
	v16 =	vcvt.f32.s32 v16;
	vm0 =	vlt.s32 v10, $0x1FFF  }
0x92: {  	v11 =	vcvt.f32.s32 v11;
	vm1 =	vlt.s32 v14, $0x1FFF;
	v10 =	vnsel vm0, $0x1FFF, v10  }
0x93: {  	vm2 =	vlt.s32 v12, $0x1FFF;
	v14 =	vnsel vm1, $0x1FFF, v14;
	v2 =	vsub.s32 v2, v10  }
0x94: {  	vm6 =	vlt.s32 v15, $0x1FFF;
	v10 =	vnsel vm2, $0x1FFF, v12;
	v3 =	vsub.s32 v3, v14  }
0x95: {  	vm7 =	vlt.s32 v13, $0x1FFF;
	v12 =	vnsel vm6, $0x1FFF, v15;
	v5 =	vsub.s32 v5, v10  }
0x96: {  	vm8 =	vlt.s32 v16, $0x1FFF;
	v10 =	vnsel vm7, $0x1FFF, v13;
	v6 =	vsub.s32 v6, v12  }
0x97: {  	[tilespmem:v7+s26+$0x0] =	vst.idx.add.f32.msk $0xffff, v1;
	vm9 =	vlt.s32 v11, $0x1FFF;
	v12 =	vnsel vm8, $0x1FFF, v16;
	v8 =	vsub.s32 v8, v10  }
0x98: {  	v9 =	vsub.s32 v9, v12;
	[tilespmem:v2+s26+$0x0] =	vst.idx.add.f32.msk $0xffff, v1;
	v2 =	vnsel vm9, $0x1FFF, v11  }
0x99: {  	[tilespmem:v3+s26+$0x0] =	vst.idx.add.f32.msk $0xffff, v1;
	v2 =	vsub.s32 v4, v2  }
0x9a: {  	[tilespmem:v5+s26+$0x0] =	vst.idx.add.f32.msk $0xffff, v1  }
0x9b: {  	[tilespmem:v6+s26+$0x0] =	vst.idx.add.f32.msk $0xffff, v1  }
0x9c: {  	[tilespmem:v8+s26+$0x0] =	vst.idx.add.f32.msk $0xffff, v1  }
0x9d: {  	[tilespmem:v9+s26+$0x0] =	vst.idx.add.f32.msk $0xffff, v1  }
0x9e: {  	[tilespmem:v2+s26+$0x0] =	vst.idx.add.f32.msk $0xffff, v1  }
0x9f: {  	_ =	swait.ge [sflag:s28], $0x2000  }
0xa0: {  	[sflag:s28] =	ssyncset.done $0x0  }
0xa1: {  	[sflag:s28] =	ssyncadd.s32 $0xFFFFE000  }
0xa2: {  	_ =	swait.ge [sflag:s29], $0x2000  }
0xa3: {  	[sflag:s29] =	ssyncset.done $0x0  }
0xa4: {  	s0 =	simm.s32 $0x0;
	[sflag:s29] =	ssyncadd.s32 $0xFFFFE000  }
0xa5: {  	[tilespmem:s0], [sflag:$0x1] =	stream.linear.gather [hbm4b:s7+s0], $0x2000, $0x38;
	[tilespmem:$0xC000] =	vst v63  }
0xa6: {  	s1 =	sand.u32 $0x1000, s0;
	s2 =	sand.u32 $0xC00, s0  }
0xa7: {  	[tilespmem:s21], [sflag:$0x2] =	stream.linear.gather [hbm4b:s8+s0], $0x2000, $0x38;
	[tilespmem:$0xC000] =	vst v63  }
0xa8: {  	s1 =	sor.u32 s2, s1;
	s0 =	sand.u32 $0x380, s0  }
0xa9: {  	s0 =	sor.u32 s0, s1  }
0xaa: {  	v2 =	vld [tilespmem:s0+$0x6070]  }
0xab: {  	v3 =	vld [tilespmem:s0+$0x6000]  }
0xac: {  	v4 =	vld [tilespmem:s0+$0x2070]  }
0xad: {  	v5 =	vld [tilespmem:s0+$0x6010]  }
0xae: {  	v6 =	vld [tilespmem:s0+$0x6020]  }
0xaf: {  	v7 =	vld [tilespmem:s0+$0x6030]  }
0xb0: {  	v9 =	vld [tilespmem:s0+$0x6040]  }
0xb1: {  	v10 =	vld [tilespmem:s0+$0x6050]  }
0xb2: {  	v13 =	vld [tilespmem:s0+$0x2000]  }
0xb3: {  	v15 =	vld [tilespmem:s0+$0x2010]  }
0xb4: {  	v17 =	vld [tilespmem:s0+$0x2020];
	v8 =	vcvt.s32.f32 v2  }
0xb5: {  	v19 =	vld [tilespmem:s0+$0x2030];
	v11 =	vcvt.s32.f32 v3;
	v3 =	vshll.u32 v3, $0xD;
	v12 =	vcvt.s32.f32 v5  }
0xb6: {  	v21 =	vld [tilespmem:s0+$0x2040];
	v5 =	vshll.u32 v5, $0xD;
	v14 =	vcvt.s32.f32 v6;
	v6 =	vshll.u32 v6, $0xD  }
0xb7: {  	v23 =	vld [tilespmem:s0+$0x2050];
	v16 =	vcvt.s32.f32 v7;
	v7 =	vshll.u32 v7, $0xD;
	v18 =	vcvt.s32.f32 v9  }
0xb8: {  	v9 =	vshll.u32 v9, $0xD;
	v20 =	vcvt.s32.f32 v10;
	v10 =	vshll.u32 v10, $0xD  }
0xb9: {  	v2 =	vshll.u32 v2, $0xD;
	v3 =	vor.u32 $0x1FFF, v3;
	v4 =	vsub.f32 v8, v4  }
0xba: {  	v5 =	vor.u32 $0x1FFF, v5;
	v11 =	vsub.f32 v11, v13;
	v12 =	vsub.f32 v12, v15  }
0xbb: {  	v6 =	vor.u32 $0x1FFF, v6;
	v14 =	vsub.f32 v14, v17;
	v15 =	vsub.f32 v16, v19  }
0xbc: {  	v16 =	vsub.f32 v18, v21;
	v17 =	vsub.f32 v20, v23;
	v4 =	vand.u32 $0x7FFFFFFF, v4  }
0xbd: {  	s3 =	simm.s32 $0x80;
	s2 =	simm.s32 $0x400;
	v8 =	vld [tilespmem:s0+$0x6060];
	v11 =	vand.u32 $0x7FFFFFFF, v11;
	v12 =	vand.u32 $0x7FFFFFFF, v12;
	v14 =	vand.u32 $0x7FFFFFFF, v14  }
0xbe: {  	s4 =	simm.s32 $0x20;
	s1 =	sand.u32 $0x1000, s3;
	v13 =	vld [tilespmem:s0+$0x2060];
	s0 =	sand.u32 $0xC00, s2;
	v15 =	vand.u32 $0x7FFFFFFF, v15;
	v4 =	vmul.f32 $8.192000000e+03, v4;
	v11 =	vmul.f32 $8.192000000e+03, v11  }
0xbf: {  	s5 =	sand.u32 $0x380, s4;
	s0 =	sor.u32 s0, s1;
	v16 =	vand.u32 $0x7FFFFFFF, v16;
	v12 =	vmul.f32 $8.192000000e+03, v12;
	v14 =	vmul.f32 $8.192000000e+03, v14  }
0xc0: {  	v17 =	vand.u32 $0x7FFFFFFF, v17;
	s0 =	sor.u32 s5, s0;
	v15 =	vmul.f32 $8.192000000e+03, v15;
	v16 =	vmul.f32 $8.192000000e+03, v16  }
0xc1: {  	v7 =	vor.u32 $0x1FFF, v7;
	v17 =	vmul.f32 $8.192000000e+03, v17;
	v56 =	vld [tilespmem:s0+$0x6020];
	v4 =	vtrunc.f32 v4  }
0xc2: {  	v2 =	vor.u32 $0x1FFF, v2;
	v58 =	vld [tilespmem:s0+$0x6050];
	v22 =	vcvt.s32.f32 v8;
	v11 =	vtrunc.f32 v11  }
0xc3: {  	v9 =	vor.u32 $0x1FFF, v9;
	v12 =	vtrunc.f32 v12;
	v4 =	vcvt.f32.s32 v4  }
0xc4: {  	v10 =	vor.u32 $0x1FFF, v10;
	v11 =	vcvt.f32.s32 v11;
	v12 =	vcvt.f32.s32 v12  }
0xc5: {  	v8 =	vshll.u32 v8, $0xD;
	v14 =	vtrunc.f32 v14;
	v13 =	vsub.f32 v22, v13  }
0xc6: {  	vm10 =	vlt.s32 v4, $0x1FFF;
	vm11 =	vlt.s32 v11, $0x1FFF;
	vm12 =	vlt.s32 v12, $0x1FFF  }
0xc7: {  	v24 =	vcvt.s32.f32 v56;
	v21 =	vshll.u32 v56, $0xD;
	v30 =	vcvt.s32.f32 v58  }
0xc8: {  	v23 =	vshll.u32 v58, $0xD;
	v13 =	vand.u32 $0x7FFFFFFF, v13;
	v4 =	vnsel vm10, $0x1FFF, v4  }
0xc9: {  	v13 =	vmul.f32 $8.192000000e+03, v13;
	v4 =	vsub.s32 v2, v4;
	v2 =	vtrunc.f32 v15  }
0xca: {  	v11 =	vnsel vm11, $0x1FFF, v11;
	v15 =	vtrunc.f32 v16;
	v16 =	vtrunc.f32 v17  }
0xcb: {  	v17 =	vor.u32 $0x1FFF, v8;
	v8 =	vcvt.f32.s32 v14;
	v2 =	vcvt.f32.s32 v2  }
0xcc: {  	v12 =	vnsel vm12, $0x1FFF, v12;
	v14 =	vcvt.f32.s32 v15;
	v15 =	vcvt.f32.s32 v16;
	v16 =	vld [tilespmem:s0+$0x6070]  }
0xcd: {  	v18 =	vld [tilespmem:s0+$0x6000];
	v11 =	vsub.s32 v3, v11;
	v12 =	vsub.s32 v5, v12;
	v13 =	vtrunc.f32 v13  }
0xce: {  	v19 =	vld [tilespmem:s0+$0x2070];
	vm13 =	vlt.s32 v8, $0x1FFF;
	v13 =	vcvt.f32.s32 v13;
	vm3 =	vlt.s32 v2, $0x1FFF  }
0xcf: {  	v55 =	vld [tilespmem:s0+$0x6010];
	vm4 =	vlt.s32 v14, $0x1FFF;
	vm5 =	vlt.s32 v15, $0x1FFF;
	v8 =	vnsel vm13, $0x1FFF, v8  }
0xd0: {  	v5 =	vld [tilespmem:s0+$0x6040];
	v2 =	vnsel vm3, $0x1FFF, v2;
	v14 =	vnsel vm4, $0x1FFF, v14;
	v3 =	vnsel vm5, $0x1FFF, v15  }
0xd1: {  	v8 =	vsub.s32 v6, v8;
	v9 =	vsub.s32 v9, v14;
	v14 =	vld [tilespmem:s0+$0x6060];
	v15 =	vcvt.s32.f32 v16  }
0xd2: {  	v6 =	vcvt.s32.f32 v18;
	v18 =	vshll.u32 v18, $0xD;
	v59 =	vsub.s32 v10, v3;
	v10 =	vld [tilespmem:s0+$0x2000]  }
0xd3: {  	v27 =	vld [tilespmem:s0+$0x2020];
	vm14 =	vlt.s32 v13, $0x1FFF;
	v7 =	vsub.s32 v7, v2;
	v15 =	vsub.f32 v15, v19  }
0xd4: {  	v2 =	vor.u32 $0x1FFF, v18;
	v18 =	vcvt.s32.f32 v55;
	v57 =	vnsel vm14, $0x1FFF, v13;
	v13 =	vld [tilespmem:s0+$0x6030]  }
0xd5: {  	v28 =	vshll.u32 v5, $0xD;
	v16 =	vshll.u32 v16, $0xD;
	v3 =	vand.u32 $0x7FFFFFFF, v15;
	v15 =	vld [tilespmem:s0+$0x2010]  }
0xd6: {  	v29 =	vld [tilespmem:s0+$0x2030];
	v16 =	vor.u32 $0x1FFF, v16;
	v19 =	vshll.u32 v55, $0xD;
	v26 =	vmul.f32 $8.192000000e+03, v3  }
0xd7: {  	[tilespmem:v8+s26+$0x0] =	vst.idx.add.f32.msk $0xffff, v1;
	v8 =	vor.u32 $0x1FFF, v28;
	v10 =	vsub.f32 v6, v10;
	v31 =	vcvt.s32.f32 v14  }
0xd8: {  	v60 =	vld [tilespmem:s0+$0x2040];
	v3 =	vor.u32 $0x1FFF, v19;
	v19 =	vcvt.s32.f32 v5;
	v5 =	vtrunc.f32 v26  }
0xd9: {  	v33 =	vshll.u32 v14, $0xD;
	[tilespmem:v9+s26+$0x0] =	vst.idx.add.f32.msk $0xffff, v1;
	v25 =	vcvt.s32.f32 v13;
	v32 =	vcvt.f32.s32 v5  }
0xda: {  	v9 =	vor.u32 $0x1FFF, v23;
	v13 =	vshll.u32 v13, $0xD;
	v14 =	vsub.f32 v18, v15;
	v15 =	vld [tilespmem:s0+$0x2050]  }
0xdb: {  	v61 =	vld [tilespmem:s0+$0x2060];
	v6 =	vor.u32 $0x1FFF, v13;
	v62 =	vsub.f32 v25, v29;
	vm15 =	vlt.s32 v32, $0x1FFF  }
0xdc: {  	v10 =	vand.u32 $0x7FFFFFFF, v10;
	v18 =	vsub.f32 v24, v27;
	v13 =	vnsel vm15, $0x1FFF, v32  }
0xdd: {  	[tilespmem:v4+s26+$0x0] =	vst.idx.add.f32.msk $0xffff, v1;
	v4 =	vmul.f32 $8.192000000e+03, v10;
	v10 =	vand.u32 $0x7FFFFFFF, v62;
	v16 =	vsub.s32 v16, v13  }
0xde: {  	v13 =	vand.u32 $0x7FFFFFFF, v14;
	v14 =	vand.u32 $0x7FFFFFFF, v18;
	v18 =	vsub.f32 v19, v60  }
0xdf: {  	[tilespmem:v12+s26+$0x0] =	vst.idx.add.f32.msk $0xffff, v1;
	v19 =	vmul.f32 $8.192000000e+03, v10;
	v12 =	vmul.f32 $8.192000000e+03, v14;
	v15 =	vsub.f32 v30, v15  }
0xe0: {  	[tilespmem:v11+s26+$0x0] =	vst.idx.add.f32.msk $0xffff, v1;
	v11 =	vmul.f32 $8.192000000e+03, v13;
	v13 =	vand.u32 $0x7FFFFFFF, v18;
	v18 =	vsub.f32 v31, v61  }
0xe1: {  	v13 =	vmul.f32 $8.192000000e+03, v13;
	v12 =	vtrunc.f32 v12;
	v10 =	vand.u32 $0x7FFFFFFF, v15  }
0xe2: {  	v14 =	vand.u32 $0x7FFFFFFF, v18;
	v15 =	vtrunc.f32 v19;
	v63 =	vmul.f32 $8.192000000e+03, v10  }
0xe3: {  	[tilespmem:v7+s26+$0x0] =	vst.idx.add.f32.msk $0xffff, v1;
	v5 =	vor.u32 $0x1FFF, v21;
	v10 =	vtrunc.f32 v4;
	v7 =	vmul.f32 $8.192000000e+03, v14  }
0xe4: {  	s3 =	simm.s32 $0x100;
	[tilespmem:v59+s26+$0x0] =	vst.idx.add.f32.msk $0xffff, v1;
	v14 =	vtrunc.f32 v11;
	v13 =	vtrunc.f32 v13;
	v4 =	vor.u32 $0x1FFF, v33  }
0xe5: {  	s2 =	simm.s32 $0x800;
	s1 =	simm.s32 $0x40;
	s0 =	simm.s32 $0x8;
	[tilespmem:v16+s26+$0x0] =	vst.idx.add.f32.msk $0xffff, v1;
	v16 =	vtrunc.f32 v63;
	v11 =	vtrunc.f32 v7;
	v7 =	vsub.s32 v17, v57  }
.LBB2_6:
0xe6: {  	s4 =	sand.u32 $0x1000, s3;
	s5 =	sand.u32 $0xC00, s2;
	s0 =	sadd.s32 $0x8, s0;
	v10 =	vcvt.f32.s32 v10;
	v14 =	vcvt.f32.s32 v14  }
0xe7: {  	v12 =	vcvt.f32.s32 v12;
	v15 =	vcvt.f32.s32 v15;
	s4 =	sor.u32 s5, s4;
	s5 =	sand.u32 $0x380, s1;
	p0 =	slt.u32 s0, $0x1F8  }
0xe8: {  	v13 =	vcvt.f32.s32 v13;
	v16 =	vcvt.f32.s32 v16;
	s4 =	sor.u32 s5, s4;
	vm0 =	vlt.s32 v10, $0x1FFF  }
0xe9: {  	v11 =	vcvt.f32.s32 v11;
	vm1 =	vlt.s32 v14, $0x1FFF;
	vm2 =	vlt.s32 v12, $0x1FFF;
	v17 =	vld [tilespmem:s4+$0x6070]  }
0xea: {  	vm3 =	vlt.s32 v15, $0x1FFF;
	vm4 =	vlt.s32 v13, $0x1FFF;
	vm5 =	vlt.s32 v16, $0x1FFF;
	v18 =	vld [tilespmem:s4+$0x6000]  }
0xeb: {  	v10 =	vnsel vm0, $0x1FFF, v10;
	v14 =	vnsel vm1, $0x1FFF, v14;
	vm0 =	vlt.s32 v11, $0x1FFF;
	v19 =	vld [tilespmem:s4+$0x2070]  }
0xec: {  	v12 =	vnsel vm2, $0x1FFF, v12;
	v15 =	vnsel vm3, $0x1FFF, v15;
	v13 =	vnsel vm4, $0x1FFF, v13;
	v20 =	vld [tilespmem:s4+$0x6010]  }
0xed: {  	v16 =	vnsel vm5, $0x1FFF, v16;
	v10 =	vsub.s32 v2, v10;
	v22 =	vnsel vm0, $0x1FFF, v11;
	v21 =	vld [tilespmem:s4+$0x6020]  }
0xee: {  	v14 =	vsub.s32 v3, v14;
	v12 =	vsub.s32 v5, v12;
	v11 =	vld [tilespmem:s4+$0x6030];
	v23 =	vcvt.s32.f32 v17  }
0xef: {  	v15 =	vsub.s32 v6, v15;
	v5 =	vcvt.s32.f32 v18;
	v2 =	vshll.u32 v18, $0xD;
	v18 =	vld [tilespmem:s4+$0x6040]  }
0xf0: {  	v8 =	vsub.s32 v8, v13;
	v2 =	vor.u32 $0x1FFF, v2;
	v6 =	vld [tilespmem:s4+$0x6050];
	v3 =	vsub.f32 v23, v19  }
0xf1: {  	v9 =	vsub.s32 v9, v16;
	v13 =	vcvt.s32.f32 v20;
	v19 =	vshll.u32 v20, $0xD;
	v20 =	vld [tilespmem:s4+$0x6060]  }
0xf2: {  	v16 =	vld [tilespmem:s4+$0x2000];
	v23 =	vcvt.s32.f32 v21;
	v21 =	vshll.u32 v21, $0xD;
	v3 =	vand.u32 $0x7FFFFFFF, v3  }
0xf3: {  	v24 =	vld [tilespmem:s4+$0x2010];
	v25 =	vcvt.s32.f32 v11;
	v11 =	vshll.u32 v11, $0xD;
	v26 =	vmul.f32 $8.192000000e+03, v3  }
0xf4: {  	v3 =	vor.u32 $0x1FFF, v19;
	v19 =	vld [tilespmem:s4+$0x2020];
	v27 =	vcvt.s32.f32 v18;
	v18 =	vshll.u32 v18, $0xD  }
0xf5: {  	v28 =	vld [tilespmem:s4+$0x2030];
	v29 =	vcvt.s32.f32 v6;
	v30 =	vshll.u32 v6, $0xD;
	v6 =	vtrunc.f32 v26  }
0xf6: {  	v26 =	vld [tilespmem:s4+$0x2040];
	v31 =	vcvt.s32.f32 v20;
	v20 =	vshll.u32 v20, $0xD;
	v32 =	vcvt.f32.s32 v6  }
0xf7: {  	v6 =	vor.u32 $0x1FFF, v11;
	v16 =	vsub.f32 v5, v16;
	v5 =	vor.u32 $0x1FFF, v21;
	v11 =	vld [tilespmem:s4+$0x2050]  }
0xf8: {  	v17 =	vshll.u32 v17, $0xD;
	v13 =	vsub.f32 v13, v24;
	v21 =	vld [tilespmem:s4+$0x2060];
	vm0 =	vlt.s32 v32, $0x1FFF  }
0xf9: {  	v17 =	vor.u32 $0x1FFF, v17;
	v19 =	vsub.f32 v23, v19;
	v23 =	vnsel vm0, $0x1FFF, v32;
	[tilespmem:v10+s26+$0x0] =	vst.idx.add.f32.msk $0xffff, v1  }
0xfa: {  	v10 =	vand.u32 $0x7FFFFFFF, v16;
	v16 =	vsub.f32 v25, v28;
	v17 =	vsub.s32 v17, v23;
	[tilespmem:v14+s26+$0x0] =	vst.idx.add.f32.msk $0xffff, v1  }
0xfb: {  	v13 =	vand.u32 $0x7FFFFFFF, v13;
	v14 =	vand.u32 $0x7FFFFFFF, v19;
	v19 =	vsub.f32 v27, v26;
	[tilespmem:v12+s26+$0x0] =	vst.idx.add.f32.msk $0xffff, v1  }
0xfc: {  	v10 =	vmul.f32 $8.192000000e+03, v10;
	v12 =	vand.u32 $0x7FFFFFFF, v16;
	v11 =	vsub.f32 v29, v11;
	[tilespmem:v15+s26+$0x0] =	vst.idx.add.f32.msk $0xffff, v1  }
0xfd: {  	v13 =	vmul.f32 $8.192000000e+03, v13;
	v15 =	vand.u32 $0x7FFFFFFF, v19;
	v16 =	vsub.f32 v31, v21;
	[tilespmem:v8+s26+$0x0] =	vst.idx.add.f32.msk $0xffff, v1  }
0xfe: {  	v19 =	vmul.f32 $8.192000000e+03, v14;
	v21 =	vmul.f32 $8.192000000e+03, v12;
	v8 =	vand.u32 $0x7FFFFFFF, v11;
	[tilespmem:v9+s26+$0x0] =	vst.idx.add.f32.msk $0xffff, v1  }
.Ltmp2:
0xff: {  	v11 =	vmul.f32 $8.192000000e+03, v15;
	v23 =	vmul.f32 $8.192000000e+03, v8;
	v9 =	vand.u32 $0x7FFFFFFF, v16;
	[tilespmem:v17+s26+$0x0] =	vst.idx.add.f32.msk $0xffff, v1;
	(pc) =	sbr.rel @p0 .LBB2_6-.Ltmp2, $4  }
0x100: {  	v10 =	vtrunc.f32 v10;
	v8 =	vor.u32 $0x1FFF, v18;
	v17 =	vmul.f32 $8.192000000e+03, v9;
	[tilespmem:v7+s26+$0x0] =	vst.idx.add.f32.msk $0xffff, v1  }
0x101: {  	v14 =	vtrunc.f32 v13;
	v12 =	vtrunc.f32 v19;
	v9 =	vor.u32 $0x1FFF, v30  }
0x102: {  	v15 =	vtrunc.f32 v21;
	v18 =	vor.u32 $0x1FFF, v20;
	v13 =	vtrunc.f32 v11  }
0x103: {  	s2 =	sadd.s32 $0x400, s2;
	s3 =	sadd.s32 $0x80, s3;
	s1 =	sadd.s32 $0x20, s1;
	v7 =	vsub.s32 v4, v22;
	v4 =	vmovc v18;
	v16 =	vtrunc.f32 v23;
	v11 =	vtrunc.f32 v17  }
0x104: {  	v10 =	vcvt.f32.s32 v10;
	v14 =	vcvt.f32.s32 v14  }
0x105: {  	v12 =	vcvt.f32.s32 v12;
	v15 =	vcvt.f32.s32 v15  }
0x106: {  	v13 =	vcvt.f32.s32 v13;
	v16 =	vcvt.f32.s32 v16;
	vm0 =	vlt.s32 v10, $0x1FFF  }
0x107: {  	v11 =	vcvt.f32.s32 v11;
	vm1 =	vlt.s32 v14, $0x1FFF;
	v10 =	vnsel vm0, $0x1FFF, v10  }
0x108: {  	vm2 =	vlt.s32 v12, $0x1FFF;
	v14 =	vnsel vm1, $0x1FFF, v14;
	v2 =	vsub.s32 v2, v10  }
0x109: {  	vm6 =	vlt.s32 v15, $0x1FFF;
	v10 =	vnsel vm2, $0x1FFF, v12;
	v3 =	vsub.s32 v3, v14  }
0x10a: {  	vm7 =	vlt.s32 v13, $0x1FFF;
	v12 =	vnsel vm6, $0x1FFF, v15;
	v5 =	vsub.s32 v5, v10  }
0x10b: {  	vm8 =	vlt.s32 v16, $0x1FFF;
	v10 =	vnsel vm7, $0x1FFF, v13;
	v6 =	vsub.s32 v6, v12  }
0x10c: {  	[tilespmem:v7+s26+$0x0] =	vst.idx.add.f32.msk $0xffff, v1;
	vm9 =	vlt.s32 v11, $0x1FFF;
	v12 =	vnsel vm8, $0x1FFF, v16;
	v8 =	vsub.s32 v8, v10  }
0x10d: {  	v9 =	vsub.s32 v9, v12;
	[tilespmem:v2+s26+$0x0] =	vst.idx.add.f32.msk $0xffff, v1;
	v2 =	vnsel vm9, $0x1FFF, v11  }
0x10e: {  	[tilespmem:v3+s26+$0x0] =	vst.idx.add.f32.msk $0xffff, v1;
	v2 =	vsub.s32 v4, v2  }
0x10f: {  	[tilespmem:v5+s26+$0x0] =	vst.idx.add.f32.msk $0xffff, v1  }
0x110: {  	[tilespmem:v6+s26+$0x0] =	vst.idx.add.f32.msk $0xffff, v1  }
0x111: {  	[tilespmem:v8+s26+$0x0] =	vst.idx.add.f32.msk $0xffff, v1  }
0x112: {  	[tilespmem:v9+s26+$0x0] =	vst.idx.add.f32.msk $0xffff, v1  }
0x113: {  	[tilespmem:v2+s26+$0x0] =	vst.idx.add.f32.msk $0xffff, v1  }
0x114: {  	_ =	swait.ge [sflag:s22], $0x2000  }
0x115: {  	[sflag:s22] =	ssyncset.done $0x0  }
0x116: {  	[sflag:s22] =	ssyncadd.s32 $0xFFFFE000  }
0x117: {  	_ =	swait.ge [sflag:s23], $0x2000  }
0x118: {  	[sflag:s23] =	ssyncset.done $0x0  }
0x119: {  	s0 =	simm.s32 $0x0;
	[sflag:s23] =	ssyncadd.s32 $0xFFFFE000  }
0x11a: {  	[tilespmem:s24], [sflag:$0x3] =	stream.linear.gather [hbm4b:s9+s0], $0x2000, $0x38;
	[tilespmem:$0xC000] =	vst v63  }
0x11b: {  	s1 =	sand.u32 $0x1000, s0;
	s2 =	sand.u32 $0xC00, s0  }
0x11c: {  	[tilespmem:s25], [sflag:$0x4] =	stream.linear.gather [hbm4b:s10+s0], $0x2000, $0x38;
	[tilespmem:$0xC000] =	vst v63  }
0x11d: {  	s1 =	sor.u32 s2, s1;
	s0 =	sand.u32 $0x380, s0  }
0x11e: {  	s0 =	sor.u32 s0, s1  }
0x11f: {  	v2 =	vld [tilespmem:s0+$0x4070]  }
0x120: {  	v3 =	vld [tilespmem:s0+$0x4000]  }
0x121: {  	v4 =	vld [tilespmem:s0+$0x70]  }
0x122: {  	v5 =	vld [tilespmem:s0+$0x4010]  }
0x123: {  	v6 =	vld [tilespmem:s0+$0x4020]  }
0x124: {  	v7 =	vld [tilespmem:s0+$0x4030]  }
0x125: {  	v9 =	vld [tilespmem:s0+$0x4040]  }
0x126: {  	v10 =	vld [tilespmem:s0+$0x4050]  }
0x127: {  	v13 =	vld [tilespmem:s0+$0x0]  }
0x128: {  	v15 =	vld [tilespmem:s0+$0x10]  }
0x129: {  	v17 =	vld [tilespmem:s0+$0x20];
	v8 =	vcvt.s32.f32 v2  }
0x12a: {  	v19 =	vld [tilespmem:s0+$0x30];
	v11 =	vcvt.s32.f32 v3;
	v3 =	vshll.u32 v3, $0xD;
	v12 =	vcvt.s32.f32 v5  }
0x12b: {  	v21 =	vld [tilespmem:s0+$0x40];
	v5 =	vshll.u32 v5, $0xD;
	v14 =	vcvt.s32.f32 v6;
	v6 =	vshll.u32 v6, $0xD  }
0x12c: {  	v23 =	vld [tilespmem:s0+$0x50];
	v16 =	vcvt.s32.f32 v7;
	v7 =	vshll.u32 v7, $0xD;
	v18 =	vcvt.s32.f32 v9  }
0x12d: {  	v9 =	vshll.u32 v9, $0xD;
	v20 =	vcvt.s32.f32 v10;
	v10 =	vshll.u32 v10, $0xD  }
0x12e: {  	v2 =	vshll.u32 v2, $0xD;
	v3 =	vor.u32 $0x1FFF, v3;
	v4 =	vsub.f32 v8, v4  }
0x12f: {  	v5 =	vor.u32 $0x1FFF, v5;
	v11 =	vsub.f32 v11, v13;
	v12 =	vsub.f32 v12, v15  }
0x130: {  	v6 =	vor.u32 $0x1FFF, v6;
	v14 =	vsub.f32 v14, v17;
	v15 =	vsub.f32 v16, v19  }
0x131: {  	v16 =	vsub.f32 v18, v21;
	v17 =	vsub.f32 v20, v23;
	v4 =	vand.u32 $0x7FFFFFFF, v4  }
0x132: {  	s3 =	simm.s32 $0x80;
	s2 =	simm.s32 $0x400;
	v8 =	vld [tilespmem:s0+$0x4060];
	v11 =	vand.u32 $0x7FFFFFFF, v11;
	v12 =	vand.u32 $0x7FFFFFFF, v12;
	v14 =	vand.u32 $0x7FFFFFFF, v14  }
0x133: {  	s4 =	simm.s32 $0x20;
	s1 =	sand.u32 $0x1000, s3;
	v13 =	vld [tilespmem:s0+$0x60];
	s0 =	sand.u32 $0xC00, s2;
	v15 =	vand.u32 $0x7FFFFFFF, v15;
	v4 =	vmul.f32 $8.192000000e+03, v4;
	v11 =	vmul.f32 $8.192000000e+03, v11  }
0x134: {  	s5 =	sand.u32 $0x380, s4;
	s0 =	sor.u32 s0, s1;
	v16 =	vand.u32 $0x7FFFFFFF, v16;
	v12 =	vmul.f32 $8.192000000e+03, v12;
	v14 =	vmul.f32 $8.192000000e+03, v14  }
0x135: {  	v17 =	vand.u32 $0x7FFFFFFF, v17;
	s0 =	sor.u32 s5, s0;
	v15 =	vmul.f32 $8.192000000e+03, v15;
	v16 =	vmul.f32 $8.192000000e+03, v16  }
0x136: {  	v7 =	vor.u32 $0x1FFF, v7;
	v17 =	vmul.f32 $8.192000000e+03, v17;
	v56 =	vld [tilespmem:s0+$0x4020];
	v4 =	vtrunc.f32 v4  }
0x137: {  	v2 =	vor.u32 $0x1FFF, v2;
	v58 =	vld [tilespmem:s0+$0x4050];
	v22 =	vcvt.s32.f32 v8;
	v11 =	vtrunc.f32 v11  }
0x138: {  	v9 =	vor.u32 $0x1FFF, v9;
	v12 =	vtrunc.f32 v12;
	v4 =	vcvt.f32.s32 v4  }
0x139: {  	v10 =	vor.u32 $0x1FFF, v10;
	v11 =	vcvt.f32.s32 v11;
	v12 =	vcvt.f32.s32 v12  }
0x13a: {  	v8 =	vshll.u32 v8, $0xD;
	v14 =	vtrunc.f32 v14;
	v13 =	vsub.f32 v22, v13  }
0x13b: {  	vm10 =	vlt.s32 v4, $0x1FFF;
	vm11 =	vlt.s32 v11, $0x1FFF;
	vm12 =	vlt.s32 v12, $0x1FFF  }
0x13c: {  	v24 =	vcvt.s32.f32 v56;
	v21 =	vshll.u32 v56, $0xD;
	v30 =	vcvt.s32.f32 v58  }
0x13d: {  	v23 =	vshll.u32 v58, $0xD;
	v13 =	vand.u32 $0x7FFFFFFF, v13;
	v4 =	vnsel vm10, $0x1FFF, v4  }
0x13e: {  	v13 =	vmul.f32 $8.192000000e+03, v13;
	v4 =	vsub.s32 v2, v4;
	v2 =	vtrunc.f32 v15  }
0x13f: {  	v11 =	vnsel vm11, $0x1FFF, v11;
	v15 =	vtrunc.f32 v16;
	v16 =	vtrunc.f32 v17  }
0x140: {  	v17 =	vor.u32 $0x1FFF, v8;
	v8 =	vcvt.f32.s32 v14;
	v2 =	vcvt.f32.s32 v2  }
0x141: {  	v12 =	vnsel vm12, $0x1FFF, v12;
	v14 =	vcvt.f32.s32 v15;
	v15 =	vcvt.f32.s32 v16;
	v16 =	vld [tilespmem:s0+$0x4070]  }
0x142: {  	v18 =	vld [tilespmem:s0+$0x4000];
	v11 =	vsub.s32 v3, v11;
	v12 =	vsub.s32 v5, v12;
	v13 =	vtrunc.f32 v13  }
0x143: {  	v19 =	vld [tilespmem:s0+$0x70];
	vm13 =	vlt.s32 v8, $0x1FFF;
	v13 =	vcvt.f32.s32 v13;
	vm3 =	vlt.s32 v2, $0x1FFF  }
0x144: {  	v55 =	vld [tilespmem:s0+$0x4010];
	vm4 =	vlt.s32 v14, $0x1FFF;
	vm5 =	vlt.s32 v15, $0x1FFF;
	v8 =	vnsel vm13, $0x1FFF, v8  }
0x145: {  	v5 =	vld [tilespmem:s0+$0x4040];
	v2 =	vnsel vm3, $0x1FFF, v2;
	v14 =	vnsel vm4, $0x1FFF, v14;
	v3 =	vnsel vm5, $0x1FFF, v15  }
0x146: {  	v8 =	vsub.s32 v6, v8;
	v9 =	vsub.s32 v9, v14;
	v14 =	vld [tilespmem:s0+$0x4060];
	v15 =	vcvt.s32.f32 v16  }
0x147: {  	v6 =	vcvt.s32.f32 v18;
	v18 =	vshll.u32 v18, $0xD;
	v59 =	vsub.s32 v10, v3;
	v10 =	vld [tilespmem:s0+$0x0]  }
0x148: {  	v27 =	vld [tilespmem:s0+$0x20];
	vm14 =	vlt.s32 v13, $0x1FFF;
	v7 =	vsub.s32 v7, v2;
	v15 =	vsub.f32 v15, v19  }
0x149: {  	v2 =	vor.u32 $0x1FFF, v18;
	v18 =	vcvt.s32.f32 v55;
	v57 =	vnsel vm14, $0x1FFF, v13;
	v13 =	vld [tilespmem:s0+$0x4030]  }
0x14a: {  	v28 =	vshll.u32 v5, $0xD;
	v16 =	vshll.u32 v16, $0xD;
	v3 =	vand.u32 $0x7FFFFFFF, v15;
	v15 =	vld [tilespmem:s0+$0x10]  }
0x14b: {  	v29 =	vld [tilespmem:s0+$0x30];
	v16 =	vor.u32 $0x1FFF, v16;
	v19 =	vshll.u32 v55, $0xD;
	v26 =	vmul.f32 $8.192000000e+03, v3  }
0x14c: {  	[tilespmem:v8+s26+$0x0] =	vst.idx.add.f32.msk $0xffff, v1;
	v8 =	vor.u32 $0x1FFF, v28;
	v10 =	vsub.f32 v6, v10;
	v31 =	vcvt.s32.f32 v14  }
0x14d: {  	v60 =	vld [tilespmem:s0+$0x40];
	v3 =	vor.u32 $0x1FFF, v19;
	v19 =	vcvt.s32.f32 v5;
	v5 =	vtrunc.f32 v26  }
0x14e: {  	v33 =	vshll.u32 v14, $0xD;
	[tilespmem:v9+s26+$0x0] =	vst.idx.add.f32.msk $0xffff, v1;
	v25 =	vcvt.s32.f32 v13;
	v32 =	vcvt.f32.s32 v5  }
0x14f: {  	v9 =	vor.u32 $0x1FFF, v23;
	v13 =	vshll.u32 v13, $0xD;
	v14 =	vsub.f32 v18, v15;
	v15 =	vld [tilespmem:s0+$0x50]  }
0x150: {  	v61 =	vld [tilespmem:s0+$0x60];
	v6 =	vor.u32 $0x1FFF, v13;
	v62 =	vsub.f32 v25, v29;
	vm15 =	vlt.s32 v32, $0x1FFF  }
0x151: {  	v10 =	vand.u32 $0x7FFFFFFF, v10;
	v18 =	vsub.f32 v24, v27;
	v13 =	vnsel vm15, $0x1FFF, v32  }
0x152: {  	[tilespmem:v4+s26+$0x0] =	vst.idx.add.f32.msk $0xffff, v1;
	v4 =	vmul.f32 $8.192000000e+03, v10;
	v10 =	vand.u32 $0x7FFFFFFF, v62;
	v16 =	vsub.s32 v16, v13  }
0x153: {  	v13 =	vand.u32 $0x7FFFFFFF, v14;
	v14 =	vand.u32 $0x7FFFFFFF, v18;
	v18 =	vsub.f32 v19, v60  }
0x154: {  	[tilespmem:v12+s26+$0x0] =	vst.idx.add.f32.msk $0xffff, v1;
	v19 =	vmul.f32 $8.192000000e+03, v10;
	v12 =	vmul.f32 $8.192000000e+03, v14;
	v15 =	vsub.f32 v30, v15  }
0x155: {  	[tilespmem:v11+s26+$0x0] =	vst.idx.add.f32.msk $0xffff, v1;
	v11 =	vmul.f32 $8.192000000e+03, v13;
	v13 =	vand.u32 $0x7FFFFFFF, v18;
	v18 =	vsub.f32 v31, v61  }
0x156: {  	v13 =	vmul.f32 $8.192000000e+03, v13;
	v12 =	vtrunc.f32 v12;
	v10 =	vand.u32 $0x7FFFFFFF, v15  }
0x157: {  	v14 =	vand.u32 $0x7FFFFFFF, v18;
	v15 =	vtrunc.f32 v19;
	v63 =	vmul.f32 $8.192000000e+03, v10  }
0x158: {  	[tilespmem:v7+s26+$0x0] =	vst.idx.add.f32.msk $0xffff, v1;
	v5 =	vor.u32 $0x1FFF, v21;
	v10 =	vtrunc.f32 v4;
	v7 =	vmul.f32 $8.192000000e+03, v14  }
0x159: {  	s3 =	simm.s32 $0x100;
	[tilespmem:v59+s26+$0x0] =	vst.idx.add.f32.msk $0xffff, v1;
	v14 =	vtrunc.f32 v11;
	v13 =	vtrunc.f32 v13;
	v4 =	vor.u32 $0x1FFF, v33  }
0x15a: {  	s2 =	simm.s32 $0x800;
	s1 =	simm.s32 $0x40;
	s0 =	simm.s32 $0x8;
	[tilespmem:v16+s26+$0x0] =	vst.idx.add.f32.msk $0xffff, v1;
	v16 =	vtrunc.f32 v63;
	v11 =	vtrunc.f32 v7;
	v7 =	vsub.s32 v17, v57  }
.LBB2_8:
0x15b: {  	s4 =	sand.u32 $0x1000, s3;
	s5 =	sand.u32 $0xC00, s2;
	s0 =	sadd.s32 $0x8, s0;
	v10 =	vcvt.f32.s32 v10;
	v14 =	vcvt.f32.s32 v14  }
0x15c: {  	v12 =	vcvt.f32.s32 v12;
	v15 =	vcvt.f32.s32 v15;
	s4 =	sor.u32 s5, s4;
	s5 =	sand.u32 $0x380, s1;
	p0 =	slt.u32 s0, $0x1F8  }
0x15d: {  	v13 =	vcvt.f32.s32 v13;
	v16 =	vcvt.f32.s32 v16;
	s4 =	sor.u32 s5, s4;
	vm0 =	vlt.s32 v10, $0x1FFF  }
0x15e: {  	v11 =	vcvt.f32.s32 v11;
	vm1 =	vlt.s32 v14, $0x1FFF;
	vm2 =	vlt.s32 v12, $0x1FFF;
	v17 =	vld [tilespmem:s4+$0x4070]  }
0x15f: {  	vm3 =	vlt.s32 v15, $0x1FFF;
	vm4 =	vlt.s32 v13, $0x1FFF;
	vm5 =	vlt.s32 v16, $0x1FFF;
	v18 =	vld [tilespmem:s4+$0x4000]  }
0x160: {  	v10 =	vnsel vm0, $0x1FFF, v10;
	v14 =	vnsel vm1, $0x1FFF, v14;
	vm0 =	vlt.s32 v11, $0x1FFF;
	v19 =	vld [tilespmem:s4+$0x70]  }
0x161: {  	v12 =	vnsel vm2, $0x1FFF, v12;
	v15 =	vnsel vm3, $0x1FFF, v15;
	v13 =	vnsel vm4, $0x1FFF, v13;
	v20 =	vld [tilespmem:s4+$0x4010]  }
0x162: {  	v16 =	vnsel vm5, $0x1FFF, v16;
	v10 =	vsub.s32 v2, v10;
	v22 =	vnsel vm0, $0x1FFF, v11;
	v21 =	vld [tilespmem:s4+$0x4020]  }
0x163: {  	v14 =	vsub.s32 v3, v14;
	v12 =	vsub.s32 v5, v12;
	v11 =	vld [tilespmem:s4+$0x4030];
	v23 =	vcvt.s32.f32 v17  }
0x164: {  	v15 =	vsub.s32 v6, v15;
	v5 =	vcvt.s32.f32 v18;
	v2 =	vshll.u32 v18, $0xD;
	v18 =	vld [tilespmem:s4+$0x4040]  }
0x165: {  	v8 =	vsub.s32 v8, v13;
	v2 =	vor.u32 $0x1FFF, v2;
	v6 =	vld [tilespmem:s4+$0x4050];
	v3 =	vsub.f32 v23, v19  }
0x166: {  	v9 =	vsub.s32 v9, v16;
	v13 =	vcvt.s32.f32 v20;
	v19 =	vshll.u32 v20, $0xD;
	v20 =	vld [tilespmem:s4+$0x4060]  }
0x167: {  	v16 =	vld [tilespmem:s4+$0x0];
	v23 =	vcvt.s32.f32 v21;
	v21 =	vshll.u32 v21, $0xD;
	v3 =	vand.u32 $0x7FFFFFFF, v3  }
0x168: {  	v24 =	vld [tilespmem:s4+$0x10];
	v25 =	vcvt.s32.f32 v11;
	v11 =	vshll.u32 v11, $0xD;
	v26 =	vmul.f32 $8.192000000e+03, v3  }
0x169: {  	v3 =	vor.u32 $0x1FFF, v19;
	v19 =	vld [tilespmem:s4+$0x20];
	v27 =	vcvt.s32.f32 v18;
	v18 =	vshll.u32 v18, $0xD  }
0x16a: {  	v28 =	vld [tilespmem:s4+$0x30];
	v29 =	vcvt.s32.f32 v6;
	v30 =	vshll.u32 v6, $0xD;
	v6 =	vtrunc.f32 v26  }
0x16b: {  	v26 =	vld [tilespmem:s4+$0x40];
	v31 =	vcvt.s32.f32 v20;
	v20 =	vshll.u32 v20, $0xD;
	v32 =	vcvt.f32.s32 v6  }
0x16c: {  	v6 =	vor.u32 $0x1FFF, v11;
	v16 =	vsub.f32 v5, v16;
	v5 =	vor.u32 $0x1FFF, v21;
	v11 =	vld [tilespmem:s4+$0x50]  }
0x16d: {  	v17 =	vshll.u32 v17, $0xD;
	v13 =	vsub.f32 v13, v24;
	v21 =	vld [tilespmem:s4+$0x60];
	vm0 =	vlt.s32 v32, $0x1FFF  }
0x16e: {  	v17 =	vor.u32 $0x1FFF, v17;
	v19 =	vsub.f32 v23, v19;
	v23 =	vnsel vm0, $0x1FFF, v32;
	[tilespmem:v10+s26+$0x0] =	vst.idx.add.f32.msk $0xffff, v1  }
0x16f: {  	v10 =	vand.u32 $0x7FFFFFFF, v16;
	v16 =	vsub.f32 v25, v28;
	v17 =	vsub.s32 v17, v23;
	[tilespmem:v14+s26+$0x0] =	vst.idx.add.f32.msk $0xffff, v1  }
0x170: {  	v13 =	vand.u32 $0x7FFFFFFF, v13;
	v14 =	vand.u32 $0x7FFFFFFF, v19;
	v19 =	vsub.f32 v27, v26;
	[tilespmem:v12+s26+$0x0] =	vst.idx.add.f32.msk $0xffff, v1  }
0x171: {  	v10 =	vmul.f32 $8.192000000e+03, v10;
	v12 =	vand.u32 $0x7FFFFFFF, v16;
	v11 =	vsub.f32 v29, v11;
	[tilespmem:v15+s26+$0x0] =	vst.idx.add.f32.msk $0xffff, v1  }
0x172: {  	v13 =	vmul.f32 $8.192000000e+03, v13;
	v15 =	vand.u32 $0x7FFFFFFF, v19;
	v16 =	vsub.f32 v31, v21;
	[tilespmem:v8+s26+$0x0] =	vst.idx.add.f32.msk $0xffff, v1  }
0x173: {  	v19 =	vmul.f32 $8.192000000e+03, v14;
	v21 =	vmul.f32 $8.192000000e+03, v12;
	v8 =	vand.u32 $0x7FFFFFFF, v11;
	[tilespmem:v9+s26+$0x0] =	vst.idx.add.f32.msk $0xffff, v1  }
.Ltmp3:
0x174: {  	v11 =	vmul.f32 $8.192000000e+03, v15;
	v23 =	vmul.f32 $8.192000000e+03, v8;
	v9 =	vand.u32 $0x7FFFFFFF, v16;
	[tilespmem:v17+s26+$0x0] =	vst.idx.add.f32.msk $0xffff, v1;
	(pc) =	sbr.rel @p0 .LBB2_8-.Ltmp3, $4  }
0x175: {  	v10 =	vtrunc.f32 v10;
	v8 =	vor.u32 $0x1FFF, v18;
	v17 =	vmul.f32 $8.192000000e+03, v9;
	[tilespmem:v7+s26+$0x0] =	vst.idx.add.f32.msk $0xffff, v1  }
0x176: {  	v14 =	vtrunc.f32 v13;
	v12 =	vtrunc.f32 v19;
	v9 =	vor.u32 $0x1FFF, v30  }
0x177: {  	v15 =	vtrunc.f32 v21;
	v18 =	vor.u32 $0x1FFF, v20;
	v13 =	vtrunc.f32 v11  }
0x178: {  	s2 =	sadd.s32 $0x400, s2;
	s3 =	sadd.s32 $0x80, s3;
	s1 =	sadd.s32 $0x20, s1;
	v7 =	vsub.s32 v4, v22;
	v4 =	vmovc v18;
	v16 =	vtrunc.f32 v23;
	v11 =	vtrunc.f32 v17  }
0x179: {  	v10 =	vcvt.f32.s32 v10;
	v14 =	vcvt.f32.s32 v14  }
0x17a: {  	v12 =	vcvt.f32.s32 v12;
	v15 =	vcvt.f32.s32 v15  }
0x17b: {  	v13 =	vcvt.f32.s32 v13;
	v16 =	vcvt.f32.s32 v16;
	vm0 =	vlt.s32 v10, $0x1FFF  }
0x17c: {  	v11 =	vcvt.f32.s32 v11;
	vm1 =	vlt.s32 v14, $0x1FFF;
	v10 =	vnsel vm0, $0x1FFF, v10  }
0x17d: {  	vm2 =	vlt.s32 v12, $0x1FFF;
	v14 =	vnsel vm1, $0x1FFF, v14;
	v2 =	vsub.s32 v2, v10  }
0x17e: {  	vm6 =	vlt.s32 v15, $0x1FFF;
	v10 =	vnsel vm2, $0x1FFF, v12;
	v3 =	vsub.s32 v3, v14  }
0x17f: {  	vm7 =	vlt.s32 v13, $0x1FFF;
	v12 =	vnsel vm6, $0x1FFF, v15;
	v5 =	vsub.s32 v5, v10  }
0x180: {  	vm8 =	vlt.s32 v16, $0x1FFF;
	v10 =	vnsel vm7, $0x1FFF, v13;
	v6 =	vsub.s32 v6, v12  }
0x181: {  	[tilespmem:v7+s26+$0x0] =	vst.idx.add.f32.msk $0xffff, v1;
	vm9 =	vlt.s32 v11, $0x1FFF;
	v12 =	vnsel vm8, $0x1FFF, v16;
	v8 =	vsub.s32 v8, v10  }
0x182: {  	v9 =	vsub.s32 v9, v12;
	[tilespmem:v2+s26+$0x0] =	vst.idx.add.f32.msk $0xffff, v1;
	v2 =	vnsel vm9, $0x1FFF, v11  }
0x183: {  	[tilespmem:v3+s26+$0x0] =	vst.idx.add.f32.msk $0xffff, v1;
	v2 =	vsub.s32 v4, v2  }
0x184: {  	[tilespmem:v5+s26+$0x0] =	vst.idx.add.f32.msk $0xffff, v1  }
0x185: {  	[tilespmem:v6+s26+$0x0] =	vst.idx.add.f32.msk $0xffff, v1  }
0x186: {  	[tilespmem:v8+s26+$0x0] =	vst.idx.add.f32.msk $0xffff, v1  }
0x187: {  	[tilespmem:v9+s26+$0x0] =	vst.idx.add.f32.msk $0xffff, v1  }
0x188: {  	[tilespmem:v2+s26+$0x0] =	vst.idx.add.f32.msk $0xffff, v1  }
0x189: {  	_ =	swait.ge [sflag:s28], $0x2000  }
0x18a: {  	[sflag:s28] =	ssyncset.done $0x0  }
0x18b: {  	[sflag:s28] =	ssyncadd.s32 $0xFFFFE000  }
0x18c: {  	_ =	swait.ge [sflag:s29], $0x2000  }
0x18d: {  	[sflag:s29] =	ssyncset.done $0x0  }
0x18e: {  	s0 =	simm.s32 $0x0;
	[sflag:s29] =	ssyncadd.s32 $0xFFFFE000  }
0x18f: {  	[tilespmem:s0], [sflag:$0x1] =	stream.linear.gather [hbm4b:s11+s0], $0x2000, $0x38;
	[tilespmem:$0xC000] =	vst v63  }
0x190: {  	s1 =	sand.u32 $0x1000, s0;
	s2 =	sand.u32 $0xC00, s0  }
0x191: {  	[tilespmem:s21], [sflag:$0x2] =	stream.linear.gather [hbm4b:s12+s0], $0x2000, $0x38;
	[tilespmem:$0xC000] =	vst v63  }
0x192: {  	s1 =	sor.u32 s2, s1;
	s0 =	sand.u32 $0x380, s0  }
0x193: {  	s0 =	sor.u32 s0, s1  }
0x194: {  	v2 =	vld [tilespmem:s0+$0x6070]  }
0x195: {  	v3 =	vld [tilespmem:s0+$0x6000]  }
0x196: {  	v4 =	vld [tilespmem:s0+$0x2070]  }
0x197: {  	v5 =	vld [tilespmem:s0+$0x6010]  }
0x198: {  	v6 =	vld [tilespmem:s0+$0x6020]  }
0x199: {  	v7 =	vld [tilespmem:s0+$0x6030]  }
0x19a: {  	v9 =	vld [tilespmem:s0+$0x6040]  }
0x19b: {  	v10 =	vld [tilespmem:s0+$0x6050]  }
0x19c: {  	v13 =	vld [tilespmem:s0+$0x2000]  }
0x19d: {  	v15 =	vld [tilespmem:s0+$0x2010]  }
0x19e: {  	v17 =	vld [tilespmem:s0+$0x2020];
	v8 =	vcvt.s32.f32 v2  }
0x19f: {  	v19 =	vld [tilespmem:s0+$0x2030];
	v11 =	vcvt.s32.f32 v3;
	v3 =	vshll.u32 v3, $0xD;
	v12 =	vcvt.s32.f32 v5  }
0x1a0: {  	v21 =	vld [tilespmem:s0+$0x2040];
	v5 =	vshll.u32 v5, $0xD;
	v14 =	vcvt.s32.f32 v6;
	v6 =	vshll.u32 v6, $0xD  }
0x1a1: {  	v23 =	vld [tilespmem:s0+$0x2050];
	v16 =	vcvt.s32.f32 v7;
	v7 =	vshll.u32 v7, $0xD;
	v18 =	vcvt.s32.f32 v9  }
0x1a2: {  	v9 =	vshll.u32 v9, $0xD;
	v20 =	vcvt.s32.f32 v10;
	v10 =	vshll.u32 v10, $0xD  }
0x1a3: {  	v2 =	vshll.u32 v2, $0xD;
	v3 =	vor.u32 $0x1FFF, v3;
	v4 =	vsub.f32 v8, v4  }
0x1a4: {  	v5 =	vor.u32 $0x1FFF, v5;
	v11 =	vsub.f32 v11, v13;
	v12 =	vsub.f32 v12, v15  }
0x1a5: {  	v6 =	vor.u32 $0x1FFF, v6;
	v14 =	vsub.f32 v14, v17;
	v15 =	vsub.f32 v16, v19  }
0x1a6: {  	v16 =	vsub.f32 v18, v21;
	v17 =	vsub.f32 v20, v23;
	v4 =	vand.u32 $0x7FFFFFFF, v4  }
0x1a7: {  	s3 =	simm.s32 $0x80;
	s2 =	simm.s32 $0x400;
	v8 =	vld [tilespmem:s0+$0x6060];
	v11 =	vand.u32 $0x7FFFFFFF, v11;
	v12 =	vand.u32 $0x7FFFFFFF, v12;
	v14 =	vand.u32 $0x7FFFFFFF, v14  }
0x1a8: {  	s4 =	simm.s32 $0x20;
	s1 =	sand.u32 $0x1000, s3;
	v13 =	vld [tilespmem:s0+$0x2060];
	s0 =	sand.u32 $0xC00, s2;
	v15 =	vand.u32 $0x7FFFFFFF, v15;
	v4 =	vmul.f32 $8.192000000e+03, v4;
	v11 =	vmul.f32 $8.192000000e+03, v11  }
0x1a9: {  	s5 =	sand.u32 $0x380, s4;
	s0 =	sor.u32 s0, s1;
	v16 =	vand.u32 $0x7FFFFFFF, v16;
	v12 =	vmul.f32 $8.192000000e+03, v12;
	v14 =	vmul.f32 $8.192000000e+03, v14  }
0x1aa: {  	v17 =	vand.u32 $0x7FFFFFFF, v17;
	s0 =	sor.u32 s5, s0;
	v15 =	vmul.f32 $8.192000000e+03, v15;
	v16 =	vmul.f32 $8.192000000e+03, v16  }
0x1ab: {  	v7 =	vor.u32 $0x1FFF, v7;
	v17 =	vmul.f32 $8.192000000e+03, v17;
	v56 =	vld [tilespmem:s0+$0x6020];
	v4 =	vtrunc.f32 v4  }
0x1ac: {  	v2 =	vor.u32 $0x1FFF, v2;
	v58 =	vld [tilespmem:s0+$0x6050];
	v22 =	vcvt.s32.f32 v8;
	v11 =	vtrunc.f32 v11  }
0x1ad: {  	v9 =	vor.u32 $0x1FFF, v9;
	v12 =	vtrunc.f32 v12;
	v4 =	vcvt.f32.s32 v4  }
0x1ae: {  	v10 =	vor.u32 $0x1FFF, v10;
	v11 =	vcvt.f32.s32 v11;
	v12 =	vcvt.f32.s32 v12  }
0x1af: {  	v8 =	vshll.u32 v8, $0xD;
	v14 =	vtrunc.f32 v14;
	v13 =	vsub.f32 v22, v13  }
0x1b0: {  	vm10 =	vlt.s32 v4, $0x1FFF;
	vm11 =	vlt.s32 v11, $0x1FFF;
	vm12 =	vlt.s32 v12, $0x1FFF  }
0x1b1: {  	v24 =	vcvt.s32.f32 v56;
	v21 =	vshll.u32 v56, $0xD;
	v30 =	vcvt.s32.f32 v58  }
0x1b2: {  	v23 =	vshll.u32 v58, $0xD;
	v13 =	vand.u32 $0x7FFFFFFF, v13;
	v4 =	vnsel vm10, $0x1FFF, v4  }
0x1b3: {  	v13 =	vmul.f32 $8.192000000e+03, v13;
	v4 =	vsub.s32 v2, v4;
	v2 =	vtrunc.f32 v15  }
0x1b4: {  	v11 =	vnsel vm11, $0x1FFF, v11;
	v15 =	vtrunc.f32 v16;
	v16 =	vtrunc.f32 v17  }
0x1b5: {  	v17 =	vor.u32 $0x1FFF, v8;
	v8 =	vcvt.f32.s32 v14;
	v2 =	vcvt.f32.s32 v2  }
0x1b6: {  	v12 =	vnsel vm12, $0x1FFF, v12;
	v14 =	vcvt.f32.s32 v15;
	v15 =	vcvt.f32.s32 v16;
	v16 =	vld [tilespmem:s0+$0x6070]  }
0x1b7: {  	v18 =	vld [tilespmem:s0+$0x6000];
	v11 =	vsub.s32 v3, v11;
	v12 =	vsub.s32 v5, v12;
	v13 =	vtrunc.f32 v13  }
0x1b8: {  	v19 =	vld [tilespmem:s0+$0x2070];
	vm13 =	vlt.s32 v8, $0x1FFF;
	v13 =	vcvt.f32.s32 v13;
	vm3 =	vlt.s32 v2, $0x1FFF  }
0x1b9: {  	v55 =	vld [tilespmem:s0+$0x6010];
	vm4 =	vlt.s32 v14, $0x1FFF;
	vm5 =	vlt.s32 v15, $0x1FFF;
	v8 =	vnsel vm13, $0x1FFF, v8  }
0x1ba: {  	v5 =	vld [tilespmem:s0+$0x6040];
	v2 =	vnsel vm3, $0x1FFF, v2;
	v14 =	vnsel vm4, $0x1FFF, v14;
	v3 =	vnsel vm5, $0x1FFF, v15  }
0x1bb: {  	v8 =	vsub.s32 v6, v8;
	v9 =	vsub.s32 v9, v14;
	v14 =	vld [tilespmem:s0+$0x6060];
	v15 =	vcvt.s32.f32 v16  }
0x1bc: {  	v6 =	vcvt.s32.f32 v18;
	v18 =	vshll.u32 v18, $0xD;
	v59 =	vsub.s32 v10, v3;
	v10 =	vld [tilespmem:s0+$0x2000]  }
0x1bd: {  	v27 =	vld [tilespmem:s0+$0x2020];
	vm14 =	vlt.s32 v13, $0x1FFF;
	v7 =	vsub.s32 v7, v2;
	v15 =	vsub.f32 v15, v19  }
0x1be: {  	v2 =	vor.u32 $0x1FFF, v18;
	v18 =	vcvt.s32.f32 v55;
	v57 =	vnsel vm14, $0x1FFF, v13;
	v13 =	vld [tilespmem:s0+$0x6030]  }
0x1bf: {  	v28 =	vshll.u32 v5, $0xD;
	v16 =	vshll.u32 v16, $0xD;
	v3 =	vand.u32 $0x7FFFFFFF, v15;
	v15 =	vld [tilespmem:s0+$0x2010]  }
0x1c0: {  	v29 =	vld [tilespmem:s0+$0x2030];
	v16 =	vor.u32 $0x1FFF, v16;
	v19 =	vshll.u32 v55, $0xD;
	v26 =	vmul.f32 $8.192000000e+03, v3  }
0x1c1: {  	[tilespmem:v8+s26+$0x0] =	vst.idx.add.f32.msk $0xffff, v1;
	v8 =	vor.u32 $0x1FFF, v28;
	v10 =	vsub.f32 v6, v10;
	v31 =	vcvt.s32.f32 v14  }
0x1c2: {  	v60 =	vld [tilespmem:s0+$0x2040];
	v3 =	vor.u32 $0x1FFF, v19;
	v19 =	vcvt.s32.f32 v5;
	v5 =	vtrunc.f32 v26  }
0x1c3: {  	v33 =	vshll.u32 v14, $0xD;
	[tilespmem:v9+s26+$0x0] =	vst.idx.add.f32.msk $0xffff, v1;
	v25 =	vcvt.s32.f32 v13;
	v32 =	vcvt.f32.s32 v5  }
0x1c4: {  	v9 =	vor.u32 $0x1FFF, v23;
	v13 =	vshll.u32 v13, $0xD;
	v14 =	vsub.f32 v18, v15;
	v15 =	vld [tilespmem:s0+$0x2050]  }
0x1c5: {  	v61 =	vld [tilespmem:s0+$0x2060];
	v6 =	vor.u32 $0x1FFF, v13;
	v62 =	vsub.f32 v25, v29;
	vm15 =	vlt.s32 v32, $0x1FFF  }
0x1c6: {  	v10 =	vand.u32 $0x7FFFFFFF, v10;
	v18 =	vsub.f32 v24, v27;
	v13 =	vnsel vm15, $0x1FFF, v32  }
0x1c7: {  	[tilespmem:v4+s26+$0x0] =	vst.idx.add.f32.msk $0xffff, v1;
	v4 =	vmul.f32 $8.192000000e+03, v10;
	v10 =	vand.u32 $0x7FFFFFFF, v62;
	v16 =	vsub.s32 v16, v13  }
0x1c8: {  	v13 =	vand.u32 $0x7FFFFFFF, v14;
	v14 =	vand.u32 $0x7FFFFFFF, v18;
	v18 =	vsub.f32 v19, v60  }
0x1c9: {  	[tilespmem:v12+s26+$0x0] =	vst.idx.add.f32.msk $0xffff, v1;
	v19 =	vmul.f32 $8.192000000e+03, v10;
	v12 =	vmul.f32 $8.192000000e+03, v14;
	v15 =	vsub.f32 v30, v15  }
0x1ca: {  	[tilespmem:v11+s26+$0x0] =	vst.idx.add.f32.msk $0xffff, v1;
	v11 =	vmul.f32 $8.192000000e+03, v13;
	v13 =	vand.u32 $0x7FFFFFFF, v18;
	v18 =	vsub.f32 v31, v61  }
0x1cb: {  	v13 =	vmul.f32 $8.192000000e+03, v13;
	v12 =	vtrunc.f32 v12;
	v10 =	vand.u32 $0x7FFFFFFF, v15  }
0x1cc: {  	v14 =	vand.u32 $0x7FFFFFFF, v18;
	v15 =	vtrunc.f32 v19;
	v63 =	vmul.f32 $8.192000000e+03, v10  }
0x1cd: {  	[tilespmem:v7+s26+$0x0] =	vst.idx.add.f32.msk $0xffff, v1;
	v5 =	vor.u32 $0x1FFF, v21;
	v10 =	vtrunc.f32 v4;
	v7 =	vmul.f32 $8.192000000e+03, v14  }
0x1ce: {  	s3 =	simm.s32 $0x100;
	[tilespmem:v59+s26+$0x0] =	vst.idx.add.f32.msk $0xffff, v1;
	v14 =	vtrunc.f32 v11;
	v13 =	vtrunc.f32 v13;
	v4 =	vor.u32 $0x1FFF, v33  }
0x1cf: {  	s2 =	simm.s32 $0x800;
	s1 =	simm.s32 $0x40;
	s0 =	simm.s32 $0x8;
	[tilespmem:v16+s26+$0x0] =	vst.idx.add.f32.msk $0xffff, v1;
	v16 =	vtrunc.f32 v63;
	v11 =	vtrunc.f32 v7;
	v7 =	vsub.s32 v17, v57  }
.LBB2_10:
0x1d0: {  	s4 =	sand.u32 $0x1000, s3;
	s5 =	sand.u32 $0xC00, s2;
	s0 =	sadd.s32 $0x8, s0;
	v10 =	vcvt.f32.s32 v10;
	v14 =	vcvt.f32.s32 v14  }
0x1d1: {  	v12 =	vcvt.f32.s32 v12;
	v15 =	vcvt.f32.s32 v15;
	s4 =	sor.u32 s5, s4;
	s5 =	sand.u32 $0x380, s1;
	p0 =	slt.u32 s0, $0x1F8  }
0x1d2: {  	v13 =	vcvt.f32.s32 v13;
	v16 =	vcvt.f32.s32 v16;
	s4 =	sor.u32 s5, s4;
	vm0 =	vlt.s32 v10, $0x1FFF  }
0x1d3: {  	v11 =	vcvt.f32.s32 v11;
	vm1 =	vlt.s32 v14, $0x1FFF;
	vm2 =	vlt.s32 v12, $0x1FFF;
	v17 =	vld [tilespmem:s4+$0x6070]  }
0x1d4: {  	vm3 =	vlt.s32 v15, $0x1FFF;
	vm4 =	vlt.s32 v13, $0x1FFF;
	vm5 =	vlt.s32 v16, $0x1FFF;
	v18 =	vld [tilespmem:s4+$0x6000]  }
0x1d5: {  	v10 =	vnsel vm0, $0x1FFF, v10;
	v14 =	vnsel vm1, $0x1FFF, v14;
	vm0 =	vlt.s32 v11, $0x1FFF;
	v19 =	vld [tilespmem:s4+$0x2070]  }
0x1d6: {  	v12 =	vnsel vm2, $0x1FFF, v12;
	v15 =	vnsel vm3, $0x1FFF, v15;
	v13 =	vnsel vm4, $0x1FFF, v13;
	v20 =	vld [tilespmem:s4+$0x6010]  }
0x1d7: {  	v16 =	vnsel vm5, $0x1FFF, v16;
	v10 =	vsub.s32 v2, v10;
	v22 =	vnsel vm0, $0x1FFF, v11;
	v21 =	vld [tilespmem:s4+$0x6020]  }
0x1d8: {  	v14 =	vsub.s32 v3, v14;
	v12 =	vsub.s32 v5, v12;
	v11 =	vld [tilespmem:s4+$0x6030];
	v23 =	vcvt.s32.f32 v17  }
0x1d9: {  	v15 =	vsub.s32 v6, v15;
	v5 =	vcvt.s32.f32 v18;
	v2 =	vshll.u32 v18, $0xD;
	v18 =	vld [tilespmem:s4+$0x6040]  }
0x1da: {  	v8 =	vsub.s32 v8, v13;
	v2 =	vor.u32 $0x1FFF, v2;
	v6 =	vld [tilespmem:s4+$0x6050];
	v3 =	vsub.f32 v23, v19  }
0x1db: {  	v9 =	vsub.s32 v9, v16;
	v13 =	vcvt.s32.f32 v20;
	v19 =	vshll.u32 v20, $0xD;
	v20 =	vld [tilespmem:s4+$0x6060]  }
0x1dc: {  	v16 =	vld [tilespmem:s4+$0x2000];
	v23 =	vcvt.s32.f32 v21;
	v21 =	vshll.u32 v21, $0xD;
	v3 =	vand.u32 $0x7FFFFFFF, v3  }
0x1dd: {  	v24 =	vld [tilespmem:s4+$0x2010];
	v25 =	vcvt.s32.f32 v11;
	v11 =	vshll.u32 v11, $0xD;
	v26 =	vmul.f32 $8.192000000e+03, v3  }
0x1de: {  	v3 =	vor.u32 $0x1FFF, v19;
	v19 =	vld [tilespmem:s4+$0x2020];
	v27 =	vcvt.s32.f32 v18;
	v18 =	vshll.u32 v18, $0xD  }
0x1df: {  	v28 =	vld [tilespmem:s4+$0x2030];
	v29 =	vcvt.s32.f32 v6;
	v30 =	vshll.u32 v6, $0xD;
	v6 =	vtrunc.f32 v26  }
0x1e0: {  	v26 =	vld [tilespmem:s4+$0x2040];
	v31 =	vcvt.s32.f32 v20;
	v20 =	vshll.u32 v20, $0xD;
	v32 =	vcvt.f32.s32 v6  }
0x1e1: {  	v6 =	vor.u32 $0x1FFF, v11;
	v16 =	vsub.f32 v5, v16;
	v5 =	vor.u32 $0x1FFF, v21;
	v11 =	vld [tilespmem:s4+$0x2050]  }
0x1e2: {  	v17 =	vshll.u32 v17, $0xD;
	v13 =	vsub.f32 v13, v24;
	v21 =	vld [tilespmem:s4+$0x2060];
	vm0 =	vlt.s32 v32, $0x1FFF  }
0x1e3: {  	v17 =	vor.u32 $0x1FFF, v17;
	v19 =	vsub.f32 v23, v19;
	v23 =	vnsel vm0, $0x1FFF, v32;
	[tilespmem:v10+s26+$0x0] =	vst.idx.add.f32.msk $0xffff, v1  }
0x1e4: {  	v10 =	vand.u32 $0x7FFFFFFF, v16;
	v16 =	vsub.f32 v25, v28;
	v17 =	vsub.s32 v17, v23;
	[tilespmem:v14+s26+$0x0] =	vst.idx.add.f32.msk $0xffff, v1  }
0x1e5: {  	v13 =	vand.u32 $0x7FFFFFFF, v13;
	v14 =	vand.u32 $0x7FFFFFFF, v19;
	v19 =	vsub.f32 v27, v26;
	[tilespmem:v12+s26+$0x0] =	vst.idx.add.f32.msk $0xffff, v1  }
0x1e6: {  	v10 =	vmul.f32 $8.192000000e+03, v10;
	v12 =	vand.u32 $0x7FFFFFFF, v16;
	v11 =	vsub.f32 v29, v11;
	[tilespmem:v15+s26+$0x0] =	vst.idx.add.f32.msk $0xffff, v1  }
0x1e7: {  	v13 =	vmul.f32 $8.192000000e+03, v13;
	v15 =	vand.u32 $0x7FFFFFFF, v19;
	v16 =	vsub.f32 v31, v21;
	[tilespmem:v8+s26+$0x0] =	vst.idx.add.f32.msk $0xffff, v1  }
0x1e8: {  	v19 =	vmul.f32 $8.192000000e+03, v14;
	v21 =	vmul.f32 $8.192000000e+03, v12;
	v8 =	vand.u32 $0x7FFFFFFF, v11;
	[tilespmem:v9+s26+$0x0] =	vst.idx.add.f32.msk $0xffff, v1  }
.Ltmp4:
0x1e9: {  	v11 =	vmul.f32 $8.192000000e+03, v15;
	v23 =	vmul.f32 $8.192000000e+03, v8;
	v9 =	vand.u32 $0x7FFFFFFF, v16;
	[tilespmem:v17+s26+$0x0] =	vst.idx.add.f32.msk $0xffff, v1;
	(pc) =	sbr.rel @p0 .LBB2_10-.Ltmp4, $4  }
0x1ea: {  	v10 =	vtrunc.f32 v10;
	v8 =	vor.u32 $0x1FFF, v18;
	v17 =	vmul.f32 $8.192000000e+03, v9;
	[tilespmem:v7+s26+$0x0] =	vst.idx.add.f32.msk $0xffff, v1  }
0x1eb: {  	v14 =	vtrunc.f32 v13;
	v12 =	vtrunc.f32 v19;
	v9 =	vor.u32 $0x1FFF, v30  }
0x1ec: {  	v15 =	vtrunc.f32 v21;
	v18 =	vor.u32 $0x1FFF, v20;
	v13 =	vtrunc.f32 v11  }
0x1ed: {  	s2 =	sadd.s32 $0x400, s2;
	s3 =	sadd.s32 $0x80, s3;
	s1 =	sadd.s32 $0x20, s1;
	v7 =	vsub.s32 v4, v22;
	v4 =	vmovc v18;
	v16 =	vtrunc.f32 v23;
	v11 =	vtrunc.f32 v17  }
0x1ee: {  	v10 =	vcvt.f32.s32 v10;
	v14 =	vcvt.f32.s32 v14  }
0x1ef: {  	v12 =	vcvt.f32.s32 v12;
	v15 =	vcvt.f32.s32 v15  }
0x1f0: {  	v13 =	vcvt.f32.s32 v13;
	v16 =	vcvt.f32.s32 v16;
	vm0 =	vlt.s32 v10, $0x1FFF  }
0x1f1: {  	v11 =	vcvt.f32.s32 v11;
	vm1 =	vlt.s32 v14, $0x1FFF;
	v10 =	vnsel vm0, $0x1FFF, v10  }
0x1f2: {  	vm2 =	vlt.s32 v12, $0x1FFF;
	v14 =	vnsel vm1, $0x1FFF, v14;
	v2 =	vsub.s32 v2, v10  }
0x1f3: {  	vm6 =	vlt.s32 v15, $0x1FFF;
	v10 =	vnsel vm2, $0x1FFF, v12;
	v3 =	vsub.s32 v3, v14  }
0x1f4: {  	vm7 =	vlt.s32 v13, $0x1FFF;
	v12 =	vnsel vm6, $0x1FFF, v15;
	v5 =	vsub.s32 v5, v10  }
0x1f5: {  	vm8 =	vlt.s32 v16, $0x1FFF;
	v10 =	vnsel vm7, $0x1FFF, v13;
	v6 =	vsub.s32 v6, v12  }
0x1f6: {  	[tilespmem:v7+s26+$0x0] =	vst.idx.add.f32.msk $0xffff, v1;
	vm9 =	vlt.s32 v11, $0x1FFF;
	v12 =	vnsel vm8, $0x1FFF, v16;
	v8 =	vsub.s32 v8, v10  }
0x1f7: {  	v9 =	vsub.s32 v9, v12;
	[tilespmem:v2+s26+$0x0] =	vst.idx.add.f32.msk $0xffff, v1;
	v2 =	vnsel vm9, $0x1FFF, v11  }
0x1f8: {  	[tilespmem:v3+s26+$0x0] =	vst.idx.add.f32.msk $0xffff, v1;
	v2 =	vsub.s32 v4, v2  }
0x1f9: {  	[tilespmem:v5+s26+$0x0] =	vst.idx.add.f32.msk $0xffff, v1  }
0x1fa: {  	[tilespmem:v6+s26+$0x0] =	vst.idx.add.f32.msk $0xffff, v1  }
0x1fb: {  	[tilespmem:v8+s26+$0x0] =	vst.idx.add.f32.msk $0xffff, v1  }
0x1fc: {  	[tilespmem:v9+s26+$0x0] =	vst.idx.add.f32.msk $0xffff, v1  }
0x1fd: {  	[tilespmem:v2+s26+$0x0] =	vst.idx.add.f32.msk $0xffff, v1  }
0x1fe: {  	_ =	swait.ge [sflag:s22], $0x2000  }
0x1ff: {  	[sflag:s22] =	ssyncset.done $0x0  }
0x200: {  	[sflag:s22] =	ssyncadd.s32 $0xFFFFE000  }
0x201: {  	_ =	swait.ge [sflag:s23], $0x2000  }
0x202: {  	[sflag:s23] =	ssyncset.done $0x0  }
0x203: {  	s0 =	simm.s32 $0x0;
	[sflag:s23] =	ssyncadd.s32 $0xFFFFE000  }
0x204: {  	[tilespmem:s24], [sflag:$0x3] =	stream.linear.gather [hbm4b:s13+s0], $0x2000, $0x38;
	[tilespmem:$0xC000] =	vst v63  }
0x205: {  	s1 =	sand.u32 $0x1000, s0;
	s2 =	sand.u32 $0xC00, s0  }
0x206: {  	[tilespmem:s25], [sflag:$0x4] =	stream.linear.gather [hbm4b:s14+s0], $0x2000, $0x38;
	[tilespmem:$0xC000] =	vst v63  }
0x207: {  	s1 =	sor.u32 s2, s1;
	s0 =	sand.u32 $0x380, s0  }
0x208: {  	s0 =	sor.u32 s0, s1  }
0x209: {  	v2 =	vld [tilespmem:s0+$0x4070]  }
0x20a: {  	v3 =	vld [tilespmem:s0+$0x4000]  }
0x20b: {  	v4 =	vld [tilespmem:s0+$0x70]  }
0x20c: {  	v5 =	vld [tilespmem:s0+$0x4010]  }
0x20d: {  	v6 =	vld [tilespmem:s0+$0x4020]  }
0x20e: {  	v7 =	vld [tilespmem:s0+$0x4030]  }
0x20f: {  	v9 =	vld [tilespmem:s0+$0x4040]  }
0x210: {  	v10 =	vld [tilespmem:s0+$0x4050]  }
0x211: {  	v13 =	vld [tilespmem:s0+$0x0]  }
0x212: {  	v15 =	vld [tilespmem:s0+$0x10]  }
0x213: {  	v17 =	vld [tilespmem:s0+$0x20];
	v8 =	vcvt.s32.f32 v2  }
0x214: {  	v19 =	vld [tilespmem:s0+$0x30];
	v11 =	vcvt.s32.f32 v3;
	v3 =	vshll.u32 v3, $0xD;
	v12 =	vcvt.s32.f32 v5  }
0x215: {  	v21 =	vld [tilespmem:s0+$0x40];
	v5 =	vshll.u32 v5, $0xD;
	v14 =	vcvt.s32.f32 v6;
	v6 =	vshll.u32 v6, $0xD  }
0x216: {  	v23 =	vld [tilespmem:s0+$0x50];
	v16 =	vcvt.s32.f32 v7;
	v7 =	vshll.u32 v7, $0xD;
	v18 =	vcvt.s32.f32 v9  }
0x217: {  	v9 =	vshll.u32 v9, $0xD;
	v20 =	vcvt.s32.f32 v10;
	v10 =	vshll.u32 v10, $0xD  }
0x218: {  	v2 =	vshll.u32 v2, $0xD;
	v3 =	vor.u32 $0x1FFF, v3;
	v4 =	vsub.f32 v8, v4  }
0x219: {  	v5 =	vor.u32 $0x1FFF, v5;
	v11 =	vsub.f32 v11, v13;
	v12 =	vsub.f32 v12, v15  }
0x21a: {  	v6 =	vor.u32 $0x1FFF, v6;
	v14 =	vsub.f32 v14, v17;
	v15 =	vsub.f32 v16, v19  }
0x21b: {  	v16 =	vsub.f32 v18, v21;
	v17 =	vsub.f32 v20, v23;
	v4 =	vand.u32 $0x7FFFFFFF, v4  }
0x21c: {  	s3 =	simm.s32 $0x80;
	s2 =	simm.s32 $0x400;
	v8 =	vld [tilespmem:s0+$0x4060];
	v11 =	vand.u32 $0x7FFFFFFF, v11;
	v12 =	vand.u32 $0x7FFFFFFF, v12;
	v14 =	vand.u32 $0x7FFFFFFF, v14  }
0x21d: {  	s4 =	simm.s32 $0x20;
	s1 =	sand.u32 $0x1000, s3;
	v13 =	vld [tilespmem:s0+$0x60];
	s0 =	sand.u32 $0xC00, s2;
	v15 =	vand.u32 $0x7FFFFFFF, v15;
	v4 =	vmul.f32 $8.192000000e+03, v4;
	v11 =	vmul.f32 $8.192000000e+03, v11  }
0x21e: {  	s5 =	sand.u32 $0x380, s4;
	s0 =	sor.u32 s0, s1;
	v16 =	vand.u32 $0x7FFFFFFF, v16;
	v12 =	vmul.f32 $8.192000000e+03, v12;
	v14 =	vmul.f32 $8.192000000e+03, v14  }
0x21f: {  	v17 =	vand.u32 $0x7FFFFFFF, v17;
	s0 =	sor.u32 s5, s0;
	v15 =	vmul.f32 $8.192000000e+03, v15;
	v16 =	vmul.f32 $8.192000000e+03, v16  }
0x220: {  	v7 =	vor.u32 $0x1FFF, v7;
	v17 =	vmul.f32 $8.192000000e+03, v17;
	v56 =	vld [tilespmem:s0+$0x4020];
	v4 =	vtrunc.f32 v4  }
0x221: {  	v2 =	vor.u32 $0x1FFF, v2;
	v58 =	vld [tilespmem:s0+$0x4050];
	v22 =	vcvt.s32.f32 v8;
	v11 =	vtrunc.f32 v11  }
0x222: {  	v9 =	vor.u32 $0x1FFF, v9;
	v12 =	vtrunc.f32 v12;
	v4 =	vcvt.f32.s32 v4  }
0x223: {  	v10 =	vor.u32 $0x1FFF, v10;
	v11 =	vcvt.f32.s32 v11;
	v12 =	vcvt.f32.s32 v12  }
0x224: {  	v8 =	vshll.u32 v8, $0xD;
	v14 =	vtrunc.f32 v14;
	v13 =	vsub.f32 v22, v13  }
0x225: {  	vm10 =	vlt.s32 v4, $0x1FFF;
	vm11 =	vlt.s32 v11, $0x1FFF;
	vm12 =	vlt.s32 v12, $0x1FFF  }
0x226: {  	v24 =	vcvt.s32.f32 v56;
	v21 =	vshll.u32 v56, $0xD;
	v30 =	vcvt.s32.f32 v58  }
0x227: {  	v23 =	vshll.u32 v58, $0xD;
	v13 =	vand.u32 $0x7FFFFFFF, v13;
	v4 =	vnsel vm10, $0x1FFF, v4  }
0x228: {  	v13 =	vmul.f32 $8.192000000e+03, v13;
	v4 =	vsub.s32 v2, v4;
	v2 =	vtrunc.f32 v15  }
0x229: {  	v11 =	vnsel vm11, $0x1FFF, v11;
	v15 =	vtrunc.f32 v16;
	v16 =	vtrunc.f32 v17  }
0x22a: {  	v17 =	vor.u32 $0x1FFF, v8;
	v8 =	vcvt.f32.s32 v14;
	v2 =	vcvt.f32.s32 v2  }
0x22b: {  	v12 =	vnsel vm12, $0x1FFF, v12;
	v14 =	vcvt.f32.s32 v15;
	v15 =	vcvt.f32.s32 v16;
	v16 =	vld [tilespmem:s0+$0x4070]  }
0x22c: {  	v18 =	vld [tilespmem:s0+$0x4000];
	v11 =	vsub.s32 v3, v11;
	v12 =	vsub.s32 v5, v12;
	v13 =	vtrunc.f32 v13  }
0x22d: {  	v19 =	vld [tilespmem:s0+$0x70];
	vm13 =	vlt.s32 v8, $0x1FFF;
	v13 =	vcvt.f32.s32 v13;
	vm3 =	vlt.s32 v2, $0x1FFF  }
0x22e: {  	v55 =	vld [tilespmem:s0+$0x4010];
	vm4 =	vlt.s32 v14, $0x1FFF;
	vm5 =	vlt.s32 v15, $0x1FFF;
	v8 =	vnsel vm13, $0x1FFF, v8  }
0x22f: {  	v5 =	vld [tilespmem:s0+$0x4040];
	v2 =	vnsel vm3, $0x1FFF, v2;
	v14 =	vnsel vm4, $0x1FFF, v14;
	v3 =	vnsel vm5, $0x1FFF, v15  }
0x230: {  	v8 =	vsub.s32 v6, v8;
	v9 =	vsub.s32 v9, v14;
	v14 =	vld [tilespmem:s0+$0x4060];
	v15 =	vcvt.s32.f32 v16  }
0x231: {  	v6 =	vcvt.s32.f32 v18;
	v18 =	vshll.u32 v18, $0xD;
	v59 =	vsub.s32 v10, v3;
	v10 =	vld [tilespmem:s0+$0x0]  }
0x232: {  	v27 =	vld [tilespmem:s0+$0x20];
	vm14 =	vlt.s32 v13, $0x1FFF;
	v7 =	vsub.s32 v7, v2;
	v15 =	vsub.f32 v15, v19  }
0x233: {  	v2 =	vor.u32 $0x1FFF, v18;
	v18 =	vcvt.s32.f32 v55;
	v57 =	vnsel vm14, $0x1FFF, v13;
	v13 =	vld [tilespmem:s0+$0x4030]  }
0x234: {  	v28 =	vshll.u32 v5, $0xD;
	v16 =	vshll.u32 v16, $0xD;
	v3 =	vand.u32 $0x7FFFFFFF, v15;
	v15 =	vld [tilespmem:s0+$0x10]  }
0x235: {  	v29 =	vld [tilespmem:s0+$0x30];
	v16 =	vor.u32 $0x1FFF, v16;
	v19 =	vshll.u32 v55, $0xD;
	v26 =	vmul.f32 $8.192000000e+03, v3  }
0x236: {  	[tilespmem:v8+s26+$0x0] =	vst.idx.add.f32.msk $0xffff, v1;
	v8 =	vor.u32 $0x1FFF, v28;
	v10 =	vsub.f32 v6, v10;
	v31 =	vcvt.s32.f32 v14  }
0x237: {  	v60 =	vld [tilespmem:s0+$0x40];
	v3 =	vor.u32 $0x1FFF, v19;
	v19 =	vcvt.s32.f32 v5;
	v5 =	vtrunc.f32 v26  }
0x238: {  	v33 =	vshll.u32 v14, $0xD;
	[tilespmem:v9+s26+$0x0] =	vst.idx.add.f32.msk $0xffff, v1;
	v25 =	vcvt.s32.f32 v13;
	v32 =	vcvt.f32.s32 v5  }
0x239: {  	v9 =	vor.u32 $0x1FFF, v23;
	v13 =	vshll.u32 v13, $0xD;
	v14 =	vsub.f32 v18, v15;
	v15 =	vld [tilespmem:s0+$0x50]  }
0x23a: {  	v61 =	vld [tilespmem:s0+$0x60];
	v6 =	vor.u32 $0x1FFF, v13;
	v62 =	vsub.f32 v25, v29;
	vm15 =	vlt.s32 v32, $0x1FFF  }
0x23b: {  	v10 =	vand.u32 $0x7FFFFFFF, v10;
	v18 =	vsub.f32 v24, v27;
	v13 =	vnsel vm15, $0x1FFF, v32  }
0x23c: {  	[tilespmem:v4+s26+$0x0] =	vst.idx.add.f32.msk $0xffff, v1;
	v4 =	vmul.f32 $8.192000000e+03, v10;
	v10 =	vand.u32 $0x7FFFFFFF, v62;
	v16 =	vsub.s32 v16, v13  }
0x23d: {  	v13 =	vand.u32 $0x7FFFFFFF, v14;
	v14 =	vand.u32 $0x7FFFFFFF, v18;
	v18 =	vsub.f32 v19, v60  }
0x23e: {  	[tilespmem:v12+s26+$0x0] =	vst.idx.add.f32.msk $0xffff, v1;
	v19 =	vmul.f32 $8.192000000e+03, v10;
	v12 =	vmul.f32 $8.192000000e+03, v14;
	v15 =	vsub.f32 v30, v15  }
0x23f: {  	[tilespmem:v11+s26+$0x0] =	vst.idx.add.f32.msk $0xffff, v1;
	v11 =	vmul.f32 $8.192000000e+03, v13;
	v13 =	vand.u32 $0x7FFFFFFF, v18;
	v18 =	vsub.f32 v31, v61  }
0x240: {  	v13 =	vmul.f32 $8.192000000e+03, v13;
	v12 =	vtrunc.f32 v12;
	v10 =	vand.u32 $0x7FFFFFFF, v15  }
0x241: {  	v14 =	vand.u32 $0x7FFFFFFF, v18;
	v15 =	vtrunc.f32 v19;
	v63 =	vmul.f32 $8.192000000e+03, v10  }
0x242: {  	[tilespmem:v7+s26+$0x0] =	vst.idx.add.f32.msk $0xffff, v1;
	v5 =	vor.u32 $0x1FFF, v21;
	v10 =	vtrunc.f32 v4;
	v7 =	vmul.f32 $8.192000000e+03, v14  }
0x243: {  	s3 =	simm.s32 $0x100;
	[tilespmem:v59+s26+$0x0] =	vst.idx.add.f32.msk $0xffff, v1;
	v14 =	vtrunc.f32 v11;
	v13 =	vtrunc.f32 v13;
	v4 =	vor.u32 $0x1FFF, v33  }
0x244: {  	s2 =	simm.s32 $0x800;
	s1 =	simm.s32 $0x40;
	s0 =	simm.s32 $0x8;
	[tilespmem:v16+s26+$0x0] =	vst.idx.add.f32.msk $0xffff, v1;
	v16 =	vtrunc.f32 v63;
	v11 =	vtrunc.f32 v7;
	v7 =	vsub.s32 v17, v57  }
.LBB2_12:
0x245: {  	s4 =	sand.u32 $0x1000, s3;
	s5 =	sand.u32 $0xC00, s2;
	s0 =	sadd.s32 $0x8, s0;
	v10 =	vcvt.f32.s32 v10;
	v14 =	vcvt.f32.s32 v14  }
0x246: {  	v12 =	vcvt.f32.s32 v12;
	v15 =	vcvt.f32.s32 v15;
	s4 =	sor.u32 s5, s4;
	s5 =	sand.u32 $0x380, s1;
	p0 =	slt.u32 s0, $0x1F8  }
0x247: {  	v13 =	vcvt.f32.s32 v13;
	v16 =	vcvt.f32.s32 v16;
	s4 =	sor.u32 s5, s4;
	vm0 =	vlt.s32 v10, $0x1FFF  }
0x248: {  	v11 =	vcvt.f32.s32 v11;
	vm1 =	vlt.s32 v14, $0x1FFF;
	vm2 =	vlt.s32 v12, $0x1FFF;
	v17 =	vld [tilespmem:s4+$0x4070]  }
0x249: {  	vm3 =	vlt.s32 v15, $0x1FFF;
	vm4 =	vlt.s32 v13, $0x1FFF;
	vm5 =	vlt.s32 v16, $0x1FFF;
	v18 =	vld [tilespmem:s4+$0x4000]  }
0x24a: {  	v10 =	vnsel vm0, $0x1FFF, v10;
	v14 =	vnsel vm1, $0x1FFF, v14;
	vm0 =	vlt.s32 v11, $0x1FFF;
	v19 =	vld [tilespmem:s4+$0x70]  }
0x24b: {  	v12 =	vnsel vm2, $0x1FFF, v12;
	v15 =	vnsel vm3, $0x1FFF, v15;
	v13 =	vnsel vm4, $0x1FFF, v13;
	v20 =	vld [tilespmem:s4+$0x4010]  }
0x24c: {  	v16 =	vnsel vm5, $0x1FFF, v16;
	v10 =	vsub.s32 v2, v10;
	v22 =	vnsel vm0, $0x1FFF, v11;
	v21 =	vld [tilespmem:s4+$0x4020]  }
0x24d: {  	v14 =	vsub.s32 v3, v14;
	v12 =	vsub.s32 v5, v12;
	v11 =	vld [tilespmem:s4+$0x4030];
	v23 =	vcvt.s32.f32 v17  }
0x24e: {  	v15 =	vsub.s32 v6, v15;
	v5 =	vcvt.s32.f32 v18;
	v2 =	vshll.u32 v18, $0xD;
	v18 =	vld [tilespmem:s4+$0x4040]  }
0x24f: {  	v8 =	vsub.s32 v8, v13;
	v2 =	vor.u32 $0x1FFF, v2;
	v6 =	vld [tilespmem:s4+$0x4050];
	v3 =	vsub.f32 v23, v19  }
0x250: {  	v9 =	vsub.s32 v9, v16;
	v13 =	vcvt.s32.f32 v20;
	v19 =	vshll.u32 v20, $0xD;
	v20 =	vld [tilespmem:s4+$0x4060]  }
0x251: {  	v16 =	vld [tilespmem:s4+$0x0];
	v23 =	vcvt.s32.f32 v21;
	v21 =	vshll.u32 v21, $0xD;
	v3 =	vand.u32 $0x7FFFFFFF, v3  }
0x252: {  	v24 =	vld [tilespmem:s4+$0x10];
	v25 =	vcvt.s32.f32 v11;
	v11 =	vshll.u32 v11, $0xD;
	v26 =	vmul.f32 $8.192000000e+03, v3  }
0x253: {  	v3 =	vor.u32 $0x1FFF, v19;
	v19 =	vld [tilespmem:s4+$0x20];
	v27 =	vcvt.s32.f32 v18;
	v18 =	vshll.u32 v18, $0xD  }
0x254: {  	v28 =	vld [tilespmem:s4+$0x30];
	v29 =	vcvt.s32.f32 v6;
	v30 =	vshll.u32 v6, $0xD;
	v6 =	vtrunc.f32 v26  }
0x255: {  	v26 =	vld [tilespmem:s4+$0x40];
	v31 =	vcvt.s32.f32 v20;
	v20 =	vshll.u32 v20, $0xD;
	v32 =	vcvt.f32.s32 v6  }
0x256: {  	v6 =	vor.u32 $0x1FFF, v11;
	v16 =	vsub.f32 v5, v16;
	v5 =	vor.u32 $0x1FFF, v21;
	v11 =	vld [tilespmem:s4+$0x50]  }
0x257: {  	v17 =	vshll.u32 v17, $0xD;
	v13 =	vsub.f32 v13, v24;
	v21 =	vld [tilespmem:s4+$0x60];
	vm0 =	vlt.s32 v32, $0x1FFF  }
0x258: {  	v17 =	vor.u32 $0x1FFF, v17;
	v19 =	vsub.f32 v23, v19;
	v23 =	vnsel vm0, $0x1FFF, v32;
	[tilespmem:v10+s26+$0x0] =	vst.idx.add.f32.msk $0xffff, v1  }
0x259: {  	v10 =	vand.u32 $0x7FFFFFFF, v16;
	v16 =	vsub.f32 v25, v28;
	v17 =	vsub.s32 v17, v23;
	[tilespmem:v14+s26+$0x0] =	vst.idx.add.f32.msk $0xffff, v1  }
0x25a: {  	v13 =	vand.u32 $0x7FFFFFFF, v13;
	v14 =	vand.u32 $0x7FFFFFFF, v19;
	v19 =	vsub.f32 v27, v26;
	[tilespmem:v12+s26+$0x0] =	vst.idx.add.f32.msk $0xffff, v1  }
0x25b: {  	v10 =	vmul.f32 $8.192000000e+03, v10;
	v12 =	vand.u32 $0x7FFFFFFF, v16;
	v11 =	vsub.f32 v29, v11;
	[tilespmem:v15+s26+$0x0] =	vst.idx.add.f32.msk $0xffff, v1  }
0x25c: {  	v13 =	vmul.f32 $8.192000000e+03, v13;
	v15 =	vand.u32 $0x7FFFFFFF, v19;
	v16 =	vsub.f32 v31, v21;
	[tilespmem:v8+s26+$0x0] =	vst.idx.add.f32.msk $0xffff, v1  }
0x25d: {  	v19 =	vmul.f32 $8.192000000e+03, v14;
	v21 =	vmul.f32 $8.192000000e+03, v12;
	v8 =	vand.u32 $0x7FFFFFFF, v11;
	[tilespmem:v9+s26+$0x0] =	vst.idx.add.f32.msk $0xffff, v1  }
.Ltmp5:
0x25e: {  	v11 =	vmul.f32 $8.192000000e+03, v15;
	v23 =	vmul.f32 $8.192000000e+03, v8;
	v9 =	vand.u32 $0x7FFFFFFF, v16;
	[tilespmem:v17+s26+$0x0] =	vst.idx.add.f32.msk $0xffff, v1;
	(pc) =	sbr.rel @p0 .LBB2_12-.Ltmp5, $4  }
0x25f: {  	v10 =	vtrunc.f32 v10;
	v8 =	vor.u32 $0x1FFF, v18;
	v17 =	vmul.f32 $8.192000000e+03, v9;
	[tilespmem:v7+s26+$0x0] =	vst.idx.add.f32.msk $0xffff, v1  }
0x260: {  	v14 =	vtrunc.f32 v13;
	v12 =	vtrunc.f32 v19;
	v9 =	vor.u32 $0x1FFF, v30  }
0x261: {  	v15 =	vtrunc.f32 v21;
	v18 =	vor.u32 $0x1FFF, v20;
	v13 =	vtrunc.f32 v11  }
0x262: {  	s2 =	sadd.s32 $0x400, s2;
	s3 =	sadd.s32 $0x80, s3;
	s1 =	sadd.s32 $0x20, s1;
	v7 =	vsub.s32 v4, v22;
	v4 =	vmovc v18;
	v16 =	vtrunc.f32 v23;
	v11 =	vtrunc.f32 v17  }
0x263: {  	v10 =	vcvt.f32.s32 v10;
	v14 =	vcvt.f32.s32 v14  }
0x264: {  	v12 =	vcvt.f32.s32 v12;
	v15 =	vcvt.f32.s32 v15  }
0x265: {  	v13 =	vcvt.f32.s32 v13;
	v16 =	vcvt.f32.s32 v16;
	vm0 =	vlt.s32 v10, $0x1FFF  }
0x266: {  	v11 =	vcvt.f32.s32 v11;
	vm1 =	vlt.s32 v14, $0x1FFF;
	v10 =	vnsel vm0, $0x1FFF, v10  }
0x267: {  	vm2 =	vlt.s32 v12, $0x1FFF;
	v14 =	vnsel vm1, $0x1FFF, v14;
	v2 =	vsub.s32 v2, v10  }
0x268: {  	vm6 =	vlt.s32 v15, $0x1FFF;
	v10 =	vnsel vm2, $0x1FFF, v12;
	v3 =	vsub.s32 v3, v14  }
0x269: {  	vm7 =	vlt.s32 v13, $0x1FFF;
	v12 =	vnsel vm6, $0x1FFF, v15;
	v5 =	vsub.s32 v5, v10  }
0x26a: {  	vm8 =	vlt.s32 v16, $0x1FFF;
	v10 =	vnsel vm7, $0x1FFF, v13;
	v6 =	vsub.s32 v6, v12  }
0x26b: {  	[tilespmem:v7+s26+$0x0] =	vst.idx.add.f32.msk $0xffff, v1;
	vm9 =	vlt.s32 v11, $0x1FFF;
	v12 =	vnsel vm8, $0x1FFF, v16;
	v8 =	vsub.s32 v8, v10  }
0x26c: {  	v9 =	vsub.s32 v9, v12;
	[tilespmem:v2+s26+$0x0] =	vst.idx.add.f32.msk $0xffff, v1;
	v2 =	vnsel vm9, $0x1FFF, v11  }
0x26d: {  	[tilespmem:v3+s26+$0x0] =	vst.idx.add.f32.msk $0xffff, v1;
	v2 =	vsub.s32 v4, v2  }
0x26e: {  	[tilespmem:v5+s26+$0x0] =	vst.idx.add.f32.msk $0xffff, v1  }
0x26f: {  	[tilespmem:v6+s26+$0x0] =	vst.idx.add.f32.msk $0xffff, v1  }
0x270: {  	[tilespmem:v8+s26+$0x0] =	vst.idx.add.f32.msk $0xffff, v1  }
0x271: {  	[tilespmem:v9+s26+$0x0] =	vst.idx.add.f32.msk $0xffff, v1  }
0x272: {  	[tilespmem:v2+s26+$0x0] =	vst.idx.add.f32.msk $0xffff, v1  }
0x273: {  	_ =	swait.ge [sflag:s28], $0x2000  }
0x274: {  	[sflag:s28] =	ssyncset.done $0x0  }
0x275: {  	[sflag:s28] =	ssyncadd.s32 $0xFFFFE000  }
0x276: {  	_ =	swait.ge [sflag:s29], $0x2000  }
0x277: {  	[sflag:s29] =	ssyncset.done $0x0  }
0x278: {  	s0 =	simm.s32 $0x0;
	[sflag:s29] =	ssyncadd.s32 $0xFFFFE000  }
0x279: {  	[tilespmem:s0], [sflag:$0x1] =	stream.linear.gather [hbm4b:s15+s0], $0x2000, $0x38;
	[tilespmem:$0xC000] =	vst v63  }
0x27a: {  	s1 =	sand.u32 $0x1000, s0;
	s2 =	sand.u32 $0xC00, s0  }
0x27b: {  	[tilespmem:s21], [sflag:$0x2] =	stream.linear.gather [hbm4b:s16+s0], $0x2000, $0x38;
	[tilespmem:$0xC000] =	vst v63  }
0x27c: {  	s1 =	sor.u32 s2, s1;
	s0 =	sand.u32 $0x380, s0  }
0x27d: {  	s0 =	sor.u32 s0, s1  }
0x27e: {  	v2 =	vld [tilespmem:s0+$0x6070]  }
0x27f: {  	v3 =	vld [tilespmem:s0+$0x6000]  }
0x280: {  	v4 =	vld [tilespmem:s0+$0x2070]  }
0x281: {  	v5 =	vld [tilespmem:s0+$0x6010]  }
0x282: {  	v6 =	vld [tilespmem:s0+$0x6020]  }
0x283: {  	v7 =	vld [tilespmem:s0+$0x6030]  }
0x284: {  	v9 =	vld [tilespmem:s0+$0x6040]  }
0x285: {  	v10 =	vld [tilespmem:s0+$0x6050]  }
0x286: {  	v13 =	vld [tilespmem:s0+$0x2000]  }
0x287: {  	v15 =	vld [tilespmem:s0+$0x2010]  }
0x288: {  	v17 =	vld [tilespmem:s0+$0x2020];
	v8 =	vcvt.s32.f32 v2  }
0x289: {  	v19 =	vld [tilespmem:s0+$0x2030];
	v11 =	vcvt.s32.f32 v3;
	v3 =	vshll.u32 v3, $0xD;
	v12 =	vcvt.s32.f32 v5  }
0x28a: {  	v21 =	vld [tilespmem:s0+$0x2040];
	v5 =	vshll.u32 v5, $0xD;
	v14 =	vcvt.s32.f32 v6;
	v6 =	vshll.u32 v6, $0xD  }
0x28b: {  	v23 =	vld [tilespmem:s0+$0x2050];
	v16 =	vcvt.s32.f32 v7;
	v7 =	vshll.u32 v7, $0xD;
	v18 =	vcvt.s32.f32 v9  }
0x28c: {  	v9 =	vshll.u32 v9, $0xD;
	v20 =	vcvt.s32.f32 v10;
	v10 =	vshll.u32 v10, $0xD  }
0x28d: {  	v2 =	vshll.u32 v2, $0xD;
	v3 =	vor.u32 $0x1FFF, v3;
	v4 =	vsub.f32 v8, v4  }
0x28e: {  	v5 =	vor.u32 $0x1FFF, v5;
	v11 =	vsub.f32 v11, v13;
	v12 =	vsub.f32 v12, v15  }
0x28f: {  	v6 =	vor.u32 $0x1FFF, v6;
	v14 =	vsub.f32 v14, v17;
	v15 =	vsub.f32 v16, v19  }
0x290: {  	v16 =	vsub.f32 v18, v21;
	v17 =	vsub.f32 v20, v23;
	v4 =	vand.u32 $0x7FFFFFFF, v4  }
0x291: {  	s3 =	simm.s32 $0x80;
	s2 =	simm.s32 $0x400;
	v8 =	vld [tilespmem:s0+$0x6060];
	v11 =	vand.u32 $0x7FFFFFFF, v11;
	v12 =	vand.u32 $0x7FFFFFFF, v12;
	v14 =	vand.u32 $0x7FFFFFFF, v14  }
0x292: {  	s4 =	simm.s32 $0x20;
	s1 =	sand.u32 $0x1000, s3;
	v13 =	vld [tilespmem:s0+$0x2060];
	s0 =	sand.u32 $0xC00, s2;
	v15 =	vand.u32 $0x7FFFFFFF, v15;
	v4 =	vmul.f32 $8.192000000e+03, v4;
	v11 =	vmul.f32 $8.192000000e+03, v11  }
0x293: {  	s5 =	sand.u32 $0x380, s4;
	s0 =	sor.u32 s0, s1;
	v16 =	vand.u32 $0x7FFFFFFF, v16;
	v12 =	vmul.f32 $8.192000000e+03, v12;
	v14 =	vmul.f32 $8.192000000e+03, v14  }
0x294: {  	v17 =	vand.u32 $0x7FFFFFFF, v17;
	s0 =	sor.u32 s5, s0;
	v15 =	vmul.f32 $8.192000000e+03, v15;
	v16 =	vmul.f32 $8.192000000e+03, v16  }
0x295: {  	v7 =	vor.u32 $0x1FFF, v7;
	v17 =	vmul.f32 $8.192000000e+03, v17;
	v56 =	vld [tilespmem:s0+$0x6020];
	v4 =	vtrunc.f32 v4  }
0x296: {  	v2 =	vor.u32 $0x1FFF, v2;
	v58 =	vld [tilespmem:s0+$0x6050];
	v22 =	vcvt.s32.f32 v8;
	v11 =	vtrunc.f32 v11  }
0x297: {  	v9 =	vor.u32 $0x1FFF, v9;
	v12 =	vtrunc.f32 v12;
	v4 =	vcvt.f32.s32 v4  }
0x298: {  	v10 =	vor.u32 $0x1FFF, v10;
	v11 =	vcvt.f32.s32 v11;
	v12 =	vcvt.f32.s32 v12  }
0x299: {  	v8 =	vshll.u32 v8, $0xD;
	v14 =	vtrunc.f32 v14;
	v13 =	vsub.f32 v22, v13  }
0x29a: {  	vm10 =	vlt.s32 v4, $0x1FFF;
	vm11 =	vlt.s32 v11, $0x1FFF;
	vm12 =	vlt.s32 v12, $0x1FFF  }
0x29b: {  	v24 =	vcvt.s32.f32 v56;
	v21 =	vshll.u32 v56, $0xD;
	v30 =	vcvt.s32.f32 v58  }
0x29c: {  	v23 =	vshll.u32 v58, $0xD;
	v13 =	vand.u32 $0x7FFFFFFF, v13;
	v4 =	vnsel vm10, $0x1FFF, v4  }
0x29d: {  	v13 =	vmul.f32 $8.192000000e+03, v13;
	v4 =	vsub.s32 v2, v4;
	v2 =	vtrunc.f32 v15  }
0x29e: {  	v11 =	vnsel vm11, $0x1FFF, v11;
	v15 =	vtrunc.f32 v16;
	v16 =	vtrunc.f32 v17  }
0x29f: {  	v17 =	vor.u32 $0x1FFF, v8;
	v8 =	vcvt.f32.s32 v14;
	v2 =	vcvt.f32.s32 v2  }
0x2a0: {  	v12 =	vnsel vm12, $0x1FFF, v12;
	v14 =	vcvt.f32.s32 v15;
	v15 =	vcvt.f32.s32 v16;
	v16 =	vld [tilespmem:s0+$0x6070]  }
0x2a1: {  	v18 =	vld [tilespmem:s0+$0x6000];
	v11 =	vsub.s32 v3, v11;
	v12 =	vsub.s32 v5, v12;
	v13 =	vtrunc.f32 v13  }
0x2a2: {  	v19 =	vld [tilespmem:s0+$0x2070];
	vm13 =	vlt.s32 v8, $0x1FFF;
	v13 =	vcvt.f32.s32 v13;
	vm3 =	vlt.s32 v2, $0x1FFF  }
0x2a3: {  	v55 =	vld [tilespmem:s0+$0x6010];
	vm4 =	vlt.s32 v14, $0x1FFF;
	vm5 =	vlt.s32 v15, $0x1FFF;
	v8 =	vnsel vm13, $0x1FFF, v8  }
0x2a4: {  	v5 =	vld [tilespmem:s0+$0x6040];
	v2 =	vnsel vm3, $0x1FFF, v2;
	v14 =	vnsel vm4, $0x1FFF, v14;
	v3 =	vnsel vm5, $0x1FFF, v15  }
0x2a5: {  	v8 =	vsub.s32 v6, v8;
	v9 =	vsub.s32 v9, v14;
	v14 =	vld [tilespmem:s0+$0x6060];
	v15 =	vcvt.s32.f32 v16  }
0x2a6: {  	v6 =	vcvt.s32.f32 v18;
	v18 =	vshll.u32 v18, $0xD;
	v59 =	vsub.s32 v10, v3;
	v10 =	vld [tilespmem:s0+$0x2000]  }
0x2a7: {  	v27 =	vld [tilespmem:s0+$0x2020];
	vm14 =	vlt.s32 v13, $0x1FFF;
	v7 =	vsub.s32 v7, v2;
	v15 =	vsub.f32 v15, v19  }
0x2a8: {  	v2 =	vor.u32 $0x1FFF, v18;
	v18 =	vcvt.s32.f32 v55;
	v57 =	vnsel vm14, $0x1FFF, v13;
	v13 =	vld [tilespmem:s0+$0x6030]  }
0x2a9: {  	v28 =	vshll.u32 v5, $0xD;
	v16 =	vshll.u32 v16, $0xD;
	v3 =	vand.u32 $0x7FFFFFFF, v15;
	v15 =	vld [tilespmem:s0+$0x2010]  }
0x2aa: {  	v29 =	vld [tilespmem:s0+$0x2030];
	v16 =	vor.u32 $0x1FFF, v16;
	v19 =	vshll.u32 v55, $0xD;
	v26 =	vmul.f32 $8.192000000e+03, v3  }
0x2ab: {  	[tilespmem:v8+s26+$0x0] =	vst.idx.add.f32.msk $0xffff, v1;
	v8 =	vor.u32 $0x1FFF, v28;
	v10 =	vsub.f32 v6, v10;
	v31 =	vcvt.s32.f32 v14  }
0x2ac: {  	v60 =	vld [tilespmem:s0+$0x2040];
	v3 =	vor.u32 $0x1FFF, v19;
	v19 =	vcvt.s32.f32 v5;
	v5 =	vtrunc.f32 v26  }
0x2ad: {  	v33 =	vshll.u32 v14, $0xD;
	[tilespmem:v9+s26+$0x0] =	vst.idx.add.f32.msk $0xffff, v1;
	v25 =	vcvt.s32.f32 v13;
	v32 =	vcvt.f32.s32 v5  }
0x2ae: {  	v9 =	vor.u32 $0x1FFF, v23;
	v13 =	vshll.u32 v13, $0xD;
	v14 =	vsub.f32 v18, v15;
	v15 =	vld [tilespmem:s0+$0x2050]  }
0x2af: {  	v61 =	vld [tilespmem:s0+$0x2060];
	v6 =	vor.u32 $0x1FFF, v13;
	v62 =	vsub.f32 v25, v29;
	vm15 =	vlt.s32 v32, $0x1FFF  }
0x2b0: {  	v10 =	vand.u32 $0x7FFFFFFF, v10;
	v18 =	vsub.f32 v24, v27;
	v13 =	vnsel vm15, $0x1FFF, v32  }
0x2b1: {  	[tilespmem:v4+s26+$0x0] =	vst.idx.add.f32.msk $0xffff, v1;
	v4 =	vmul.f32 $8.192000000e+03, v10;
	v10 =	vand.u32 $0x7FFFFFFF, v62;
	v16 =	vsub.s32 v16, v13  }
0x2b2: {  	v13 =	vand.u32 $0x7FFFFFFF, v14;
	v14 =	vand.u32 $0x7FFFFFFF, v18;
	v18 =	vsub.f32 v19, v60  }
0x2b3: {  	[tilespmem:v12+s26+$0x0] =	vst.idx.add.f32.msk $0xffff, v1;
	v19 =	vmul.f32 $8.192000000e+03, v10;
	v12 =	vmul.f32 $8.192000000e+03, v14;
	v15 =	vsub.f32 v30, v15  }
0x2b4: {  	[tilespmem:v11+s26+$0x0] =	vst.idx.add.f32.msk $0xffff, v1;
	v11 =	vmul.f32 $8.192000000e+03, v13;
	v13 =	vand.u32 $0x7FFFFFFF, v18;
	v18 =	vsub.f32 v31, v61  }
0x2b5: {  	v13 =	vmul.f32 $8.192000000e+03, v13;
	v12 =	vtrunc.f32 v12;
	v10 =	vand.u32 $0x7FFFFFFF, v15  }
0x2b6: {  	v14 =	vand.u32 $0x7FFFFFFF, v18;
	v15 =	vtrunc.f32 v19;
	v63 =	vmul.f32 $8.192000000e+03, v10  }
0x2b7: {  	[tilespmem:v7+s26+$0x0] =	vst.idx.add.f32.msk $0xffff, v1;
	v5 =	vor.u32 $0x1FFF, v21;
	v10 =	vtrunc.f32 v4;
	v7 =	vmul.f32 $8.192000000e+03, v14  }
0x2b8: {  	s3 =	simm.s32 $0x100;
	[tilespmem:v59+s26+$0x0] =	vst.idx.add.f32.msk $0xffff, v1;
	v14 =	vtrunc.f32 v11;
	v13 =	vtrunc.f32 v13;
	v4 =	vor.u32 $0x1FFF, v33  }
0x2b9: {  	s2 =	simm.s32 $0x800;
	s1 =	simm.s32 $0x40;
	s0 =	simm.s32 $0x8;
	[tilespmem:v16+s26+$0x0] =	vst.idx.add.f32.msk $0xffff, v1;
	v16 =	vtrunc.f32 v63;
	v11 =	vtrunc.f32 v7;
	v7 =	vsub.s32 v17, v57  }
.LBB2_14:
0x2ba: {  	s4 =	sand.u32 $0x1000, s3;
	s5 =	sand.u32 $0xC00, s2;
	s0 =	sadd.s32 $0x8, s0;
	v10 =	vcvt.f32.s32 v10;
	v14 =	vcvt.f32.s32 v14  }
0x2bb: {  	v12 =	vcvt.f32.s32 v12;
	v15 =	vcvt.f32.s32 v15;
	s4 =	sor.u32 s5, s4;
	s5 =	sand.u32 $0x380, s1;
	p0 =	slt.u32 s0, $0x1F8  }
0x2bc: {  	v13 =	vcvt.f32.s32 v13;
	v16 =	vcvt.f32.s32 v16;
	s4 =	sor.u32 s5, s4;
	vm0 =	vlt.s32 v10, $0x1FFF  }
0x2bd: {  	v11 =	vcvt.f32.s32 v11;
	vm1 =	vlt.s32 v14, $0x1FFF;
	vm2 =	vlt.s32 v12, $0x1FFF;
	v17 =	vld [tilespmem:s4+$0x6070]  }
0x2be: {  	vm3 =	vlt.s32 v15, $0x1FFF;
	vm4 =	vlt.s32 v13, $0x1FFF;
	vm5 =	vlt.s32 v16, $0x1FFF;
	v18 =	vld [tilespmem:s4+$0x6000]  }
0x2bf: {  	v10 =	vnsel vm0, $0x1FFF, v10;
	v14 =	vnsel vm1, $0x1FFF, v14;
	vm0 =	vlt.s32 v11, $0x1FFF;
	v19 =	vld [tilespmem:s4+$0x2070]  }
0x2c0: {  	v12 =	vnsel vm2, $0x1FFF, v12;
	v15 =	vnsel vm3, $0x1FFF, v15;
	v13 =	vnsel vm4, $0x1FFF, v13;
	v20 =	vld [tilespmem:s4+$0x6010]  }
0x2c1: {  	v16 =	vnsel vm5, $0x1FFF, v16;
	v10 =	vsub.s32 v2, v10;
	v22 =	vnsel vm0, $0x1FFF, v11;
	v21 =	vld [tilespmem:s4+$0x6020]  }
0x2c2: {  	v14 =	vsub.s32 v3, v14;
	v12 =	vsub.s32 v5, v12;
	v11 =	vld [tilespmem:s4+$0x6030];
	v23 =	vcvt.s32.f32 v17  }
0x2c3: {  	v15 =	vsub.s32 v6, v15;
	v5 =	vcvt.s32.f32 v18;
	v2 =	vshll.u32 v18, $0xD;
	v18 =	vld [tilespmem:s4+$0x6040]  }
0x2c4: {  	v8 =	vsub.s32 v8, v13;
	v2 =	vor.u32 $0x1FFF, v2;
	v6 =	vld [tilespmem:s4+$0x6050];
	v3 =	vsub.f32 v23, v19  }
0x2c5: {  	v9 =	vsub.s32 v9, v16;
	v13 =	vcvt.s32.f32 v20;
	v19 =	vshll.u32 v20, $0xD;
	v20 =	vld [tilespmem:s4+$0x6060]  }
0x2c6: {  	v16 =	vld [tilespmem:s4+$0x2000];
	v23 =	vcvt.s32.f32 v21;
	v21 =	vshll.u32 v21, $0xD;
	v3 =	vand.u32 $0x7FFFFFFF, v3  }
0x2c7: {  	v24 =	vld [tilespmem:s4+$0x2010];
	v25 =	vcvt.s32.f32 v11;
	v11 =	vshll.u32 v11, $0xD;
	v26 =	vmul.f32 $8.192000000e+03, v3  }
0x2c8: {  	v3 =	vor.u32 $0x1FFF, v19;
	v19 =	vld [tilespmem:s4+$0x2020];
	v27 =	vcvt.s32.f32 v18;
	v18 =	vshll.u32 v18, $0xD  }
0x2c9: {  	v28 =	vld [tilespmem:s4+$0x2030];
	v29 =	vcvt.s32.f32 v6;
	v30 =	vshll.u32 v6, $0xD;
	v6 =	vtrunc.f32 v26  }
0x2ca: {  	v26 =	vld [tilespmem:s4+$0x2040];
	v31 =	vcvt.s32.f32 v20;
	v20 =	vshll.u32 v20, $0xD;
	v32 =	vcvt.f32.s32 v6  }
0x2cb: {  	v6 =	vor.u32 $0x1FFF, v11;
	v16 =	vsub.f32 v5, v16;
	v5 =	vor.u32 $0x1FFF, v21;
	v11 =	vld [tilespmem:s4+$0x2050]  }
0x2cc: {  	v17 =	vshll.u32 v17, $0xD;
	v13 =	vsub.f32 v13, v24;
	v21 =	vld [tilespmem:s4+$0x2060];
	vm0 =	vlt.s32 v32, $0x1FFF  }
0x2cd: {  	v17 =	vor.u32 $0x1FFF, v17;
	v19 =	vsub.f32 v23, v19;
	v23 =	vnsel vm0, $0x1FFF, v32;
	[tilespmem:v10+s26+$0x0] =	vst.idx.add.f32.msk $0xffff, v1  }
0x2ce: {  	v10 =	vand.u32 $0x7FFFFFFF, v16;
	v16 =	vsub.f32 v25, v28;
	v17 =	vsub.s32 v17, v23;
	[tilespmem:v14+s26+$0x0] =	vst.idx.add.f32.msk $0xffff, v1  }
0x2cf: {  	v13 =	vand.u32 $0x7FFFFFFF, v13;
	v14 =	vand.u32 $0x7FFFFFFF, v19;
	v19 =	vsub.f32 v27, v26;
	[tilespmem:v12+s26+$0x0] =	vst.idx.add.f32.msk $0xffff, v1  }
0x2d0: {  	v10 =	vmul.f32 $8.192000000e+03, v10;
	v12 =	vand.u32 $0x7FFFFFFF, v16;
	v11 =	vsub.f32 v29, v11;
	[tilespmem:v15+s26+$0x0] =	vst.idx.add.f32.msk $0xffff, v1  }
0x2d1: {  	v13 =	vmul.f32 $8.192000000e+03, v13;
	v15 =	vand.u32 $0x7FFFFFFF, v19;
	v16 =	vsub.f32 v31, v21;
	[tilespmem:v8+s26+$0x0] =	vst.idx.add.f32.msk $0xffff, v1  }
0x2d2: {  	v19 =	vmul.f32 $8.192000000e+03, v14;
	v21 =	vmul.f32 $8.192000000e+03, v12;
	v8 =	vand.u32 $0x7FFFFFFF, v11;
	[tilespmem:v9+s26+$0x0] =	vst.idx.add.f32.msk $0xffff, v1  }
.Ltmp6:
0x2d3: {  	v11 =	vmul.f32 $8.192000000e+03, v15;
	v23 =	vmul.f32 $8.192000000e+03, v8;
	v9 =	vand.u32 $0x7FFFFFFF, v16;
	[tilespmem:v17+s26+$0x0] =	vst.idx.add.f32.msk $0xffff, v1;
	(pc) =	sbr.rel @p0 .LBB2_14-.Ltmp6, $4  }
0x2d4: {  	v10 =	vtrunc.f32 v10;
	v8 =	vor.u32 $0x1FFF, v18;
	v17 =	vmul.f32 $8.192000000e+03, v9;
	[tilespmem:v7+s26+$0x0] =	vst.idx.add.f32.msk $0xffff, v1  }
0x2d5: {  	v14 =	vtrunc.f32 v13;
	v12 =	vtrunc.f32 v19;
	v9 =	vor.u32 $0x1FFF, v30  }
0x2d6: {  	v15 =	vtrunc.f32 v21;
	v18 =	vor.u32 $0x1FFF, v20;
	v13 =	vtrunc.f32 v11  }
0x2d7: {  	s2 =	sadd.s32 $0x400, s2;
	s3 =	sadd.s32 $0x80, s3;
	s1 =	sadd.s32 $0x20, s1;
	v7 =	vsub.s32 v4, v22;
	v4 =	vmovc v18;
	v16 =	vtrunc.f32 v23;
	v11 =	vtrunc.f32 v17  }
0x2d8: {  	v10 =	vcvt.f32.s32 v10;
	v14 =	vcvt.f32.s32 v14  }
0x2d9: {  	v12 =	vcvt.f32.s32 v12;
	v15 =	vcvt.f32.s32 v15  }
0x2da: {  	v13 =	vcvt.f32.s32 v13;
	v16 =	vcvt.f32.s32 v16;
	vm0 =	vlt.s32 v10, $0x1FFF  }
0x2db: {  	v11 =	vcvt.f32.s32 v11;
	vm1 =	vlt.s32 v14, $0x1FFF;
	v10 =	vnsel vm0, $0x1FFF, v10  }
0x2dc: {  	vm2 =	vlt.s32 v12, $0x1FFF;
	v14 =	vnsel vm1, $0x1FFF, v14;
	v2 =	vsub.s32 v2, v10  }
0x2dd: {  	vm6 =	vlt.s32 v15, $0x1FFF;
	v10 =	vnsel vm2, $0x1FFF, v12;
	v3 =	vsub.s32 v3, v14  }
0x2de: {  	vm7 =	vlt.s32 v13, $0x1FFF;
	v12 =	vnsel vm6, $0x1FFF, v15;
	v5 =	vsub.s32 v5, v10  }
0x2df: {  	vm8 =	vlt.s32 v16, $0x1FFF;
	v10 =	vnsel vm7, $0x1FFF, v13;
	v6 =	vsub.s32 v6, v12  }
0x2e0: {  	[tilespmem:v7+s26+$0x0] =	vst.idx.add.f32.msk $0xffff, v1;
	vm9 =	vlt.s32 v11, $0x1FFF;
	v12 =	vnsel vm8, $0x1FFF, v16;
	v8 =	vsub.s32 v8, v10  }
0x2e1: {  	v9 =	vsub.s32 v9, v12;
	[tilespmem:v2+s26+$0x0] =	vst.idx.add.f32.msk $0xffff, v1;
	v2 =	vnsel vm9, $0x1FFF, v11  }
0x2e2: {  	[tilespmem:v3+s26+$0x0] =	vst.idx.add.f32.msk $0xffff, v1;
	v2 =	vsub.s32 v4, v2  }
0x2e3: {  	[tilespmem:v5+s26+$0x0] =	vst.idx.add.f32.msk $0xffff, v1  }
0x2e4: {  	[tilespmem:v6+s26+$0x0] =	vst.idx.add.f32.msk $0xffff, v1  }
0x2e5: {  	[tilespmem:v8+s26+$0x0] =	vst.idx.add.f32.msk $0xffff, v1  }
0x2e6: {  	[tilespmem:v9+s26+$0x0] =	vst.idx.add.f32.msk $0xffff, v1  }
0x2e7: {  	[tilespmem:v2+s26+$0x0] =	vst.idx.add.f32.msk $0xffff, v1  }
0x2e8: {  	_ =	swait.ge [sflag:s22], $0x2000  }
0x2e9: {  	[sflag:s22] =	ssyncset.done $0x0  }
0x2ea: {  	[sflag:s22] =	ssyncadd.s32 $0xFFFFE000  }
0x2eb: {  	_ =	swait.ge [sflag:s23], $0x2000  }
0x2ec: {  	[sflag:s23] =	ssyncset.done $0x0  }
0x2ed: {  	s0 =	simm.s32 $0x0;
	[sflag:s23] =	ssyncadd.s32 $0xFFFFE000  }
0x2ee: {  	[tilespmem:s24], [sflag:$0x3] =	stream.linear.gather [hbm4b:s17+s0], $0x2000, $0x38;
	[tilespmem:$0xC000] =	vst v63  }
0x2ef: {  	s1 =	sand.u32 $0x1000, s0;
	s2 =	sand.u32 $0xC00, s0  }
0x2f0: {  	[tilespmem:s25], [sflag:$0x4] =	stream.linear.gather [hbm4b:s18+s0], $0x2000, $0x38;
	[tilespmem:$0xC000] =	vst v63  }
0x2f1: {  	s1 =	sor.u32 s2, s1;
	s0 =	sand.u32 $0x380, s0  }
0x2f2: {  	s0 =	sor.u32 s0, s1  }
0x2f3: {  	v2 =	vld [tilespmem:s0+$0x4070]  }
0x2f4: {  	v3 =	vld [tilespmem:s0+$0x4000]  }
0x2f5: {  	v4 =	vld [tilespmem:s0+$0x70]  }
0x2f6: {  	v5 =	vld [tilespmem:s0+$0x4010]  }
0x2f7: {  	v6 =	vld [tilespmem:s0+$0x4020]  }
0x2f8: {  	v7 =	vld [tilespmem:s0+$0x4030]  }
0x2f9: {  	v9 =	vld [tilespmem:s0+$0x4040]  }
0x2fa: {  	v10 =	vld [tilespmem:s0+$0x4050]  }
0x2fb: {  	v13 =	vld [tilespmem:s0+$0x0]  }
0x2fc: {  	v15 =	vld [tilespmem:s0+$0x10]  }
0x2fd: {  	v17 =	vld [tilespmem:s0+$0x20];
	v8 =	vcvt.s32.f32 v2  }
0x2fe: {  	v19 =	vld [tilespmem:s0+$0x30];
	v11 =	vcvt.s32.f32 v3;
	v3 =	vshll.u32 v3, $0xD;
	v12 =	vcvt.s32.f32 v5  }
0x2ff: {  	v21 =	vld [tilespmem:s0+$0x40];
	v5 =	vshll.u32 v5, $0xD;
	v14 =	vcvt.s32.f32 v6;
	v6 =	vshll.u32 v6, $0xD  }
0x300: {  	v23 =	vld [tilespmem:s0+$0x50];
	v16 =	vcvt.s32.f32 v7;
	v7 =	vshll.u32 v7, $0xD;
	v18 =	vcvt.s32.f32 v9  }
0x301: {  	v9 =	vshll.u32 v9, $0xD;
	v20 =	vcvt.s32.f32 v10;
	v10 =	vshll.u32 v10, $0xD  }
0x302: {  	v2 =	vshll.u32 v2, $0xD;
	v3 =	vor.u32 $0x1FFF, v3;
	v4 =	vsub.f32 v8, v4  }
0x303: {  	v5 =	vor.u32 $0x1FFF, v5;
	v11 =	vsub.f32 v11, v13;
	v12 =	vsub.f32 v12, v15  }
0x304: {  	v6 =	vor.u32 $0x1FFF, v6;
	v14 =	vsub.f32 v14, v17;
	v15 =	vsub.f32 v16, v19  }
0x305: {  	v16 =	vsub.f32 v18, v21;
	v17 =	vsub.f32 v20, v23;
	v4 =	vand.u32 $0x7FFFFFFF, v4  }
0x306: {  	s3 =	simm.s32 $0x80;
	s2 =	simm.s32 $0x400;
	v8 =	vld [tilespmem:s0+$0x4060];
	v11 =	vand.u32 $0x7FFFFFFF, v11;
	v12 =	vand.u32 $0x7FFFFFFF, v12;
	v14 =	vand.u32 $0x7FFFFFFF, v14  }
0x307: {  	s4 =	simm.s32 $0x20;
	s1 =	sand.u32 $0x1000, s3;
	v13 =	vld [tilespmem:s0+$0x60];
	s0 =	sand.u32 $0xC00, s2;
	v15 =	vand.u32 $0x7FFFFFFF, v15;
	v4 =	vmul.f32 $8.192000000e+03, v4;
	v11 =	vmul.f32 $8.192000000e+03, v11  }
0x308: {  	s5 =	sand.u32 $0x380, s4;
	s0 =	sor.u32 s0, s1;
	v16 =	vand.u32 $0x7FFFFFFF, v16;
	v12 =	vmul.f32 $8.192000000e+03, v12;
	v14 =	vmul.f32 $8.192000000e+03, v14  }
0x309: {  	v17 =	vand.u32 $0x7FFFFFFF, v17;
	s0 =	sor.u32 s5, s0;
	v15 =	vmul.f32 $8.192000000e+03, v15;
	v16 =	vmul.f32 $8.192000000e+03, v16  }
0x30a: {  	v7 =	vor.u32 $0x1FFF, v7;
	v17 =	vmul.f32 $8.192000000e+03, v17;
	v56 =	vld [tilespmem:s0+$0x4020];
	v4 =	vtrunc.f32 v4  }
0x30b: {  	v2 =	vor.u32 $0x1FFF, v2;
	v58 =	vld [tilespmem:s0+$0x4050];
	v22 =	vcvt.s32.f32 v8;
	v11 =	vtrunc.f32 v11  }
0x30c: {  	v9 =	vor.u32 $0x1FFF, v9;
	v12 =	vtrunc.f32 v12;
	v4 =	vcvt.f32.s32 v4  }
0x30d: {  	v10 =	vor.u32 $0x1FFF, v10;
	v11 =	vcvt.f32.s32 v11;
	v12 =	vcvt.f32.s32 v12  }
0x30e: {  	v8 =	vshll.u32 v8, $0xD;
	v14 =	vtrunc.f32 v14;
	v13 =	vsub.f32 v22, v13  }
0x30f: {  	vm10 =	vlt.s32 v4, $0x1FFF;
	vm11 =	vlt.s32 v11, $0x1FFF;
	vm12 =	vlt.s32 v12, $0x1FFF  }
0x310: {  	v24 =	vcvt.s32.f32 v56;
	v21 =	vshll.u32 v56, $0xD;
	v30 =	vcvt.s32.f32 v58  }
0x311: {  	v23 =	vshll.u32 v58, $0xD;
	v13 =	vand.u32 $0x7FFFFFFF, v13;
	v4 =	vnsel vm10, $0x1FFF, v4  }
0x312: {  	v13 =	vmul.f32 $8.192000000e+03, v13;
	v4 =	vsub.s32 v2, v4;
	v2 =	vtrunc.f32 v15  }
0x313: {  	v11 =	vnsel vm11, $0x1FFF, v11;
	v15 =	vtrunc.f32 v16;
	v16 =	vtrunc.f32 v17  }
0x314: {  	v17 =	vor.u32 $0x1FFF, v8;
	v8 =	vcvt.f32.s32 v14;
	v2 =	vcvt.f32.s32 v2  }
0x315: {  	v12 =	vnsel vm12, $0x1FFF, v12;
	v14 =	vcvt.f32.s32 v15;
	v15 =	vcvt.f32.s32 v16;
	v16 =	vld [tilespmem:s0+$0x4070]  }
0x316: {  	v18 =	vld [tilespmem:s0+$0x4000];
	v11 =	vsub.s32 v3, v11;
	v12 =	vsub.s32 v5, v12;
	v13 =	vtrunc.f32 v13  }
0x317: {  	v19 =	vld [tilespmem:s0+$0x70];
	vm13 =	vlt.s32 v8, $0x1FFF;
	v13 =	vcvt.f32.s32 v13;
	vm3 =	vlt.s32 v2, $0x1FFF  }
0x318: {  	v55 =	vld [tilespmem:s0+$0x4010];
	vm4 =	vlt.s32 v14, $0x1FFF;
	vm5 =	vlt.s32 v15, $0x1FFF;
	v8 =	vnsel vm13, $0x1FFF, v8  }
0x319: {  	v5 =	vld [tilespmem:s0+$0x4040];
	v2 =	vnsel vm3, $0x1FFF, v2;
	v14 =	vnsel vm4, $0x1FFF, v14;
	v3 =	vnsel vm5, $0x1FFF, v15  }
0x31a: {  	v8 =	vsub.s32 v6, v8;
	v9 =	vsub.s32 v9, v14;
	v14 =	vld [tilespmem:s0+$0x4060];
	v15 =	vcvt.s32.f32 v16  }
0x31b: {  	v6 =	vcvt.s32.f32 v18;
	v18 =	vshll.u32 v18, $0xD;
	v59 =	vsub.s32 v10, v3;
	v10 =	vld [tilespmem:s0+$0x0]  }
0x31c: {  	v27 =	vld [tilespmem:s0+$0x20];
	vm14 =	vlt.s32 v13, $0x1FFF;
	v7 =	vsub.s32 v7, v2;
	v15 =	vsub.f32 v15, v19  }
0x31d: {  	v2 =	vor.u32 $0x1FFF, v18;
	v18 =	vcvt.s32.f32 v55;
	v57 =	vnsel vm14, $0x1FFF, v13;
	v13 =	vld [tilespmem:s0+$0x4030]  }
0x31e: {  	v28 =	vshll.u32 v5, $0xD;
	v16 =	vshll.u32 v16, $0xD;
	v3 =	vand.u32 $0x7FFFFFFF, v15;
	v15 =	vld [tilespmem:s0+$0x10]  }
0x31f: {  	v29 =	vld [tilespmem:s0+$0x30];
	v16 =	vor.u32 $0x1FFF, v16;
	v19 =	vshll.u32 v55, $0xD;
	v26 =	vmul.f32 $8.192000000e+03, v3  }
0x320: {  	[tilespmem:v8+s26+$0x0] =	vst.idx.add.f32.msk $0xffff, v1;
	v8 =	vor.u32 $0x1FFF, v28;
	v10 =	vsub.f32 v6, v10;
	v31 =	vcvt.s32.f32 v14  }
0x321: {  	v60 =	vld [tilespmem:s0+$0x40];
	v3 =	vor.u32 $0x1FFF, v19;
	v19 =	vcvt.s32.f32 v5;
	v5 =	vtrunc.f32 v26  }
0x322: {  	v33 =	vshll.u32 v14, $0xD;
	[tilespmem:v9+s26+$0x0] =	vst.idx.add.f32.msk $0xffff, v1;
	v25 =	vcvt.s32.f32 v13;
	v32 =	vcvt.f32.s32 v5  }
0x323: {  	v9 =	vor.u32 $0x1FFF, v23;
	v13 =	vshll.u32 v13, $0xD;
	v14 =	vsub.f32 v18, v15;
	v15 =	vld [tilespmem:s0+$0x50]  }
0x324: {  	v61 =	vld [tilespmem:s0+$0x60];
	v6 =	vor.u32 $0x1FFF, v13;
	v62 =	vsub.f32 v25, v29;
	vm15 =	vlt.s32 v32, $0x1FFF  }
0x325: {  	v10 =	vand.u32 $0x7FFFFFFF, v10;
	v18 =	vsub.f32 v24, v27;
	v13 =	vnsel vm15, $0x1FFF, v32  }
0x326: {  	[tilespmem:v4+s26+$0x0] =	vst.idx.add.f32.msk $0xffff, v1;
	v4 =	vmul.f32 $8.192000000e+03, v10;
	v10 =	vand.u32 $0x7FFFFFFF, v62;
	v16 =	vsub.s32 v16, v13  }
0x327: {  	v13 =	vand.u32 $0x7FFFFFFF, v14;
	v14 =	vand.u32 $0x7FFFFFFF, v18;
	v18 =	vsub.f32 v19, v60  }
0x328: {  	[tilespmem:v12+s26+$0x0] =	vst.idx.add.f32.msk $0xffff, v1;
	v19 =	vmul.f32 $8.192000000e+03, v10;
	v12 =	vmul.f32 $8.192000000e+03, v14;
	v15 =	vsub.f32 v30, v15  }
0x329: {  	[tilespmem:v11+s26+$0x0] =	vst.idx.add.f32.msk $0xffff, v1;
	v11 =	vmul.f32 $8.192000000e+03, v13;
	v13 =	vand.u32 $0x7FFFFFFF, v18;
	v18 =	vsub.f32 v31, v61  }
0x32a: {  	v13 =	vmul.f32 $8.192000000e+03, v13;
	v12 =	vtrunc.f32 v12;
	v10 =	vand.u32 $0x7FFFFFFF, v15  }
0x32b: {  	v14 =	vand.u32 $0x7FFFFFFF, v18;
	v15 =	vtrunc.f32 v19;
	v63 =	vmul.f32 $8.192000000e+03, v10  }
0x32c: {  	[tilespmem:v7+s26+$0x0] =	vst.idx.add.f32.msk $0xffff, v1;
	v5 =	vor.u32 $0x1FFF, v21;
	v10 =	vtrunc.f32 v4;
	v7 =	vmul.f32 $8.192000000e+03, v14  }
0x32d: {  	s3 =	simm.s32 $0x100;
	[tilespmem:v59+s26+$0x0] =	vst.idx.add.f32.msk $0xffff, v1;
	v14 =	vtrunc.f32 v11;
	v13 =	vtrunc.f32 v13;
	v4 =	vor.u32 $0x1FFF, v33  }
0x32e: {  	s2 =	simm.s32 $0x800;
	s1 =	simm.s32 $0x40;
	s0 =	simm.s32 $0x8;
	[tilespmem:v16+s26+$0x0] =	vst.idx.add.f32.msk $0xffff, v1;
	v16 =	vtrunc.f32 v63;
	v11 =	vtrunc.f32 v7;
	v7 =	vsub.s32 v17, v57  }
.LBB2_16:
0x32f: {  	s4 =	sand.u32 $0x1000, s3;
	s5 =	sand.u32 $0xC00, s2;
	s0 =	sadd.s32 $0x8, s0;
	v10 =	vcvt.f32.s32 v10;
	v14 =	vcvt.f32.s32 v14  }
0x330: {  	v12 =	vcvt.f32.s32 v12;
	v15 =	vcvt.f32.s32 v15;
	s4 =	sor.u32 s5, s4;
	s5 =	sand.u32 $0x380, s1;
	p0 =	slt.u32 s0, $0x1F8  }
0x331: {  	v13 =	vcvt.f32.s32 v13;
	v16 =	vcvt.f32.s32 v16;
	s4 =	sor.u32 s5, s4;
	vm0 =	vlt.s32 v10, $0x1FFF  }
0x332: {  	v11 =	vcvt.f32.s32 v11;
	vm1 =	vlt.s32 v14, $0x1FFF;
	vm2 =	vlt.s32 v12, $0x1FFF;
	v17 =	vld [tilespmem:s4+$0x4070]  }
0x333: {  	vm3 =	vlt.s32 v15, $0x1FFF;
	vm4 =	vlt.s32 v13, $0x1FFF;
	vm5 =	vlt.s32 v16, $0x1FFF;
	v18 =	vld [tilespmem:s4+$0x4000]  }
0x334: {  	v10 =	vnsel vm0, $0x1FFF, v10;
	v14 =	vnsel vm1, $0x1FFF, v14;
	vm0 =	vlt.s32 v11, $0x1FFF;
	v19 =	vld [tilespmem:s4+$0x70]  }
0x335: {  	v12 =	vnsel vm2, $0x1FFF, v12;
	v15 =	vnsel vm3, $0x1FFF, v15;
	v13 =	vnsel vm4, $0x1FFF, v13;
	v20 =	vld [tilespmem:s4+$0x4010]  }
0x336: {  	v16 =	vnsel vm5, $0x1FFF, v16;
	v10 =	vsub.s32 v2, v10;
	v22 =	vnsel vm0, $0x1FFF, v11;
	v21 =	vld [tilespmem:s4+$0x4020]  }
0x337: {  	v14 =	vsub.s32 v3, v14;
	v12 =	vsub.s32 v5, v12;
	v11 =	vld [tilespmem:s4+$0x4030];
	v23 =	vcvt.s32.f32 v17  }
0x338: {  	v15 =	vsub.s32 v6, v15;
	v5 =	vcvt.s32.f32 v18;
	v2 =	vshll.u32 v18, $0xD;
	v18 =	vld [tilespmem:s4+$0x4040]  }
0x339: {  	v8 =	vsub.s32 v8, v13;
	v2 =	vor.u32 $0x1FFF, v2;
	v6 =	vld [tilespmem:s4+$0x4050];
	v3 =	vsub.f32 v23, v19  }
0x33a: {  	v9 =	vsub.s32 v9, v16;
	v13 =	vcvt.s32.f32 v20;
	v19 =	vshll.u32 v20, $0xD;
	v20 =	vld [tilespmem:s4+$0x4060]  }
0x33b: {  	v16 =	vld [tilespmem:s4+$0x0];
	v23 =	vcvt.s32.f32 v21;
	v21 =	vshll.u32 v21, $0xD;
	v3 =	vand.u32 $0x7FFFFFFF, v3  }
0x33c: {  	v24 =	vld [tilespmem:s4+$0x10];
	v25 =	vcvt.s32.f32 v11;
	v11 =	vshll.u32 v11, $0xD;
	v26 =	vmul.f32 $8.192000000e+03, v3  }
0x33d: {  	v3 =	vor.u32 $0x1FFF, v19;
	v19 =	vld [tilespmem:s4+$0x20];
	v27 =	vcvt.s32.f32 v18;
	v18 =	vshll.u32 v18, $0xD  }
0x33e: {  	v28 =	vld [tilespmem:s4+$0x30];
	v29 =	vcvt.s32.f32 v6;
	v30 =	vshll.u32 v6, $0xD;
	v6 =	vtrunc.f32 v26  }
0x33f: {  	v26 =	vld [tilespmem:s4+$0x40];
	v31 =	vcvt.s32.f32 v20;
	v20 =	vshll.u32 v20, $0xD;
	v32 =	vcvt.f32.s32 v6  }
0x340: {  	v6 =	vor.u32 $0x1FFF, v11;
	v16 =	vsub.f32 v5, v16;
	v5 =	vor.u32 $0x1FFF, v21;
	v11 =	vld [tilespmem:s4+$0x50]  }
0x341: {  	v17 =	vshll.u32 v17, $0xD;
	v13 =	vsub.f32 v13, v24;
	v21 =	vld [tilespmem:s4+$0x60];
	vm0 =	vlt.s32 v32, $0x1FFF  }
0x342: {  	v17 =	vor.u32 $0x1FFF, v17;
	v19 =	vsub.f32 v23, v19;
	v23 =	vnsel vm0, $0x1FFF, v32;
	[tilespmem:v10+s26+$0x0] =	vst.idx.add.f32.msk $0xffff, v1  }
0x343: {  	v10 =	vand.u32 $0x7FFFFFFF, v16;
	v16 =	vsub.f32 v25, v28;
	v17 =	vsub.s32 v17, v23;
	[tilespmem:v14+s26+$0x0] =	vst.idx.add.f32.msk $0xffff, v1  }
0x344: {  	v13 =	vand.u32 $0x7FFFFFFF, v13;
	v14 =	vand.u32 $0x7FFFFFFF, v19;
	v19 =	vsub.f32 v27, v26;
	[tilespmem:v12+s26+$0x0] =	vst.idx.add.f32.msk $0xffff, v1  }
0x345: {  	v10 =	vmul.f32 $8.192000000e+03, v10;
	v12 =	vand.u32 $0x7FFFFFFF, v16;
	v11 =	vsub.f32 v29, v11;
	[tilespmem:v15+s26+$0x0] =	vst.idx.add.f32.msk $0xffff, v1  }
0x346: {  	v13 =	vmul.f32 $8.192000000e+03, v13;
	v15 =	vand.u32 $0x7FFFFFFF, v19;
	v16 =	vsub.f32 v31, v21;
	[tilespmem:v8+s26+$0x0] =	vst.idx.add.f32.msk $0xffff, v1  }
0x347: {  	v19 =	vmul.f32 $8.192000000e+03, v14;
	v21 =	vmul.f32 $8.192000000e+03, v12;
	v8 =	vand.u32 $0x7FFFFFFF, v11;
	[tilespmem:v9+s26+$0x0] =	vst.idx.add.f32.msk $0xffff, v1  }
.Ltmp7:
0x348: {  	v11 =	vmul.f32 $8.192000000e+03, v15;
	v23 =	vmul.f32 $8.192000000e+03, v8;
	v9 =	vand.u32 $0x7FFFFFFF, v16;
	[tilespmem:v17+s26+$0x0] =	vst.idx.add.f32.msk $0xffff, v1;
	(pc) =	sbr.rel @p0 .LBB2_16-.Ltmp7, $4  }
0x349: {  	v10 =	vtrunc.f32 v10;
	v8 =	vor.u32 $0x1FFF, v18;
	v17 =	vmul.f32 $8.192000000e+03, v9;
	[tilespmem:v7+s26+$0x0] =	vst.idx.add.f32.msk $0xffff, v1  }
0x34a: {  	v14 =	vtrunc.f32 v13;
	v12 =	vtrunc.f32 v19;
	v9 =	vor.u32 $0x1FFF, v30  }
0x34b: {  	v15 =	vtrunc.f32 v21;
	v18 =	vor.u32 $0x1FFF, v20;
	v13 =	vtrunc.f32 v11  }
0x34c: {  	s2 =	sadd.s32 $0x400, s2;
	s3 =	sadd.s32 $0x80, s3;
	s1 =	sadd.s32 $0x20, s1;
	v7 =	vsub.s32 v4, v22;
	v4 =	vmovc v18;
	v16 =	vtrunc.f32 v23;
	v11 =	vtrunc.f32 v17  }
0x34d: {  	v10 =	vcvt.f32.s32 v10;
	v14 =	vcvt.f32.s32 v14  }
0x34e: {  	v12 =	vcvt.f32.s32 v12;
	v15 =	vcvt.f32.s32 v15  }
0x34f: {  	v13 =	vcvt.f32.s32 v13;
	v16 =	vcvt.f32.s32 v16;
	vm0 =	vlt.s32 v10, $0x1FFF  }
0x350: {  	v11 =	vcvt.f32.s32 v11;
	vm1 =	vlt.s32 v14, $0x1FFF;
	v10 =	vnsel vm0, $0x1FFF, v10  }
0x351: {  	vm2 =	vlt.s32 v12, $0x1FFF;
	v14 =	vnsel vm1, $0x1FFF, v14;
	v2 =	vsub.s32 v2, v10  }
0x352: {  	vm6 =	vlt.s32 v15, $0x1FFF;
	v10 =	vnsel vm2, $0x1FFF, v12;
	v3 =	vsub.s32 v3, v14  }
0x353: {  	vm7 =	vlt.s32 v13, $0x1FFF;
	v12 =	vnsel vm6, $0x1FFF, v15;
	v5 =	vsub.s32 v5, v10  }
0x354: {  	vm8 =	vlt.s32 v16, $0x1FFF;
	v10 =	vnsel vm7, $0x1FFF, v13;
	v6 =	vsub.s32 v6, v12  }
0x355: {  	[tilespmem:v7+s26+$0x0] =	vst.idx.add.f32.msk $0xffff, v1;
	vm9 =	vlt.s32 v11, $0x1FFF;
	v12 =	vnsel vm8, $0x1FFF, v16;
	v8 =	vsub.s32 v8, v10  }
0x356: {  	v9 =	vsub.s32 v9, v12;
	[tilespmem:v2+s26+$0x0] =	vst.idx.add.f32.msk $0xffff, v1;
	v2 =	vnsel vm9, $0x1FFF, v11  }
0x357: {  	[tilespmem:v3+s26+$0x0] =	vst.idx.add.f32.msk $0xffff, v1;
	v2 =	vsub.s32 v4, v2  }
0x358: {  	[tilespmem:v5+s26+$0x0] =	vst.idx.add.f32.msk $0xffff, v1  }
0x359: {  	[tilespmem:v6+s26+$0x0] =	vst.idx.add.f32.msk $0xffff, v1  }
0x35a: {  	[tilespmem:v8+s26+$0x0] =	vst.idx.add.f32.msk $0xffff, v1  }
0x35b: {  	[tilespmem:v9+s26+$0x0] =	vst.idx.add.f32.msk $0xffff, v1  }
0x35c: {  	[tilespmem:v2+s26+$0x0] =	vst.idx.add.f32.msk $0xffff, v1  }
0x35d: {  	_ =	swait.ge [sflag:s28], $0x2000  }
0x35e: {  	[sflag:s28] =	ssyncset.done $0x0  }
0x35f: {  	s0 =	simm.s32 $0x0;
	[sflag:s28] =	ssyncadd.s32 $0xFFFFE000  }
0x360: {  	s1 =	sand.u32 $0x1000, s0;
	s2 =	sand.u32 $0xC00, s0;
	_ =	swait.ge [sflag:s29], $0x2000  }
0x361: {  	s0 =	sand.u32 $0x380, s0;
	s1 =	sor.u32 s2, s1;
	[sflag:s29] =	ssyncset.done $0x0  }
0x362: {  	s0 =	sor.u32 s0, s1;
	[sflag:s29] =	ssyncadd.s32 $0xFFFFE000  }
0x363: {  	v2 =	vld [tilespmem:s0+$0x6070]  }
0x364: {  	v3 =	vld [tilespmem:s0+$0x6000]  }
0x365: {  	v4 =	vld [tilespmem:s0+$0x2070]  }
0x366: {  	v5 =	vld [tilespmem:s0+$0x6010]  }
0x367: {  	v6 =	vld [tilespmem:s0+$0x6020]  }
0x368: {  	v7 =	vld [tilespmem:s0+$0x6030]  }
0x369: {  	v9 =	vld [tilespmem:s0+$0x6040]  }
0x36a: {  	v10 =	vld [tilespmem:s0+$0x6050]  }
0x36b: {  	v13 =	vld [tilespmem:s0+$0x2000]  }
0x36c: {  	v15 =	vld [tilespmem:s0+$0x2010]  }
0x36d: {  	v17 =	vld [tilespmem:s0+$0x2020];
	v8 =	vcvt.s32.f32 v2  }
0x36e: {  	v19 =	vld [tilespmem:s0+$0x2030];
	v11 =	vcvt.s32.f32 v3;
	v3 =	vshll.u32 v3, $0xD;
	v12 =	vcvt.s32.f32 v5  }
0x36f: {  	v21 =	vld [tilespmem:s0+$0x2040];
	v5 =	vshll.u32 v5, $0xD;
	v14 =	vcvt.s32.f32 v6;
	v6 =	vshll.u32 v6, $0xD  }
0x370: {  	v23 =	vld [tilespmem:s0+$0x2050];
	v16 =	vcvt.s32.f32 v7;
	v7 =	vshll.u32 v7, $0xD;
	v18 =	vcvt.s32.f32 v9  }
0x371: {  	v9 =	vshll.u32 v9, $0xD;
	v20 =	vcvt.s32.f32 v10;
	v10 =	vshll.u32 v10, $0xD  }
0x372: {  	v2 =	vshll.u32 v2, $0xD;
	v3 =	vor.u32 $0x1FFF, v3;
	v4 =	vsub.f32 v8, v4  }
0x373: {  	v5 =	vor.u32 $0x1FFF, v5;
	v11 =	vsub.f32 v11, v13;
	v12 =	vsub.f32 v12, v15  }
0x374: {  	v6 =	vor.u32 $0x1FFF, v6;
	v14 =	vsub.f32 v14, v17;
	v15 =	vsub.f32 v16, v19  }
0x375: {  	v16 =	vsub.f32 v18, v21;
	v17 =	vsub.f32 v20, v23;
	v4 =	vand.u32 $0x7FFFFFFF, v4  }
0x376: {  	s3 =	simm.s32 $0x80;
	s2 =	simm.s32 $0x400;
	v8 =	vld [tilespmem:s0+$0x6060];
	v11 =	vand.u32 $0x7FFFFFFF, v11;
	v12 =	vand.u32 $0x7FFFFFFF, v12;
	v14 =	vand.u32 $0x7FFFFFFF, v14  }
0x377: {  	s4 =	simm.s32 $0x20;
	s1 =	sand.u32 $0x1000, s3;
	v13 =	vld [tilespmem:s0+$0x2060];
	s0 =	sand.u32 $0xC00, s2;
	v15 =	vand.u32 $0x7FFFFFFF, v15;
	v4 =	vmul.f32 $8.192000000e+03, v4;
	v11 =	vmul.f32 $8.192000000e+03, v11  }
0x378: {  	s5 =	sand.u32 $0x380, s4;
	s0 =	sor.u32 s0, s1;
	v16 =	vand.u32 $0x7FFFFFFF, v16;
	v12 =	vmul.f32 $8.192000000e+03, v12;
	v14 =	vmul.f32 $8.192000000e+03, v14  }
0x379: {  	v17 =	vand.u32 $0x7FFFFFFF, v17;
	s0 =	sor.u32 s5, s0;
	v15 =	vmul.f32 $8.192000000e+03, v15;
	v16 =	vmul.f32 $8.192000000e+03, v16  }
0x37a: {  	v7 =	vor.u32 $0x1FFF, v7;
	v17 =	vmul.f32 $8.192000000e+03, v17;
	v56 =	vld [tilespmem:s0+$0x6020];
	v4 =	vtrunc.f32 v4  }
0x37b: {  	v2 =	vor.u32 $0x1FFF, v2;
	v58 =	vld [tilespmem:s0+$0x6050];
	v22 =	vcvt.s32.f32 v8;
	v11 =	vtrunc.f32 v11  }
0x37c: {  	v9 =	vor.u32 $0x1FFF, v9;
	v12 =	vtrunc.f32 v12;
	v4 =	vcvt.f32.s32 v4  }
0x37d: {  	v10 =	vor.u32 $0x1FFF, v10;
	v11 =	vcvt.f32.s32 v11;
	v12 =	vcvt.f32.s32 v12  }
0x37e: {  	v8 =	vshll.u32 v8, $0xD;
	v14 =	vtrunc.f32 v14;
	v13 =	vsub.f32 v22, v13  }
0x37f: {  	vm10 =	vlt.s32 v4, $0x1FFF;
	vm11 =	vlt.s32 v11, $0x1FFF;
	vm12 =	vlt.s32 v12, $0x1FFF  }
0x380: {  	v24 =	vcvt.s32.f32 v56;
	v21 =	vshll.u32 v56, $0xD;
	v30 =	vcvt.s32.f32 v58  }
0x381: {  	v23 =	vshll.u32 v58, $0xD;
	v13 =	vand.u32 $0x7FFFFFFF, v13;
	v4 =	vnsel vm10, $0x1FFF, v4  }
0x382: {  	v13 =	vmul.f32 $8.192000000e+03, v13;
	v4 =	vsub.s32 v2, v4;
	v2 =	vtrunc.f32 v15  }
0x383: {  	v11 =	vnsel vm11, $0x1FFF, v11;
	v15 =	vtrunc.f32 v16;
	v16 =	vtrunc.f32 v17  }
0x384: {  	v17 =	vor.u32 $0x1FFF, v8;
	v8 =	vcvt.f32.s32 v14;
	v2 =	vcvt.f32.s32 v2  }
0x385: {  	v12 =	vnsel vm12, $0x1FFF, v12;
	v14 =	vcvt.f32.s32 v15;
	v15 =	vcvt.f32.s32 v16;
	v16 =	vld [tilespmem:s0+$0x6070]  }
0x386: {  	v18 =	vld [tilespmem:s0+$0x6000];
	v11 =	vsub.s32 v3, v11;
	v12 =	vsub.s32 v5, v12;
	v13 =	vtrunc.f32 v13  }
0x387: {  	v19 =	vld [tilespmem:s0+$0x2070];
	vm13 =	vlt.s32 v8, $0x1FFF;
	v13 =	vcvt.f32.s32 v13;
	vm3 =	vlt.s32 v2, $0x1FFF  }
0x388: {  	v55 =	vld [tilespmem:s0+$0x6010];
	vm4 =	vlt.s32 v14, $0x1FFF;
	vm5 =	vlt.s32 v15, $0x1FFF;
	v8 =	vnsel vm13, $0x1FFF, v8  }
0x389: {  	v5 =	vld [tilespmem:s0+$0x6040];
	v2 =	vnsel vm3, $0x1FFF, v2;
	v14 =	vnsel vm4, $0x1FFF, v14;
	v3 =	vnsel vm5, $0x1FFF, v15  }
0x38a: {  	v8 =	vsub.s32 v6, v8;
	v9 =	vsub.s32 v9, v14;
	v14 =	vld [tilespmem:s0+$0x6060];
	v15 =	vcvt.s32.f32 v16  }
0x38b: {  	v6 =	vcvt.s32.f32 v18;
	v18 =	vshll.u32 v18, $0xD;
	v59 =	vsub.s32 v10, v3;
	v10 =	vld [tilespmem:s0+$0x2000]  }
0x38c: {  	v27 =	vld [tilespmem:s0+$0x2020];
	vm14 =	vlt.s32 v13, $0x1FFF;
	v7 =	vsub.s32 v7, v2;
	v15 =	vsub.f32 v15, v19  }
0x38d: {  	v2 =	vor.u32 $0x1FFF, v18;
	v18 =	vcvt.s32.f32 v55;
	v57 =	vnsel vm14, $0x1FFF, v13;
	v13 =	vld [tilespmem:s0+$0x6030]  }
0x38e: {  	v28 =	vshll.u32 v5, $0xD;
	v16 =	vshll.u32 v16, $0xD;
	v3 =	vand.u32 $0x7FFFFFFF, v15;
	v15 =	vld [tilespmem:s0+$0x2010]  }
0x38f: {  	v29 =	vld [tilespmem:s0+$0x2030];
	v16 =	vor.u32 $0x1FFF, v16;
	v19 =	vshll.u32 v55, $0xD;
	v26 =	vmul.f32 $8.192000000e+03, v3  }
0x390: {  	[tilespmem:v8+s26+$0x0] =	vst.idx.add.f32.msk $0xffff, v1;
	v8 =	vor.u32 $0x1FFF, v28;
	v10 =	vsub.f32 v6, v10;
	v31 =	vcvt.s32.f32 v14  }
0x391: {  	v60 =	vld [tilespmem:s0+$0x2040];
	v3 =	vor.u32 $0x1FFF, v19;
	v19 =	vcvt.s32.f32 v5;
	v5 =	vtrunc.f32 v26  }
0x392: {  	v33 =	vshll.u32 v14, $0xD;
	[tilespmem:v9+s26+$0x0] =	vst.idx.add.f32.msk $0xffff, v1;
	v25 =	vcvt.s32.f32 v13;
	v32 =	vcvt.f32.s32 v5  }
0x393: {  	v9 =	vor.u32 $0x1FFF, v23;
	v13 =	vshll.u32 v13, $0xD;
	v14 =	vsub.f32 v18, v15;
	v15 =	vld [tilespmem:s0+$0x2050]  }
0x394: {  	v61 =	vld [tilespmem:s0+$0x2060];
	v6 =	vor.u32 $0x1FFF, v13;
	v62 =	vsub.f32 v25, v29;
	vm15 =	vlt.s32 v32, $0x1FFF  }
0x395: {  	v10 =	vand.u32 $0x7FFFFFFF, v10;
	v18 =	vsub.f32 v24, v27;
	v13 =	vnsel vm15, $0x1FFF, v32  }
0x396: {  	[tilespmem:v4+s26+$0x0] =	vst.idx.add.f32.msk $0xffff, v1;
	v4 =	vmul.f32 $8.192000000e+03, v10;
	v10 =	vand.u32 $0x7FFFFFFF, v62;
	v16 =	vsub.s32 v16, v13  }
0x397: {  	v13 =	vand.u32 $0x7FFFFFFF, v14;
	v14 =	vand.u32 $0x7FFFFFFF, v18;
	v18 =	vsub.f32 v19, v60  }
0x398: {  	[tilespmem:v12+s26+$0x0] =	vst.idx.add.f32.msk $0xffff, v1;
	v19 =	vmul.f32 $8.192000000e+03, v10;
	v12 =	vmul.f32 $8.192000000e+03, v14;
	v15 =	vsub.f32 v30, v15  }
0x399: {  	[tilespmem:v11+s26+$0x0] =	vst.idx.add.f32.msk $0xffff, v1;
	v11 =	vmul.f32 $8.192000000e+03, v13;
	v13 =	vand.u32 $0x7FFFFFFF, v18;
	v18 =	vsub.f32 v31, v61  }
0x39a: {  	v13 =	vmul.f32 $8.192000000e+03, v13;
	v12 =	vtrunc.f32 v12;
	v10 =	vand.u32 $0x7FFFFFFF, v15  }
0x39b: {  	v14 =	vand.u32 $0x7FFFFFFF, v18;
	v15 =	vtrunc.f32 v19;
	v63 =	vmul.f32 $8.192000000e+03, v10  }
0x39c: {  	[tilespmem:v7+s26+$0x0] =	vst.idx.add.f32.msk $0xffff, v1;
	v5 =	vor.u32 $0x1FFF, v21;
	v10 =	vtrunc.f32 v4;
	v7 =	vmul.f32 $8.192000000e+03, v14  }
0x39d: {  	s3 =	simm.s32 $0x100;
	[tilespmem:v59+s26+$0x0] =	vst.idx.add.f32.msk $0xffff, v1;
	v14 =	vtrunc.f32 v11;
	v13 =	vtrunc.f32 v13;
	v4 =	vor.u32 $0x1FFF, v33  }
0x39e: {  	s2 =	simm.s32 $0x800;
	s1 =	simm.s32 $0x40;
	s0 =	simm.s32 $0x8;
	[tilespmem:v16+s26+$0x0] =	vst.idx.add.f32.msk $0xffff, v1;
	v16 =	vtrunc.f32 v63;
	v11 =	vtrunc.f32 v7;
	v7 =	vsub.s32 v17, v57  }
.LBB2_18:
0x39f: {  	s4 =	sand.u32 $0x1000, s3;
	s5 =	sand.u32 $0xC00, s2;
	s0 =	sadd.s32 $0x8, s0;
	v10 =	vcvt.f32.s32 v10;
	v14 =	vcvt.f32.s32 v14  }
0x3a0: {  	v12 =	vcvt.f32.s32 v12;
	v15 =	vcvt.f32.s32 v15;
	s4 =	sor.u32 s5, s4;
	s5 =	sand.u32 $0x380, s1;
	p0 =	slt.u32 s0, $0x1F8  }
0x3a1: {  	v13 =	vcvt.f32.s32 v13;
	v16 =	vcvt.f32.s32 v16;
	s4 =	sor.u32 s5, s4;
	vm0 =	vlt.s32 v10, $0x1FFF  }
0x3a2: {  	v11 =	vcvt.f32.s32 v11;
	vm1 =	vlt.s32 v14, $0x1FFF;
	vm2 =	vlt.s32 v12, $0x1FFF;
	v17 =	vld [tilespmem:s4+$0x6070]  }
0x3a3: {  	vm3 =	vlt.s32 v15, $0x1FFF;
	vm4 =	vlt.s32 v13, $0x1FFF;
	vm5 =	vlt.s32 v16, $0x1FFF;
	v18 =	vld [tilespmem:s4+$0x6000]  }
0x3a4: {  	v10 =	vnsel vm0, $0x1FFF, v10;
	v14 =	vnsel vm1, $0x1FFF, v14;
	vm0 =	vlt.s32 v11, $0x1FFF;
	v19 =	vld [tilespmem:s4+$0x2070]  }
0x3a5: {  	v12 =	vnsel vm2, $0x1FFF, v12;
	v15 =	vnsel vm3, $0x1FFF, v15;
	v13 =	vnsel vm4, $0x1FFF, v13;
	v20 =	vld [tilespmem:s4+$0x6010]  }
0x3a6: {  	v16 =	vnsel vm5, $0x1FFF, v16;
	v10 =	vsub.s32 v2, v10;
	v22 =	vnsel vm0, $0x1FFF, v11;
	v21 =	vld [tilespmem:s4+$0x6020]  }
0x3a7: {  	v14 =	vsub.s32 v3, v14;
	v12 =	vsub.s32 v5, v12;
	v11 =	vld [tilespmem:s4+$0x6030];
	v23 =	vcvt.s32.f32 v17  }
0x3a8: {  	v15 =	vsub.s32 v6, v15;
	v5 =	vcvt.s32.f32 v18;
	v2 =	vshll.u32 v18, $0xD;
	v18 =	vld [tilespmem:s4+$0x6040]  }
0x3a9: {  	v8 =	vsub.s32 v8, v13;
	v2 =	vor.u32 $0x1FFF, v2;
	v6 =	vld [tilespmem:s4+$0x6050];
	v3 =	vsub.f32 v23, v19  }
0x3aa: {  	v9 =	vsub.s32 v9, v16;
	v13 =	vcvt.s32.f32 v20;
	v19 =	vshll.u32 v20, $0xD;
	v20 =	vld [tilespmem:s4+$0x6060]  }
0x3ab: {  	v16 =	vld [tilespmem:s4+$0x2000];
	v23 =	vcvt.s32.f32 v21;
	v21 =	vshll.u32 v21, $0xD;
	v3 =	vand.u32 $0x7FFFFFFF, v3  }
0x3ac: {  	v24 =	vld [tilespmem:s4+$0x2010];
	v25 =	vcvt.s32.f32 v11;
	v11 =	vshll.u32 v11, $0xD;
	v26 =	vmul.f32 $8.192000000e+03, v3  }
0x3ad: {  	v3 =	vor.u32 $0x1FFF, v19;
	v19 =	vld [tilespmem:s4+$0x2020];
	v27 =	vcvt.s32.f32 v18;
	v18 =	vshll.u32 v18, $0xD  }
0x3ae: {  	v28 =	vld [tilespmem:s4+$0x2030];
	v29 =	vcvt.s32.f32 v6;
	v30 =	vshll.u32 v6, $0xD;
	v6 =	vtrunc.f32 v26  }
0x3af: {  	v26 =	vld [tilespmem:s4+$0x2040];
	v31 =	vcvt.s32.f32 v20;
	v20 =	vshll.u32 v20, $0xD;
	v32 =	vcvt.f32.s32 v6  }
0x3b0: {  	v6 =	vor.u32 $0x1FFF, v11;
	v16 =	vsub.f32 v5, v16;
	v5 =	vor.u32 $0x1FFF, v21;
	v11 =	vld [tilespmem:s4+$0x2050]  }
0x3b1: {  	v17 =	vshll.u32 v17, $0xD;
	v13 =	vsub.f32 v13, v24;
	v21 =	vld [tilespmem:s4+$0x2060];
	vm0 =	vlt.s32 v32, $0x1FFF  }
0x3b2: {  	v17 =	vor.u32 $0x1FFF, v17;
	v19 =	vsub.f32 v23, v19;
	v23 =	vnsel vm0, $0x1FFF, v32;
	[tilespmem:v10+s26+$0x0] =	vst.idx.add.f32.msk $0xffff, v1  }
0x3b3: {  	v10 =	vand.u32 $0x7FFFFFFF, v16;
	v16 =	vsub.f32 v25, v28;
	v17 =	vsub.s32 v17, v23;
	[tilespmem:v14+s26+$0x0] =	vst.idx.add.f32.msk $0xffff, v1  }
0x3b4: {  	v13 =	vand.u32 $0x7FFFFFFF, v13;
	v14 =	vand.u32 $0x7FFFFFFF, v19;
	v19 =	vsub.f32 v27, v26;
	[tilespmem:v12+s26+$0x0] =	vst.idx.add.f32.msk $0xffff, v1  }
0x3b5: {  	v10 =	vmul.f32 $8.192000000e+03, v10;
	v12 =	vand.u32 $0x7FFFFFFF, v16;
	v11 =	vsub.f32 v29, v11;
	[tilespmem:v15+s26+$0x0] =	vst.idx.add.f32.msk $0xffff, v1  }
0x3b6: {  	v13 =	vmul.f32 $8.192000000e+03, v13;
	v15 =	vand.u32 $0x7FFFFFFF, v19;
	v16 =	vsub.f32 v31, v21;
	[tilespmem:v8+s26+$0x0] =	vst.idx.add.f32.msk $0xffff, v1  }
0x3b7: {  	v19 =	vmul.f32 $8.192000000e+03, v14;
	v21 =	vmul.f32 $8.192000000e+03, v12;
	v8 =	vand.u32 $0x7FFFFFFF, v11;
	[tilespmem:v9+s26+$0x0] =	vst.idx.add.f32.msk $0xffff, v1  }
.Ltmp8:
0x3b8: {  	v11 =	vmul.f32 $8.192000000e+03, v15;
	v23 =	vmul.f32 $8.192000000e+03, v8;
	v9 =	vand.u32 $0x7FFFFFFF, v16;
	[tilespmem:v17+s26+$0x0] =	vst.idx.add.f32.msk $0xffff, v1;
	(pc) =	sbr.rel @p0 .LBB2_18-.Ltmp8, $4  }
0x3b9: {  	v10 =	vtrunc.f32 v10;
	v8 =	vor.u32 $0x1FFF, v18;
	v17 =	vmul.f32 $8.192000000e+03, v9;
	[tilespmem:v7+s26+$0x0] =	vst.idx.add.f32.msk $0xffff, v1  }
0x3ba: {  	v14 =	vtrunc.f32 v13;
	v12 =	vtrunc.f32 v19;
	v9 =	vor.u32 $0x1FFF, v30  }
0x3bb: {  	v15 =	vtrunc.f32 v21;
	v18 =	vor.u32 $0x1FFF, v20;
	v13 =	vtrunc.f32 v11  }
0x3bc: {  	s2 =	sadd.s32 $0x400, s2;
	s3 =	sadd.s32 $0x80, s3;
	s1 =	sadd.s32 $0x20, s1;
	v7 =	vsub.s32 v4, v22;
	v4 =	vmovc v18;
	v16 =	vtrunc.f32 v23;
	v11 =	vtrunc.f32 v17  }
0x3bd: {  	v10 =	vcvt.f32.s32 v10;
	v14 =	vcvt.f32.s32 v14  }
0x3be: {  	v12 =	vcvt.f32.s32 v12;
	v15 =	vcvt.f32.s32 v15  }
0x3bf: {  	v13 =	vcvt.f32.s32 v13;
	v16 =	vcvt.f32.s32 v16;
	vm0 =	vlt.s32 v10, $0x1FFF  }
0x3c0: {  	v11 =	vcvt.f32.s32 v11;
	vm1 =	vlt.s32 v14, $0x1FFF;
	v10 =	vnsel vm0, $0x1FFF, v10  }
0x3c1: {  	vm2 =	vlt.s32 v12, $0x1FFF;
	v14 =	vnsel vm1, $0x1FFF, v14;
	v2 =	vsub.s32 v2, v10  }
0x3c2: {  	vm12 =	vlt.s32 v15, $0x1FFF;
	v60 =	vnsel vm2, $0x1FFF, v12;
	v3 =	vsub.s32 v3, v14  }
0x3c3: {  	vm13 =	vlt.s32 v13, $0x1FFF;
	v61 =	vnsel vm12, $0x1FFF, v15;
	v5 =	vsub.s32 v5, v60  }
0x3c4: {  	vm14 =	vlt.s32 v16, $0x1FFF;
	v62 =	vnsel vm13, $0x1FFF, v13;
	v6 =	vsub.s32 v6, v61  }
0x3c5: {  	[tilespmem:v7+s26+$0x0] =	vst.idx.add.f32.msk $0xffff, v1;
	vm15 =	vlt.s32 v11, $0x1FFF;
	v63 =	vnsel vm14, $0x1FFF, v16;
	v8 =	vsub.s32 v8, v62  }
0x3c6: {  	v9 =	vsub.s32 v9, v63;
	[tilespmem:v2+s26+$0x0] =	vst.idx.add.f32.msk $0xffff, v1;
	v2 =	vnsel vm15, $0x1FFF, v11  }
0x3c7: {  	[tilespmem:v3+s26+$0x0] =	vst.idx.add.f32.msk $0xffff, v1;
	v2 =	vsub.s32 v4, v2  }
0x3c8: {  	[tilespmem:v5+s26+$0x0] =	vst.idx.add.f32.msk $0xffff, v1  }
0x3c9: {  	[tilespmem:v6+s26+$0x0] =	vst.idx.add.f32.msk $0xffff, v1  }
0x3ca: {  	s31 =	sadd.s32 $0x1, s31;
	[tilespmem:v8+s26+$0x0] =	vst.idx.add.f32.msk $0xffff, v1  }
0x3cb: {  	p0 =	sne.s32 s31, s20;
	[tilespmem:v9+s26+$0x0] =	vst.idx.add.f32.msk $0xffff, v1  }
.Ltmp9:
0x3cc: {  	s0 =	simm.s32 $0x0;
	[tilespmem:v2+s26+$0x0] =	vst.idx.add.f32.msk $0xffff, v1;
	(pc) =	sbr.rel @p0 .LBB2_1-.Ltmp9, $4  }
0x3cd: {  	[hbm4b:s19+s0] =	stream.linear.scatter [tilespmem:s26], [sflag:$0x5], $0x4000, $0x38;
	[tilespmem:$0xC000] =	vst v63  }
0x3ce: {  	_ =	swait.ge [sflag:s30], $0x4000  }
0x3cf: {  	[sflag:s30] =	ssyncset.done $0x0  }
0x3d0: {  	[sflag:s30] =	ssyncadd.s32 $0xFFFFC000  }
0x3d1: {  	_ =	sfence.sel $0x180000  }
0x3d2: {  	[bflag:$0x0] =	sbarrier.arrive $0xFFFF  }
0x3d3: {  	_ =	strace $0x90000047  }
0x3d4: {  	s0 =	stileid.u32;
	[bflag:$0x2] =	sbarrier.arrive $0xFFFF  }
0x3d5: {  	p0 =	sne.s32 s0, $0x0;
	s0 =	rddreg [dreg:$0x3]  }
0x3d6: {  	s0 =	sadd.s32 @!p0 $0x100000, s0  }
0x3d7: {  	[sflag:s0] =	ssyncadd.tile.s32 @!p0 $0x1;
	_ =	shalt  }
.Lfunc_end2:
_tile_overlayer_lowered:
.L_overlay_start_2:
0x3d8: {  	(tag) =	ssettag $0x2  }
0x3d9: {  	s0 =	rddreg [dreg:$0x0];
	s2 =	stileid.u32  }
0x3da: {  	s1 =	rddreg [dreg:$0x1];
	p0 =	sne.s32 s2, $0x0  }
0x3db: {  	s3 =	rddreg [dreg:$0x2];
	[bflag:$0x3] =	sbarrier.arrive $0xFFFF;
	s2 =	simm.s32 @!p0 $0x1C05  }
0x3dc: {  	[timem:s3], [sflag:s2] =	dma.local @!p0 [hbm:s0], s1  }
0x3dd: {  	s0 =	simm.s32 @!p0 $0x5  }
0x3de: {  	_ =	swait.ge @!p0 [sflag:s0], s1  }
0x3df: {  	s1 =	ssub.s32 @!p0 $0x0, s1;
	[sflag:s0] =	ssyncset.done @!p0 $0x0  }
0x3e0: {  	[sflag:s0] =	ssyncadd.s32 @!p0 s1  }
0x3e1: {  	[bflag:$0x3] =	sbarrier.arrive $0xFFFF  }
0x3e2: {  	_ =	shalt  }

</sc_bundles>
